<compile_context>
chip_gen: v7x
topology: tpu7x:2x2x1
jax: 0.10.2.dev20260603
libtpu: 0.0.44.dev20260713+nightly
codegen_flags: <defaults>
</compile_context>

<pallas_src>
import jax
import jax.numpy as jnp
from jax import lax
from jax.experimental import pallas as pl
from jax.experimental.pallas import tpu as pltpu
from jax.experimental.pallas import tpu_sc as plsc

_C = 19
_SMOOTHING = 0.1
_CONFIDENCE = 1.0 - _SMOOTHING
_SV = _SMOOTHING / (_C - 1)
_IGNORE = 255

_B = 8
_H = 512
_W = 512
_P = _H * _W

_HB = 128
_NJ = _H // _HB

_SC_BLKS = 14
_TC_BLKS = _B * _NJ - _SC_BLKS

_NW = 32
_RH = 4
_CH = _RH * _W
_CHUNKS_PER_BLK = _HB // _RH
_SC_CHUNKS = _SC_BLKS * _CHUNKS_PER_BLK
_CHUNKS_PER_W = _SC_CHUNKS // _NW
_CHUNKS_PER_BATCH = _P // _CH
_GROUPS_PER_ROW = _W // 16

_LN2 = 0.6931471805599453
_SQRT2 = 1.4142135623730951


def _log_f32(s):
    bits = lax.bitcast_convert_type(s, jnp.int32)
    e = lax.shift_right_logical(bits, 23) - 127
    mant = lax.bitwise_or(lax.bitwise_and(bits, 0x007FFFFF), 0x3F800000)
    m = lax.bitcast_convert_type(mant, jnp.float32)
    big = m > _SQRT2
    m = jnp.where(big, m * 0.5, m)
    ef = e.astype(jnp.float32) + jnp.where(big, 1.0, 0.0)
    z = (m - 1.0) / (m + 1.0)
    z2 = z * z
    logm = z * (2.0 + z2 * (2.0 / 3.0 + z2 * (2.0 / 5.0 + z2 * (2.0 / 7.0))))
    return ef * _LN2 + logm


def _sc_body(pred_hbm, tgt_hbm, out_hbm, x_vmem, t_vmem, acc_vmem, psem, tsem):
    wid = lax.axis_index("s") * 2 + lax.axis_index("c")
    lane = lax.iota(jnp.int32, 16)

    def start_fetch(g, slot):
        gg = jnp.minimum(g, _CHUNKS_PER_W - 1)
        gc = wid * _CHUNKS_PER_W + gg
        b = gc // _CHUNKS_PER_BATCH
        r0 = (gc % _CHUNKS_PER_BATCH) * _RH
        pltpu.make_async_copy(
            pred_hbm.at[b, :, pl.ds(r0, _RH), :], x_vmem.at[slot],
            psem.at[slot]).start()
        pltpu.make_async_copy(
            tgt_hbm.at[b, pl.ds(r0, _RH), :], t_vmem.at[slot],
            tsem.at[slot]).start()

    def wait_fetch(slot):
        pltpu.make_async_copy(
            pred_hbm.at[0, :, pl.ds(0, _RH), :], x_vmem.at[slot],
            psem.at[slot]).wait()
        pltpu.make_async_copy(
            tgt_hbm.at[0, pl.ds(0, _RH), :], t_vmem.at[slot],
            tsem.at[slot]).wait()

    def compute(slot, acc):
        def row_compute(r, acc):
            def grp_body(i, acc):
                base = i * 16
                xs = [x_vmem[slot, c, r, pl.ds(base, 16)] for c in range(_C)]
                sp = xs[0]
                for c in range(1, _C):
                    sp = sp + xs[c]
                s = jnp.exp(xs[0])
                for c in range(1, _C):
                    s = s + jnp.exp(xs[c])
                lse = _log_f32(s)
                t = t_vmem[slot, r, pl.ds(base, 16)]
                mask = t != _IGNORE
                tc = jnp.where(mask, t, 0)
                pt = plsc.load_gather(
                    x_vmem.at[slot],
                    [tc, jnp.full((16,), r, jnp.int32), base + lane])
                val = lse - _SV * sp - (_CONFIDENCE - _SV) * pt
                return acc + jnp.where(mask, val, 0.0)

            return lax.fori_loop(0, _GROUPS_PER_ROW, grp_body, acc)

        for r in range(_RH):
            acc = row_compute(r, acc)
        return acc

    start_fetch(0, 0)
    start_fetch(1, 1)

    def chunk_body(j, acc):
        for slot in range(2):
            g = j * 2 + slot
            wait_fetch(slot)
            acc = compute(slot, acc)
            start_fetch(g + 2, slot)
        return acc

    acc = lax.fori_loop(0, _CHUNKS_PER_W // 2, chunk_body,
                        jnp.zeros((16,), jnp.float32))
    wait_fetch(0)
    wait_fetch(1)
    acc_vmem[...] = acc
    pltpu.sync_copy(acc_vmem, out_hbm.at[wid])


def _tc_body(x_ref, t_ref, out_ref, acc_vmem):
    g = pl.program_id(0)

    @pl.when(g == 0)
    def _():
        acc_vmem[...] = jnp.zeros((_HB, _W), jnp.float32)

    t = t_ref[0]
    m = x_ref[0, 0]
    sp = x_ref[0, 0]
    for c in range(1, _C):
        x = x_ref[0, c]
        m = jnp.maximum(m, x)
        sp = sp + x
    s = jnp.exp(x_ref[0, 0] - m)
    for c in range(1, _C):
        s = s + jnp.exp(x_ref[0, c] - m)
    lse = m + jnp.log(s)
    mask = t != _IGNORE
    tcl = jnp.where(mask, t, 0)
    pt = jnp.where(tcl == 0, x_ref[0, 0], 0.0)
    for c in range(1, _C):
        pt = pt + jnp.where(tcl == c, x_ref[0, c], 0.0)
    val = jnp.where(mask, lse - _SV * sp - (_CONFIDENCE - _SV) * pt, 0.0)
    acc_vmem[...] += val

    @pl.when(g == _TC_BLKS - 1)
    def _():
        out_ref[0] = jnp.sum(acc_vmem[...])


@jax.jit
def kernel(pred, target):
    mesh = plsc.VectorSubcoreMesh(core_axis_name="c", subcore_axis_name="s")
    sc_partials = pl.kernel(
        _sc_body,
        out_type=jax.ShapeDtypeStruct((_NW, 16), jnp.float32),
        mesh=mesh,
        scratch_types=[
            pltpu.VMEM((2, _C, _RH, _W), jnp.float32),
            pltpu.VMEM((2, _RH, _W), jnp.int32),
            pltpu.VMEM((16,), jnp.float32),
            pltpu.SemaphoreType.DMA((2,)),
            pltpu.SemaphoreType.DMA((2,)),
        ],
        compiler_params=pltpu.CompilerParams(needs_layout_passes=False),
    )(pred, target)

    tc_partial = pl.pallas_call(
        _tc_body,
        grid=(_TC_BLKS,),
        in_specs=[
            pl.BlockSpec(
                (1, _C, _HB, _W),
                lambda g: ((g + _SC_BLKS) // _NJ, 0, (g + _SC_BLKS) % _NJ, 0)),
            pl.BlockSpec(
                (1, _HB, _W),
                lambda g: ((g + _SC_BLKS) // _NJ, (g + _SC_BLKS) % _NJ, 0)),
        ],
        out_specs=pl.BlockSpec(memory_space=pltpu.SMEM),
        out_shape=jax.ShapeDtypeStruct((1,), jnp.float32),
        scratch_shapes=[pltpu.VMEM((_HB, _W), jnp.float32)],
    )(pred, target)

    total = jnp.sum(sc_partials) + tc_partial[0]
    return total * (1.0 / (_B * _P))

# --- scband reference (transcript-rebuilt; emitter-appended) ---
"""Pipeline reference for scband-label-smoothing-loss-1649267441780 (READ-ONLY COPY).

The authoritative reference and input builder live on the scoring server;
editing this copy changes nothing except your own understanding.
"""

import jax, jax.numpy as jnp
import numpy as np

CLASSES = 19
SMOOTHING = 0.1
CONFIDENCE = 1.0 - SMOOTHING
IGNORE_INDEX = 255


def setup_inputs(seed: int = 0) -> dict:
    key = jax.random.key(seed)
    k1, k2 = jax.random.split(key)
    pred = jax.random.normal(k1, (8, 19, 512, 512), dtype=jnp.float32)
    target = jax.random.randint(k2, (8, 512, 512), 0, CLASSES, dtype=jnp.int64 if jax.config.jax_enable_x64 else jnp.int32).astype(jnp.int32)
    return {"pred": pred, "target": target}


def reference(pred, target):
    # pred: [B, C, H, W] -> permute to [B, H, W, C]
    p = jnp.transpose(pred, (0, 2, 3, 1))
    logp = jax.nn.log_softmax(p, axis=-1)
    # build smoothed true distribution (no-grad branch in torch; depends only on int target)
    mask = target != IGNORE_INDEX
    t = (target * mask.astype(target.dtype)).astype(jnp.int32)
    true_dist = jnp.full(logp.shape, SMOOTHING / (CLASSES - 1), dtype=logp.dtype)
    one_hot = jax.nn.one_hot(t, CLASSES, dtype=jnp.bool_)
    # scatter_-style overwrite of confidence at target class
    true_dist = jnp.where(one_hot, jnp.asarray(CONFIDENCE, dtype=logp.dtype), true_dist)
    true_dist = true_dist * mask[..., None].astype(logp.dtype)
    return jnp.mean(jnp.sum(-true_dist * logp, axis=-1))

if __name__ == "__main__":
    import jax
    _d = setup_inputs()
    print(jax.jit(kernel)(*tuple(_d.values())))

</pallas_src>

<mosaic_0001>
#map = affine_map<(d0, d1) -> (0, 0, 0, 0)>
#map1 = affine_map<(d0, d1) -> (0, 0, 0)>
#map2 = affine_map<(d0, d1) -> (0, 0)>
module attributes {stable_mosaic.version = 14 : i64} {
  func.func @_sc_body(%arg0: i32, %arg1: i32, %arg2: memref<8x19x512x512xf32, #tpu.memory_space<hbm>>, %arg3: memref<8x512x512xi32, #tpu.memory_space<hbm>>, %arg4: memref<32x16xf32, #tpu.memory_space<hbm>>, %arg5: memref<2x19x4x512xf32, #tpu.memory_space<vmem>>, %arg6: memref<2x4x512xi32, #tpu.memory_space<vmem>>, %arg7: memref<16xf32, #tpu.memory_space<vmem>>, %arg8: memref<2x!tpu.dma_semaphore, #tpu.memory_space<semaphore_mem>>, %arg9: memref<2x!tpu.dma_semaphore, #tpu.memory_space<semaphore_mem>>) attributes {dimension_semantics = [#tpu.dimension_semantics<core_parallel>, #tpu.dimension_semantics<subcore_parallel>], iteration_bounds = array<i64: 2, 16>, scalar_prefetch = 0 : i64, scratch_operands = 5 : i64, tpu.core_type = #tpu.core_type<sc_vector_subcore>, window_params = [{transform_indices = #map}, {transform_indices = #map1}, {transform_indices = #map2}]} {
    %mul3A = arith.constant 2 : i32
    %mul3A_0 = arith.muli %arg1, %mul3A : i32
    %add3A = arith.addi %mul3A_0, %arg0 : i32
    %iota3A = tpu.iota {dimensions = array<i32: 0>} : vector<16xi32>
    %min3A = arith.constant 0 : i32
    %min3A_1 = arith.constant 13 : i32
    %min3A_2 = arith.minsi %min3A, %min3A_1 : i32
    %mul3A_3 = arith.constant 14 : i32
    %mul3A_4 = arith.muli %add3A, %mul3A_3 : i32
    %add3A_5 = arith.addi %mul3A_4, %min3A_2 : i32
    %jit3A = arith.constant 128 : i32
    %div3A = arith.divsi %add3A_5, %jit3A : i32
    %sign3A = arith.constant 0 : i32
    %sign3A_6 = arith.cmpi sgt, %add3A_5, %sign3A : i32
    %sign3A_7 = arith.extui %sign3A_6 : i1 to i32
    %sign3A_8 = arith.constant 0 : i32
    %sign3A_9 = arith.cmpi slt, %add3A_5, %sign3A_8 : i32
    %sign3A_10 = arith.extui %sign3A_9 : i1 to i32
    %sign3A_11 = arith.subi %sign3A_7, %sign3A_10 : i32
    %sign3A_12 = arith.constant 0 : i32
    %sign3A_13 = arith.cmpi sgt, %jit3A, %sign3A_12 : i32
    %sign3A_14 = arith.extui %sign3A_13 : i1 to i32
    %sign3A_15 = arith.constant 0 : i32
    %sign3A_16 = arith.cmpi slt, %jit3A, %sign3A_15 : i32
    %sign3A_17 = arith.extui %sign3A_16 : i1 to i32
    %sign3A_18 = arith.subi %sign3A_14, %sign3A_17 : i32
    %ne3A = arith.cmpi ne, %sign3A_11, %sign3A_18 : i32
    %rem3A = arith.remsi %add3A_5, %jit3A : i32
    %ne3A_19 = arith.constant 0 : i32
    %ne3A_20 = arith.cmpi ne, %rem3A, %ne3A_19 : i32
    %and3A = arith.andi %ne3A, %ne3A_20 : i1
    %sub3A = arith.constant 1 : i32
    %sub3A_21 = arith.subi %div3A, %sub3A : i32
    %select_n3A = arith.select %and3A, %sub3A_21, %div3A : i32
    %jit3A_22 = arith.constant 128 : i32
    %eq3A = arith.constant 0 : i32
    %eq3A_23 = arith.cmpi eq, %jit3A_22, %eq3A : i32
    %jit3A_24 = arith.constant 1 : i32
    %select_n3A_25 = arith.select %eq3A_23, %jit3A_24, %jit3A_22 : i32
    %rem3A_26 = arith.remsi %add3A_5, %select_n3A_25 : i32
    %ne3A_27 = arith.constant 0 : i32
    %ne3A_28 = arith.cmpi ne, %rem3A_26, %ne3A_27 : i32
    %lt3A = arith.constant 0 : i32
    %lt3A_29 = arith.cmpi slt, %rem3A_26, %lt3A : i32
    %lt3A_30 = arith.constant 0 : i32
    %lt3A_31 = arith.cmpi slt, %select_n3A_25, %lt3A_30 : i32
    %ne3A_32 = arith.xori %lt3A_29, %lt3A_31 : i1
    %and3A_33 = arith.andi %ne3A_32, %ne3A_28 : i1
    %add3A_34 = arith.addi %rem3A_26, %select_n3A_25 : i32
    %select_n3A_35 = arith.select %and3A_33, %add3A_34, %rem3A_26 : i32
    %mul3A_36 = arith.constant 4 : i32
    %mul3A_37 = arith.muli %select_n3A_35, %mul3A_36 : i32
    %dma_start3A = arith.constant 0 : i32
    %dma_start3A_38 = arith.constant 0 : i32
    %dma_start3A_39 = arith.constant 0 : i32
    %dma_start3A_40 = arith.constant 0 : i32
    %dma_start3A_41 = arith.constant 0 : i32
    %dma_start3A_42 = tpu.memref_slice %arg5[%dma_start3A, %dma_start3A_39, %dma_start3A_40, %dma_start3A_41] : memref<2x19x4x512xf32, #tpu.memory_space<vmem>> -> memref<1x19x4x512xf32, #tpu.memory_space<vmem>>
    %dma_start3A_43 = tpu.memref_squeeze %dma_start3A_42 : memref<1x19x4x512xf32, #tpu.memory_space<vmem>> -> memref<19x4x512xf32, #tpu.memory_space<vmem>>
    %dma_start3A_44 = arith.constant 0 : i32
    %dma_start3A_45 = arith.constant 0 : i32
    %dma_start3A_46 = tpu.memref_slice %arg2[%select_n3A, %dma_start3A_44, %mul3A_37, %dma_start3A_45] : memref<8x19x512x512xf32, #tpu.memory_space<hbm>> -> memref<1x19x4x512xf32, #tpu.memory_space<hbm>>
    %dma_start3A_47 = tpu.memref_squeeze %dma_start3A_46 : memref<1x19x4x512xf32, #tpu.memory_space<hbm>> -> memref<19x4x512xf32, #tpu.memory_space<hbm>>
    %dma_start3A_48 = tpu.memref_slice %arg8[%dma_start3A_38] : memref<2x!tpu.dma_semaphore, #tpu.memory_space<semaphore_mem>> -> memref<1x!tpu.dma_semaphore, #tpu.memory_space<semaphore_mem>>
    %dma_start3A_49 = tpu.memref_squeeze %dma_start3A_48 : memref<1x!tpu.dma_semaphore, #tpu.memory_space<semaphore_mem>> -> memref<!tpu.dma_semaphore, #tpu.memory_space<semaphore_mem>>
    %dma_start3A_50 = arith.constant 0 : i32
    %dma_start3A_51 = arith.constant 0 : i32
    %dma_start3A_52 = arith.constant 0 : i32
    %dma_start3A_53 = tpu.memref_slice %arg5[%dma_start3A, %dma_start3A_50, %dma_start3A_51, %dma_start3A_52] : memref<2x19x4x512xf32, #tpu.memory_space<vmem>> -> memref<1x19x4x512xf32, #tpu.memory_space<vmem>>
    %dma_start3A_54 = tpu.memref_squeeze %dma_start3A_53 : memref<1x19x4x512xf32, #tpu.memory_space<vmem>> -> memref<19x4x512xf32, #tpu.memory_space<vmem>>
    %dma_start3A_55 = arith.constant 0 : i32
    %dma_start3A_56 = arith.constant 0 : i32
    %dma_start3A_57 = tpu.memref_slice %arg2[%select_n3A, %dma_start3A_55, %mul3A_37, %dma_start3A_56] : memref<8x19x512x512xf32, #tpu.memory_space<hbm>> -> memref<1x19x4x512xf32, #tpu.memory_space<hbm>>
    %dma_start3A_58 = tpu.memref_squeeze %dma_start3A_57 : memref<1x19x4x512xf32, #tpu.memory_space<hbm>> -> memref<19x4x512xf32, #tpu.memory_space<hbm>>
    tpu.enqueue_dma source(%dma_start3A_58 : memref<19x4x512xf32, #tpu.memory_space<hbm>>) target(%dma_start3A_54 : memref<19x4x512xf32, #tpu.memory_space<vmem>>) target_semaphore(%dma_start3A_49 : memref<!tpu.dma_semaphore, #tpu.memory_space<semaphore_mem>>)
    %dma_start3A_59 = arith.constant 0 : i32
    %dma_start3A_60 = arith.constant 0 : i32
    %dma_start3A_61 = arith.constant 0 : i32
    %dma_start3A_62 = arith.constant 0 : i32
    %dma_start3A_63 = tpu.memref_slice %arg6[%dma_start3A_59, %dma_start3A_61, %dma_start3A_62] : memref<2x4x512xi32, #tpu.memory_space<vmem>> -> memref<1x4x512xi32, #tpu.memory_space<vmem>>
    %dma_start3A_64 = tpu.memref_squeeze %dma_start3A_63 : memref<1x4x512xi32, #tpu.memory_space<vmem>> -> memref<4x512xi32, #tpu.memory_space<vmem>>
    %dma_start3A_65 = arith.constant 0 : i32
    %dma_start3A_66 = tpu.memref_slice %arg3[%select_n3A, %mul3A_37, %dma_start3A_65] : memref<8x512x512xi32, #tpu.memory_space<hbm>> -> memref<1x4x512xi32, #tpu.memory_space<hbm>>
    %dma_start3A_67 = tpu.memref_squeeze %dma_start3A_66 : memref<1x4x512xi32, #tpu.memory_space<hbm>> -> memref<4x512xi32, #tpu.memory_space<hbm>>
    %dma_start3A_68 = tpu.memref_slice %arg9[%dma_start3A_60] : memref<2x!tpu.dma_semaphore, #tpu.memory_space<semaphore_mem>> -> memref<1x!tpu.dma_semaphore, #tpu.memory_space<semaphore_mem>>
    %dma_start3A_69 = tpu.memref_squeeze %dma_start3A_68 : memref<1x!tpu.dma_semaphore, #tpu.memory_space<semaphore_mem>> -> memref<!tpu.dma_semaphore, #tpu.memory_space<semaphore_mem>>
    %dma_start3A_70 = arith.constant 0 : i32
    %dma_start3A_71 = arith.constant 0 : i32
    %dma_start3A_72 = tpu.memref_slice %arg6[%dma_start3A_59, %dma_start3A_70, %dma_start3A_71] : memref<2x4x512xi32, #tpu.memory_space<vmem>> -> memref<1x4x512xi32, #tpu.memory_space<vmem>>
    %dma_start3A_73 = tpu.memref_squeeze %dma_start3A_72 : memref<1x4x512xi32, #tpu.memory_space<vmem>> -> memref<4x512xi32, #tpu.memory_space<vmem>>
    %dma_start3A_74 = arith.constant 0 : i32
    %dma_start3A_75 = tpu.memref_slice %arg3[%select_n3A, %mul3A_37, %dma_start3A_74] : memref<8x512x512xi32, #tpu.memory_space<hbm>> -> memref<1x4x512xi32, #tpu.memory_space<hbm>>
    %dma_start3A_76 = tpu.memref_squeeze %dma_start3A_75 : memref<1x4x512xi32, #tpu.memory_space<hbm>> -> memref<4x512xi32, #tpu.memory_space<hbm>>
    tpu.enqueue_dma source(%dma_start3A_76 : memref<4x512xi32, #tpu.memory_space<hbm>>) target(%dma_start3A_73 : memref<4x512xi32, #tpu.memory_space<vmem>>) target_semaphore(%dma_start3A_69 : memref<!tpu.dma_semaphore, #tpu.memory_space<semaphore_mem>>)
    %min3A_77 = arith.constant 1 : i32
    %min3A_78 = arith.constant 13 : i32
    %min3A_79 = arith.minsi %min3A_77, %min3A_78 : i32
    %mul3A_80 = arith.constant 14 : i32
    %mul3A_81 = arith.muli %add3A, %mul3A_80 : i32
    %add3A_82 = arith.addi %mul3A_81, %min3A_79 : i32
    %jit3A_83 = arith.constant 128 : i32
    %div3A_84 = arith.divsi %add3A_82, %jit3A_83 : i32
    %sign3A_85 = arith.constant 0 : i32
    %sign3A_86 = arith.cmpi sgt, %add3A_82, %sign3A_85 : i32
    %sign3A_87 = arith.extui %sign3A_86 : i1 to i32
    %sign3A_88 = arith.constant 0 : i32
    %sign3A_89 = arith.cmpi slt, %add3A_82, %sign3A_88 : i32
    %sign3A_90 = arith.extui %sign3A_89 : i1 to i32
    %sign3A_91 = arith.subi %sign3A_87, %sign3A_90 : i32
    %sign3A_92 = arith.constant 0 : i32
    %sign3A_93 = arith.cmpi sgt, %jit3A_83, %sign3A_92 : i32
    %sign3A_94 = arith.extui %sign3A_93 : i1 to i32
    %sign3A_95 = arith.constant 0 : i32
    %sign3A_96 = arith.cmpi slt, %jit3A_83, %sign3A_95 : i32
    %sign3A_97 = arith.extui %sign3A_96 : i1 to i32
    %sign3A_98 = arith.subi %sign3A_94, %sign3A_97 : i32
    %ne3A_99 = arith.cmpi ne, %sign3A_91, %sign3A_98 : i32
    %rem3A_100 = arith.remsi %add3A_82, %jit3A_83 : i32
    %ne3A_101 = arith.constant 0 : i32
    %ne3A_102 = arith.cmpi ne, %rem3A_100, %ne3A_101 : i32
    %and3A_103 = arith.andi %ne3A_99, %ne3A_102 : i1
    %sub3A_104 = arith.constant 1 : i32
    %sub3A_105 = arith.subi %div3A_84, %sub3A_104 : i32
    %select_n3A_106 = arith.select %and3A_103, %sub3A_105, %div3A_84 : i32
    %jit3A_107 = arith.constant 128 : i32
    %eq3A_108 = arith.constant 0 : i32
    %eq3A_109 = arith.cmpi eq, %jit3A_107, %eq3A_108 : i32
    %jit3A_110 = arith.constant 1 : i32
    %select_n3A_111 = arith.select %eq3A_109, %jit3A_110, %jit3A_107 : i32
    %rem3A_112 = arith.remsi %add3A_82, %select_n3A_111 : i32
    %ne3A_113 = arith.constant 0 : i32
    %ne3A_114 = arith.cmpi ne, %rem3A_112, %ne3A_113 : i32
    %lt3A_115 = arith.constant 0 : i32
    %lt3A_116 = arith.cmpi slt, %rem3A_112, %lt3A_115 : i32
    %lt3A_117 = arith.constant 0 : i32
    %lt3A_118 = arith.cmpi slt, %select_n3A_111, %lt3A_117 : i32
    %ne3A_119 = arith.xori %lt3A_116, %lt3A_118 : i1
    %and3A_120 = arith.andi %ne3A_119, %ne3A_114 : i1
    %add3A_121 = arith.addi %rem3A_112, %select_n3A_111 : i32
    %select_n3A_122 = arith.select %and3A_120, %add3A_121, %rem3A_112 : i32
    %mul3A_123 = arith.constant 4 : i32
    %mul3A_124 = arith.muli %select_n3A_122, %mul3A_123 : i32
    %dma_start3A_125 = arith.constant 1 : i32
    %dma_start3A_126 = arith.constant 1 : i32
    %dma_start3A_127 = arith.constant 0 : i32
    %dma_start3A_128 = arith.constant 0 : i32
    %dma_start3A_129 = arith.constant 0 : i32
    %dma_start3A_130 = tpu.memref_slice %arg5[%dma_start3A_125, %dma_start3A_127, %dma_start3A_128, %dma_start3A_129] : memref<2x19x4x512xf32, #tpu.memory_space<vmem>> -> memref<1x19x4x512xf32, #tpu.memory_space<vmem>>
    %dma_start3A_131 = tpu.memref_squeeze %dma_start3A_130 : memref<1x19x4x512xf32, #tpu.memory_space<vmem>> -> memref<19x4x512xf32, #tpu.memory_space<vmem>>
    %dma_start3A_132 = arith.constant 0 : i32
    %dma_start3A_133 = arith.constant 0 : i32
    %dma_start3A_134 = tpu.memref_slice %arg2[%select_n3A_106, %dma_start3A_132, %mul3A_124, %dma_start3A_133] : memref<8x19x512x512xf32, #tpu.memory_space<hbm>> -> memref<1x19x4x512xf32, #tpu.memory_space<hbm>>
    %dma_start3A_135 = tpu.memref_squeeze %dma_start3A_134 : memref<1x19x4x512xf32, #tpu.memory_space<hbm>> -> memref<19x4x512xf32, #tpu.memory_space<hbm>>
    %dma_start3A_136 = tpu.memref_slice %arg8[%dma_start3A_126] : memref<2x!tpu.dma_semaphore, #tpu.memory_space<semaphore_mem>> -> memref<1x!tpu.dma_semaphore, #tpu.memory_space<semaphore_mem>>
    %dma_start3A_137 = tpu.memref_squeeze %dma_start3A_136 : memref<1x!tpu.dma_semaphore, #tpu.memory_space<semaphore_mem>> -> memref<!tpu.dma_semaphore, #tpu.memory_space<semaphore_mem>>
    %dma_start3A_138 = arith.constant 0 : i32
    %dma_start3A_139 = arith.constant 0 : i32
    %dma_start3A_140 = arith.constant 0 : i32
    %dma_start3A_141 = tpu.memref_slice %arg5[%dma_start3A_125, %dma_start3A_138, %dma_start3A_139, %dma_start3A_140] : memref<2x19x4x512xf32, #tpu.memory_space<vmem>> -> memref<1x19x4x512xf32, #tpu.memory_space<vmem>>
    %dma_start3A_142 = tpu.memref_squeeze %dma_start3A_141 : memref<1x19x4x512xf32, #tpu.memory_space<vmem>> -> memref<19x4x512xf32, #tpu.memory_space<vmem>>
    %dma_start3A_143 = arith.constant 0 : i32
    %dma_start3A_144 = arith.constant 0 : i32
    %dma_start3A_145 = tpu.memref_slice %arg2[%select_n3A_106, %dma_start3A_143, %mul3A_124, %dma_start3A_144] : memref<8x19x512x512xf32, #tpu.memory_space<hbm>> -> memref<1x19x4x512xf32, #tpu.memory_space<hbm>>
    %dma_start3A_146 = tpu.memref_squeeze %dma_start3A_145 : memref<1x19x4x512xf32, #tpu.memory_space<hbm>> -> memref<19x4x512xf32, #tpu.memory_space<hbm>>
    tpu.enqueue_dma source(%dma_start3A_146 : memref<19x4x512xf32, #tpu.memory_space<hbm>>) target(%dma_start3A_142 : memref<19x4x512xf32, #tpu.memory_space<vmem>>) target_semaphore(%dma_start3A_137 : memref<!tpu.dma_semaphore, #tpu.memory_space<semaphore_mem>>)
    %dma_start3A_147 = arith.constant 1 : i32
    %dma_start3A_148 = arith.constant 1 : i32
    %dma_start3A_149 = arith.constant 0 : i32
    %dma_start3A_150 = arith.constant 0 : i32
    %dma_start3A_151 = tpu.memref_slice %arg6[%dma_start3A_147, %dma_start3A_149, %dma_start3A_150] : memref<2x4x512xi32, #tpu.memory_space<vmem>> -> memref<1x4x512xi32, #tpu.memory_space<vmem>>
    %dma_start3A_152 = tpu.memref_squeeze %dma_start3A_151 : memref<1x4x512xi32, #tpu.memory_space<vmem>> -> memref<4x512xi32, #tpu.memory_space<vmem>>
    %dma_start3A_153 = arith.constant 0 : i32
    %dma_start3A_154 = tpu.memref_slice %arg3[%select_n3A_106, %mul3A_124, %dma_start3A_153] : memref<8x512x512xi32, #tpu.memory_space<hbm>> -> memref<1x4x512xi32, #tpu.memory_space<hbm>>
    %dma_start3A_155 = tpu.memref_squeeze %dma_start3A_154 : memref<1x4x512xi32, #tpu.memory_space<hbm>> -> memref<4x512xi32, #tpu.memory_space<hbm>>
    %dma_start3A_156 = tpu.memref_slice %arg9[%dma_start3A_148] : memref<2x!tpu.dma_semaphore, #tpu.memory_space<semaphore_mem>> -> memref<1x!tpu.dma_semaphore, #tpu.memory_space<semaphore_mem>>
    %dma_start3A_157 = tpu.memref_squeeze %dma_start3A_156 : memref<1x!tpu.dma_semaphore, #tpu.memory_space<semaphore_mem>> -> memref<!tpu.dma_semaphore, #tpu.memory_space<semaphore_mem>>
    %dma_start3A_158 = arith.constant 0 : i32
    %dma_start3A_159 = arith.constant 0 : i32
    %dma_start3A_160 = tpu.memref_slice %arg6[%dma_start3A_147, %dma_start3A_158, %dma_start3A_159] : memref<2x4x512xi32, #tpu.memory_space<vmem>> -> memref<1x4x512xi32, #tpu.memory_space<vmem>>
    %dma_start3A_161 = tpu.memref_squeeze %dma_start3A_160 : memref<1x4x512xi32, #tpu.memory_space<vmem>> -> memref<4x512xi32, #tpu.memory_space<vmem>>
    %dma_start3A_162 = arith.constant 0 : i32
    %dma_start3A_163 = tpu.memref_slice %arg3[%select_n3A_106, %mul3A_124, %dma_start3A_162] : memref<8x512x512xi32, #tpu.memory_space<hbm>> -> memref<1x4x512xi32, #tpu.memory_space<hbm>>
    %dma_start3A_164 = tpu.memref_squeeze %dma_start3A_163 : memref<1x4x512xi32, #tpu.memory_space<hbm>> -> memref<4x512xi32, #tpu.memory_space<hbm>>
    tpu.enqueue_dma source(%dma_start3A_164 : memref<4x512xi32, #tpu.memory_space<hbm>>) target(%dma_start3A_161 : memref<4x512xi32, #tpu.memory_space<vmem>>) target_semaphore(%dma_start3A_157 : memref<!tpu.dma_semaphore, #tpu.memory_space<semaphore_mem>>)
    %broadcast_in_dim3A = arith.constant 0.000000e+00 : f32
    %broadcast_in_dim3A_165 = vector.broadcast %broadcast_in_dim3A : f32 to vector<16xf32>
    %scan3A = arith.constant 0 : i32
    %scan3A_166 = arith.constant 7 : i32
    %scan3A_167 = arith.addi %scan3A, %scan3A_166 : i32
    %scan3A_168 = arith.constant 1 : i32
    %scan3A_169 = scf.for %scan3A_263 = %scan3A to %scan3A_167 step %scan3A_168 iter_args(%scan3A_264 = %broadcast_in_dim3A_165) -> (vector<16xf32>)  : i32 {
      %mul3A_265 = arith.constant 2 : i32
      %mul3A_266 = arith.muli %scan3A_263, %mul3A_265 : i32
      %add3A_267 = arith.constant 0 : i32
      %add3A_268 = arith.addi %mul3A_266, %add3A_267 : i32
      %dma_wait3A_269 = arith.constant 0 : i32
      %dma_wait3A_270 = arith.constant 0 : i32
      %dma_wait3A_271 = arith.constant 0 : i32
      %dma_wait3A_272 = arith.constant 0 : i32
      %dma_wait3A_273 = arith.constant 0 : i32
      %dma_wait3A_274 = arith.constant 0 : i32
      %dma_wait3A_275 = tpu.memref_slice %arg5[%dma_wait3A_270, %dma_wait3A_272, %dma_wait3A_273, %dma_wait3A_274] : memref<2x19x4x512xf32, #tpu.memory_space<vmem>> -> memref<1x19x4x512xf32, #tpu.memory_space<vmem>>
      %dma_wait3A_276 = tpu.memref_squeeze %dma_wait3A_275 : memref<1x19x4x512xf32, #tpu.memory_space<vmem>> -> memref<19x4x512xf32, #tpu.memory_space<vmem>>
      %dma_wait3A_277 = arith.constant 0 : i32
      %dma_wait3A_278 = arith.constant 0 : i32
      %dma_wait3A_279 = arith.constant 0 : i32
      %dma_wait3A_280 = tpu.memref_slice %arg2[%dma_wait3A_269, %dma_wait3A_277, %dma_wait3A_278, %dma_wait3A_279] : memref<8x19x512x512xf32, #tpu.memory_space<hbm>> -> memref<1x19x4x512xf32, #tpu.memory_space<hbm>>
      %dma_wait3A_281 = tpu.memref_squeeze %dma_wait3A_280 : memref<1x19x4x512xf32, #tpu.memory_space<hbm>> -> memref<19x4x512xf32, #tpu.memory_space<hbm>>
      %dma_wait3A_282 = tpu.memref_slice %arg8[%dma_wait3A_271] : memref<2x!tpu.dma_semaphore, #tpu.memory_space<semaphore_mem>> -> memref<1x!tpu.dma_semaphore, #tpu.memory_space<semaphore_mem>>
      %dma_wait3A_283 = tpu.memref_squeeze %dma_wait3A_282 : memref<1x!tpu.dma_semaphore, #tpu.memory_space<semaphore_mem>> -> memref<!tpu.dma_semaphore, #tpu.memory_space<semaphore_mem>>
      %dma_wait3A_284 = arith.constant 0 : i32
      %dma_wait3A_285 = arith.constant 0 : i32
      %dma_wait3A_286 = arith.constant 0 : i32
      %dma_wait3A_287 = tpu.memref_slice %arg5[%dma_wait3A_270, %dma_wait3A_284, %dma_wait3A_285, %dma_wait3A_286] : memref<2x19x4x512xf32, #tpu.memory_space<vmem>> -> memref<1x19x4x512xf32, #tpu.memory_space<vmem>>
      %dma_wait3A_288 = tpu.memref_squeeze %dma_wait3A_287 : memref<1x19x4x512xf32, #tpu.memory_space<vmem>> -> memref<19x4x512xf32, #tpu.memory_space<vmem>>
      %dma_wait3A_289 = arith.constant 0 : i32
      %dma_wait3A_290 = arith.constant 0 : i32
      %dma_wait3A_291 = arith.constant 0 : i32
      %dma_wait3A_292 = tpu.memref_slice %arg2[%dma_wait3A_269, %dma_wait3A_289, %dma_wait3A_290, %dma_wait3A_291] : memref<8x19x512x512xf32, #tpu.memory_space<hbm>> -> memref<1x19x4x512xf32, #tpu.memory_space<hbm>>
      %dma_wait3A_293 = tpu.memref_squeeze %dma_wait3A_292 : memref<1x19x4x512xf32, #tpu.memory_space<hbm>> -> memref<19x4x512xf32, #tpu.memory_space<hbm>>
      tpu.wait_dma2 semaphore(%dma_wait3A_283 : memref<!tpu.dma_semaphore, #tpu.memory_space<semaphore_mem>>) src(%dma_wait3A_293 : memref<19x4x512xf32, #tpu.memory_space<hbm>>) dst(%dma_wait3A_288 : memref<19x4x512xf32, #tpu.memory_space<vmem>>)
      %dma_wait3A_294 = arith.constant 0 : i32
      %dma_wait3A_295 = arith.constant 0 : i32
      %dma_wait3A_296 = arith.constant 0 : i32
      %dma_wait3A_297 = arith.constant 0 : i32
      %dma_wait3A_298 = arith.constant 0 : i32
      %dma_wait3A_299 = tpu.memref_slice %arg6[%dma_wait3A_295, %dma_wait3A_297, %dma_wait3A_298] : memref<2x4x512xi32, #tpu.memory_space<vmem>> -> memref<1x4x512xi32, #tpu.memory_space<vmem>>
      %dma_wait3A_300 = tpu.memref_squeeze %dma_wait3A_299 : memref<1x4x512xi32, #tpu.memory_space<vmem>> -> memref<4x512xi32, #tpu.memory_space<vmem>>
      %dma_wait3A_301 = arith.constant 0 : i32
      %dma_wait3A_302 = arith.constant 0 : i32
      %dma_wait3A_303 = tpu.memref_slice %arg3[%dma_wait3A_294, %dma_wait3A_301, %dma_wait3A_302] : memref<8x512x512xi32, #tpu.memory_space<hbm>> -> memref<1x4x512xi32, #tpu.memory_space<hbm>>
      %dma_wait3A_304 = tpu.memref_squeeze %dma_wait3A_303 : memref<1x4x512xi32, #tpu.memory_space<hbm>> -> memref<4x512xi32, #tpu.memory_space<hbm>>
      %dma_wait3A_305 = tpu.memref_slice %arg9[%dma_wait3A_296] : memref<2x!tpu.dma_semaphore, #tpu.memory_space<semaphore_mem>> -> memref<1x!tpu.dma_semaphore, #tpu.memory_space<semaphore_mem>>
      %dma_wait3A_306 = tpu.memref_squeeze %dma_wait3A_305 : memref<1x!tpu.dma_semaphore, #tpu.memory_space<semaphore_mem>> -> memref<!tpu.dma_semaphore, #tpu.memory_space<semaphore_mem>>
      %dma_wait3A_307 = arith.constant 0 : i32
      %dma_wait3A_308 = arith.constant 0 : i32
      %dma_wait3A_309 = tpu.memref_slice %arg6[%dma_wait3A_295, %dma_wait3A_307, %dma_wait3A_308] : memref<2x4x512xi32, #tpu.memory_space<vmem>> -> memref<1x4x512xi32, #tpu.memory_space<vmem>>
      %dma_wait3A_310 = tpu.memref_squeeze %dma_wait3A_309 : memref<1x4x512xi32, #tpu.memory_space<vmem>> -> memref<4x512xi32, #tpu.memory_space<vmem>>
      %dma_wait3A_311 = arith.constant 0 : i32
      %dma_wait3A_312 = arith.constant 0 : i32
      %dma_wait3A_313 = tpu.memref_slice %arg3[%dma_wait3A_294, %dma_wait3A_311, %dma_wait3A_312] : memref<8x512x512xi32, #tpu.memory_space<hbm>> -> memref<1x4x512xi32, #tpu.memory_space<hbm>>
      %dma_wait3A_314 = tpu.memref_squeeze %dma_wait3A_313 : memref<1x4x512xi32, #tpu.memory_space<hbm>> -> memref<4x512xi32, #tpu.memory_space<hbm>>
      tpu.wait_dma2 semaphore(%dma_wait3A_306 : memref<!tpu.dma_semaphore, #tpu.memory_space<semaphore_mem>>) src(%dma_wait3A_314 : memref<4x512xi32, #tpu.memory_space<hbm>>) dst(%dma_wait3A_310 : memref<4x512xi32, #tpu.memory_space<vmem>>)
      %scan3A_315 = arith.constant 0 : i32
      %scan3A_316 = arith.constant 32 : i32
      %scan3A_317 = arith.addi %scan3A_315, %scan3A_316 : i32
      %scan3A_318 = arith.constant 1 : i32
      %scan3A_319 = scf.for %scan3A_591 = %scan3A_315 to %scan3A_317 step %scan3A_318 iter_args(%scan3A_592 = %scan3A_264) -> (vector<16xf32>)  : i32 {
        %mul3A_593 = arith.constant 16 : i32
        %mul3A_594 = arith.muli %scan3A_591, %mul3A_593 : i32
        %get3A = arith.constant 0 : i32
        %get3A_595 = arith.constant 0 : i32
        %get3A_596 = arith.constant 0 : i32
        %get3A_597 = arith.index_cast %get3A : i32 to index
        %get3A_598 = arith.index_cast %get3A_595 : i32 to index
        %get3A_599 = arith.index_cast %get3A_596 : i32 to index
        %get3A_600 = arith.index_cast %mul3A_594 : i32 to index
        %get3A_601 = tpu.vector_load %arg5[%get3A_597, %get3A_598, %get3A_599, %get3A_600] {strides = array<i32>} : memref<2x19x4x512xf32, #tpu.memory_space<vmem>>, vector<16xf32>,
        %get3A_602 = arith.constant 0 : i32
        %get3A_603 = arith.constant 1 : i32
        %get3A_604 = arith.constant 0 : i32
        %get3A_605 = arith.index_cast %get3A_602 : i32 to index
        %get3A_606 = arith.index_cast %get3A_603 : i32 to index
        %get3A_607 = arith.index_cast %get3A_604 : i32 to index
        %get3A_608 = arith.index_cast %mul3A_594 : i32 to index
        %get3A_609 = tpu.vector_load %arg5[%get3A_605, %get3A_606, %get3A_607, %get3A_608] {strides = array<i32>} : memref<2x19x4x512xf32, #tpu.memory_space<vmem>>, vector<16xf32>,
        %get3A_610 = arith.constant 0 : i32
        %get3A_611 = arith.constant 2 : i32
        %get3A_612 = arith.constant 0 : i32
        %get3A_613 = arith.index_cast %get3A_610 : i32 to index
        %get3A_614 = arith.index_cast %get3A_611 : i32 to index
        %get3A_615 = arith.index_cast %get3A_612 : i32 to index
        %get3A_616 = arith.index_cast %mul3A_594 : i32 to index
        %get3A_617 = tpu.vector_load %arg5[%get3A_613, %get3A_614, %get3A_615, %get3A_616] {strides = array<i32>} : memref<2x19x4x512xf32, #tpu.memory_space<vmem>>, vector<16xf32>,
        %get3A_618 = arith.constant 0 : i32
        %get3A_619 = arith.constant 3 : i32
        %get3A_620 = arith.constant 0 : i32
        %get3A_621 = arith.index_cast %get3A_618 : i32 to index
        %get3A_622 = arith.index_cast %get3A_619 : i32 to index
        %get3A_623 = arith.index_cast %get3A_620 : i32 to index
        %get3A_624 = arith.index_cast %mul3A_594 : i32 to index
        %get3A_625 = tpu.vector_load %arg5[%get3A_621, %get3A_622, %get3A_623, %get3A_624] {strides = array<i32>} : memref<2x19x4x512xf32, #tpu.memory_space<vmem>>, vector<16xf32>,
        %get3A_626 = arith.constant 0 : i32
        %get3A_627 = arith.constant 4 : i32
        %get3A_628 = arith.constant 0 : i32
        %get3A_629 = arith.index_cast %get3A_626 : i32 to index
        %get3A_630 = arith.index_cast %get3A_627 : i32 to index
        %get3A_631 = arith.index_cast %get3A_628 : i32 to index
        %get3A_632 = arith.index_cast %mul3A_594 : i32 to index
        %get3A_633 = tpu.vector_load %arg5[%get3A_629, %get3A_630, %get3A_631, %get3A_632] {strides = array<i32>} : memref<2x19x4x512xf32, #tpu.memory_space<vmem>>, vector<16xf32>,
        %get3A_634 = arith.constant 0 : i32
        %get3A_635 = arith.constant 5 : i32
        %get3A_636 = arith.constant 0 : i32
        %get3A_637 = arith.index_cast %get3A_634 : i32 to index
        %get3A_638 = arith.index_cast %get3A_635 : i32 to index
        %get3A_639 = arith.index_cast %get3A_636 : i32 to index
        %get3A_640 = arith.index_cast %mul3A_594 : i32 to index
        %get3A_641 = tpu.vector_load %arg5[%get3A_637, %get3A_638, %get3A_639, %get3A_640] {strides = array<i32>} : memref<2x19x4x512xf32, #tpu.memory_space<vmem>>, vector<16xf32>,
        %get3A_642 = arith.constant 0 : i32
        %get3A_643 = arith.constant 6 : i32
        %get3A_644 = arith.constant 0 : i32
        %get3A_645 = arith.index_cast %get3A_642 : i32 to index
        %get3A_646 = arith.index_cast %get3A_643 : i32 to index
        %get3A_647 = arith.index_cast %get3A_644 : i32 to index
        %get3A_648 = arith.index_cast %mul3A_594 : i32 to index
        %get3A_649 = tpu.vector_load %arg5[%get3A_645, %get3A_646, %get3A_647, %get3A_648] {strides = array<i32>} : memref<2x19x4x512xf32, #tpu.memory_space<vmem>>, vector<16xf32>,
        %get3A_650 = arith.constant 0 : i32
        %get3A_651 = arith.constant 7 : i32
        %get3A_652 = arith.constant 0 : i32
        %get3A_653 = arith.index_cast %get3A_650 : i32 to index
        %get3A_654 = arith.index_cast %get3A_651 : i32 to index
        %get3A_655 = arith.index_cast %get3A_652 : i32 to index
        %get3A_656 = arith.index_cast %mul3A_594 : i32 to index
        %get3A_657 = tpu.vector_load %arg5[%get3A_653, %get3A_654, %get3A_655, %get3A_656] {strides = array<i32>} : memref<2x19x4x512xf32, #tpu.memory_space<vmem>>, vector<16xf32>,
        %get3A_658 = arith.constant 0 : i32
        %get3A_659 = arith.constant 8 : i32
        %get3A_660 = arith.constant 0 : i32
        %get3A_661 = arith.index_cast %get3A_658 : i32 to index
        %get3A_662 = arith.index_cast %get3A_659 : i32 to index
        %get3A_663 = arith.index_cast %get3A_660 : i32 to index
        %get3A_664 = arith.index_cast %mul3A_594 : i32 to index
        %get3A_665 = tpu.vector_load %arg5[%get3A_661, %get3A_662, %get3A_663, %get3A_664] {strides = array<i32>} : memref<2x19x4x512xf32, #tpu.memory_space<vmem>>, vector<16xf32>,
        %get3A_666 = arith.constant 0 : i32
        %get3A_667 = arith.constant 9 : i32
        %get3A_668 = arith.constant 0 : i32
        %get3A_669 = arith.index_cast %get3A_666 : i32 to index
        %get3A_670 = arith.index_cast %get3A_667 : i32 to index
        %get3A_671 = arith.index_cast %get3A_668 : i32 to index
        %get3A_672 = arith.index_cast %mul3A_594 : i32 to index
        %get3A_673 = tpu.vector_load %arg5[%get3A_669, %get3A_670, %get3A_671, %get3A_672] {strides = array<i32>} : memref<2x19x4x512xf32, #tpu.memory_space<vmem>>, vector<16xf32>,
        %get3A_674 = arith.constant 0 : i32
        %get3A_675 = arith.constant 10 : i32
        %get3A_676 = arith.constant 0 : i32
        %get3A_677 = arith.index_cast %get3A_674 : i32 to index
        %get3A_678 = arith.index_cast %get3A_675 : i32 to index
        %get3A_679 = arith.index_cast %get3A_676 : i32 to index
        %get3A_680 = arith.index_cast %mul3A_594 : i32 to index
        %get3A_681 = tpu.vector_load %arg5[%get3A_677, %get3A_678, %get3A_679, %get3A_680] {strides = array<i32>} : memref<2x19x4x512xf32, #tpu.memory_space<vmem>>, vector<16xf32>,
        %get3A_682 = arith.constant 0 : i32
        %get3A_683 = arith.constant 11 : i32
        %get3A_684 = arith.constant 0 : i32
        %get3A_685 = arith.index_cast %get3A_682 : i32 to index
        %get3A_686 = arith.index_cast %get3A_683 : i32 to index
        %get3A_687 = arith.index_cast %get3A_684 : i32 to index
        %get3A_688 = arith.index_cast %mul3A_594 : i32 to index
        %get3A_689 = tpu.vector_load %arg5[%get3A_685, %get3A_686, %get3A_687, %get3A_688] {strides = array<i32>} : memref<2x19x4x512xf32, #tpu.memory_space<vmem>>, vector<16xf32>,
        %get3A_690 = arith.constant 0 : i32
        %get3A_691 = arith.constant 12 : i32
        %get3A_692 = arith.constant 0 : i32
        %get3A_693 = arith.index_cast %get3A_690 : i32 to index
        %get3A_694 = arith.index_cast %get3A_691 : i32 to index
        %get3A_695 = arith.index_cast %get3A_692 : i32 to index
        %get3A_696 = arith.index_cast %mul3A_594 : i32 to index
        %get3A_697 = tpu.vector_load %arg5[%get3A_693, %get3A_694, %get3A_695, %get3A_696] {strides = array<i32>} : memref<2x19x4x512xf32, #tpu.memory_space<vmem>>, vector<16xf32>,
        %get3A_698 = arith.constant 0 : i32
        %get3A_699 = arith.constant 13 : i32
        %get3A_700 = arith.constant 0 : i32
        %get3A_701 = arith.index_cast %get3A_698 : i32 to index
        %get3A_702 = arith.index_cast %get3A_699 : i32 to index
        %get3A_703 = arith.index_cast %get3A_700 : i32 to index
        %get3A_704 = arith.index_cast %mul3A_594 : i32 to index
        %get3A_705 = tpu.vector_load %arg5[%get3A_701, %get3A_702, %get3A_703, %get3A_704] {strides = array<i32>} : memref<2x19x4x512xf32, #tpu.memory_space<vmem>>, vector<16xf32>,
        %get3A_706 = arith.constant 0 : i32
        %get3A_707 = arith.constant 14 : i32
        %get3A_708 = arith.constant 0 : i32
        %get3A_709 = arith.index_cast %get3A_706 : i32 to index
        %get3A_710 = arith.index_cast %get3A_707 : i32 to index
        %get3A_711 = arith.index_cast %get3A_708 : i32 to index
        %get3A_712 = arith.index_cast %mul3A_594 : i32 to index
        %get3A_713 = tpu.vector_load %arg5[%get3A_709, %get3A_710, %get3A_711, %get3A_712] {strides = array<i32>} : memref<2x19x4x512xf32, #tpu.memory_space<vmem>>, vector<16xf32>,
        %get3A_714 = arith.constant 0 : i32
        %get3A_715 = arith.constant 15 : i32
        %get3A_716 = arith.constant 0 : i32
        %get3A_717 = arith.index_cast %get3A_714 : i32 to index
        %get3A_718 = arith.index_cast %get3A_715 : i32 to index
        %get3A_719 = arith.index_cast %get3A_716 : i32 to index
        %get3A_720 = arith.index_cast %mul3A_594 : i32 to index
        %get3A_721 = tpu.vector_load %arg5[%get3A_717, %get3A_718, %get3A_719, %get3A_720] {strides = array<i32>} : memref<2x19x4x512xf32, #tpu.memory_space<vmem>>, vector<16xf32>,
        %get3A_722 = arith.constant 0 : i32
        %get3A_723 = arith.constant 16 : i32
        %get3A_724 = arith.constant 0 : i32
        %get3A_725 = arith.index_cast %get3A_722 : i32 to index
        %get3A_726 = arith.index_cast %get3A_723 : i32 to index
        %get3A_727 = arith.index_cast %get3A_724 : i32 to index
        %get3A_728 = arith.index_cast %mul3A_594 : i32 to index
        %get3A_729 = tpu.vector_load %arg5[%get3A_725, %get3A_726, %get3A_727, %get3A_728] {strides = array<i32>} : memref<2x19x4x512xf32, #tpu.memory_space<vmem>>, vector<16xf32>,
        %get3A_730 = arith.constant 0 : i32
        %get3A_731 = arith.constant 17 : i32
        %get3A_732 = arith.constant 0 : i32
        %get3A_733 = arith.index_cast %get3A_730 : i32 to index
        %get3A_734 = arith.index_cast %get3A_731 : i32 to index
        %get3A_735 = arith.index_cast %get3A_732 : i32 to index
        %get3A_736 = arith.index_cast %mul3A_594 : i32 to index
        %get3A_737 = tpu.vector_load %arg5[%get3A_733, %get3A_734, %get3A_735, %get3A_736] {strides = array<i32>} : memref<2x19x4x512xf32, #tpu.memory_space<vmem>>, vector<16xf32>,
        %get3A_738 = arith.constant 0 : i32
        %get3A_739 = arith.constant 18 : i32
        %get3A_740 = arith.constant 0 : i32
        %get3A_741 = arith.index_cast %get3A_738 : i32 to index
        %get3A_742 = arith.index_cast %get3A_739 : i32 to index
        %get3A_743 = arith.index_cast %get3A_740 : i32 to index
        %get3A_744 = arith.index_cast %mul3A_594 : i32 to index
        %get3A_745 = tpu.vector_load %arg5[%get3A_741, %get3A_742, %get3A_743, %get3A_744] {strides = array<i32>} : memref<2x19x4x512xf32, #tpu.memory_space<vmem>>, vector<16xf32>,
        %add3A_746 = arith.addf %get3A_601, %get3A_609 : vector<16xf32>
        %add3A_747 = arith.addf %add3A_746, %get3A_617 : vector<16xf32>
        %add3A_748 = arith.addf %add3A_747, %get3A_625 : vector<16xf32>
        %add3A_749 = arith.addf %add3A_748, %get3A_633 : vector<16xf32>
        %add3A_750 = arith.addf %add3A_749, %get3A_641 : vector<16xf32>
        %add3A_751 = arith.addf %add3A_750, %get3A_649 : vector<16xf32>
        %add3A_752 = arith.addf %add3A_751, %get3A_657 : vector<16xf32>
        %add3A_753 = arith.addf %add3A_752, %get3A_665 : vector<16xf32>
        %add3A_754 = arith.addf %add3A_753, %get3A_673 : vector<16xf32>
        %add3A_755 = arith.addf %add3A_754, %get3A_681 : vector<16xf32>
        %add3A_756 = arith.addf %add3A_755, %get3A_689 : vector<16xf32>
        %add3A_757 = arith.addf %add3A_756, %get3A_697 : vector<16xf32>
        %add3A_758 = arith.addf %add3A_757, %get3A_705 : vector<16xf32>
        %add3A_759 = arith.addf %add3A_758, %get3A_713 : vector<16xf32>
        %add3A_760 = arith.addf %add3A_759, %get3A_721 : vector<16xf32>
        %add3A_761 = arith.addf %add3A_760, %get3A_729 : vector<16xf32>
        %add3A_762 = arith.addf %add3A_761, %get3A_737 : vector<16xf32>
        %add3A_763 = arith.addf %add3A_762, %get3A_745 : vector<16xf32>
        %exp3A = math.exp %get3A_601 : vector<16xf32>
        %exp3A_764 = math.exp %get3A_609 : vector<16xf32>
        %add3A_765 = arith.addf %exp3A, %exp3A_764 : vector<16xf32>
        %exp3A_766 = math.exp %get3A_617 : vector<16xf32>
        %add3A_767 = arith.addf %add3A_765, %exp3A_766 : vector<16xf32>
        %exp3A_768 = math.exp %get3A_625 : vector<16xf32>
        %add3A_769 = arith.addf %add3A_767, %exp3A_768 : vector<16xf32>
        %exp3A_770 = math.exp %get3A_633 : vector<16xf32>
        %add3A_771 = arith.addf %add3A_769, %exp3A_770 : vector<16xf32>
        %exp3A_772 = math.exp %get3A_641 : vector<16xf32>
        %add3A_773 = arith.addf %add3A_771, %exp3A_772 : vector<16xf32>
        %exp3A_774 = math.exp %get3A_649 : vector<16xf32>
        %add3A_775 = arith.addf %add3A_773, %exp3A_774 : vector<16xf32>
        %exp3A_776 = math.exp %get3A_657 : vector<16xf32>
        %add3A_777 = arith.addf %add3A_775, %exp3A_776 : vector<16xf32>
        %exp3A_778 = math.exp %get3A_665 : vector<16xf32>
        %add3A_779 = arith.addf %add3A_777, %exp3A_778 : vector<16xf32>
        %exp3A_780 = math.exp %get3A_673 : vector<16xf32>
        %add3A_781 = arith.addf %add3A_779, %exp3A_780 : vector<16xf32>
        %exp3A_782 = math.exp %get3A_681 : vector<16xf32>
        %add3A_783 = arith.addf %add3A_781, %exp3A_782 : vector<16xf32>
        %exp3A_784 = math.exp %get3A_689 : vector<16xf32>
        %add3A_785 = arith.addf %add3A_783, %exp3A_784 : vector<16xf32>
        %exp3A_786 = math.exp %get3A_697 : vector<16xf32>
        %add3A_787 = arith.addf %add3A_785, %exp3A_786 : vector<16xf32>
        %exp3A_788 = math.exp %get3A_705 : vector<16xf32>
        %add3A_789 = arith.addf %add3A_787, %exp3A_788 : vector<16xf32>
        %exp3A_790 = math.exp %get3A_713 : vector<16xf32>
        %add3A_791 = arith.addf %add3A_789, %exp3A_790 : vector<16xf32>
        %exp3A_792 = math.exp %get3A_721 : vector<16xf32>
        %add3A_793 = arith.addf %add3A_791, %exp3A_792 : vector<16xf32>
        %exp3A_794 = math.exp %get3A_729 : vector<16xf32>
        %add3A_795 = arith.addf %add3A_793, %exp3A_794 : vector<16xf32>
        %exp3A_796 = math.exp %get3A_737 : vector<16xf32>
        %add3A_797 = arith.addf %add3A_795, %exp3A_796 : vector<16xf32>
        %exp3A_798 = math.exp %get3A_745 : vector<16xf32>
        %add3A_799 = arith.addf %add3A_797, %exp3A_798 : vector<16xf32>
        %bitcast_convert_type3A = tpu.bitcast %add3A_799 : vector<16xf32> -> vector<16xi32>
        %shift_right_logical3A = arith.constant 23 : i32
        %shift_right_logical3A_800 = vector.broadcast %shift_right_logical3A : i32 to vector<16xi32>
        %shift_right_logical3A_801 = arith.shrui %bitcast_convert_type3A, %shift_right_logical3A_800 : vector<16xi32>
        %sub3A_802 = arith.constant 127 : i32
        %sub3A_803 = vector.broadcast %sub3A_802 : i32 to vector<16xi32>
        %sub3A_804 = arith.subi %shift_right_logical3A_801, %sub3A_803 : vector<16xi32>
        %and3A_805 = arith.constant 8388607 : i32
        %and3A_806 = vector.broadcast %and3A_805 : i32 to vector<16xi32>
        %and3A_807 = arith.andi %bitcast_convert_type3A, %and3A_806 : vector<16xi32>
        %or3A = arith.constant 1065353216 : i32
        %or3A_808 = vector.broadcast %or3A : i32 to vector<16xi32>
        %or3A_809 = arith.ori %and3A_807, %or3A_808 : vector<16xi32>
        %bitcast_convert_type3A_810 = tpu.bitcast %or3A_809 : vector<16xi32> -> vector<16xf32>
        %gt3A = arith.constant 1.41421354 : f32
        %gt3A_811 = vector.broadcast %gt3A : f32 to vector<16xf32>
        %gt3A_812 = arith.cmpf ogt, %bitcast_convert_type3A_810, %gt3A_811 : vector<16xf32>
        %mul3A_813 = arith.constant 5.000000e-01 : f32
        %mul3A_814 = vector.broadcast %mul3A_813 : f32 to vector<16xf32>
        %mul3A_815 = arith.mulf %bitcast_convert_type3A_810, %mul3A_814 : vector<16xf32>
        %select_n3A_816 = arith.select %gt3A_812, %mul3A_815, %bitcast_convert_type3A_810 : vector<16xi1>, vector<16xf32>
        %convert_element_type3A = arith.sitofp %sub3A_804 : vector<16xi32> to vector<16xf32>
        %jit3A_817 = arith.constant 1.000000e+00 : f32
        %jit3A_818 = arith.constant 0.000000e+00 : f32
        %broadcast_in_dim3A_819 = vector.broadcast %jit3A_817 : f32 to vector<16xf32>
        %broadcast_in_dim3A_820 = vector.broadcast %jit3A_818 : f32 to vector<16xf32>
        %select_n3A_821 = arith.select %gt3A_812, %broadcast_in_dim3A_819, %broadcast_in_dim3A_820 : vector<16xi1>, vector<16xf32>
        %add3A_822 = arith.addf %convert_element_type3A, %select_n3A_821 : vector<16xf32>
        %sub3A_823 = arith.constant 1.000000e+00 : f32
        %sub3A_824 = vector.broadcast %sub3A_823 : f32 to vector<16xf32>
        %sub3A_825 = arith.subf %select_n3A_816, %sub3A_824 : vector<16xf32>
        %add3A_826 = arith.constant 1.000000e+00 : f32
        %add3A_827 = vector.broadcast %add3A_826 : f32 to vector<16xf32>
        %add3A_828 = arith.addf %select_n3A_816, %add3A_827 : vector<16xf32>
        %div3A_829 = arith.divf %sub3A_825, %add3A_828 : vector<16xf32>
        %mul3A_830 = arith.mulf %div3A_829, %div3A_829 : vector<16xf32>
        %mul3A_831 = arith.constant 0.285714298 : f32
        %mul3A_832 = vector.broadcast %mul3A_831 : f32 to vector<16xf32>
        %mul3A_833 = arith.mulf %mul3A_830, %mul3A_832 : vector<16xf32>
        %add3A_834 = arith.constant 4.000000e-01 : f32
        %add3A_835 = vector.broadcast %add3A_834 : f32 to vector<16xf32>
        %add3A_836 = arith.addf %add3A_835, %mul3A_833 : vector<16xf32>
        %mul3A_837 = arith.mulf %mul3A_830, %add3A_836 : vector<16xf32>
        %add3A_838 = arith.constant 0.666666686 : f32
        %add3A_839 = vector.broadcast %add3A_838 : f32 to vector<16xf32>
        %add3A_840 = arith.addf %add3A_839, %mul3A_837 : vector<16xf32>
        %mul3A_841 = arith.mulf %mul3A_830, %add3A_840 : vector<16xf32>
        %add3A_842 = arith.constant 2.000000e+00 : f32
        %add3A_843 = vector.broadcast %add3A_842 : f32 to vector<16xf32>
        %add3A_844 = arith.addf %add3A_843, %mul3A_841 : vector<16xf32>
        %mul3A_845 = arith.mulf %div3A_829, %add3A_844 : vector<16xf32>
        %mul3A_846 = arith.constant 0.693147182 : f32
        %mul3A_847 = vector.broadcast %mul3A_846 : f32 to vector<16xf32>
        %mul3A_848 = arith.mulf %add3A_822, %mul3A_847 : vector<16xf32>
        %add3A_849 = arith.addf %mul3A_848, %mul3A_845 : vector<16xf32>
        %get3A_850 = arith.constant 0 : i32
        %get3A_851 = arith.constant 0 : i32
        %get3A_852 = arith.index_cast %get3A_850 : i32 to index
        %get3A_853 = arith.index_cast %get3A_851 : i32 to index
        %get3A_854 = arith.index_cast %mul3A_594 : i32 to index
        %get3A_855 = tpu.vector_load %arg6[%get3A_852, %get3A_853, %get3A_854] {strides = array<i32>} : memref<2x4x512xi32, #tpu.memory_space<vmem>>, vector<16xi32>,
        %ne3A_856 = arith.constant 255 : i32
        %ne3A_857 = vector.broadcast %ne3A_856 : i32 to vector<16xi32>
        %ne3A_858 = arith.cmpi ne, %get3A_855, %ne3A_857 : vector<16xi32>
        %jit3A_859 = arith.constant 0 : i32
        %broadcast_in_dim3A_860 = vector.broadcast %jit3A_859 : i32 to vector<16xi32>
        %select_n3A_861 = arith.select %ne3A_858, %get3A_855, %broadcast_in_dim3A_860 : vector<16xi1>, vector<16xi32>
        %broadcast_in_dim3A_862 = arith.constant 0 : i32
        %broadcast_in_dim3A_863 = vector.broadcast %broadcast_in_dim3A_862 : i32 to vector<16xi32>
        %add3A_864 = vector.broadcast %mul3A_594 : i32 to vector<16xi32>
        %add3A_865 = arith.addi %add3A_864, %iota3A : vector<16xi32>
        %gather3A = arith.constant 0 : i32
        %gather3A_866 = arith.constant 0 : i32
        %gather3A_867 = arith.constant 0 : i32
        %gather3A_868 = arith.constant 0 : i32
        %gather3A_869 = tpu.memref_slice %arg5[%gather3A, %gather3A_866, %gather3A_867, %gather3A_868] : memref<2x19x4x512xf32, #tpu.memory_space<vmem>> -> memref<1x19x4x512xf32, #tpu.memory_space<vmem>>
        %gather3A_870 = tpu.memref_squeeze %gather3A_869 : memref<1x19x4x512xf32, #tpu.memory_space<vmem>> -> memref<19x4x512xf32, #tpu.memory_space<vmem>>
        %gather3A_871 = tpu.vector_load_idx %gather3A_870[%select_n3A_861, %broadcast_in_dim3A_863, %add3A_865] : memref<19x4x512xf32, #tpu.memory_space<vmem>>[vector<16xi32>, vector<16xi32>, vector<16xi32>], vector<16xf32>,
        %mul3A_872 = arith.constant 0.00555555569 : f32
        %mul3A_873 = vector.broadcast %mul3A_872 : f32 to vector<16xf32>
        %mul3A_874 = arith.mulf %mul3A_873, %add3A_763 : vector<16xf32>
        %sub3A_875 = arith.subf %add3A_849, %mul3A_874 : vector<16xf32>
        %mul3A_876 = arith.constant 0.894444465 : f32
        %mul3A_877 = vector.broadcast %mul3A_876 : f32 to vector<16xf32>
        %mul3A_878 = arith.mulf %mul3A_877, %gather3A_871 : vector<16xf32>
        %sub3A_879 = arith.subf %sub3A_875, %mul3A_878 : vector<16xf32>
        %jit3A_880 = arith.constant 0.000000e+00 : f32
        %broadcast_in_dim3A_881 = vector.broadcast %jit3A_880 : f32 to vector<16xf32>
        %select_n3A_882 = arith.select %ne3A_858, %sub3A_879, %broadcast_in_dim3A_881 : vector<16xi1>, vector<16xf32>
        %add3A_883 = arith.addf %scan3A_592, %select_n3A_882 : vector<16xf32>
        scf.yield %add3A_883 : vector<16xf32>
      }
      %scan3A_320 = arith.constant 32 : i32
      %scan3A_321 = arith.constant 0 : i32
      %scan3A_322 = arith.constant 32 : i32
      %scan3A_323 = arith.addi %scan3A_321, %scan3A_322 : i32
      %scan3A_324 = arith.constant 1 : i32
      %scan3A_325 = scf.for %scan3A_591 = %scan3A_321 to %scan3A_323 step %scan3A_324 iter_args(%scan3A_592 = %scan3A_319) -> (vector<16xf32>)  : i32 {
        %mul3A_593 = arith.constant 16 : i32
        %mul3A_594 = arith.muli %scan3A_591, %mul3A_593 : i32
        %get3A = arith.constant 0 : i32
        %get3A_595 = arith.constant 0 : i32
        %get3A_596 = arith.constant 1 : i32
        %get3A_597 = arith.index_cast %get3A : i32 to index
        %get3A_598 = arith.index_cast %get3A_595 : i32 to index
        %get3A_599 = arith.index_cast %get3A_596 : i32 to index
        %get3A_600 = arith.index_cast %mul3A_594 : i32 to index
        %get3A_601 = tpu.vector_load %arg5[%get3A_597, %get3A_598, %get3A_599, %get3A_600] {strides = array<i32>} : memref<2x19x4x512xf32, #tpu.memory_space<vmem>>, vector<16xf32>,
        %get3A_602 = arith.constant 0 : i32
        %get3A_603 = arith.constant 1 : i32
        %get3A_604 = arith.constant 1 : i32
        %get3A_605 = arith.index_cast %get3A_602 : i32 to index
        %get3A_606 = arith.index_cast %get3A_603 : i32 to index
        %get3A_607 = arith.index_cast %get3A_604 : i32 to index
        %get3A_608 = arith.index_cast %mul3A_594 : i32 to index
        %get3A_609 = tpu.vector_load %arg5[%get3A_605, %get3A_606, %get3A_607, %get3A_608] {strides = array<i32>} : memref<2x19x4x512xf32, #tpu.memory_space<vmem>>, vector<16xf32>,
        %get3A_610 = arith.constant 0 : i32
        %get3A_611 = arith.constant 2 : i32
        %get3A_612 = arith.constant 1 : i32
        %get3A_613 = arith.index_cast %get3A_610 : i32 to index
        %get3A_614 = arith.index_cast %get3A_611 : i32 to index
        %get3A_615 = arith.index_cast %get3A_612 : i32 to index
        %get3A_616 = arith.index_cast %mul3A_594 : i32 to index
        %get3A_617 = tpu.vector_load %arg5[%get3A_613, %get3A_614, %get3A_615, %get3A_616] {strides = array<i32>} : memref<2x19x4x512xf32, #tpu.memory_space<vmem>>, vector<16xf32>,
        %get3A_618 = arith.constant 0 : i32
        %get3A_619 = arith.constant 3 : i32
        %get3A_620 = arith.constant 1 : i32
        %get3A_621 = arith.index_cast %get3A_618 : i32 to index
        %get3A_622 = arith.index_cast %get3A_619 : i32 to index
        %get3A_623 = arith.index_cast %get3A_620 : i32 to index
        %get3A_624 = arith.index_cast %mul3A_594 : i32 to index
        %get3A_625 = tpu.vector_load %arg5[%get3A_621, %get3A_622, %get3A_623, %get3A_624] {strides = array<i32>} : memref<2x19x4x512xf32, #tpu.memory_space<vmem>>, vector<16xf32>,
        %get3A_626 = arith.constant 0 : i32
        %get3A_627 = arith.constant 4 : i32
        %get3A_628 = arith.constant 1 : i32
        %get3A_629 = arith.index_cast %get3A_626 : i32 to index
        %get3A_630 = arith.index_cast %get3A_627 : i32 to index
        %get3A_631 = arith.index_cast %get3A_628 : i32 to index
        %get3A_632 = arith.index_cast %mul3A_594 : i32 to index
        %get3A_633 = tpu.vector_load %arg5[%get3A_629, %get3A_630, %get3A_631, %get3A_632] {strides = array<i32>} : memref<2x19x4x512xf32, #tpu.memory_space<vmem>>, vector<16xf32>,
        %get3A_634 = arith.constant 0 : i32
        %get3A_635 = arith.constant 5 : i32
        %get3A_636 = arith.constant 1 : i32
        %get3A_637 = arith.index_cast %get3A_634 : i32 to index
        %get3A_638 = arith.index_cast %get3A_635 : i32 to index
        %get3A_639 = arith.index_cast %get3A_636 : i32 to index
        %get3A_640 = arith.index_cast %mul3A_594 : i32 to index
        %get3A_641 = tpu.vector_load %arg5[%get3A_637, %get3A_638, %get3A_639, %get3A_640] {strides = array<i32>} : memref<2x19x4x512xf32, #tpu.memory_space<vmem>>, vector<16xf32>,
        %get3A_642 = arith.constant 0 : i32
        %get3A_643 = arith.constant 6 : i32
        %get3A_644 = arith.constant 1 : i32
        %get3A_645 = arith.index_cast %get3A_642 : i32 to index
        %get3A_646 = arith.index_cast %get3A_643 : i32 to index
        %get3A_647 = arith.index_cast %get3A_644 : i32 to index
        %get3A_648 = arith.index_cast %mul3A_594 : i32 to index
        %get3A_649 = tpu.vector_load %arg5[%get3A_645, %get3A_646, %get3A_647, %get3A_648] {strides = array<i32>} : memref<2x19x4x512xf32, #tpu.memory_space<vmem>>, vector<16xf32>,
        %get3A_650 = arith.constant 0 : i32
        %get3A_651 = arith.constant 7 : i32
        %get3A_652 = arith.constant 1 : i32
        %get3A_653 = arith.index_cast %get3A_650 : i32 to index
        %get3A_654 = arith.index_cast %get3A_651 : i32 to index
        %get3A_655 = arith.index_cast %get3A_652 : i32 to index
        %get3A_656 = arith.index_cast %mul3A_594 : i32 to index
        %get3A_657 = tpu.vector_load %arg5[%get3A_653, %get3A_654, %get3A_655, %get3A_656] {strides = array<i32>} : memref<2x19x4x512xf32, #tpu.memory_space<vmem>>, vector<16xf32>,
        %get3A_658 = arith.constant 0 : i32
        %get3A_659 = arith.constant 8 : i32
        %get3A_660 = arith.constant 1 : i32
        %get3A_661 = arith.index_cast %get3A_658 : i32 to index
        %get3A_662 = arith.index_cast %get3A_659 : i32 to index
        %get3A_663 = arith.index_cast %get3A_660 : i32 to index
        %get3A_664 = arith.index_cast %mul3A_594 : i32 to index
        %get3A_665 = tpu.vector_load %arg5[%get3A_661, %get3A_662, %get3A_663, %get3A_664] {strides = array<i32>} : memref<2x19x4x512xf32, #tpu.memory_space<vmem>>, vector<16xf32>,
        %get3A_666 = arith.constant 0 : i32
        %get3A_667 = arith.constant 9 : i32
        %get3A_668 = arith.constant 1 : i32
        %get3A_669 = arith.index_cast %get3A_666 : i32 to index
        %get3A_670 = arith.index_cast %get3A_667 : i32 to index
        %get3A_671 = arith.index_cast %get3A_668 : i32 to index
        %get3A_672 = arith.index_cast %mul3A_594 : i32 to index
        %get3A_673 = tpu.vector_load %arg5[%get3A_669, %get3A_670, %get3A_671, %get3A_672] {strides = array<i32>} : memref<2x19x4x512xf32, #tpu.memory_space<vmem>>, vector<16xf32>,
        %get3A_674 = arith.constant 0 : i32
        %get3A_675 = arith.constant 10 : i32
        %get3A_676 = arith.constant 1 : i32
        %get3A_677 = arith.index_cast %get3A_674 : i32 to index
        %get3A_678 = arith.index_cast %get3A_675 : i32 to index
        %get3A_679 = arith.index_cast %get3A_676 : i32 to index
        %get3A_680 = arith.index_cast %mul3A_594 : i32 to index
        %get3A_681 = tpu.vector_load %arg5[%get3A_677, %get3A_678, %get3A_679, %get3A_680] {strides = array<i32>} : memref<2x19x4x512xf32, #tpu.memory_space<vmem>>, vector<16xf32>,
        %get3A_682 = arith.constant 0 : i32
        %get3A_683 = arith.constant 11 : i32
        %get3A_684 = arith.constant 1 : i32
        %get3A_685 = arith.index_cast %get3A_682 : i32 to index
        %get3A_686 = arith.index_cast %get3A_683 : i32 to index
        %get3A_687 = arith.index_cast %get3A_684 : i32 to index
        %get3A_688 = arith.index_cast %mul3A_594 : i32 to index
        %get3A_689 = tpu.vector_load %arg5[%get3A_685, %get3A_686, %get3A_687, %get3A_688] {strides = array<i32>} : memref<2x19x4x512xf32, #tpu.memory_space<vmem>>, vector<16xf32>,
        %get3A_690 = arith.constant 0 : i32
        %get3A_691 = arith.constant 12 : i32
        %get3A_692 = arith.constant 1 : i32
        %get3A_693 = arith.index_cast %get3A_690 : i32 to index
        %get3A_694 = arith.index_cast %get3A_691 : i32 to index
        %get3A_695 = arith.index_cast %get3A_692 : i32 to index
        %get3A_696 = arith.index_cast %mul3A_594 : i32 to index
        %get3A_697 = tpu.vector_load %arg5[%get3A_693, %get3A_694, %get3A_695, %get3A_696] {strides = array<i32>} : memref<2x19x4x512xf32, #tpu.memory_space<vmem>>, vector<16xf32>,
        %get3A_698 = arith.constant 0 : i32
        %get3A_699 = arith.constant 13 : i32
        %get3A_700 = arith.constant 1 : i32
        %get3A_701 = arith.index_cast %get3A_698 : i32 to index
        %get3A_702 = arith.index_cast %get3A_699 : i32 to index
        %get3A_703 = arith.index_cast %get3A_700 : i32 to index
        %get3A_704 = arith.index_cast %mul3A_594 : i32 to index
        %get3A_705 = tpu.vector_load %arg5[%get3A_701, %get3A_702, %get3A_703, %get3A_704] {strides = array<i32>} : memref<2x19x4x512xf32, #tpu.memory_space<vmem>>, vector<16xf32>,
        %get3A_706 = arith.constant 0 : i32
        %get3A_707 = arith.constant 14 : i32
        %get3A_708 = arith.constant 1 : i32
        %get3A_709 = arith.index_cast %get3A_706 : i32 to index
        %get3A_710 = arith.index_cast %get3A_707 : i32 to index
        %get3A_711 = arith.index_cast %get3A_708 : i32 to index
        %get3A_712 = arith.index_cast %mul3A_594 : i32 to index
        %get3A_713 = tpu.vector_load %arg5[%get3A_709, %get3A_710, %get3A_711, %get3A_712] {strides = array<i32>} : memref<2x19x4x512xf32, #tpu.memory_space<vmem>>, vector<16xf32>,
        %get3A_714 = arith.constant 0 : i32
        %get3A_715 = arith.constant 15 : i32
        %get3A_716 = arith.constant 1 : i32
        %get3A_717 = arith.index_cast %get3A_714 : i32 to index
        %get3A_718 = arith.index_cast %get3A_715 : i32 to index
        %get3A_719 = arith.index_cast %get3A_716 : i32 to index
        %get3A_720 = arith.index_cast %mul3A_594 : i32 to index
        %get3A_721 = tpu.vector_load %arg5[%get3A_717, %get3A_718, %get3A_719, %get3A_720] {strides = array<i32>} : memref<2x19x4x512xf32, #tpu.memory_space<vmem>>, vector<16xf32>,
        %get3A_722 = arith.constant 0 : i32
        %get3A_723 = arith.constant 16 : i32
        %get3A_724 = arith.constant 1 : i32
        %get3A_725 = arith.index_cast %get3A_722 : i32 to index
        %get3A_726 = arith.index_cast %get3A_723 : i32 to index
        %get3A_727 = arith.index_cast %get3A_724 : i32 to index
        %get3A_728 = arith.index_cast %mul3A_594 : i32 to index
        %get3A_729 = tpu.vector_load %arg5[%get3A_725, %get3A_726, %get3A_727, %get3A_728] {strides = array<i32>} : memref<2x19x4x512xf32, #tpu.memory_space<vmem>>, vector<16xf32>,
        %get3A_730 = arith.constant 0 : i32
        %get3A_731 = arith.constant 17 : i32
        %get3A_732 = arith.constant 1 : i32
        %get3A_733 = arith.index_cast %get3A_730 : i32 to index
        %get3A_734 = arith.index_cast %get3A_731 : i32 to index
        %get3A_735 = arith.index_cast %get3A_732 : i32 to index
        %get3A_736 = arith.index_cast %mul3A_594 : i32 to index
        %get3A_737 = tpu.vector_load %arg5[%get3A_733, %get3A_734, %get3A_735, %get3A_736] {strides = array<i32>} : memref<2x19x4x512xf32, #tpu.memory_space<vmem>>, vector<16xf32>,
        %get3A_738 = arith.constant 0 : i32
        %get3A_739 = arith.constant 18 : i32
        %get3A_740 = arith.constant 1 : i32
        %get3A_741 = arith.index_cast %get3A_738 : i32 to index
        %get3A_742 = arith.index_cast %get3A_739 : i32 to index
        %get3A_743 = arith.index_cast %get3A_740 : i32 to index
        %get3A_744 = arith.index_cast %mul3A_594 : i32 to index
        %get3A_745 = tpu.vector_load %arg5[%get3A_741, %get3A_742, %get3A_743, %get3A_744] {strides = array<i32>} : memref<2x19x4x512xf32, #tpu.memory_space<vmem>>, vector<16xf32>,
        %add3A_746 = arith.addf %get3A_601, %get3A_609 : vector<16xf32>
        %add3A_747 = arith.addf %add3A_746, %get3A_617 : vector<16xf32>
        %add3A_748 = arith.addf %add3A_747, %get3A_625 : vector<16xf32>
        %add3A_749 = arith.addf %add3A_748, %get3A_633 : vector<16xf32>
        %add3A_750 = arith.addf %add3A_749, %get3A_641 : vector<16xf32>
        %add3A_751 = arith.addf %add3A_750, %get3A_649 : vector<16xf32>
        %add3A_752 = arith.addf %add3A_751, %get3A_657 : vector<16xf32>
        %add3A_753 = arith.addf %add3A_752, %get3A_665 : vector<16xf32>
        %add3A_754 = arith.addf %add3A_753, %get3A_673 : vector<16xf32>
        %add3A_755 = arith.addf %add3A_754, %get3A_681 : vector<16xf32>
        %add3A_756 = arith.addf %add3A_755, %get3A_689 : vector<16xf32>
        %add3A_757 = arith.addf %add3A_756, %get3A_697 : vector<16xf32>
        %add3A_758 = arith.addf %add3A_757, %get3A_705 : vector<16xf32>
        %add3A_759 = arith.addf %add3A_758, %get3A_713 : vector<16xf32>
        %add3A_760 = arith.addf %add3A_759, %get3A_721 : vector<16xf32>
        %add3A_761 = arith.addf %add3A_760, %get3A_729 : vector<16xf32>
        %add3A_762 = arith.addf %add3A_761, %get3A_737 : vector<16xf32>
        %add3A_763 = arith.addf %add3A_762, %get3A_745 : vector<16xf32>
        %exp3A = math.exp %get3A_601 : vector<16xf32>
        %exp3A_764 = math.exp %get3A_609 : vector<16xf32>
        %add3A_765 = arith.addf %exp3A, %exp3A_764 : vector<16xf32>
        %exp3A_766 = math.exp %get3A_617 : vector<16xf32>
        %add3A_767 = arith.addf %add3A_765, %exp3A_766 : vector<16xf32>
        %exp3A_768 = math.exp %get3A_625 : vector<16xf32>
        %add3A_769 = arith.addf %add3A_767, %exp3A_768 : vector<16xf32>
        %exp3A_770 = math.exp %get3A_633 : vector<16xf32>
        %add3A_771 = arith.addf %add3A_769, %exp3A_770 : vector<16xf32>
        %exp3A_772 = math.exp %get3A_641 : vector<16xf32>
        %add3A_773 = arith.addf %add3A_771, %exp3A_772 : vector<16xf32>
        %exp3A_774 = math.exp %get3A_649 : vector<16xf32>
        %add3A_775 = arith.addf %add3A_773, %exp3A_774 : vector<16xf32>
        %exp3A_776 = math.exp %get3A_657 : vector<16xf32>
        %add3A_777 = arith.addf %add3A_775, %exp3A_776 : vector<16xf32>
        %exp3A_778 = math.exp %get3A_665 : vector<16xf32>
        %add3A_779 = arith.addf %add3A_777, %exp3A_778 : vector<16xf32>
        %exp3A_780 = math.exp %get3A_673 : vector<16xf32>
        %add3A_781 = arith.addf %add3A_779, %exp3A_780 : vector<16xf32>
        %exp3A_782 = math.exp %get3A_681 : vector<16xf32>
        %add3A_783 = arith.addf %add3A_781, %exp3A_782 : vector<16xf32>
        %exp3A_784 = math.exp %get3A_689 : vector<16xf32>
        %add3A_785 = arith.addf %add3A_783, %exp3A_784 : vector<16xf32>
        %exp3A_786 = math.exp %get3A_697 : vector<16xf32>
        %add3A_787 = arith.addf %add3A_785, %exp3A_786 : vector<16xf32>
        %exp3A_788 = math.exp %get3A_705 : vector<16xf32>
        %add3A_789 = arith.addf %add3A_787, %exp3A_788 : vector<16xf32>
        %exp3A_790 = math.exp %get3A_713 : vector<16xf32>
        %add3A_791 = arith.addf %add3A_789, %exp3A_790 : vector<16xf32>
        %exp3A_792 = math.exp %get3A_721 : vector<16xf32>
        %add3A_793 = arith.addf %add3A_791, %exp3A_792 : vector<16xf32>
        %exp3A_794 = math.exp %get3A_729 : vector<16xf32>
        %add3A_795 = arith.addf %add3A_793, %exp3A_794 : vector<16xf32>
        %exp3A_796 = math.exp %get3A_737 : vector<16xf32>
        %add3A_797 = arith.addf %add3A_795, %exp3A_796 : vector<16xf32>
        %exp3A_798 = math.exp %get3A_745 : vector<16xf32>
        %add3A_799 = arith.addf %add3A_797, %exp3A_798 : vector<16xf32>
        %bitcast_convert_type3A = tpu.bitcast %add3A_799 : vector<16xf32> -> vector<16xi32>
        %shift_right_logical3A = arith.constant 23 : i32
        %shift_right_logical3A_800 = vector.broadcast %shift_right_logical3A : i32 to vector<16xi32>
        %shift_right_logical3A_801 = arith.shrui %bitcast_convert_type3A, %shift_right_logical3A_800 : vector<16xi32>
        %sub3A_802 = arith.constant 127 : i32
        %sub3A_803 = vector.broadcast %sub3A_802 : i32 to vector<16xi32>
        %sub3A_804 = arith.subi %shift_right_logical3A_801, %sub3A_803 : vector<16xi32>
        %and3A_805 = arith.constant 8388607 : i32
        %and3A_806 = vector.broadcast %and3A_805 : i32 to vector<16xi32>
        %and3A_807 = arith.andi %bitcast_convert_type3A, %and3A_806 : vector<16xi32>
        %or3A = arith.constant 1065353216 : i32
        %or3A_808 = vector.broadcast %or3A : i32 to vector<16xi32>
        %or3A_809 = arith.ori %and3A_807, %or3A_808 : vector<16xi32>
        %bitcast_convert_type3A_810 = tpu.bitcast %or3A_809 : vector<16xi32> -> vector<16xf32>
        %gt3A = arith.constant 1.41421354 : f32
        %gt3A_811 = vector.broadcast %gt3A : f32 to vector<16xf32>
        %gt3A_812 = arith.cmpf ogt, %bitcast_convert_type3A_810, %gt3A_811 : vector<16xf32>
        %mul3A_813 = arith.constant 5.000000e-01 : f32
        %mul3A_814 = vector.broadcast %mul3A_813 : f32 to vector<16xf32>
        %mul3A_815 = arith.mulf %bitcast_convert_type3A_810, %mul3A_814 : vector<16xf32>
        %select_n3A_816 = arith.select %gt3A_812, %mul3A_815, %bitcast_convert_type3A_810 : vector<16xi1>, vector<16xf32>
        %convert_element_type3A = arith.sitofp %sub3A_804 : vector<16xi32> to vector<16xf32>
        %jit3A_817 = arith.constant 1.000000e+00 : f32
        %jit3A_818 = arith.constant 0.000000e+00 : f32
        %broadcast_in_dim3A_819 = vector.broadcast %jit3A_817 : f32 to vector<16xf32>
        %broadcast_in_dim3A_820 = vector.broadcast %jit3A_818 : f32 to vector<16xf32>
        %select_n3A_821 = arith.select %gt3A_812, %broadcast_in_dim3A_819, %broadcast_in_dim3A_820 : vector<16xi1>, vector<16xf32>
        %add3A_822 = arith.addf %convert_element_type3A, %select_n3A_821 : vector<16xf32>
        %sub3A_823 = arith.constant 1.000000e+00 : f32
        %sub3A_824 = vector.broadcast %sub3A_823 : f32 to vector<16xf32>
        %sub3A_825 = arith.subf %select_n3A_816, %sub3A_824 : vector<16xf32>
        %add3A_826 = arith.constant 1.000000e+00 : f32
        %add3A_827 = vector.broadcast %add3A_826 : f32 to vector<16xf32>
        %add3A_828 = arith.addf %select_n3A_816, %add3A_827 : vector<16xf32>
        %div3A_829 = arith.divf %sub3A_825, %add3A_828 : vector<16xf32>
        %mul3A_830 = arith.mulf %div3A_829, %div3A_829 : vector<16xf32>
        %mul3A_831 = arith.constant 0.285714298 : f32
        %mul3A_832 = vector.broadcast %mul3A_831 : f32 to vector<16xf32>
        %mul3A_833 = arith.mulf %mul3A_830, %mul3A_832 : vector<16xf32>
        %add3A_834 = arith.constant 4.000000e-01 : f32
        %add3A_835 = vector.broadcast %add3A_834 : f32 to vector<16xf32>
        %add3A_836 = arith.addf %add3A_835, %mul3A_833 : vector<16xf32>
        %mul3A_837 = arith.mulf %mul3A_830, %add3A_836 : vector<16xf32>
        %add3A_838 = arith.constant 0.666666686 : f32
        %add3A_839 = vector.broadcast %add3A_838 : f32 to vector<16xf32>
        %add3A_840 = arith.addf %add3A_839, %mul3A_837 : vector<16xf32>
        %mul3A_841 = arith.mulf %mul3A_830, %add3A_840 : vector<16xf32>
        %add3A_842 = arith.constant 2.000000e+00 : f32
        %add3A_843 = vector.broadcast %add3A_842 : f32 to vector<16xf32>
        %add3A_844 = arith.addf %add3A_843, %mul3A_841 : vector<16xf32>
        %mul3A_845 = arith.mulf %div3A_829, %add3A_844 : vector<16xf32>
        %mul3A_846 = arith.constant 0.693147182 : f32
        %mul3A_847 = vector.broadcast %mul3A_846 : f32 to vector<16xf32>
        %mul3A_848 = arith.mulf %add3A_822, %mul3A_847 : vector<16xf32>
        %add3A_849 = arith.addf %mul3A_848, %mul3A_845 : vector<16xf32>
        %get3A_850 = arith.constant 0 : i32
        %get3A_851 = arith.constant 1 : i32
        %get3A_852 = arith.index_cast %get3A_850 : i32 to index
        %get3A_853 = arith.index_cast %get3A_851 : i32 to index
        %get3A_854 = arith.index_cast %mul3A_594 : i32 to index
        %get3A_855 = tpu.vector_load %arg6[%get3A_852, %get3A_853, %get3A_854] {strides = array<i32>} : memref<2x4x512xi32, #tpu.memory_space<vmem>>, vector<16xi32>,
        %ne3A_856 = arith.constant 255 : i32
        %ne3A_857 = vector.broadcast %ne3A_856 : i32 to vector<16xi32>
        %ne3A_858 = arith.cmpi ne, %get3A_855, %ne3A_857 : vector<16xi32>
        %jit3A_859 = arith.constant 0 : i32
        %broadcast_in_dim3A_860 = vector.broadcast %jit3A_859 : i32 to vector<16xi32>
        %select_n3A_861 = arith.select %ne3A_858, %get3A_855, %broadcast_in_dim3A_860 : vector<16xi1>, vector<16xi32>
        %broadcast_in_dim3A_862 = arith.constant 1 : i32
        %broadcast_in_dim3A_863 = vector.broadcast %broadcast_in_dim3A_862 : i32 to vector<16xi32>
        %add3A_864 = vector.broadcast %mul3A_594 : i32 to vector<16xi32>
        %add3A_865 = arith.addi %add3A_864, %iota3A : vector<16xi32>
        %gather3A = arith.constant 0 : i32
        %gather3A_866 = arith.constant 0 : i32
        %gather3A_867 = arith.constant 0 : i32
        %gather3A_868 = arith.constant 0 : i32
        %gather3A_869 = tpu.memref_slice %arg5[%gather3A, %gather3A_866, %gather3A_867, %gather3A_868] : memref<2x19x4x512xf32, #tpu.memory_space<vmem>> -> memref<1x19x4x512xf32, #tpu.memory_space<vmem>>
        %gather3A_870 = tpu.memref_squeeze %gather3A_869 : memref<1x19x4x512xf32, #tpu.memory_space<vmem>> -> memref<19x4x512xf32, #tpu.memory_space<vmem>>
        %gather3A_871 = tpu.vector_load_idx %gather3A_870[%select_n3A_861, %broadcast_in_dim3A_863, %add3A_865] : memref<19x4x512xf32, #tpu.memory_space<vmem>>[vector<16xi32>, vector<16xi32>, vector<16xi32>], vector<16xf32>,
        %mul3A_872 = arith.constant 0.00555555569 : f32
        %mul3A_873 = vector.broadcast %mul3A_872 : f32 to vector<16xf32>
        %mul3A_874 = arith.mulf %mul3A_873, %add3A_763 : vector<16xf32>
        %sub3A_875 = arith.subf %add3A_849, %mul3A_874 : vector<16xf32>
        %mul3A_876 = arith.constant 0.894444465 : f32
        %mul3A_877 = vector.broadcast %mul3A_876 : f32 to vector<16xf32>
        %mul3A_878 = arith.mulf %mul3A_877, %gather3A_871 : vector<16xf32>
        %sub3A_879 = arith.subf %sub3A_875, %mul3A_878 : vector<16xf32>
        %jit3A_880 = arith.constant 0.000000e+00 : f32
        %broadcast_in_dim3A_881 = vector.broadcast %jit3A_880 : f32 to vector<16xf32>
        %select_n3A_882 = arith.select %ne3A_858, %sub3A_879, %broadcast_in_dim3A_881 : vector<16xi1>, vector<16xf32>
        %add3A_883 = arith.addf %scan3A_592, %select_n3A_882 : vector<16xf32>
        scf.yield %add3A_883 : vector<16xf32>
      }
      %scan3A_326 = arith.constant 32 : i32
      %scan3A_327 = arith.constant 0 : i32
      %scan3A_328 = arith.constant 32 : i32
      %scan3A_329 = arith.addi %scan3A_327, %scan3A_328 : i32
      %scan3A_330 = arith.constant 1 : i32
      %scan3A_331 = scf.for %scan3A_591 = %scan3A_327 to %scan3A_329 step %scan3A_330 iter_args(%scan3A_592 = %scan3A_325) -> (vector<16xf32>)  : i32 {
        %mul3A_593 = arith.constant 16 : i32
        %mul3A_594 = arith.muli %scan3A_591, %mul3A_593 : i32
        %get3A = arith.constant 0 : i32
        %get3A_595 = arith.constant 0 : i32
        %get3A_596 = arith.constant 2 : i32
        %get3A_597 = arith.index_cast %get3A : i32 to index
        %get3A_598 = arith.index_cast %get3A_595 : i32 to index
        %get3A_599 = arith.index_cast %get3A_596 : i32 to index
        %get3A_600 = arith.index_cast %mul3A_594 : i32 to index
        %get3A_601 = tpu.vector_load %arg5[%get3A_597, %get3A_598, %get3A_599, %get3A_600] {strides = array<i32>} : memref<2x19x4x512xf32, #tpu.memory_space<vmem>>, vector<16xf32>,
        %get3A_602 = arith.constant 0 : i32
        %get3A_603 = arith.constant 1 : i32
        %get3A_604 = arith.constant 2 : i32
        %get3A_605 = arith.index_cast %get3A_602 : i32 to index
        %get3A_606 = arith.index_cast %get3A_603 : i32 to index
        %get3A_607 = arith.index_cast %get3A_604 : i32 to index
        %get3A_608 = arith.index_cast %mul3A_594 : i32 to index
        %get3A_609 = tpu.vector_load %arg5[%get3A_605, %get3A_606, %get3A_607, %get3A_608] {strides = array<i32>} : memref<2x19x4x512xf32, #tpu.memory_space<vmem>>, vector<16xf32>,
        %get3A_610 = arith.constant 0 : i32
        %get3A_611 = arith.constant 2 : i32
        %get3A_612 = arith.constant 2 : i32
        %get3A_613 = arith.index_cast %get3A_610 : i32 to index
        %get3A_614 = arith.index_cast %get3A_611 : i32 to index
        %get3A_615 = arith.index_cast %get3A_612 : i32 to index
        %get3A_616 = arith.index_cast %mul3A_594 : i32 to index
        %get3A_617 = tpu.vector_load %arg5[%get3A_613, %get3A_614, %get3A_615, %get3A_616] {strides = array<i32>} : memref<2x19x4x512xf32, #tpu.memory_space<vmem>>, vector<16xf32>,
        %get3A_618 = arith.constant 0 : i32
        %get3A_619 = arith.constant 3 : i32
        %get3A_620 = arith.constant 2 : i32
        %get3A_621 = arith.index_cast %get3A_618 : i32 to index
        %get3A_622 = arith.index_cast %get3A_619 : i32 to index
        %get3A_623 = arith.index_cast %get3A_620 : i32 to index
        %get3A_624 = arith.index_cast %mul3A_594 : i32 to index
        %get3A_625 = tpu.vector_load %arg5[%get3A_621, %get3A_622, %get3A_623, %get3A_624] {strides = array<i32>} : memref<2x19x4x512xf32, #tpu.memory_space<vmem>>, vector<16xf32>,
        %get3A_626 = arith.constant 0 : i32
        %get3A_627 = arith.constant 4 : i32
        %get3A_628 = arith.constant 2 : i32
        %get3A_629 = arith.index_cast %get3A_626 : i32 to index
        %get3A_630 = arith.index_cast %get3A_627 : i32 to index
        %get3A_631 = arith.index_cast %get3A_628 : i32 to index
        %get3A_632 = arith.index_cast %mul3A_594 : i32 to index
        %get3A_633 = tpu.vector_load %arg5[%get3A_629, %get3A_630, %get3A_631, %get3A_632] {strides = array<i32>} : memref<2x19x4x512xf32, #tpu.memory_space<vmem>>, vector<16xf32>,
        %get3A_634 = arith.constant 0 : i32
        %get3A_635 = arith.constant 5 : i32
        %get3A_636 = arith.constant 2 : i32
        %get3A_637 = arith.index_cast %get3A_634 : i32 to index
        %get3A_638 = arith.index_cast %get3A_635 : i32 to index
        %get3A_639 = arith.index_cast %get3A_636 : i32 to index
        %get3A_640 = arith.index_cast %mul3A_594 : i32 to index
        %get3A_641 = tpu.vector_load %arg5[%get3A_637, %get3A_638, %get3A_639, %get3A_640] {strides = array<i32>} : memref<2x19x4x512xf32, #tpu.memory_space<vmem>>, vector<16xf32>,
        %get3A_642 = arith.constant 0 : i32
        %get3A_643 = arith.constant 6 : i32
        %get3A_644 = arith.constant 2 : i32
        %get3A_645 = arith.index_cast %get3A_642 : i32 to index
        %get3A_646 = arith.index_cast %get3A_643 : i32 to index
        %get3A_647 = arith.index_cast %get3A_644 : i32 to index
        %get3A_648 = arith.index_cast %mul3A_594 : i32 to index
        %get3A_649 = tpu.vector_load %arg5[%get3A_645, %get3A_646, %get3A_647, %get3A_648] {strides = array<i32>} : memref<2x19x4x512xf32, #tpu.memory_space<vmem>>, vector<16xf32>,
        %get3A_650 = arith.constant 0 : i32
        %get3A_651 = arith.constant 7 : i32
        %get3A_652 = arith.constant 2 : i32
        %get3A_653 = arith.index_cast %get3A_650 : i32 to index
        %get3A_654 = arith.index_cast %get3A_651 : i32 to index
        %get3A_655 = arith.index_cast %get3A_652 : i32 to index
        %get3A_656 = arith.index_cast %mul3A_594 : i32 to index
        %get3A_657 = tpu.vector_load %arg5[%get3A_653, %get3A_654, %get3A_655, %get3A_656] {strides = array<i32>} : memref<2x19x4x512xf32, #tpu.memory_space<vmem>>, vector<16xf32>,
        %get3A_658 = arith.constant 0 : i32
        %get3A_659 = arith.constant 8 : i32
        %get3A_660 = arith.constant 2 : i32
        %get3A_661 = arith.index_cast %get3A_658 : i32 to index
        %get3A_662 = arith.index_cast %get3A_659 : i32 to index
        %get3A_663 = arith.index_cast %get3A_660 : i32 to index
        %get3A_664 = arith.index_cast %mul3A_594 : i32 to index
        %get3A_665 = tpu.vector_load %arg5[%get3A_661, %get3A_662, %get3A_663, %get3A_664] {strides = array<i32>} : memref<2x19x4x512xf32, #tpu.memory_space<vmem>>, vector<16xf32>,
        %get3A_666 = arith.constant 0 : i32
        %get3A_667 = arith.constant 9 : i32
        %get3A_668 = arith.constant 2 : i32
        %get3A_669 = arith.index_cast %get3A_666 : i32 to index
        %get3A_670 = arith.index_cast %get3A_667 : i32 to index
        %get3A_671 = arith.index_cast %get3A_668 : i32 to index
        %get3A_672 = arith.index_cast %mul3A_594 : i32 to index
        %get3A_673 = tpu.vector_load %arg5[%get3A_669, %get3A_670, %get3A_671, %get3A_672] {strides = array<i32>} : memref<2x19x4x512xf32, #tpu.memory_space<vmem>>, vector<16xf32>,
        %get3A_674 = arith.constant 0 : i32
        %get3A_675 = arith.constant 10 : i32
        %get3A_676 = arith.constant 2 : i32
        %get3A_677 = arith.index_cast %get3A_674 : i32 to index
        %get3A_678 = arith.index_cast %get3A_675 : i32 to index
        %get3A_679 = arith.index_cast %get3A_676 : i32 to index
        %get3A_680 = arith.index_cast %mul3A_594 : i32 to index
        %get3A_681 = tpu.vector_load %arg5[%get3A_677, %get3A_678, %get3A_679, %get3A_680] {strides = array<i32>} : memref<2x19x4x512xf32, #tpu.memory_space<vmem>>, vector<16xf32>,
        %get3A_682 = arith.constant 0 : i32
        %get3A_683 = arith.constant 11 : i32
        %get3A_684 = arith.constant 2 : i32
        %get3A_685 = arith.index_cast %get3A_682 : i32 to index
        %get3A_686 = arith.index_cast %get3A_683 : i32 to index
        %get3A_687 = arith.index_cast %get3A_684 : i32 to index
        %get3A_688 = arith.index_cast %mul3A_594 : i32 to index
        %get3A_689 = tpu.vector_load %arg5[%get3A_685, %get3A_686, %get3A_687, %get3A_688] {strides = array<i32>} : memref<2x19x4x512xf32, #tpu.memory_space<vmem>>, vector<16xf32>,
        %get3A_690 = arith.constant 0 : i32
        %get3A_691 = arith.constant 12 : i32
        %get3A_692 = arith.constant 2 : i32
        %get3A_693 = arith.index_cast %get3A_690 : i32 to index
        %get3A_694 = arith.index_cast %get3A_691 : i32 to index
        %get3A_695 = arith.index_cast %get3A_692 : i32 to index
        %get3A_696 = arith.index_cast %mul3A_594 : i32 to index
        %get3A_697 = tpu.vector_load %arg5[%get3A_693, %get3A_694, %get3A_695, %get3A_696] {strides = array<i32>} : memref<2x19x4x512xf32, #tpu.memory_space<vmem>>, vector<16xf32>,
        %get3A_698 = arith.constant 0 : i32
        %get3A_699 = arith.constant 13 : i32
        %get3A_700 = arith.constant 2 : i32
        %get3A_701 = arith.index_cast %get3A_698 : i32 to index
        %get3A_702 = arith.index_cast %get3A_699 : i32 to index
        %get3A_703 = arith.index_cast %get3A_700 : i32 to index
        %get3A_704 = arith.index_cast %mul3A_594 : i32 to index
        %get3A_705 = tpu.vector_load %arg5[%get3A_701, %get3A_702, %get3A_703, %get3A_704] {strides = array<i32>} : memref<2x19x4x512xf32, #tpu.memory_space<vmem>>, vector<16xf32>,
        %get3A_706 = arith.constant 0 : i32
        %get3A_707 = arith.constant 14 : i32
        %get3A_708 = arith.constant 2 : i32
        %get3A_709 = arith.index_cast %get3A_706 : i32 to index
        %get3A_710 = arith.index_cast %get3A_707 : i32 to index
        %get3A_711 = arith.index_cast %get3A_708 : i32 to index
        %get3A_712 = arith.index_cast %mul3A_594 : i32 to index
        %get3A_713 = tpu.vector_load %arg5[%get3A_709, %get3A_710, %get3A_711, %get3A_712] {strides = array<i32>} : memref<2x19x4x512xf32, #tpu.memory_space<vmem>>, vector<16xf32>,
        %get3A_714 = arith.constant 0 : i32
        %get3A_715 = arith.constant 15 : i32
        %get3A_716 = arith.constant 2 : i32
        %get3A_717 = arith.index_cast %get3A_714 : i32 to index
        %get3A_718 = arith.index_cast %get3A_715 : i32 to index
        %get3A_719 = arith.index_cast %get3A_716 : i32 to index
        %get3A_720 = arith.index_cast %mul3A_594 : i32 to index
        %get3A_721 = tpu.vector_load %arg5[%get3A_717, %get3A_718, %get3A_719, %get3A_720] {strides = array<i32>} : memref<2x19x4x512xf32, #tpu.memory_space<vmem>>, vector<16xf32>,
        %get3A_722 = arith.constant 0 : i32
        %get3A_723 = arith.constant 16 : i32
        %get3A_724 = arith.constant 2 : i32
        %get3A_725 = arith.index_cast %get3A_722 : i32 to index
        %get3A_726 = arith.index_cast %get3A_723 : i32 to index
        %get3A_727 = arith.index_cast %get3A_724 : i32 to index
        %get3A_728 = arith.index_cast %mul3A_594 : i32 to index
        %get3A_729 = tpu.vector_load %arg5[%get3A_725, %get3A_726, %get3A_727, %get3A_728] {strides = array<i32>} : memref<2x19x4x512xf32, #tpu.memory_space<vmem>>, vector<16xf32>,
        %get3A_730 = arith.constant 0 : i32
        %get3A_731 = arith.constant 17 : i32
        %get3A_732 = arith.constant 2 : i32
        %get3A_733 = arith.index_cast %get3A_730 : i32 to index
        %get3A_734 = arith.index_cast %get3A_731 : i32 to index
        %get3A_735 = arith.index_cast %get3A_732 : i32 to index
        %get3A_736 = arith.index_cast %mul3A_594 : i32 to index
        %get3A_737 = tpu.vector_load %arg5[%get3A_733, %get3A_734, %get3A_735, %get3A_736] {strides = array<i32>} : memref<2x19x4x512xf32, #tpu.memory_space<vmem>>, vector<16xf32>,
        %get3A_738 = arith.constant 0 : i32
        %get3A_739 = arith.constant 18 : i32
        %get3A_740 = arith.constant 2 : i32
        %get3A_741 = arith.index_cast %get3A_738 : i32 to index
        %get3A_742 = arith.index_cast %get3A_739 : i32 to index
        %get3A_743 = arith.index_cast %get3A_740 : i32 to index
        %get3A_744 = arith.index_cast %mul3A_594 : i32 to index
        %get3A_745 = tpu.vector_load %arg5[%get3A_741, %get3A_742, %get3A_743, %get3A_744] {strides = array<i32>} : memref<2x19x4x512xf32, #tpu.memory_space<vmem>>, vector<16xf32>,
        %add3A_746 = arith.addf %get3A_601, %get3A_609 : vector<16xf32>
        %add3A_747 = arith.addf %add3A_746, %get3A_617 : vector<16xf32>
        %add3A_748 = arith.addf %add3A_747, %get3A_625 : vector<16xf32>
        %add3A_749 = arith.addf %add3A_748, %get3A_633 : vector<16xf32>
        %add3A_750 = arith.addf %add3A_749, %get3A_641 : vector<16xf32>
        %add3A_751 = arith.addf %add3A_750, %get3A_649 : vector<16xf32>
        %add3A_752 = arith.addf %add3A_751, %get3A_657 : vector<16xf32>
        %add3A_753 = arith.addf %add3A_752, %get3A_665 : vector<16xf32>
        %add3A_754 = arith.addf %add3A_753, %get3A_673 : vector<16xf32>
        %add3A_755 = arith.addf %add3A_754, %get3A_681 : vector<16xf32>
        %add3A_756 = arith.addf %add3A_755, %get3A_689 : vector<16xf32>
        %add3A_757 = arith.addf %add3A_756, %get3A_697 : vector<16xf32>
        %add3A_758 = arith.addf %add3A_757, %get3A_705 : vector<16xf32>
        %add3A_759 = arith.addf %add3A_758, %get3A_713 : vector<16xf32>
        %add3A_760 = arith.addf %add3A_759, %get3A_721 : vector<16xf32>
        %add3A_761 = arith.addf %add3A_760, %get3A_729 : vector<16xf32>
        %add3A_762 = arith.addf %add3A_761, %get3A_737 : vector<16xf32>
        %add3A_763 = arith.addf %add3A_762, %get3A_745 : vector<16xf32>
        %exp3A = math.exp %get3A_601 : vector<16xf32>
        %exp3A_764 = math.exp %get3A_609 : vector<16xf32>
        %add3A_765 = arith.addf %exp3A, %exp3A_764 : vector<16xf32>
        %exp3A_766 = math.exp %get3A_617 : vector<16xf32>
        %add3A_767 = arith.addf %add3A_765, %exp3A_766 : vector<16xf32>
        %exp3A_768 = math.exp %get3A_625 : vector<16xf32>
        %add3A_769 = arith.addf %add3A_767, %exp3A_768 : vector<16xf32>
        %exp3A_770 = math.exp %get3A_633 : vector<16xf32>
        %add3A_771 = arith.addf %add3A_769, %exp3A_770 : vector<16xf32>
        %exp3A_772 = math.exp %get3A_641 : vector<16xf32>
        %add3A_773 = arith.addf %add3A_771, %exp3A_772 : vector<16xf32>
        %exp3A_774 = math.exp %get3A_649 : vector<16xf32>
        %add3A_775 = arith.addf %add3A_773, %exp3A_774 : vector<16xf32>
        %exp3A_776 = math.exp %get3A_657 : vector<16xf32>
        %add3A_777 = arith.addf %add3A_775, %exp3A_776 : vector<16xf32>
        %exp3A_778 = math.exp %get3A_665 : vector<16xf32>
        %add3A_779 = arith.addf %add3A_777, %exp3A_778 : vector<16xf32>
        %exp3A_780 = math.exp %get3A_673 : vector<16xf32>
        %add3A_781 = arith.addf %add3A_779, %exp3A_780 : vector<16xf32>
        %exp3A_782 = math.exp %get3A_681 : vector<16xf32>
        %add3A_783 = arith.addf %add3A_781, %exp3A_782 : vector<16xf32>
        %exp3A_784 = math.exp %get3A_689 : vector<16xf32>
        %add3A_785 = arith.addf %add3A_783, %exp3A_784 : vector<16xf32>
        %exp3A_786 = math.exp %get3A_697 : vector<16xf32>
        %add3A_787 = arith.addf %add3A_785, %exp3A_786 : vector<16xf32>
        %exp3A_788 = math.exp %get3A_705 : vector<16xf32>
        %add3A_789 = arith.addf %add3A_787, %exp3A_788 : vector<16xf32>
        %exp3A_790 = math.exp %get3A_713 : vector<16xf32>
        %add3A_791 = arith.addf %add3A_789, %exp3A_790 : vector<16xf32>
        %exp3A_792 = math.exp %get3A_721 : vector<16xf32>
        %add3A_793 = arith.addf %add3A_791, %exp3A_792 : vector<16xf32>
        %exp3A_794 = math.exp %get3A_729 : vector<16xf32>
        %add3A_795 = arith.addf %add3A_793, %exp3A_794 : vector<16xf32>
        %exp3A_796 = math.exp %get3A_737 : vector<16xf32>
        %add3A_797 = arith.addf %add3A_795, %exp3A_796 : vector<16xf32>
        %exp3A_798 = math.exp %get3A_745 : vector<16xf32>
        %add3A_799 = arith.addf %add3A_797, %exp3A_798 : vector<16xf32>
        %bitcast_convert_type3A = tpu.bitcast %add3A_799 : vector<16xf32> -> vector<16xi32>
        %shift_right_logical3A = arith.constant 23 : i32
        %shift_right_logical3A_800 = vector.broadcast %shift_right_logical3A : i32 to vector<16xi32>
        %shift_right_logical3A_801 = arith.shrui %bitcast_convert_type3A, %shift_right_logical3A_800 : vector<16xi32>
        %sub3A_802 = arith.constant 127 : i32
        %sub3A_803 = vector.broadcast %sub3A_802 : i32 to vector<16xi32>
        %sub3A_804 = arith.subi %shift_right_logical3A_801, %sub3A_803 : vector<16xi32>
        %and3A_805 = arith.constant 8388607 : i32
        %and3A_806 = vector.broadcast %and3A_805 : i32 to vector<16xi32>
        %and3A_807 = arith.andi %bitcast_convert_type3A, %and3A_806 : vector<16xi32>
        %or3A = arith.constant 1065353216 : i32
        %or3A_808 = vector.broadcast %or3A : i32 to vector<16xi32>
        %or3A_809 = arith.ori %and3A_807, %or3A_808 : vector<16xi32>
        %bitcast_convert_type3A_810 = tpu.bitcast %or3A_809 : vector<16xi32> -> vector<16xf32>
        %gt3A = arith.constant 1.41421354 : f32
        %gt3A_811 = vector.broadcast %gt3A : f32 to vector<16xf32>
        %gt3A_812 = arith.cmpf ogt, %bitcast_convert_type3A_810, %gt3A_811 : vector<16xf32>
        %mul3A_813 = arith.constant 5.000000e-01 : f32
        %mul3A_814 = vector.broadcast %mul3A_813 : f32 to vector<16xf32>
        %mul3A_815 = arith.mulf %bitcast_convert_type3A_810, %mul3A_814 : vector<16xf32>
        %select_n3A_816 = arith.select %gt3A_812, %mul3A_815, %bitcast_convert_type3A_810 : vector<16xi1>, vector<16xf32>
        %convert_element_type3A = arith.sitofp %sub3A_804 : vector<16xi32> to vector<16xf32>
        %jit3A_817 = arith.constant 1.000000e+00 : f32
        %jit3A_818 = arith.constant 0.000000e+00 : f32
        %broadcast_in_dim3A_819 = vector.broadcast %jit3A_817 : f32 to vector<16xf32>
        %broadcast_in_dim3A_820 = vector.broadcast %jit3A_818 : f32 to vector<16xf32>
        %select_n3A_821 = arith.select %gt3A_812, %broadcast_in_dim3A_819, %broadcast_in_dim3A_820 : vector<16xi1>, vector<16xf32>
        %add3A_822 = arith.addf %convert_element_type3A, %select_n3A_821 : vector<16xf32>
        %sub3A_823 = arith.constant 1.000000e+00 : f32
        %sub3A_824 = vector.broadcast %sub3A_823 : f32 to vector<16xf32>
        %sub3A_825 = arith.subf %select_n3A_816, %sub3A_824 : vector<16xf32>
        %add3A_826 = arith.constant 1.000000e+00 : f32
        %add3A_827 = vector.broadcast %add3A_826 : f32 to vector<16xf32>
        %add3A_828 = arith.addf %select_n3A_816, %add3A_827 : vector<16xf32>
        %div3A_829 = arith.divf %sub3A_825, %add3A_828 : vector<16xf32>
        %mul3A_830 = arith.mulf %div3A_829, %div3A_829 : vector<16xf32>
        %mul3A_831 = arith.constant 0.285714298 : f32
        %mul3A_832 = vector.broadcast %mul3A_831 : f32 to vector<16xf32>
        %mul3A_833 = arith.mulf %mul3A_830, %mul3A_832 : vector<16xf32>
        %add3A_834 = arith.constant 4.000000e-01 : f32
        %add3A_835 = vector.broadcast %add3A_834 : f32 to vector<16xf32>
        %add3A_836 = arith.addf %add3A_835, %mul3A_833 : vector<16xf32>
        %mul3A_837 = arith.mulf %mul3A_830, %add3A_836 : vector<16xf32>
        %add3A_838 = arith.constant 0.666666686 : f32
        %add3A_839 = vector.broadcast %add3A_838 : f32 to vector<16xf32>
        %add3A_840 = arith.addf %add3A_839, %mul3A_837 : vector<16xf32>
        %mul3A_841 = arith.mulf %mul3A_830, %add3A_840 : vector<16xf32>
        %add3A_842 = arith.constant 2.000000e+00 : f32
        %add3A_843 = vector.broadcast %add3A_842 : f32 to vector<16xf32>
        %add3A_844 = arith.addf %add3A_843, %mul3A_841 : vector<16xf32>
        %mul3A_845 = arith.mulf %div3A_829, %add3A_844 : vector<16xf32>
        %mul3A_846 = arith.constant 0.693147182 : f32
        %mul3A_847 = vector.broadcast %mul3A_846 : f32 to vector<16xf32>
        %mul3A_848 = arith.mulf %add3A_822, %mul3A_847 : vector<16xf32>
        %add3A_849 = arith.addf %mul3A_848, %mul3A_845 : vector<16xf32>
        %get3A_850 = arith.constant 0 : i32
        %get3A_851 = arith.constant 2 : i32
        %get3A_852 = arith.index_cast %get3A_850 : i32 to index
        %get3A_853 = arith.index_cast %get3A_851 : i32 to index
        %get3A_854 = arith.index_cast %mul3A_594 : i32 to index
        %get3A_855 = tpu.vector_load %arg6[%get3A_852, %get3A_853, %get3A_854] {strides = array<i32>} : memref<2x4x512xi32, #tpu.memory_space<vmem>>, vector<16xi32>,
        %ne3A_856 = arith.constant 255 : i32
        %ne3A_857 = vector.broadcast %ne3A_856 : i32 to vector<16xi32>
        %ne3A_858 = arith.cmpi ne, %get3A_855, %ne3A_857 : vector<16xi32>
        %jit3A_859 = arith.constant 0 : i32
        %broadcast_in_dim3A_860 = vector.broadcast %jit3A_859 : i32 to vector<16xi32>
        %select_n3A_861 = arith.select %ne3A_858, %get3A_855, %broadcast_in_dim3A_860 : vector<16xi1>, vector<16xi32>
        %broadcast_in_dim3A_862 = arith.constant 2 : i32
        %broadcast_in_dim3A_863 = vector.broadcast %broadcast_in_dim3A_862 : i32 to vector<16xi32>
        %add3A_864 = vector.broadcast %mul3A_594 : i32 to vector<16xi32>
        %add3A_865 = arith.addi %add3A_864, %iota3A : vector<16xi32>
        %gather3A = arith.constant 0 : i32
        %gather3A_866 = arith.constant 0 : i32
        %gather3A_867 = arith.constant 0 : i32
        %gather3A_868 = arith.constant 0 : i32
        %gather3A_869 = tpu.memref_slice %arg5[%gather3A, %gather3A_866, %gather3A_867, %gather3A_868] : memref<2x19x4x512xf32, #tpu.memory_space<vmem>> -> memref<1x19x4x512xf32, #tpu.memory_space<vmem>>
        %gather3A_870 = tpu.memref_squeeze %gather3A_869 : memref<1x19x4x512xf32, #tpu.memory_space<vmem>> -> memref<19x4x512xf32, #tpu.memory_space<vmem>>
        %gather3A_871 = tpu.vector_load_idx %gather3A_870[%select_n3A_861, %broadcast_in_dim3A_863, %add3A_865] : memref<19x4x512xf32, #tpu.memory_space<vmem>>[vector<16xi32>, vector<16xi32>, vector<16xi32>], vector<16xf32>,
        %mul3A_872 = arith.constant 0.00555555569 : f32
        %mul3A_873 = vector.broadcast %mul3A_872 : f32 to vector<16xf32>
        %mul3A_874 = arith.mulf %mul3A_873, %add3A_763 : vector<16xf32>
        %sub3A_875 = arith.subf %add3A_849, %mul3A_874 : vector<16xf32>
        %mul3A_876 = arith.constant 0.894444465 : f32
        %mul3A_877 = vector.broadcast %mul3A_876 : f32 to vector<16xf32>
        %mul3A_878 = arith.mulf %mul3A_877, %gather3A_871 : vector<16xf32>
        %sub3A_879 = arith.subf %sub3A_875, %mul3A_878 : vector<16xf32>
        %jit3A_880 = arith.constant 0.000000e+00 : f32
        %broadcast_in_dim3A_881 = vector.broadcast %jit3A_880 : f32 to vector<16xf32>
        %select_n3A_882 = arith.select %ne3A_858, %sub3A_879, %broadcast_in_dim3A_881 : vector<16xi1>, vector<16xf32>
        %add3A_883 = arith.addf %scan3A_592, %select_n3A_882 : vector<16xf32>
        scf.yield %add3A_883 : vector<16xf32>
      }
      %scan3A_332 = arith.constant 32 : i32
      %scan3A_333 = arith.constant 0 : i32
      %scan3A_334 = arith.constant 32 : i32
      %scan3A_335 = arith.addi %scan3A_333, %scan3A_334 : i32
      %scan3A_336 = arith.constant 1 : i32
      %scan3A_337 = scf.for %scan3A_591 = %scan3A_333 to %scan3A_335 step %scan3A_336 iter_args(%scan3A_592 = %scan3A_331) -> (vector<16xf32>)  : i32 {
        %mul3A_593 = arith.constant 16 : i32
        %mul3A_594 = arith.muli %scan3A_591, %mul3A_593 : i32
        %get3A = arith.constant 0 : i32
        %get3A_595 = arith.constant 0 : i32
        %get3A_596 = arith.constant 3 : i32
        %get3A_597 = arith.index_cast %get3A : i32 to index
        %get3A_598 = arith.index_cast %get3A_595 : i32 to index
        %get3A_599 = arith.index_cast %get3A_596 : i32 to index
        %get3A_600 = arith.index_cast %mul3A_594 : i32 to index
        %get3A_601 = tpu.vector_load %arg5[%get3A_597, %get3A_598, %get3A_599, %get3A_600] {strides = array<i32>} : memref<2x19x4x512xf32, #tpu.memory_space<vmem>>, vector<16xf32>,
        %get3A_602 = arith.constant 0 : i32
        %get3A_603 = arith.constant 1 : i32
        %get3A_604 = arith.constant 3 : i32
        %get3A_605 = arith.index_cast %get3A_602 : i32 to index
        %get3A_606 = arith.index_cast %get3A_603 : i32 to index
        %get3A_607 = arith.index_cast %get3A_604 : i32 to index
        %get3A_608 = arith.index_cast %mul3A_594 : i32 to index
        %get3A_609 = tpu.vector_load %arg5[%get3A_605, %get3A_606, %get3A_607, %get3A_608] {strides = array<i32>} : memref<2x19x4x512xf32, #tpu.memory_space<vmem>>, vector<16xf32>,
        %get3A_610 = arith.constant 0 : i32
        %get3A_611 = arith.constant 2 : i32
        %get3A_612 = arith.constant 3 : i32
        %get3A_613 = arith.index_cast %get3A_610 : i32 to index
        %get3A_614 = arith.index_cast %get3A_611 : i32 to index
        %get3A_615 = arith.index_cast %get3A_612 : i32 to index
        %get3A_616 = arith.index_cast %mul3A_594 : i32 to index
        %get3A_617 = tpu.vector_load %arg5[%get3A_613, %get3A_614, %get3A_615, %get3A_616] {strides = array<i32>} : memref<2x19x4x512xf32, #tpu.memory_space<vmem>>, vector<16xf32>,
        %get3A_618 = arith.constant 0 : i32
        %get3A_619 = arith.constant 3 : i32
        %get3A_620 = arith.constant 3 : i32
        %get3A_621 = arith.index_cast %get3A_618 : i32 to index
        %get3A_622 = arith.index_cast %get3A_619 : i32 to index
        %get3A_623 = arith.index_cast %get3A_620 : i32 to index
        %get3A_624 = arith.index_cast %mul3A_594 : i32 to index
        %get3A_625 = tpu.vector_load %arg5[%get3A_621, %get3A_622, %get3A_623, %get3A_624] {strides = array<i32>} : memref<2x19x4x512xf32, #tpu.memory_space<vmem>>, vector<16xf32>,
        %get3A_626 = arith.constant 0 : i32
        %get3A_627 = arith.constant 4 : i32
        %get3A_628 = arith.constant 3 : i32
        %get3A_629 = arith.index_cast %get3A_626 : i32 to index
        %get3A_630 = arith.index_cast %get3A_627 : i32 to index
        %get3A_631 = arith.index_cast %get3A_628 : i32 to index
        %get3A_632 = arith.index_cast %mul3A_594 : i32 to index
        %get3A_633 = tpu.vector_load %arg5[%get3A_629, %get3A_630, %get3A_631, %get3A_632] {strides = array<i32>} : memref<2x19x4x512xf32, #tpu.memory_space<vmem>>, vector<16xf32>,
        %get3A_634 = arith.constant 0 : i32
        %get3A_635 = arith.constant 5 : i32
        %get3A_636 = arith.constant 3 : i32
        %get3A_637 = arith.index_cast %get3A_634 : i32 to index
        %get3A_638 = arith.index_cast %get3A_635 : i32 to index
        %get3A_639 = arith.index_cast %get3A_636 : i32 to index
        %get3A_640 = arith.index_cast %mul3A_594 : i32 to index
        %get3A_641 = tpu.vector_load %arg5[%get3A_637, %get3A_638, %get3A_639, %get3A_640] {strides = array<i32>} : memref<2x19x4x512xf32, #tpu.memory_space<vmem>>, vector<16xf32>,
        %get3A_642 = arith.constant 0 : i32
        %get3A_643 = arith.constant 6 : i32
        %get3A_644 = arith.constant 3 : i32
        %get3A_645 = arith.index_cast %get3A_642 : i32 to index
        %get3A_646 = arith.index_cast %get3A_643 : i32 to index
        %get3A_647 = arith.index_cast %get3A_644 : i32 to index
        %get3A_648 = arith.index_cast %mul3A_594 : i32 to index
        %get3A_649 = tpu.vector_load %arg5[%get3A_645, %get3A_646, %get3A_647, %get3A_648] {strides = array<i32>} : memref<2x19x4x512xf32, #tpu.memory_space<vmem>>, vector<16xf32>,
        %get3A_650 = arith.constant 0 : i32
        %get3A_651 = arith.constant 7 : i32
        %get3A_652 = arith.constant 3 : i32
        %get3A_653 = arith.index_cast %get3A_650 : i32 to index
        %get3A_654 = arith.index_cast %get3A_651 : i32 to index
        %get3A_655 = arith.index_cast %get3A_652 : i32 to index
        %get3A_656 = arith.index_cast %mul3A_594 : i32 to index
        %get3A_657 = tpu.vector_load %arg5[%get3A_653, %get3A_654, %get3A_655, %get3A_656] {strides = array<i32>} : memref<2x19x4x512xf32, #tpu.memory_space<vmem>>, vector<16xf32>,
        %get3A_658 = arith.constant 0 : i32
        %get3A_659 = arith.constant 8 : i32
        %get3A_660 = arith.constant 3 : i32
        %get3A_661 = arith.index_cast %get3A_658 : i32 to index
        %get3A_662 = arith.index_cast %get3A_659 : i32 to index
        %get3A_663 = arith.index_cast %get3A_660 : i32 to index
        %get3A_664 = arith.index_cast %mul3A_594 : i32 to index
        %get3A_665 = tpu.vector_load %arg5[%get3A_661, %get3A_662, %get3A_663, %get3A_664] {strides = array<i32>} : memref<2x19x4x512xf32, #tpu.memory_space<vmem>>, vector<16xf32>,
        %get3A_666 = arith.constant 0 : i32
        %get3A_667 = arith.constant 9 : i32
        %get3A_668 = arith.constant 3 : i32
        %get3A_669 = arith.index_cast %get3A_666 : i32 to index
        %get3A_670 = arith.index_cast %get3A_667 : i32 to index
        %get3A_671 = arith.index_cast %get3A_668 : i32 to index
        %get3A_672 = arith.index_cast %mul3A_594 : i32 to index
        %get3A_673 = tpu.vector_load %arg5[%get3A_669, %get3A_670, %get3A_671, %get3A_672] {strides = array<i32>} : memref<2x19x4x512xf32, #tpu.memory_space<vmem>>, vector<16xf32>,
        %get3A_674 = arith.constant 0 : i32
        %get3A_675 = arith.constant 10 : i32
        %get3A_676 = arith.constant 3 : i32
        %get3A_677 = arith.index_cast %get3A_674 : i32 to index
        %get3A_678 = arith.index_cast %get3A_675 : i32 to index
        %get3A_679 = arith.index_cast %get3A_676 : i32 to index
        %get3A_680 = arith.index_cast %mul3A_594 : i32 to index
        %get3A_681 = tpu.vector_load %arg5[%get3A_677, %get3A_678, %get3A_679, %get3A_680] {strides = array<i32>} : memref<2x19x4x512xf32, #tpu.memory_space<vmem>>, vector<16xf32>,
        %get3A_682 = arith.constant 0 : i32
        %get3A_683 = arith.constant 11 : i32
        %get3A_684 = arith.constant 3 : i32
        %get3A_685 = arith.index_cast %get3A_682 : i32 to index
        %get3A_686 = arith.index_cast %get3A_683 : i32 to index
        %get3A_687 = arith.index_cast %get3A_684 : i32 to index
        %get3A_688 = arith.index_cast %mul3A_594 : i32 to index
        %get3A_689 = tpu.vector_load %arg5[%get3A_685, %get3A_686, %get3A_687, %get3A_688] {strides = array<i32>} : memref<2x19x4x512xf32, #tpu.memory_space<vmem>>, vector<16xf32>,
        %get3A_690 = arith.constant 0 : i32
        %get3A_691 = arith.constant 12 : i32
        %get3A_692 = arith.constant 3 : i32
        %get3A_693 = arith.index_cast %get3A_690 : i32 to index
        %get3A_694 = arith.index_cast %get3A_691 : i32 to index
        %get3A_695 = arith.index_cast %get3A_692 : i32 to index
        %get3A_696 = arith.index_cast %mul3A_594 : i32 to index
        %get3A_697 = tpu.vector_load %arg5[%get3A_693, %get3A_694, %get3A_695, %get3A_696] {strides = array<i32>} : memref<2x19x4x512xf32, #tpu.memory_space<vmem>>, vector<16xf32>,
        %get3A_698 = arith.constant 0 : i32
        %get3A_699 = arith.constant 13 : i32
        %get3A_700 = arith.constant 3 : i32
        %get3A_701 = arith.index_cast %get3A_698 : i32 to index
        %get3A_702 = arith.index_cast %get3A_699 : i32 to index
        %get3A_703 = arith.index_cast %get3A_700 : i32 to index
        %get3A_704 = arith.index_cast %mul3A_594 : i32 to index
        %get3A_705 = tpu.vector_load %arg5[%get3A_701, %get3A_702, %get3A_703, %get3A_704] {strides = array<i32>} : memref<2x19x4x512xf32, #tpu.memory_space<vmem>>, vector<16xf32>,
        %get3A_706 = arith.constant 0 : i32
        %get3A_707 = arith.constant 14 : i32
        %get3A_708 = arith.constant 3 : i32
        %get3A_709 = arith.index_cast %get3A_706 : i32 to index
        %get3A_710 = arith.index_cast %get3A_707 : i32 to index
        %get3A_711 = arith.index_cast %get3A_708 : i32 to index
        %get3A_712 = arith.index_cast %mul3A_594 : i32 to index
        %get3A_713 = tpu.vector_load %arg5[%get3A_709, %get3A_710, %get3A_711, %get3A_712] {strides = array<i32>} : memref<2x19x4x512xf32, #tpu.memory_space<vmem>>, vector<16xf32>,
        %get3A_714 = arith.constant 0 : i32
        %get3A_715 = arith.constant 15 : i32
        %get3A_716 = arith.constant 3 : i32
        %get3A_717 = arith.index_cast %get3A_714 : i32 to index
        %get3A_718 = arith.index_cast %get3A_715 : i32 to index
        %get3A_719 = arith.index_cast %get3A_716 : i32 to index
        %get3A_720 = arith.index_cast %mul3A_594 : i32 to index
        %get3A_721 = tpu.vector_load %arg5[%get3A_717, %get3A_718, %get3A_719, %get3A_720] {strides = array<i32>} : memref<2x19x4x512xf32, #tpu.memory_space<vmem>>, vector<16xf32>,
        %get3A_722 = arith.constant 0 : i32
        %get3A_723 = arith.constant 16 : i32
        %get3A_724 = arith.constant 3 : i32
        %get3A_725 = arith.index_cast %get3A_722 : i32 to index
        %get3A_726 = arith.index_cast %get3A_723 : i32 to index
        %get3A_727 = arith.index_cast %get3A_724 : i32 to index
        %get3A_728 = arith.index_cast %mul3A_594 : i32 to index
        %get3A_729 = tpu.vector_load %arg5[%get3A_725, %get3A_726, %get3A_727, %get3A_728] {strides = array<i32>} : memref<2x19x4x512xf32, #tpu.memory_space<vmem>>, vector<16xf32>,
        %get3A_730 = arith.constant 0 : i32
        %get3A_731 = arith.constant 17 : i32
        %get3A_732 = arith.constant 3 : i32
        %get3A_733 = arith.index_cast %get3A_730 : i32 to index
        %get3A_734 = arith.index_cast %get3A_731 : i32 to index
        %get3A_735 = arith.index_cast %get3A_732 : i32 to index
        %get3A_736 = arith.index_cast %mul3A_594 : i32 to index
        %get3A_737 = tpu.vector_load %arg5[%get3A_733, %get3A_734, %get3A_735, %get3A_736] {strides = array<i32>} : memref<2x19x4x512xf32, #tpu.memory_space<vmem>>, vector<16xf32>,
        %get3A_738 = arith.constant 0 : i32
        %get3A_739 = arith.constant 18 : i32
        %get3A_740 = arith.constant 3 : i32
        %get3A_741 = arith.index_cast %get3A_738 : i32 to index
        %get3A_742 = arith.index_cast %get3A_739 : i32 to index
        %get3A_743 = arith.index_cast %get3A_740 : i32 to index
        %get3A_744 = arith.index_cast %mul3A_594 : i32 to index
        %get3A_745 = tpu.vector_load %arg5[%get3A_741, %get3A_742, %get3A_743, %get3A_744] {strides = array<i32>} : memref<2x19x4x512xf32, #tpu.memory_space<vmem>>, vector<16xf32>,
        %add3A_746 = arith.addf %get3A_601, %get3A_609 : vector<16xf32>
        %add3A_747 = arith.addf %add3A_746, %get3A_617 : vector<16xf32>
        %add3A_748 = arith.addf %add3A_747, %get3A_625 : vector<16xf32>
        %add3A_749 = arith.addf %add3A_748, %get3A_633 : vector<16xf32>
        %add3A_750 = arith.addf %add3A_749, %get3A_641 : vector<16xf32>
        %add3A_751 = arith.addf %add3A_750, %get3A_649 : vector<16xf32>
        %add3A_752 = arith.addf %add3A_751, %get3A_657 : vector<16xf32>
        %add3A_753 = arith.addf %add3A_752, %get3A_665 : vector<16xf32>
        %add3A_754 = arith.addf %add3A_753, %get3A_673 : vector<16xf32>
        %add3A_755 = arith.addf %add3A_754, %get3A_681 : vector<16xf32>
        %add3A_756 = arith.addf %add3A_755, %get3A_689 : vector<16xf32>
        %add3A_757 = arith.addf %add3A_756, %get3A_697 : vector<16xf32>
        %add3A_758 = arith.addf %add3A_757, %get3A_705 : vector<16xf32>
        %add3A_759 = arith.addf %add3A_758, %get3A_713 : vector<16xf32>
        %add3A_760 = arith.addf %add3A_759, %get3A_721 : vector<16xf32>
        %add3A_761 = arith.addf %add3A_760, %get3A_729 : vector<16xf32>
        %add3A_762 = arith.addf %add3A_761, %get3A_737 : vector<16xf32>
        %add3A_763 = arith.addf %add3A_762, %get3A_745 : vector<16xf32>
        %exp3A = math.exp %get3A_601 : vector<16xf32>
        %exp3A_764 = math.exp %get3A_609 : vector<16xf32>
        %add3A_765 = arith.addf %exp3A, %exp3A_764 : vector<16xf32>
        %exp3A_766 = math.exp %get3A_617 : vector<16xf32>
        %add3A_767 = arith.addf %add3A_765, %exp3A_766 : vector<16xf32>
        %exp3A_768 = math.exp %get3A_625 : vector<16xf32>
        %add3A_769 = arith.addf %add3A_767, %exp3A_768 : vector<16xf32>
        %exp3A_770 = math.exp %get3A_633 : vector<16xf32>
        %add3A_771 = arith.addf %add3A_769, %exp3A_770 : vector<16xf32>
        %exp3A_772 = math.exp %get3A_641 : vector<16xf32>
        %add3A_773 = arith.addf %add3A_771, %exp3A_772 : vector<16xf32>
        %exp3A_774 = math.exp %get3A_649 : vector<16xf32>
        %add3A_775 = arith.addf %add3A_773, %exp3A_774 : vector<16xf32>
        %exp3A_776 = math.exp %get3A_657 : vector<16xf32>
        %add3A_777 = arith.addf %add3A_775, %exp3A_776 : vector<16xf32>
        %exp3A_778 = math.exp %get3A_665 : vector<16xf32>
        %add3A_779 = arith.addf %add3A_777, %exp3A_778 : vector<16xf32>
        %exp3A_780 = math.exp %get3A_673 : vector<16xf32>
        %add3A_781 = arith.addf %add3A_779, %exp3A_780 : vector<16xf32>
        %exp3A_782 = math.exp %get3A_681 : vector<16xf32>
        %add3A_783 = arith.addf %add3A_781, %exp3A_782 : vector<16xf32>
        %exp3A_784 = math.exp %get3A_689 : vector<16xf32>
        %add3A_785 = arith.addf %add3A_783, %exp3A_784 : vector<16xf32>
        %exp3A_786 = math.exp %get3A_697 : vector<16xf32>
        %add3A_787 = arith.addf %add3A_785, %exp3A_786 : vector<16xf32>
        %exp3A_788 = math.exp %get3A_705 : vector<16xf32>
        %add3A_789 = arith.addf %add3A_787, %exp3A_788 : vector<16xf32>
        %exp3A_790 = math.exp %get3A_713 : vector<16xf32>
        %add3A_791 = arith.addf %add3A_789, %exp3A_790 : vector<16xf32>
        %exp3A_792 = math.exp %get3A_721 : vector<16xf32>
        %add3A_793 = arith.addf %add3A_791, %exp3A_792 : vector<16xf32>
        %exp3A_794 = math.exp %get3A_729 : vector<16xf32>
        %add3A_795 = arith.addf %add3A_793, %exp3A_794 : vector<16xf32>
        %exp3A_796 = math.exp %get3A_737 : vector<16xf32>
        %add3A_797 = arith.addf %add3A_795, %exp3A_796 : vector<16xf32>
        %exp3A_798 = math.exp %get3A_745 : vector<16xf32>
        %add3A_799 = arith.addf %add3A_797, %exp3A_798 : vector<16xf32>
        %bitcast_convert_type3A = tpu.bitcast %add3A_799 : vector<16xf32> -> vector<16xi32>
        %shift_right_logical3A = arith.constant 23 : i32
        %shift_right_logical3A_800 = vector.broadcast %shift_right_logical3A : i32 to vector<16xi32>
        %shift_right_logical3A_801 = arith.shrui %bitcast_convert_type3A, %shift_right_logical3A_800 : vector<16xi32>
        %sub3A_802 = arith.constant 127 : i32
        %sub3A_803 = vector.broadcast %sub3A_802 : i32 to vector<16xi32>
        %sub3A_804 = arith.subi %shift_right_logical3A_801, %sub3A_803 : vector<16xi32>
        %and3A_805 = arith.constant 8388607 : i32
        %and3A_806 = vector.broadcast %and3A_805 : i32 to vector<16xi32>
        %and3A_807 = arith.andi %bitcast_convert_type3A, %and3A_806 : vector<16xi32>
        %or3A = arith.constant 1065353216 : i32
        %or3A_808 = vector.broadcast %or3A : i32 to vector<16xi32>
        %or3A_809 = arith.ori %and3A_807, %or3A_808 : vector<16xi32>
        %bitcast_convert_type3A_810 = tpu.bitcast %or3A_809 : vector<16xi32> -> vector<16xf32>
        %gt3A = arith.constant 1.41421354 : f32
        %gt3A_811 = vector.broadcast %gt3A : f32 to vector<16xf32>
        %gt3A_812 = arith.cmpf ogt, %bitcast_convert_type3A_810, %gt3A_811 : vector<16xf32>
        %mul3A_813 = arith.constant 5.000000e-01 : f32
        %mul3A_814 = vector.broadcast %mul3A_813 : f32 to vector<16xf32>
        %mul3A_815 = arith.mulf %bitcast_convert_type3A_810, %mul3A_814 : vector<16xf32>
        %select_n3A_816 = arith.select %gt3A_812, %mul3A_815, %bitcast_convert_type3A_810 : vector<16xi1>, vector<16xf32>
        %convert_element_type3A = arith.sitofp %sub3A_804 : vector<16xi32> to vector<16xf32>
        %jit3A_817 = arith.constant 1.000000e+00 : f32
        %jit3A_818 = arith.constant 0.000000e+00 : f32
        %broadcast_in_dim3A_819 = vector.broadcast %jit3A_817 : f32 to vector<16xf32>
        %broadcast_in_dim3A_820 = vector.broadcast %jit3A_818 : f32 to vector<16xf32>
        %select_n3A_821 = arith.select %gt3A_812, %broadcast_in_dim3A_819, %broadcast_in_dim3A_820 : vector<16xi1>, vector<16xf32>
        %add3A_822 = arith.addf %convert_element_type3A, %select_n3A_821 : vector<16xf32>
        %sub3A_823 = arith.constant 1.000000e+00 : f32
        %sub3A_824 = vector.broadcast %sub3A_823 : f32 to vector<16xf32>
        %sub3A_825 = arith.subf %select_n3A_816, %sub3A_824 : vector<16xf32>
        %add3A_826 = arith.constant 1.000000e+00 : f32
        %add3A_827 = vector.broadcast %add3A_826 : f32 to vector<16xf32>
        %add3A_828 = arith.addf %select_n3A_816, %add3A_827 : vector<16xf32>
        %div3A_829 = arith.divf %sub3A_825, %add3A_828 : vector<16xf32>
        %mul3A_830 = arith.mulf %div3A_829, %div3A_829 : vector<16xf32>
        %mul3A_831 = arith.constant 0.285714298 : f32
        %mul3A_832 = vector.broadcast %mul3A_831 : f32 to vector<16xf32>
        %mul3A_833 = arith.mulf %mul3A_830, %mul3A_832 : vector<16xf32>
        %add3A_834 = arith.constant 4.000000e-01 : f32
        %add3A_835 = vector.broadcast %add3A_834 : f32 to vector<16xf32>
        %add3A_836 = arith.addf %add3A_835, %mul3A_833 : vector<16xf32>
        %mul3A_837 = arith.mulf %mul3A_830, %add3A_836 : vector<16xf32>
        %add3A_838 = arith.constant 0.666666686 : f32
        %add3A_839 = vector.broadcast %add3A_838 : f32 to vector<16xf32>
        %add3A_840 = arith.addf %add3A_839, %mul3A_837 : vector<16xf32>
        %mul3A_841 = arith.mulf %mul3A_830, %add3A_840 : vector<16xf32>
        %add3A_842 = arith.constant 2.000000e+00 : f32
        %add3A_843 = vector.broadcast %add3A_842 : f32 to vector<16xf32>
        %add3A_844 = arith.addf %add3A_843, %mul3A_841 : vector<16xf32>
        %mul3A_845 = arith.mulf %div3A_829, %add3A_844 : vector<16xf32>
        %mul3A_846 = arith.constant 0.693147182 : f32
        %mul3A_847 = vector.broadcast %mul3A_846 : f32 to vector<16xf32>
        %mul3A_848 = arith.mulf %add3A_822, %mul3A_847 : vector<16xf32>
        %add3A_849 = arith.addf %mul3A_848, %mul3A_845 : vector<16xf32>
        %get3A_850 = arith.constant 0 : i32
        %get3A_851 = arith.constant 3 : i32
        %get3A_852 = arith.index_cast %get3A_850 : i32 to index
        %get3A_853 = arith.index_cast %get3A_851 : i32 to index
        %get3A_854 = arith.index_cast %mul3A_594 : i32 to index
        %get3A_855 = tpu.vector_load %arg6[%get3A_852, %get3A_853, %get3A_854] {strides = array<i32>} : memref<2x4x512xi32, #tpu.memory_space<vmem>>, vector<16xi32>,
        %ne3A_856 = arith.constant 255 : i32
        %ne3A_857 = vector.broadcast %ne3A_856 : i32 to vector<16xi32>
        %ne3A_858 = arith.cmpi ne, %get3A_855, %ne3A_857 : vector<16xi32>
        %jit3A_859 = arith.constant 0 : i32
        %broadcast_in_dim3A_860 = vector.broadcast %jit3A_859 : i32 to vector<16xi32>
        %select_n3A_861 = arith.select %ne3A_858, %get3A_855, %broadcast_in_dim3A_860 : vector<16xi1>, vector<16xi32>
        %broadcast_in_dim3A_862 = arith.constant 3 : i32
        %broadcast_in_dim3A_863 = vector.broadcast %broadcast_in_dim3A_862 : i32 to vector<16xi32>
        %add3A_864 = vector.broadcast %mul3A_594 : i32 to vector<16xi32>
        %add3A_865 = arith.addi %add3A_864, %iota3A : vector<16xi32>
        %gather3A = arith.constant 0 : i32
        %gather3A_866 = arith.constant 0 : i32
        %gather3A_867 = arith.constant 0 : i32
        %gather3A_868 = arith.constant 0 : i32
        %gather3A_869 = tpu.memref_slice %arg5[%gather3A, %gather3A_866, %gather3A_867, %gather3A_868] : memref<2x19x4x512xf32, #tpu.memory_space<vmem>> -> memref<1x19x4x512xf32, #tpu.memory_space<vmem>>
        %gather3A_870 = tpu.memref_squeeze %gather3A_869 : memref<1x19x4x512xf32, #tpu.memory_space<vmem>> -> memref<19x4x512xf32, #tpu.memory_space<vmem>>
        %gather3A_871 = tpu.vector_load_idx %gather3A_870[%select_n3A_861, %broadcast_in_dim3A_863, %add3A_865] : memref<19x4x512xf32, #tpu.memory_space<vmem>>[vector<16xi32>, vector<16xi32>, vector<16xi32>], vector<16xf32>,
        %mul3A_872 = arith.constant 0.00555555569 : f32
        %mul3A_873 = vector.broadcast %mul3A_872 : f32 to vector<16xf32>
        %mul3A_874 = arith.mulf %mul3A_873, %add3A_763 : vector<16xf32>
        %sub3A_875 = arith.subf %add3A_849, %mul3A_874 : vector<16xf32>
        %mul3A_876 = arith.constant 0.894444465 : f32
        %mul3A_877 = vector.broadcast %mul3A_876 : f32 to vector<16xf32>
        %mul3A_878 = arith.mulf %mul3A_877, %gather3A_871 : vector<16xf32>
        %sub3A_879 = arith.subf %sub3A_875, %mul3A_878 : vector<16xf32>
        %jit3A_880 = arith.constant 0.000000e+00 : f32
        %broadcast_in_dim3A_881 = vector.broadcast %jit3A_880 : f32 to vector<16xf32>
        %select_n3A_882 = arith.select %ne3A_858, %sub3A_879, %broadcast_in_dim3A_881 : vector<16xi1>, vector<16xf32>
        %add3A_883 = arith.addf %scan3A_592, %select_n3A_882 : vector<16xf32>
        scf.yield %add3A_883 : vector<16xf32>
      }
      %scan3A_338 = arith.constant 32 : i32
      %add3A_339 = arith.constant 2 : i32
      %add3A_340 = arith.addi %add3A_268, %add3A_339 : i32
      %min3A_341 = arith.constant 13 : i32
      %min3A_342 = arith.minsi %add3A_340, %min3A_341 : i32
      %mul3A_343 = arith.constant 14 : i32
      %mul3A_344 = arith.muli %add3A, %mul3A_343 : i32
      %add3A_345 = arith.addi %mul3A_344, %min3A_342 : i32
      %jit3A_346 = arith.constant 128 : i32
      %div3A_347 = arith.divsi %add3A_345, %jit3A_346 : i32
      %sign3A_348 = arith.constant 0 : i32
      %sign3A_349 = arith.cmpi sgt, %add3A_345, %sign3A_348 : i32
      %sign3A_350 = arith.extui %sign3A_349 : i1 to i32
      %sign3A_351 = arith.constant 0 : i32
      %sign3A_352 = arith.cmpi slt, %add3A_345, %sign3A_351 : i32
      %sign3A_353 = arith.extui %sign3A_352 : i1 to i32
      %sign3A_354 = arith.subi %sign3A_350, %sign3A_353 : i32
      %sign3A_355 = arith.constant 0 : i32
      %sign3A_356 = arith.cmpi sgt, %jit3A_346, %sign3A_355 : i32
      %sign3A_357 = arith.extui %sign3A_356 : i1 to i32
      %sign3A_358 = arith.constant 0 : i32
      %sign3A_359 = arith.cmpi slt, %jit3A_346, %sign3A_358 : i32
      %sign3A_360 = arith.extui %sign3A_359 : i1 to i32
      %sign3A_361 = arith.subi %sign3A_357, %sign3A_360 : i32
      %ne3A_362 = arith.cmpi ne, %sign3A_354, %sign3A_361 : i32
      %rem3A_363 = arith.remsi %add3A_345, %jit3A_346 : i32
      %ne3A_364 = arith.constant 0 : i32
      %ne3A_365 = arith.cmpi ne, %rem3A_363, %ne3A_364 : i32
      %and3A_366 = arith.andi %ne3A_362, %ne3A_365 : i1
      %sub3A_367 = arith.constant 1 : i32
      %sub3A_368 = arith.subi %div3A_347, %sub3A_367 : i32
      %select_n3A_369 = arith.select %and3A_366, %sub3A_368, %div3A_347 : i32
      %jit3A_370 = arith.constant 128 : i32
      %eq3A_371 = arith.constant 0 : i32
      %eq3A_372 = arith.cmpi eq, %jit3A_370, %eq3A_371 : i32
      %jit3A_373 = arith.constant 1 : i32
      %select_n3A_374 = arith.select %eq3A_372, %jit3A_373, %jit3A_370 : i32
      %rem3A_375 = arith.remsi %add3A_345, %select_n3A_374 : i32
      %ne3A_376 = arith.constant 0 : i32
      %ne3A_377 = arith.cmpi ne, %rem3A_375, %ne3A_376 : i32
      %lt3A_378 = arith.constant 0 : i32
      %lt3A_379 = arith.cmpi slt, %rem3A_375, %lt3A_378 : i32
      %lt3A_380 = arith.constant 0 : i32
      %lt3A_381 = arith.cmpi slt, %select_n3A_374, %lt3A_380 : i32
      %ne3A_382 = arith.xori %lt3A_379, %lt3A_381 : i1
      %and3A_383 = arith.andi %ne3A_382, %ne3A_377 : i1
      %add3A_384 = arith.addi %rem3A_375, %select_n3A_374 : i32
      %select_n3A_385 = arith.select %and3A_383, %add3A_384, %rem3A_375 : i32
      %mul3A_386 = arith.constant 4 : i32
      %mul3A_387 = arith.muli %select_n3A_385, %mul3A_386 : i32
      %dma_start3A_388 = arith.constant 0 : i32
      %dma_start3A_389 = arith.constant 0 : i32
      %dma_start3A_390 = arith.constant 0 : i32
      %dma_start3A_391 = arith.constant 0 : i32
      %dma_start3A_392 = arith.constant 0 : i32
      %dma_start3A_393 = tpu.memref_slice %arg5[%dma_start3A_388, %dma_start3A_390, %dma_start3A_391, %dma_start3A_392] : memref<2x19x4x512xf32, #tpu.memory_space<vmem>> -> memref<1x19x4x512xf32, #tpu.memory_space<vmem>>
      %dma_start3A_394 = tpu.memref_squeeze %dma_start3A_393 : memref<1x19x4x512xf32, #tpu.memory_space<vmem>> -> memref<19x4x512xf32, #tpu.memory_space<vmem>>
      %dma_start3A_395 = arith.constant 0 : i32
      %dma_start3A_396 = arith.constant 0 : i32
      %dma_start3A_397 = tpu.memref_slice %arg2[%select_n3A_369, %dma_start3A_395, %mul3A_387, %dma_start3A_396] : memref<8x19x512x512xf32, #tpu.memory_space<hbm>> -> memref<1x19x4x512xf32, #tpu.memory_space<hbm>>
      %dma_start3A_398 = tpu.memref_squeeze %dma_start3A_397 : memref<1x19x4x512xf32, #tpu.memory_space<hbm>> -> memref<19x4x512xf32, #tpu.memory_space<hbm>>
      %dma_start3A_399 = tpu.memref_slice %arg8[%dma_start3A_389] : memref<2x!tpu.dma_semaphore, #tpu.memory_space<semaphore_mem>> -> memref<1x!tpu.dma_semaphore, #tpu.memory_space<semaphore_mem>>
      %dma_start3A_400 = tpu.memref_squeeze %dma_start3A_399 : memref<1x!tpu.dma_semaphore, #tpu.memory_space<semaphore_mem>> -> memref<!tpu.dma_semaphore, #tpu.memory_space<semaphore_mem>>
      %dma_start3A_401 = arith.constant 0 : i32
      %dma_start3A_402 = arith.constant 0 : i32
      %dma_start3A_403 = arith.constant 0 : i32
      %dma_start3A_404 = tpu.memref_slice %arg5[%dma_start3A_388, %dma_start3A_401, %dma_start3A_402, %dma_start3A_403] : memref<2x19x4x512xf32, #tpu.memory_space<vmem>> -> memref<1x19x4x512xf32, #tpu.memory_space<vmem>>
      %dma_start3A_405 = tpu.memref_squeeze %dma_start3A_404 : memref<1x19x4x512xf32, #tpu.memory_space<vmem>> -> memref<19x4x512xf32, #tpu.memory_space<vmem>>
      %dma_start3A_406 = arith.constant 0 : i32
      %dma_start3A_407 = arith.constant 0 : i32
      %dma_start3A_408 = tpu.memref_slice %arg2[%select_n3A_369, %dma_start3A_406, %mul3A_387, %dma_start3A_407] : memref<8x19x512x512xf32, #tpu.memory_space<hbm>> -> memref<1x19x4x512xf32, #tpu.memory_space<hbm>>
      %dma_start3A_409 = tpu.memref_squeeze %dma_start3A_408 : memref<1x19x4x512xf32, #tpu.memory_space<hbm>> -> memref<19x4x512xf32, #tpu.memory_space<hbm>>
      tpu.enqueue_dma source(%dma_start3A_409 : memref<19x4x512xf32, #tpu.memory_space<hbm>>) target(%dma_start3A_405 : memref<19x4x512xf32, #tpu.memory_space<vmem>>) target_semaphore(%dma_start3A_400 : memref<!tpu.dma_semaphore, #tpu.memory_space<semaphore_mem>>)
      %dma_start3A_410 = arith.constant 0 : i32
      %dma_start3A_411 = arith.constant 0 : i32
      %dma_start3A_412 = arith.constant 0 : i32
      %dma_start3A_413 = arith.constant 0 : i32
      %dma_start3A_414 = tpu.memref_slice %arg6[%dma_start3A_410, %dma_start3A_412, %dma_start3A_413] : memref<2x4x512xi32, #tpu.memory_space<vmem>> -> memref<1x4x512xi32, #tpu.memory_space<vmem>>
      %dma_start3A_415 = tpu.memref_squeeze %dma_start3A_414 : memref<1x4x512xi32, #tpu.memory_space<vmem>> -> memref<4x512xi32, #tpu.memory_space<vmem>>
      %dma_start3A_416 = arith.constant 0 : i32
      %dma_start3A_417 = tpu.memref_slice %arg3[%select_n3A_369, %mul3A_387, %dma_start3A_416] : memref<8x512x512xi32, #tpu.memory_space<hbm>> -> memref<1x4x512xi32, #tpu.memory_space<hbm>>
      %dma_start3A_418 = tpu.memref_squeeze %dma_start3A_417 : memref<1x4x512xi32, #tpu.memory_space<hbm>> -> memref<4x512xi32, #tpu.memory_space<hbm>>
      %dma_start3A_419 = tpu.memref_slice %arg9[%dma_start3A_411] : memref<2x!tpu.dma_semaphore, #tpu.memory_space<semaphore_mem>> -> memref<1x!tpu.dma_semaphore, #tpu.memory_space<semaphore_mem>>
      %dma_start3A_420 = tpu.memref_squeeze %dma_start3A_419 : memref<1x!tpu.dma_semaphore, #tpu.memory_space<semaphore_mem>> -> memref<!tpu.dma_semaphore, #tpu.memory_space<semaphore_mem>>
      %dma_start3A_421 = arith.constant 0 : i32
      %dma_start3A_422 = arith.constant 0 : i32
      %dma_start3A_423 = tpu.memref_slice %arg6[%dma_start3A_410, %dma_start3A_421, %dma_start3A_422] : memref<2x4x512xi32, #tpu.memory_space<vmem>> -> memref<1x4x512xi32, #tpu.memory_space<vmem>>
      %dma_start3A_424 = tpu.memref_squeeze %dma_start3A_423 : memref<1x4x512xi32, #tpu.memory_space<vmem>> -> memref<4x512xi32, #tpu.memory_space<vmem>>
      %dma_start3A_425 = arith.constant 0 : i32
      %dma_start3A_426 = tpu.memref_slice %arg3[%select_n3A_369, %mul3A_387, %dma_start3A_425] : memref<8x512x512xi32, #tpu.memory_space<hbm>> -> memref<1x4x512xi32, #tpu.memory_space<hbm>>
      %dma_start3A_427 = tpu.memref_squeeze %dma_start3A_426 : memref<1x4x512xi32, #tpu.memory_space<hbm>> -> memref<4x512xi32, #tpu.memory_space<hbm>>
      tpu.enqueue_dma source(%dma_start3A_427 : memref<4x512xi32, #tpu.memory_space<hbm>>) target(%dma_start3A_424 : memref<4x512xi32, #tpu.memory_space<vmem>>) target_semaphore(%dma_start3A_420 : memref<!tpu.dma_semaphore, #tpu.memory_space<semaphore_mem>>)
      %mul3A_428 = arith.constant 2 : i32
      %mul3A_429 = arith.muli %scan3A_263, %mul3A_428 : i32
      %add3A_430 = arith.constant 1 : i32
      %add3A_431 = arith.addi %mul3A_429, %add3A_430 : i32
      %dma_wait3A_432 = arith.constant 0 : i32
      %dma_wait3A_433 = arith.constant 1 : i32
      %dma_wait3A_434 = arith.constant 1 : i32
      %dma_wait3A_435 = arith.constant 0 : i32
      %dma_wait3A_436 = arith.constant 0 : i32
      %dma_wait3A_437 = arith.constant 0 : i32
      %dma_wait3A_438 = tpu.memref_slice %arg5[%dma_wait3A_433, %dma_wait3A_435, %dma_wait3A_436, %dma_wait3A_437] : memref<2x19x4x512xf32, #tpu.memory_space<vmem>> -> memref<1x19x4x512xf32, #tpu.memory_space<vmem>>
      %dma_wait3A_439 = tpu.memref_squeeze %dma_wait3A_438 : memref<1x19x4x512xf32, #tpu.memory_space<vmem>> -> memref<19x4x512xf32, #tpu.memory_space<vmem>>
      %dma_wait3A_440 = arith.constant 0 : i32
      %dma_wait3A_441 = arith.constant 0 : i32
      %dma_wait3A_442 = arith.constant 0 : i32
      %dma_wait3A_443 = tpu.memref_slice %arg2[%dma_wait3A_432, %dma_wait3A_440, %dma_wait3A_441, %dma_wait3A_442] : memref<8x19x512x512xf32, #tpu.memory_space<hbm>> -> memref<1x19x4x512xf32, #tpu.memory_space<hbm>>
      %dma_wait3A_444 = tpu.memref_squeeze %dma_wait3A_443 : memref<1x19x4x512xf32, #tpu.memory_space<hbm>> -> memref<19x4x512xf32, #tpu.memory_space<hbm>>
      %dma_wait3A_445 = tpu.memref_slice %arg8[%dma_wait3A_434] : memref<2x!tpu.dma_semaphore, #tpu.memory_space<semaphore_mem>> -> memref<1x!tpu.dma_semaphore, #tpu.memory_space<semaphore_mem>>
      %dma_wait3A_446 = tpu.memref_squeeze %dma_wait3A_445 : memref<1x!tpu.dma_semaphore, #tpu.memory_space<semaphore_mem>> -> memref<!tpu.dma_semaphore, #tpu.memory_space<semaphore_mem>>
      %dma_wait3A_447 = arith.constant 0 : i32
      %dma_wait3A_448 = arith.constant 0 : i32
      %dma_wait3A_449 = arith.constant 0 : i32
      %dma_wait3A_450 = tpu.memref_slice %arg5[%dma_wait3A_433, %dma_wait3A_447, %dma_wait3A_448, %dma_wait3A_449] : memref<2x19x4x512xf32, #tpu.memory_space<vmem>> -> memref<1x19x4x512xf32, #tpu.memory_space<vmem>>
      %dma_wait3A_451 = tpu.memref_squeeze %dma_wait3A_450 : memref<1x19x4x512xf32, #tpu.memory_space<vmem>> -> memref<19x4x512xf32, #tpu.memory_space<vmem>>
      %dma_wait3A_452 = arith.constant 0 : i32
      %dma_wait3A_453 = arith.constant 0 : i32
      %dma_wait3A_454 = arith.constant 0 : i32
      %dma_wait3A_455 = tpu.memref_slice %arg2[%dma_wait3A_432, %dma_wait3A_452, %dma_wait3A_453, %dma_wait3A_454] : memref<8x19x512x512xf32, #tpu.memory_space<hbm>> -> memref<1x19x4x512xf32, #tpu.memory_space<hbm>>
      %dma_wait3A_456 = tpu.memref_squeeze %dma_wait3A_455 : memref<1x19x4x512xf32, #tpu.memory_space<hbm>> -> memref<19x4x512xf32, #tpu.memory_space<hbm>>
      tpu.wait_dma2 semaphore(%dma_wait3A_446 : memref<!tpu.dma_semaphore, #tpu.memory_space<semaphore_mem>>) src(%dma_wait3A_456 : memref<19x4x512xf32, #tpu.memory_space<hbm>>) dst(%dma_wait3A_451 : memref<19x4x512xf32, #tpu.memory_space<vmem>>)
      %dma_wait3A_457 = arith.constant 0 : i32
      %dma_wait3A_458 = arith.constant 1 : i32
      %dma_wait3A_459 = arith.constant 1 : i32
      %dma_wait3A_460 = arith.constant 0 : i32
      %dma_wait3A_461 = arith.constant 0 : i32
      %dma_wait3A_462 = tpu.memref_slice %arg6[%dma_wait3A_458, %dma_wait3A_460, %dma_wait3A_461] : memref<2x4x512xi32, #tpu.memory_space<vmem>> -> memref<1x4x512xi32, #tpu.memory_space<vmem>>
      %dma_wait3A_463 = tpu.memref_squeeze %dma_wait3A_462 : memref<1x4x512xi32, #tpu.memory_space<vmem>> -> memref<4x512xi32, #tpu.memory_space<vmem>>
      %dma_wait3A_464 = arith.constant 0 : i32
      %dma_wait3A_465 = arith.constant 0 : i32
      %dma_wait3A_466 = tpu.memref_slice %arg3[%dma_wait3A_457, %dma_wait3A_464, %dma_wait3A_465] : memref<8x512x512xi32, #tpu.memory_space<hbm>> -> memref<1x4x512xi32, #tpu.memory_space<hbm>>
      %dma_wait3A_467 = tpu.memref_squeeze %dma_wait3A_466 : memref<1x4x512xi32, #tpu.memory_space<hbm>> -> memref<4x512xi32, #tpu.memory_space<hbm>>
      %dma_wait3A_468 = tpu.memref_slice %arg9[%dma_wait3A_459] : memref<2x!tpu.dma_semaphore, #tpu.memory_space<semaphore_mem>> -> memref<1x!tpu.dma_semaphore, #tpu.memory_space<semaphore_mem>>
      %dma_wait3A_469 = tpu.memref_squeeze %dma_wait3A_468 : memref<1x!tpu.dma_semaphore, #tpu.memory_space<semaphore_mem>> -> memref<!tpu.dma_semaphore, #tpu.memory_space<semaphore_mem>>
      %dma_wait3A_470 = arith.constant 0 : i32
      %dma_wait3A_471 = arith.constant 0 : i32
      %dma_wait3A_472 = tpu.memref_slice %arg6[%dma_wait3A_458, %dma_wait3A_470, %dma_wait3A_471] : memref<2x4x512xi32, #tpu.memory_space<vmem>> -> memref<1x4x512xi32, #tpu.memory_space<vmem>>
      %dma_wait3A_473 = tpu.memref_squeeze %dma_wait3A_472 : memref<1x4x512xi32, #tpu.memory_space<vmem>> -> memref<4x512xi32, #tpu.memory_space<vmem>>
      %dma_wait3A_474 = arith.constant 0 : i32
      %dma_wait3A_475 = arith.constant 0 : i32
      %dma_wait3A_476 = tpu.memref_slice %arg3[%dma_wait3A_457, %dma_wait3A_474, %dma_wait3A_475] : memref<8x512x512xi32, #tpu.memory_space<hbm>> -> memref<1x4x512xi32, #tpu.memory_space<hbm>>
      %dma_wait3A_477 = tpu.memref_squeeze %dma_wait3A_476 : memref<1x4x512xi32, #tpu.memory_space<hbm>> -> memref<4x512xi32, #tpu.memory_space<hbm>>
      tpu.wait_dma2 semaphore(%dma_wait3A_469 : memref<!tpu.dma_semaphore, #tpu.memory_space<semaphore_mem>>) src(%dma_wait3A_477 : memref<4x512xi32, #tpu.memory_space<hbm>>) dst(%dma_wait3A_473 : memref<4x512xi32, #tpu.memory_space<vmem>>)
      %scan3A_478 = arith.constant 0 : i32
      %scan3A_479 = arith.constant 32 : i32
      %scan3A_480 = arith.addi %scan3A_478, %scan3A_479 : i32
      %scan3A_481 = arith.constant 1 : i32
      %scan3A_482 = scf.for %scan3A_591 = %scan3A_478 to %scan3A_480 step %scan3A_481 iter_args(%scan3A_592 = %scan3A_337) -> (vector<16xf32>)  : i32 {
        %mul3A_593 = arith.constant 16 : i32
        %mul3A_594 = arith.muli %scan3A_591, %mul3A_593 : i32
        %get3A = arith.constant 1 : i32
        %get3A_595 = arith.constant 0 : i32
        %get3A_596 = arith.constant 0 : i32
        %get3A_597 = arith.index_cast %get3A : i32 to index
        %get3A_598 = arith.index_cast %get3A_595 : i32 to index
        %get3A_599 = arith.index_cast %get3A_596 : i32 to index
        %get3A_600 = arith.index_cast %mul3A_594 : i32 to index
        %get3A_601 = tpu.vector_load %arg5[%get3A_597, %get3A_598, %get3A_599, %get3A_600] {strides = array<i32>} : memref<2x19x4x512xf32, #tpu.memory_space<vmem>>, vector<16xf32>,
        %get3A_602 = arith.constant 1 : i32
        %get3A_603 = arith.constant 1 : i32
        %get3A_604 = arith.constant 0 : i32
        %get3A_605 = arith.index_cast %get3A_602 : i32 to index
        %get3A_606 = arith.index_cast %get3A_603 : i32 to index
        %get3A_607 = arith.index_cast %get3A_604 : i32 to index
        %get3A_608 = arith.index_cast %mul3A_594 : i32 to index
        %get3A_609 = tpu.vector_load %arg5[%get3A_605, %get3A_606, %get3A_607, %get3A_608] {strides = array<i32>} : memref<2x19x4x512xf32, #tpu.memory_space<vmem>>, vector<16xf32>,
        %get3A_610 = arith.constant 1 : i32
        %get3A_611 = arith.constant 2 : i32
        %get3A_612 = arith.constant 0 : i32
        %get3A_613 = arith.index_cast %get3A_610 : i32 to index
        %get3A_614 = arith.index_cast %get3A_611 : i32 to index
        %get3A_615 = arith.index_cast %get3A_612 : i32 to index
        %get3A_616 = arith.index_cast %mul3A_594 : i32 to index
        %get3A_617 = tpu.vector_load %arg5[%get3A_613, %get3A_614, %get3A_615, %get3A_616] {strides = array<i32>} : memref<2x19x4x512xf32, #tpu.memory_space<vmem>>, vector<16xf32>,
        %get3A_618 = arith.constant 1 : i32
        %get3A_619 = arith.constant 3 : i32
        %get3A_620 = arith.constant 0 : i32
        %get3A_621 = arith.index_cast %get3A_618 : i32 to index
        %get3A_622 = arith.index_cast %get3A_619 : i32 to index
        %get3A_623 = arith.index_cast %get3A_620 : i32 to index
        %get3A_624 = arith.index_cast %mul3A_594 : i32 to index
        %get3A_625 = tpu.vector_load %arg5[%get3A_621, %get3A_622, %get3A_623, %get3A_624] {strides = array<i32>} : memref<2x19x4x512xf32, #tpu.memory_space<vmem>>, vector<16xf32>,
        %get3A_626 = arith.constant 1 : i32
        %get3A_627 = arith.constant 4 : i32
        %get3A_628 = arith.constant 0 : i32
        %get3A_629 = arith.index_cast %get3A_626 : i32 to index
        %get3A_630 = arith.index_cast %get3A_627 : i32 to index
        %get3A_631 = arith.index_cast %get3A_628 : i32 to index
        %get3A_632 = arith.index_cast %mul3A_594 : i32 to index
        %get3A_633 = tpu.vector_load %arg5[%get3A_629, %get3A_630, %get3A_631, %get3A_632] {strides = array<i32>} : memref<2x19x4x512xf32, #tpu.memory_space<vmem>>, vector<16xf32>,
        %get3A_634 = arith.constant 1 : i32
        %get3A_635 = arith.constant 5 : i32
        %get3A_636 = arith.constant 0 : i32
        %get3A_637 = arith.index_cast %get3A_634 : i32 to index
        %get3A_638 = arith.index_cast %get3A_635 : i32 to index
        %get3A_639 = arith.index_cast %get3A_636 : i32 to index
        %get3A_640 = arith.index_cast %mul3A_594 : i32 to index
        %get3A_641 = tpu.vector_load %arg5[%get3A_637, %get3A_638, %get3A_639, %get3A_640] {strides = array<i32>} : memref<2x19x4x512xf32, #tpu.memory_space<vmem>>, vector<16xf32>,
        %get3A_642 = arith.constant 1 : i32
        %get3A_643 = arith.constant 6 : i32
        %get3A_644 = arith.constant 0 : i32
        %get3A_645 = arith.index_cast %get3A_642 : i32 to index
        %get3A_646 = arith.index_cast %get3A_643 : i32 to index
        %get3A_647 = arith.index_cast %get3A_644 : i32 to index
        %get3A_648 = arith.index_cast %mul3A_594 : i32 to index
        %get3A_649 = tpu.vector_load %arg5[%get3A_645, %get3A_646, %get3A_647, %get3A_648] {strides = array<i32>} : memref<2x19x4x512xf32, #tpu.memory_space<vmem>>, vector<16xf32>,
        %get3A_650 = arith.constant 1 : i32
        %get3A_651 = arith.constant 7 : i32
        %get3A_652 = arith.constant 0 : i32
        %get3A_653 = arith.index_cast %get3A_650 : i32 to index
        %get3A_654 = arith.index_cast %get3A_651 : i32 to index
        %get3A_655 = arith.index_cast %get3A_652 : i32 to index
        %get3A_656 = arith.index_cast %mul3A_594 : i32 to index
        %get3A_657 = tpu.vector_load %arg5[%get3A_653, %get3A_654, %get3A_655, %get3A_656] {strides = array<i32>} : memref<2x19x4x512xf32, #tpu.memory_space<vmem>>, vector<16xf32>,
        %get3A_658 = arith.constant 1 : i32
        %get3A_659 = arith.constant 8 : i32
        %get3A_660 = arith.constant 0 : i32
        %get3A_661 = arith.index_cast %get3A_658 : i32 to index
        %get3A_662 = arith.index_cast %get3A_659 : i32 to index
        %get3A_663 = arith.index_cast %get3A_660 : i32 to index
        %get3A_664 = arith.index_cast %mul3A_594 : i32 to index
        %get3A_665 = tpu.vector_load %arg5[%get3A_661, %get3A_662, %get3A_663, %get3A_664] {strides = array<i32>} : memref<2x19x4x512xf32, #tpu.memory_space<vmem>>, vector<16xf32>,
        %get3A_666 = arith.constant 1 : i32
        %get3A_667 = arith.constant 9 : i32
        %get3A_668 = arith.constant 0 : i32
        %get3A_669 = arith.index_cast %get3A_666 : i32 to index
        %get3A_670 = arith.index_cast %get3A_667 : i32 to index
        %get3A_671 = arith.index_cast %get3A_668 : i32 to index
        %get3A_672 = arith.index_cast %mul3A_594 : i32 to index
        %get3A_673 = tpu.vector_load %arg5[%get3A_669, %get3A_670, %get3A_671, %get3A_672] {strides = array<i32>} : memref<2x19x4x512xf32, #tpu.memory_space<vmem>>, vector<16xf32>,
        %get3A_674 = arith.constant 1 : i32
        %get3A_675 = arith.constant 10 : i32
        %get3A_676 = arith.constant 0 : i32
        %get3A_677 = arith.index_cast %get3A_674 : i32 to index
        %get3A_678 = arith.index_cast %get3A_675 : i32 to index
        %get3A_679 = arith.index_cast %get3A_676 : i32 to index
        %get3A_680 = arith.index_cast %mul3A_594 : i32 to index
        %get3A_681 = tpu.vector_load %arg5[%get3A_677, %get3A_678, %get3A_679, %get3A_680] {strides = array<i32>} : memref<2x19x4x512xf32, #tpu.memory_space<vmem>>, vector<16xf32>,
        %get3A_682 = arith.constant 1 : i32
        %get3A_683 = arith.constant 11 : i32
        %get3A_684 = arith.constant 0 : i32
        %get3A_685 = arith.index_cast %get3A_682 : i32 to index
        %get3A_686 = arith.index_cast %get3A_683 : i32 to index
        %get3A_687 = arith.index_cast %get3A_684 : i32 to index
        %get3A_688 = arith.index_cast %mul3A_594 : i32 to index
        %get3A_689 = tpu.vector_load %arg5[%get3A_685, %get3A_686, %get3A_687, %get3A_688] {strides = array<i32>} : memref<2x19x4x512xf32, #tpu.memory_space<vmem>>, vector<16xf32>,
        %get3A_690 = arith.constant 1 : i32
        %get3A_691 = arith.constant 12 : i32
        %get3A_692 = arith.constant 0 : i32
        %get3A_693 = arith.index_cast %get3A_690 : i32 to index
        %get3A_694 = arith.index_cast %get3A_691 : i32 to index
        %get3A_695 = arith.index_cast %get3A_692 : i32 to index
        %get3A_696 = arith.index_cast %mul3A_594 : i32 to index
        %get3A_697 = tpu.vector_load %arg5[%get3A_693, %get3A_694, %get3A_695, %get3A_696] {strides = array<i32>} : memref<2x19x4x512xf32, #tpu.memory_space<vmem>>, vector<16xf32>,
        %get3A_698 = arith.constant 1 : i32
        %get3A_699 = arith.constant 13 : i32
        %get3A_700 = arith.constant 0 : i32
        %get3A_701 = arith.index_cast %get3A_698 : i32 to index
        %get3A_702 = arith.index_cast %get3A_699 : i32 to index
        %get3A_703 = arith.index_cast %get3A_700 : i32 to index
        %get3A_704 = arith.index_cast %mul3A_594 : i32 to index
        %get3A_705 = tpu.vector_load %arg5[%get3A_701, %get3A_702, %get3A_703, %get3A_704] {strides = array<i32>} : memref<2x19x4x512xf32, #tpu.memory_space<vmem>>, vector<16xf32>,
        %get3A_706 = arith.constant 1 : i32
        %get3A_707 = arith.constant 14 : i32
        %get3A_708 = arith.constant 0 : i32
        %get3A_709 = arith.index_cast %get3A_706 : i32 to index
        %get3A_710 = arith.index_cast %get3A_707 : i32 to index
        %get3A_711 = arith.index_cast %get3A_708 : i32 to index
        %get3A_712 = arith.index_cast %mul3A_594 : i32 to index
        %get3A_713 = tpu.vector_load %arg5[%get3A_709, %get3A_710, %get3A_711, %get3A_712] {strides = array<i32>} : memref<2x19x4x512xf32, #tpu.memory_space<vmem>>, vector<16xf32>,
        %get3A_714 = arith.constant 1 : i32
        %get3A_715 = arith.constant 15 : i32
        %get3A_716 = arith.constant 0 : i32
        %get3A_717 = arith.index_cast %get3A_714 : i32 to index
        %get3A_718 = arith.index_cast %get3A_715 : i32 to index
        %get3A_719 = arith.index_cast %get3A_716 : i32 to index
        %get3A_720 = arith.index_cast %mul3A_594 : i32 to index
        %get3A_721 = tpu.vector_load %arg5[%get3A_717, %get3A_718, %get3A_719, %get3A_720] {strides = array<i32>} : memref<2x19x4x512xf32, #tpu.memory_space<vmem>>, vector<16xf32>,
        %get3A_722 = arith.constant 1 : i32
        %get3A_723 = arith.constant 16 : i32
        %get3A_724 = arith.constant 0 : i32
        %get3A_725 = arith.index_cast %get3A_722 : i32 to index
        %get3A_726 = arith.index_cast %get3A_723 : i32 to index
        %get3A_727 = arith.index_cast %get3A_724 : i32 to index
        %get3A_728 = arith.index_cast %mul3A_594 : i32 to index
        %get3A_729 = tpu.vector_load %arg5[%get3A_725, %get3A_726, %get3A_727, %get3A_728] {strides = array<i32>} : memref<2x19x4x512xf32, #tpu.memory_space<vmem>>, vector<16xf32>,
        %get3A_730 = arith.constant 1 : i32
        %get3A_731 = arith.constant 17 : i32
        %get3A_732 = arith.constant 0 : i32
        %get3A_733 = arith.index_cast %get3A_730 : i32 to index
        %get3A_734 = arith.index_cast %get3A_731 : i32 to index
        %get3A_735 = arith.index_cast %get3A_732 : i32 to index
        %get3A_736 = arith.index_cast %mul3A_594 : i32 to index
        %get3A_737 = tpu.vector_load %arg5[%get3A_733, %get3A_734, %get3A_735, %get3A_736] {strides = array<i32>} : memref<2x19x4x512xf32, #tpu.memory_space<vmem>>, vector<16xf32>,
        %get3A_738 = arith.constant 1 : i32
        %get3A_739 = arith.constant 18 : i32
        %get3A_740 = arith.constant 0 : i32
        %get3A_741 = arith.index_cast %get3A_738 : i32 to index
        %get3A_742 = arith.index_cast %get3A_739 : i32 to index
        %get3A_743 = arith.index_cast %get3A_740 : i32 to index
        %get3A_744 = arith.index_cast %mul3A_594 : i32 to index
        %get3A_745 = tpu.vector_load %arg5[%get3A_741, %get3A_742, %get3A_743, %get3A_744] {strides = array<i32>} : memref<2x19x4x512xf32, #tpu.memory_space<vmem>>, vector<16xf32>,
        %add3A_746 = arith.addf %get3A_601, %get3A_609 : vector<16xf32>
        %add3A_747 = arith.addf %add3A_746, %get3A_617 : vector<16xf32>
        %add3A_748 = arith.addf %add3A_747, %get3A_625 : vector<16xf32>
        %add3A_749 = arith.addf %add3A_748, %get3A_633 : vector<16xf32>
        %add3A_750 = arith.addf %add3A_749, %get3A_641 : vector<16xf32>
        %add3A_751 = arith.addf %add3A_750, %get3A_649 : vector<16xf32>
        %add3A_752 = arith.addf %add3A_751, %get3A_657 : vector<16xf32>
        %add3A_753 = arith.addf %add3A_752, %get3A_665 : vector<16xf32>
        %add3A_754 = arith.addf %add3A_753, %get3A_673 : vector<16xf32>
        %add3A_755 = arith.addf %add3A_754, %get3A_681 : vector<16xf32>
        %add3A_756 = arith.addf %add3A_755, %get3A_689 : vector<16xf32>
        %add3A_757 = arith.addf %add3A_756, %get3A_697 : vector<16xf32>
        %add3A_758 = arith.addf %add3A_757, %get3A_705 : vector<16xf32>
        %add3A_759 = arith.addf %add3A_758, %get3A_713 : vector<16xf32>
        %add3A_760 = arith.addf %add3A_759, %get3A_721 : vector<16xf32>
        %add3A_761 = arith.addf %add3A_760, %get3A_729 : vector<16xf32>
        %add3A_762 = arith.addf %add3A_761, %get3A_737 : vector<16xf32>
        %add3A_763 = arith.addf %add3A_762, %get3A_745 : vector<16xf32>
        %exp3A = math.exp %get3A_601 : vector<16xf32>
        %exp3A_764 = math.exp %get3A_609 : vector<16xf32>
        %add3A_765 = arith.addf %exp3A, %exp3A_764 : vector<16xf32>
        %exp3A_766 = math.exp %get3A_617 : vector<16xf32>
        %add3A_767 = arith.addf %add3A_765, %exp3A_766 : vector<16xf32>
        %exp3A_768 = math.exp %get3A_625 : vector<16xf32>
        %add3A_769 = arith.addf %add3A_767, %exp3A_768 : vector<16xf32>
        %exp3A_770 = math.exp %get3A_633 : vector<16xf32>
        %add3A_771 = arith.addf %add3A_769, %exp3A_770 : vector<16xf32>
        %exp3A_772 = math.exp %get3A_641 : vector<16xf32>
        %add3A_773 = arith.addf %add3A_771, %exp3A_772 : vector<16xf32>
        %exp3A_774 = math.exp %get3A_649 : vector<16xf32>
        %add3A_775 = arith.addf %add3A_773, %exp3A_774 : vector<16xf32>
        %exp3A_776 = math.exp %get3A_657 : vector<16xf32>
        %add3A_777 = arith.addf %add3A_775, %exp3A_776 : vector<16xf32>
        %exp3A_778 = math.exp %get3A_665 : vector<16xf32>
        %add3A_779 = arith.addf %add3A_777, %exp3A_778 : vector<16xf32>
        %exp3A_780 = math.exp %get3A_673 : vector<16xf32>
        %add3A_781 = arith.addf %add3A_779, %exp3A_780 : vector<16xf32>
        %exp3A_782 = math.exp %get3A_681 : vector<16xf32>
        %add3A_783 = arith.addf %add3A_781, %exp3A_782 : vector<16xf32>
        %exp3A_784 = math.exp %get3A_689 : vector<16xf32>
        %add3A_785 = arith.addf %add3A_783, %exp3A_784 : vector<16xf32>
        %exp3A_786 = math.exp %get3A_697 : vector<16xf32>
        %add3A_787 = arith.addf %add3A_785, %exp3A_786 : vector<16xf32>
        %exp3A_788 = math.exp %get3A_705 : vector<16xf32>
        %add3A_789 = arith.addf %add3A_787, %exp3A_788 : vector<16xf32>
        %exp3A_790 = math.exp %get3A_713 : vector<16xf32>
        %add3A_791 = arith.addf %add3A_789, %exp3A_790 : vector<16xf32>
        %exp3A_792 = math.exp %get3A_721 : vector<16xf32>
        %add3A_793 = arith.addf %add3A_791, %exp3A_792 : vector<16xf32>
        %exp3A_794 = math.exp %get3A_729 : vector<16xf32>
        %add3A_795 = arith.addf %add3A_793, %exp3A_794 : vector<16xf32>
        %exp3A_796 = math.exp %get3A_737 : vector<16xf32>
        %add3A_797 = arith.addf %add3A_795, %exp3A_796 : vector<16xf32>
        %exp3A_798 = math.exp %get3A_745 : vector<16xf32>
        %add3A_799 = arith.addf %add3A_797, %exp3A_798 : vector<16xf32>
        %bitcast_convert_type3A = tpu.bitcast %add3A_799 : vector<16xf32> -> vector<16xi32>
        %shift_right_logical3A = arith.constant 23 : i32
        %shift_right_logical3A_800 = vector.broadcast %shift_right_logical3A : i32 to vector<16xi32>
        %shift_right_logical3A_801 = arith.shrui %bitcast_convert_type3A, %shift_right_logical3A_800 : vector<16xi32>
        %sub3A_802 = arith.constant 127 : i32
        %sub3A_803 = vector.broadcast %sub3A_802 : i32 to vector<16xi32>
        %sub3A_804 = arith.subi %shift_right_logical3A_801, %sub3A_803 : vector<16xi32>
        %and3A_805 = arith.constant 8388607 : i32
        %and3A_806 = vector.broadcast %and3A_805 : i32 to vector<16xi32>
        %and3A_807 = arith.andi %bitcast_convert_type3A, %and3A_806 : vector<16xi32>
        %or3A = arith.constant 1065353216 : i32
        %or3A_808 = vector.broadcast %or3A : i32 to vector<16xi32>
        %or3A_809 = arith.ori %and3A_807, %or3A_808 : vector<16xi32>
        %bitcast_convert_type3A_810 = tpu.bitcast %or3A_809 : vector<16xi32> -> vector<16xf32>
        %gt3A = arith.constant 1.41421354 : f32
        %gt3A_811 = vector.broadcast %gt3A : f32 to vector<16xf32>
        %gt3A_812 = arith.cmpf ogt, %bitcast_convert_type3A_810, %gt3A_811 : vector<16xf32>
        %mul3A_813 = arith.constant 5.000000e-01 : f32
        %mul3A_814 = vector.broadcast %mul3A_813 : f32 to vector<16xf32>
        %mul3A_815 = arith.mulf %bitcast_convert_type3A_810, %mul3A_814 : vector<16xf32>
        %select_n3A_816 = arith.select %gt3A_812, %mul3A_815, %bitcast_convert_type3A_810 : vector<16xi1>, vector<16xf32>
        %convert_element_type3A = arith.sitofp %sub3A_804 : vector<16xi32> to vector<16xf32>
        %jit3A_817 = arith.constant 1.000000e+00 : f32
        %jit3A_818 = arith.constant 0.000000e+00 : f32
        %broadcast_in_dim3A_819 = vector.broadcast %jit3A_817 : f32 to vector<16xf32>
        %broadcast_in_dim3A_820 = vector.broadcast %jit3A_818 : f32 to vector<16xf32>
        %select_n3A_821 = arith.select %gt3A_812, %broadcast_in_dim3A_819, %broadcast_in_dim3A_820 : vector<16xi1>, vector<16xf32>
        %add3A_822 = arith.addf %convert_element_type3A, %select_n3A_821 : vector<16xf32>
        %sub3A_823 = arith.constant 1.000000e+00 : f32
        %sub3A_824 = vector.broadcast %sub3A_823 : f32 to vector<16xf32>
        %sub3A_825 = arith.subf %select_n3A_816, %sub3A_824 : vector<16xf32>
        %add3A_826 = arith.constant 1.000000e+00 : f32
        %add3A_827 = vector.broadcast %add3A_826 : f32 to vector<16xf32>
        %add3A_828 = arith.addf %select_n3A_816, %add3A_827 : vector<16xf32>
        %div3A_829 = arith.divf %sub3A_825, %add3A_828 : vector<16xf32>
        %mul3A_830 = arith.mulf %div3A_829, %div3A_829 : vector<16xf32>
        %mul3A_831 = arith.constant 0.285714298 : f32
        %mul3A_832 = vector.broadcast %mul3A_831 : f32 to vector<16xf32>
        %mul3A_833 = arith.mulf %mul3A_830, %mul3A_832 : vector<16xf32>
        %add3A_834 = arith.constant 4.000000e-01 : f32
        %add3A_835 = vector.broadcast %add3A_834 : f32 to vector<16xf32>
        %add3A_836 = arith.addf %add3A_835, %mul3A_833 : vector<16xf32>
        %mul3A_837 = arith.mulf %mul3A_830, %add3A_836 : vector<16xf32>
        %add3A_838 = arith.constant 0.666666686 : f32
        %add3A_839 = vector.broadcast %add3A_838 : f32 to vector<16xf32>
        %add3A_840 = arith.addf %add3A_839, %mul3A_837 : vector<16xf32>
        %mul3A_841 = arith.mulf %mul3A_830, %add3A_840 : vector<16xf32>
        %add3A_842 = arith.constant 2.000000e+00 : f32
        %add3A_843 = vector.broadcast %add3A_842 : f32 to vector<16xf32>
        %add3A_844 = arith.addf %add3A_843, %mul3A_841 : vector<16xf32>
        %mul3A_845 = arith.mulf %div3A_829, %add3A_844 : vector<16xf32>
        %mul3A_846 = arith.constant 0.693147182 : f32
        %mul3A_847 = vector.broadcast %mul3A_846 : f32 to vector<16xf32>
        %mul3A_848 = arith.mulf %add3A_822, %mul3A_847 : vector<16xf32>
        %add3A_849 = arith.addf %mul3A_848, %mul3A_845 : vector<16xf32>
        %get3A_850 = arith.constant 1 : i32
        %get3A_851 = arith.constant 0 : i32
        %get3A_852 = arith.index_cast %get3A_850 : i32 to index
        %get3A_853 = arith.index_cast %get3A_851 : i32 to index
        %get3A_854 = arith.index_cast %mul3A_594 : i32 to index
        %get3A_855 = tpu.vector_load %arg6[%get3A_852, %get3A_853, %get3A_854] {strides = array<i32>} : memref<2x4x512xi32, #tpu.memory_space<vmem>>, vector<16xi32>,
        %ne3A_856 = arith.constant 255 : i32
        %ne3A_857 = vector.broadcast %ne3A_856 : i32 to vector<16xi32>
        %ne3A_858 = arith.cmpi ne, %get3A_855, %ne3A_857 : vector<16xi32>
        %jit3A_859 = arith.constant 0 : i32
        %broadcast_in_dim3A_860 = vector.broadcast %jit3A_859 : i32 to vector<16xi32>
        %select_n3A_861 = arith.select %ne3A_858, %get3A_855, %broadcast_in_dim3A_860 : vector<16xi1>, vector<16xi32>
        %broadcast_in_dim3A_862 = arith.constant 0 : i32
        %broadcast_in_dim3A_863 = vector.broadcast %broadcast_in_dim3A_862 : i32 to vector<16xi32>
        %add3A_864 = vector.broadcast %mul3A_594 : i32 to vector<16xi32>
        %add3A_865 = arith.addi %add3A_864, %iota3A : vector<16xi32>
        %gather3A = arith.constant 1 : i32
        %gather3A_866 = arith.constant 0 : i32
        %gather3A_867 = arith.constant 0 : i32
        %gather3A_868 = arith.constant 0 : i32
        %gather3A_869 = tpu.memref_slice %arg5[%gather3A, %gather3A_866, %gather3A_867, %gather3A_868] : memref<2x19x4x512xf32, #tpu.memory_space<vmem>> -> memref<1x19x4x512xf32, #tpu.memory_space<vmem>>
        %gather3A_870 = tpu.memref_squeeze %gather3A_869 : memref<1x19x4x512xf32, #tpu.memory_space<vmem>> -> memref<19x4x512xf32, #tpu.memory_space<vmem>>
        %gather3A_871 = tpu.vector_load_idx %gather3A_870[%select_n3A_861, %broadcast_in_dim3A_863, %add3A_865] : memref<19x4x512xf32, #tpu.memory_space<vmem>>[vector<16xi32>, vector<16xi32>, vector<16xi32>], vector<16xf32>,
        %mul3A_872 = arith.constant 0.00555555569 : f32
        %mul3A_873 = vector.broadcast %mul3A_872 : f32 to vector<16xf32>
        %mul3A_874 = arith.mulf %mul3A_873, %add3A_763 : vector<16xf32>
        %sub3A_875 = arith.subf %add3A_849, %mul3A_874 : vector<16xf32>
        %mul3A_876 = arith.constant 0.894444465 : f32
        %mul3A_877 = vector.broadcast %mul3A_876 : f32 to vector<16xf32>
        %mul3A_878 = arith.mulf %mul3A_877, %gather3A_871 : vector<16xf32>
        %sub3A_879 = arith.subf %sub3A_875, %mul3A_878 : vector<16xf32>
        %jit3A_880 = arith.constant 0.000000e+00 : f32
        %broadcast_in_dim3A_881 = vector.broadcast %jit3A_880 : f32 to vector<16xf32>
        %select_n3A_882 = arith.select %ne3A_858, %sub3A_879, %broadcast_in_dim3A_881 : vector<16xi1>, vector<16xf32>
        %add3A_883 = arith.addf %scan3A_592, %select_n3A_882 : vector<16xf32>
        scf.yield %add3A_883 : vector<16xf32>
      }
      %scan3A_483 = arith.constant 32 : i32
      %scan3A_484 = arith.constant 0 : i32
      %scan3A_485 = arith.constant 32 : i32
      %scan3A_486 = arith.addi %scan3A_484, %scan3A_485 : i32
      %scan3A_487 = arith.constant 1 : i32
      %scan3A_488 = scf.for %scan3A_591 = %scan3A_484 to %scan3A_486 step %scan3A_487 iter_args(%scan3A_592 = %scan3A_482) -> (vector<16xf32>)  : i32 {
        %mul3A_593 = arith.constant 16 : i32
        %mul3A_594 = arith.muli %scan3A_591, %mul3A_593 : i32
        %get3A = arith.constant 1 : i32
        %get3A_595 = arith.constant 0 : i32
        %get3A_596 = arith.constant 1 : i32
        %get3A_597 = arith.index_cast %get3A : i32 to index
        %get3A_598 = arith.index_cast %get3A_595 : i32 to index
        %get3A_599 = arith.index_cast %get3A_596 : i32 to index
        %get3A_600 = arith.index_cast %mul3A_594 : i32 to index
        %get3A_601 = tpu.vector_load %arg5[%get3A_597, %get3A_598, %get3A_599, %get3A_600] {strides = array<i32>} : memref<2x19x4x512xf32, #tpu.memory_space<vmem>>, vector<16xf32>,
        %get3A_602 = arith.constant 1 : i32
        %get3A_603 = arith.constant 1 : i32
        %get3A_604 = arith.constant 1 : i32
        %get3A_605 = arith.index_cast %get3A_602 : i32 to index
        %get3A_606 = arith.index_cast %get3A_603 : i32 to index
        %get3A_607 = arith.index_cast %get3A_604 : i32 to index
        %get3A_608 = arith.index_cast %mul3A_594 : i32 to index
        %get3A_609 = tpu.vector_load %arg5[%get3A_605, %get3A_606, %get3A_607, %get3A_608] {strides = array<i32>} : memref<2x19x4x512xf32, #tpu.memory_space<vmem>>, vector<16xf32>,
        %get3A_610 = arith.constant 1 : i32
        %get3A_611 = arith.constant 2 : i32
        %get3A_612 = arith.constant 1 : i32
        %get3A_613 = arith.index_cast %get3A_610 : i32 to index
        %get3A_614 = arith.index_cast %get3A_611 : i32 to index
        %get3A_615 = arith.index_cast %get3A_612 : i32 to index
        %get3A_616 = arith.index_cast %mul3A_594 : i32 to index
        %get3A_617 = tpu.vector_load %arg5[%get3A_613, %get3A_614, %get3A_615, %get3A_616] {strides = array<i32>} : memref<2x19x4x512xf32, #tpu.memory_space<vmem>>, vector<16xf32>,
        %get3A_618 = arith.constant 1 : i32
        %get3A_619 = arith.constant 3 : i32
        %get3A_620 = arith.constant 1 : i32
        %get3A_621 = arith.index_cast %get3A_618 : i32 to index
        %get3A_622 = arith.index_cast %get3A_619 : i32 to index
        %get3A_623 = arith.index_cast %get3A_620 : i32 to index
        %get3A_624 = arith.index_cast %mul3A_594 : i32 to index
        %get3A_625 = tpu.vector_load %arg5[%get3A_621, %get3A_622, %get3A_623, %get3A_624] {strides = array<i32>} : memref<2x19x4x512xf32, #tpu.memory_space<vmem>>, vector<16xf32>,
        %get3A_626 = arith.constant 1 : i32
        %get3A_627 = arith.constant 4 : i32
        %get3A_628 = arith.constant 1 : i32
        %get3A_629 = arith.index_cast %get3A_626 : i32 to index
        %get3A_630 = arith.index_cast %get3A_627 : i32 to index
        %get3A_631 = arith.index_cast %get3A_628 : i32 to index
        %get3A_632 = arith.index_cast %mul3A_594 : i32 to index
        %get3A_633 = tpu.vector_load %arg5[%get3A_629, %get3A_630, %get3A_631, %get3A_632] {strides = array<i32>} : memref<2x19x4x512xf32, #tpu.memory_space<vmem>>, vector<16xf32>,
        %get3A_634 = arith.constant 1 : i32
        %get3A_635 = arith.constant 5 : i32
        %get3A_636 = arith.constant 1 : i32
        %get3A_637 = arith.index_cast %get3A_634 : i32 to index
        %get3A_638 = arith.index_cast %get3A_635 : i32 to index
        %get3A_639 = arith.index_cast %get3A_636 : i32 to index
        %get3A_640 = arith.index_cast %mul3A_594 : i32 to index
        %get3A_641 = tpu.vector_load %arg5[%get3A_637, %get3A_638, %get3A_639, %get3A_640] {strides = array<i32>} : memref<2x19x4x512xf32, #tpu.memory_space<vmem>>, vector<16xf32>,
        %get3A_642 = arith.constant 1 : i32
        %get3A_643 = arith.constant 6 : i32
        %get3A_644 = arith.constant 1 : i32
        %get3A_645 = arith.index_cast %get3A_642 : i32 to index
        %get3A_646 = arith.index_cast %get3A_643 : i32 to index
        %get3A_647 = arith.index_cast %get3A_644 : i32 to index
        %get3A_648 = arith.index_cast %mul3A_594 : i32 to index
        %get3A_649 = tpu.vector_load %arg5[%get3A_645, %get3A_646, %get3A_647, %get3A_648] {strides = array<i32>} : memref<2x19x4x512xf32, #tpu.memory_space<vmem>>, vector<16xf32>,
        %get3A_650 = arith.constant 1 : i32
        %get3A_651 = arith.constant 7 : i32
        %get3A_652 = arith.constant 1 : i32
        %get3A_653 = arith.index_cast %get3A_650 : i32 to index
        %get3A_654 = arith.index_cast %get3A_651 : i32 to index
        %get3A_655 = arith.index_cast %get3A_652 : i32 to index
        %get3A_656 = arith.index_cast %mul3A_594 : i32 to index
        %get3A_657 = tpu.vector_load %arg5[%get3A_653, %get3A_654, %get3A_655, %get3A_656] {strides = array<i32>} : memref<2x19x4x512xf32, #tpu.memory_space<vmem>>, vector<16xf32>,
        %get3A_658 = arith.constant 1 : i32
        %get3A_659 = arith.constant 8 : i32
        %get3A_660 = arith.constant 1 : i32
        %get3A_661 = arith.index_cast %get3A_658 : i32 to index
        %get3A_662 = arith.index_cast %get3A_659 : i32 to index
        %get3A_663 = arith.index_cast %get3A_660 : i32 to index
        %get3A_664 = arith.index_cast %mul3A_594 : i32 to index
        %get3A_665 = tpu.vector_load %arg5[%get3A_661, %get3A_662, %get3A_663, %get3A_664] {strides = array<i32>} : memref<2x19x4x512xf32, #tpu.memory_space<vmem>>, vector<16xf32>,
        %get3A_666 = arith.constant 1 : i32
        %get3A_667 = arith.constant 9 : i32
        %get3A_668 = arith.constant 1 : i32
        %get3A_669 = arith.index_cast %get3A_666 : i32 to index
        %get3A_670 = arith.index_cast %get3A_667 : i32 to index
        %get3A_671 = arith.index_cast %get3A_668 : i32 to index
        %get3A_672 = arith.index_cast %mul3A_594 : i32 to index
        %get3A_673 = tpu.vector_load %arg5[%get3A_669, %get3A_670, %get3A_671, %get3A_672] {strides = array<i32>} : memref<2x19x4x512xf32, #tpu.memory_space<vmem>>, vector<16xf32>,
        %get3A_674 = arith.constant 1 : i32
        %get3A_675 = arith.constant 10 : i32
        %get3A_676 = arith.constant 1 : i32
        %get3A_677 = arith.index_cast %get3A_674 : i32 to index
        %get3A_678 = arith.index_cast %get3A_675 : i32 to index
        %get3A_679 = arith.index_cast %get3A_676 : i32 to index
        %get3A_680 = arith.index_cast %mul3A_594 : i32 to index
        %get3A_681 = tpu.vector_load %arg5[%get3A_677, %get3A_678, %get3A_679, %get3A_680] {strides = array<i32>} : memref<2x19x4x512xf32, #tpu.memory_space<vmem>>, vector<16xf32>,
        %get3A_682 = arith.constant 1 : i32
        %get3A_683 = arith.constant 11 : i32
        %get3A_684 = arith.constant 1 : i32
        %get3A_685 = arith.index_cast %get3A_682 : i32 to index
        %get3A_686 = arith.index_cast %get3A_683 : i32 to index
        %get3A_687 = arith.index_cast %get3A_684 : i32 to index
        %get3A_688 = arith.index_cast %mul3A_594 : i32 to index
        %get3A_689 = tpu.vector_load %arg5[%get3A_685, %get3A_686, %get3A_687, %get3A_688] {strides = array<i32>} : memref<2x19x4x512xf32, #tpu.memory_space<vmem>>, vector<16xf32>,
        %get3A_690 = arith.constant 1 : i32
        %get3A_691 = arith.constant 12 : i32
        %get3A_692 = arith.constant 1 : i32
        %get3A_693 = arith.index_cast %get3A_690 : i32 to index
        %get3A_694 = arith.index_cast %get3A_691 : i32 to index
        %get3A_695 = arith.index_cast %get3A_692 : i32 to index
        %get3A_696 = arith.index_cast %mul3A_594 : i32 to index
        %get3A_697 = tpu.vector_load %arg5[%get3A_693, %get3A_694, %get3A_695, %get3A_696] {strides = array<i32>} : memref<2x19x4x512xf32, #tpu.memory_space<vmem>>, vector<16xf32>,
        %get3A_698 = arith.constant 1 : i32
        %get3A_699 = arith.constant 13 : i32
        %get3A_700 = arith.constant 1 : i32
        %get3A_701 = arith.index_cast %get3A_698 : i32 to index
        %get3A_702 = arith.index_cast %get3A_699 : i32 to index
        %get3A_703 = arith.index_cast %get3A_700 : i32 to index
        %get3A_704 = arith.index_cast %mul3A_594 : i32 to index
        %get3A_705 = tpu.vector_load %arg5[%get3A_701, %get3A_702, %get3A_703, %get3A_704] {strides = array<i32>} : memref<2x19x4x512xf32, #tpu.memory_space<vmem>>, vector<16xf32>,
        %get3A_706 = arith.constant 1 : i32
        %get3A_707 = arith.constant 14 : i32
        %get3A_708 = arith.constant 1 : i32
        %get3A_709 = arith.index_cast %get3A_706 : i32 to index
        %get3A_710 = arith.index_cast %get3A_707 : i32 to index
        %get3A_711 = arith.index_cast %get3A_708 : i32 to index
        %get3A_712 = arith.index_cast %mul3A_594 : i32 to index
        %get3A_713 = tpu.vector_load %arg5[%get3A_709, %get3A_710, %get3A_711, %get3A_712] {strides = array<i32>} : memref<2x19x4x512xf32, #tpu.memory_space<vmem>>, vector<16xf32>,
        %get3A_714 = arith.constant 1 : i32
        %get3A_715 = arith.constant 15 : i32
        %get3A_716 = arith.constant 1 : i32
        %get3A_717 = arith.index_cast %get3A_714 : i32 to index
        %get3A_718 = arith.index_cast %get3A_715 : i32 to index
        %get3A_719 = arith.index_cast %get3A_716 : i32 to index
        %get3A_720 = arith.index_cast %mul3A_594 : i32 to index
        %get3A_721 = tpu.vector_load %arg5[%get3A_717, %get3A_718, %get3A_719, %get3A_720] {strides = array<i32>} : memref<2x19x4x512xf32, #tpu.memory_space<vmem>>, vector<16xf32>,
        %get3A_722 = arith.constant 1 : i32
        %get3A_723 = arith.constant 16 : i32
        %get3A_724 = arith.constant 1 : i32
        %get3A_725 = arith.index_cast %get3A_722 : i32 to index
        %get3A_726 = arith.index_cast %get3A_723 : i32 to index
        %get3A_727 = arith.index_cast %get3A_724 : i32 to index
        %get3A_728 = arith.index_cast %mul3A_594 : i32 to index
        %get3A_729 = tpu.vector_load %arg5[%get3A_725, %get3A_726, %get3A_727, %get3A_728] {strides = array<i32>} : memref<2x19x4x512xf32, #tpu.memory_space<vmem>>, vector<16xf32>,
        %get3A_730 = arith.constant 1 : i32
        %get3A_731 = arith.constant 17 : i32
        %get3A_732 = arith.constant 1 : i32
        %get3A_733 = arith.index_cast %get3A_730 : i32 to index
        %get3A_734 = arith.index_cast %get3A_731 : i32 to index
        %get3A_735 = arith.index_cast %get3A_732 : i32 to index
        %get3A_736 = arith.index_cast %mul3A_594 : i32 to index
        %get3A_737 = tpu.vector_load %arg5[%get3A_733, %get3A_734, %get3A_735, %get3A_736] {strides = array<i32>} : memref<2x19x4x512xf32, #tpu.memory_space<vmem>>, vector<16xf32>,
        %get3A_738 = arith.constant 1 : i32
        %get3A_739 = arith.constant 18 : i32
        %get3A_740 = arith.constant 1 : i32
        %get3A_741 = arith.index_cast %get3A_738 : i32 to index
        %get3A_742 = arith.index_cast %get3A_739 : i32 to index
        %get3A_743 = arith.index_cast %get3A_740 : i32 to index
        %get3A_744 = arith.index_cast %mul3A_594 : i32 to index
        %get3A_745 = tpu.vector_load %arg5[%get3A_741, %get3A_742, %get3A_743, %get3A_744] {strides = array<i32>} : memref<2x19x4x512xf32, #tpu.memory_space<vmem>>, vector<16xf32>,
        %add3A_746 = arith.addf %get3A_601, %get3A_609 : vector<16xf32>
        %add3A_747 = arith.addf %add3A_746, %get3A_617 : vector<16xf32>
        %add3A_748 = arith.addf %add3A_747, %get3A_625 : vector<16xf32>
        %add3A_749 = arith.addf %add3A_748, %get3A_633 : vector<16xf32>
        %add3A_750 = arith.addf %add3A_749, %get3A_641 : vector<16xf32>
        %add3A_751 = arith.addf %add3A_750, %get3A_649 : vector<16xf32>
        %add3A_752 = arith.addf %add3A_751, %get3A_657 : vector<16xf32>
        %add3A_753 = arith.addf %add3A_752, %get3A_665 : vector<16xf32>
        %add3A_754 = arith.addf %add3A_753, %get3A_673 : vector<16xf32>
        %add3A_755 = arith.addf %add3A_754, %get3A_681 : vector<16xf32>
        %add3A_756 = arith.addf %add3A_755, %get3A_689 : vector<16xf32>
        %add3A_757 = arith.addf %add3A_756, %get3A_697 : vector<16xf32>
        %add3A_758 = arith.addf %add3A_757, %get3A_705 : vector<16xf32>
        %add3A_759 = arith.addf %add3A_758, %get3A_713 : vector<16xf32>
        %add3A_760 = arith.addf %add3A_759, %get3A_721 : vector<16xf32>
        %add3A_761 = arith.addf %add3A_760, %get3A_729 : vector<16xf32>
        %add3A_762 = arith.addf %add3A_761, %get3A_737 : vector<16xf32>
        %add3A_763 = arith.addf %add3A_762, %get3A_745 : vector<16xf32>
        %exp3A = math.exp %get3A_601 : vector<16xf32>
        %exp3A_764 = math.exp %get3A_609 : vector<16xf32>
        %add3A_765 = arith.addf %exp3A, %exp3A_764 : vector<16xf32>
        %exp3A_766 = math.exp %get3A_617 : vector<16xf32>
        %add3A_767 = arith.addf %add3A_765, %exp3A_766 : vector<16xf32>
        %exp3A_768 = math.exp %get3A_625 : vector<16xf32>
        %add3A_769 = arith.addf %add3A_767, %exp3A_768 : vector<16xf32>
        %exp3A_770 = math.exp %get3A_633 : vector<16xf32>
        %add3A_771 = arith.addf %add3A_769, %exp3A_770 : vector<16xf32>
        %exp3A_772 = math.exp %get3A_641 : vector<16xf32>
        %add3A_773 = arith.addf %add3A_771, %exp3A_772 : vector<16xf32>
        %exp3A_774 = math.exp %get3A_649 : vector<16xf32>
        %add3A_775 = arith.addf %add3A_773, %exp3A_774 : vector<16xf32>
        %exp3A_776 = math.exp %get3A_657 : vector<16xf32>
        %add3A_777 = arith.addf %add3A_775, %exp3A_776 : vector<16xf32>
        %exp3A_778 = math.exp %get3A_665 : vector<16xf32>
        %add3A_779 = arith.addf %add3A_777, %exp3A_778 : vector<16xf32>
        %exp3A_780 = math.exp %get3A_673 : vector<16xf32>
        %add3A_781 = arith.addf %add3A_779, %exp3A_780 : vector<16xf32>
        %exp3A_782 = math.exp %get3A_681 : vector<16xf32>
        %add3A_783 = arith.addf %add3A_781, %exp3A_782 : vector<16xf32>
        %exp3A_784 = math.exp %get3A_689 : vector<16xf32>
        %add3A_785 = arith.addf %add3A_783, %exp3A_784 : vector<16xf32>
        %exp3A_786 = math.exp %get3A_697 : vector<16xf32>
        %add3A_787 = arith.addf %add3A_785, %exp3A_786 : vector<16xf32>
        %exp3A_788 = math.exp %get3A_705 : vector<16xf32>
        %add3A_789 = arith.addf %add3A_787, %exp3A_788 : vector<16xf32>
        %exp3A_790 = math.exp %get3A_713 : vector<16xf32>
        %add3A_791 = arith.addf %add3A_789, %exp3A_790 : vector<16xf32>
        %exp3A_792 = math.exp %get3A_721 : vector<16xf32>
        %add3A_793 = arith.addf %add3A_791, %exp3A_792 : vector<16xf32>
        %exp3A_794 = math.exp %get3A_729 : vector<16xf32>
        %add3A_795 = arith.addf %add3A_793, %exp3A_794 : vector<16xf32>
        %exp3A_796 = math.exp %get3A_737 : vector<16xf32>
        %add3A_797 = arith.addf %add3A_795, %exp3A_796 : vector<16xf32>
        %exp3A_798 = math.exp %get3A_745 : vector<16xf32>
        %add3A_799 = arith.addf %add3A_797, %exp3A_798 : vector<16xf32>
        %bitcast_convert_type3A = tpu.bitcast %add3A_799 : vector<16xf32> -> vector<16xi32>
        %shift_right_logical3A = arith.constant 23 : i32
        %shift_right_logical3A_800 = vector.broadcast %shift_right_logical3A : i32 to vector<16xi32>
        %shift_right_logical3A_801 = arith.shrui %bitcast_convert_type3A, %shift_right_logical3A_800 : vector<16xi32>
        %sub3A_802 = arith.constant 127 : i32
        %sub3A_803 = vector.broadcast %sub3A_802 : i32 to vector<16xi32>
        %sub3A_804 = arith.subi %shift_right_logical3A_801, %sub3A_803 : vector<16xi32>
        %and3A_805 = arith.constant 8388607 : i32
        %and3A_806 = vector.broadcast %and3A_805 : i32 to vector<16xi32>
        %and3A_807 = arith.andi %bitcast_convert_type3A, %and3A_806 : vector<16xi32>
        %or3A = arith.constant 1065353216 : i32
        %or3A_808 = vector.broadcast %or3A : i32 to vector<16xi32>
        %or3A_809 = arith.ori %and3A_807, %or3A_808 : vector<16xi32>
        %bitcast_convert_type3A_810 = tpu.bitcast %or3A_809 : vector<16xi32> -> vector<16xf32>
        %gt3A = arith.constant 1.41421354 : f32
        %gt3A_811 = vector.broadcast %gt3A : f32 to vector<16xf32>
        %gt3A_812 = arith.cmpf ogt, %bitcast_convert_type3A_810, %gt3A_811 : vector<16xf32>
        %mul3A_813 = arith.constant 5.000000e-01 : f32
        %mul3A_814 = vector.broadcast %mul3A_813 : f32 to vector<16xf32>
        %mul3A_815 = arith.mulf %bitcast_convert_type3A_810, %mul3A_814 : vector<16xf32>
        %select_n3A_816 = arith.select %gt3A_812, %mul3A_815, %bitcast_convert_type3A_810 : vector<16xi1>, vector<16xf32>
        %convert_element_type3A = arith.sitofp %sub3A_804 : vector<16xi32> to vector<16xf32>
        %jit3A_817 = arith.constant 1.000000e+00 : f32
        %jit3A_818 = arith.constant 0.000000e+00 : f32
        %broadcast_in_dim3A_819 = vector.broadcast %jit3A_817 : f32 to vector<16xf32>
        %broadcast_in_dim3A_820 = vector.broadcast %jit3A_818 : f32 to vector<16xf32>
        %select_n3A_821 = arith.select %gt3A_812, %broadcast_in_dim3A_819, %broadcast_in_dim3A_820 : vector<16xi1>, vector<16xf32>
        %add3A_822 = arith.addf %convert_element_type3A, %select_n3A_821 : vector<16xf32>
        %sub3A_823 = arith.constant 1.000000e+00 : f32
        %sub3A_824 = vector.broadcast %sub3A_823 : f32 to vector<16xf32>
        %sub3A_825 = arith.subf %select_n3A_816, %sub3A_824 : vector<16xf32>
        %add3A_826 = arith.constant 1.000000e+00 : f32
        %add3A_827 = vector.broadcast %add3A_826 : f32 to vector<16xf32>
        %add3A_828 = arith.addf %select_n3A_816, %add3A_827 : vector<16xf32>
        %div3A_829 = arith.divf %sub3A_825, %add3A_828 : vector<16xf32>
        %mul3A_830 = arith.mulf %div3A_829, %div3A_829 : vector<16xf32>
        %mul3A_831 = arith.constant 0.285714298 : f32
        %mul3A_832 = vector.broadcast %mul3A_831 : f32 to vector<16xf32>
        %mul3A_833 = arith.mulf %mul3A_830, %mul3A_832 : vector<16xf32>
        %add3A_834 = arith.constant 4.000000e-01 : f32
        %add3A_835 = vector.broadcast %add3A_834 : f32 to vector<16xf32>
        %add3A_836 = arith.addf %add3A_835, %mul3A_833 : vector<16xf32>
        %mul3A_837 = arith.mulf %mul3A_830, %add3A_836 : vector<16xf32>
        %add3A_838 = arith.constant 0.666666686 : f32
        %add3A_839 = vector.broadcast %add3A_838 : f32 to vector<16xf32>
        %add3A_840 = arith.addf %add3A_839, %mul3A_837 : vector<16xf32>
        %mul3A_841 = arith.mulf %mul3A_830, %add3A_840 : vector<16xf32>
        %add3A_842 = arith.constant 2.000000e+00 : f32
        %add3A_843 = vector.broadcast %add3A_842 : f32 to vector<16xf32>
        %add3A_844 = arith.addf %add3A_843, %mul3A_841 : vector<16xf32>
        %mul3A_845 = arith.mulf %div3A_829, %add3A_844 : vector<16xf32>
        %mul3A_846 = arith.constant 0.693147182 : f32
        %mul3A_847 = vector.broadcast %mul3A_846 : f32 to vector<16xf32>
        %mul3A_848 = arith.mulf %add3A_822, %mul3A_847 : vector<16xf32>
        %add3A_849 = arith.addf %mul3A_848, %mul3A_845 : vector<16xf32>
        %get3A_850 = arith.constant 1 : i32
        %get3A_851 = arith.constant 1 : i32
        %get3A_852 = arith.index_cast %get3A_850 : i32 to index
        %get3A_853 = arith.index_cast %get3A_851 : i32 to index
        %get3A_854 = arith.index_cast %mul3A_594 : i32 to index
        %get3A_855 = tpu.vector_load %arg6[%get3A_852, %get3A_853, %get3A_854] {strides = array<i32>} : memref<2x4x512xi32, #tpu.memory_space<vmem>>, vector<16xi32>,
        %ne3A_856 = arith.constant 255 : i32
        %ne3A_857 = vector.broadcast %ne3A_856 : i32 to vector<16xi32>
        %ne3A_858 = arith.cmpi ne, %get3A_855, %ne3A_857 : vector<16xi32>
        %jit3A_859 = arith.constant 0 : i32
        %broadcast_in_dim3A_860 = vector.broadcast %jit3A_859 : i32 to vector<16xi32>
        %select_n3A_861 = arith.select %ne3A_858, %get3A_855, %broadcast_in_dim3A_860 : vector<16xi1>, vector<16xi32>
        %broadcast_in_dim3A_862 = arith.constant 1 : i32
        %broadcast_in_dim3A_863 = vector.broadcast %broadcast_in_dim3A_862 : i32 to vector<16xi32>
        %add3A_864 = vector.broadcast %mul3A_594 : i32 to vector<16xi32>
        %add3A_865 = arith.addi %add3A_864, %iota3A : vector<16xi32>
        %gather3A = arith.constant 1 : i32
        %gather3A_866 = arith.constant 0 : i32
        %gather3A_867 = arith.constant 0 : i32
        %gather3A_868 = arith.constant 0 : i32
        %gather3A_869 = tpu.memref_slice %arg5[%gather3A, %gather3A_866, %gather3A_867, %gather3A_868] : memref<2x19x4x512xf32, #tpu.memory_space<vmem>> -> memref<1x19x4x512xf32, #tpu.memory_space<vmem>>
        %gather3A_870 = tpu.memref_squeeze %gather3A_869 : memref<1x19x4x512xf32, #tpu.memory_space<vmem>> -> memref<19x4x512xf32, #tpu.memory_space<vmem>>
        %gather3A_871 = tpu.vector_load_idx %gather3A_870[%select_n3A_861, %broadcast_in_dim3A_863, %add3A_865] : memref<19x4x512xf32, #tpu.memory_space<vmem>>[vector<16xi32>, vector<16xi32>, vector<16xi32>], vector<16xf32>,
        %mul3A_872 = arith.constant 0.00555555569 : f32
        %mul3A_873 = vector.broadcast %mul3A_872 : f32 to vector<16xf32>
        %mul3A_874 = arith.mulf %mul3A_873, %add3A_763 : vector<16xf32>
        %sub3A_875 = arith.subf %add3A_849, %mul3A_874 : vector<16xf32>
        %mul3A_876 = arith.constant 0.894444465 : f32
        %mul3A_877 = vector.broadcast %mul3A_876 : f32 to vector<16xf32>
        %mul3A_878 = arith.mulf %mul3A_877, %gather3A_871 : vector<16xf32>
        %sub3A_879 = arith.subf %sub3A_875, %mul3A_878 : vector<16xf32>
        %jit3A_880 = arith.constant 0.000000e+00 : f32
        %broadcast_in_dim3A_881 = vector.broadcast %jit3A_880 : f32 to vector<16xf32>
        %select_n3A_882 = arith.select %ne3A_858, %sub3A_879, %broadcast_in_dim3A_881 : vector<16xi1>, vector<16xf32>
        %add3A_883 = arith.addf %scan3A_592, %select_n3A_882 : vector<16xf32>
        scf.yield %add3A_883 : vector<16xf32>
      }
      %scan3A_489 = arith.constant 32 : i32
      %scan3A_490 = arith.constant 0 : i32
      %scan3A_491 = arith.constant 32 : i32
      %scan3A_492 = arith.addi %scan3A_490, %scan3A_491 : i32
      %scan3A_493 = arith.constant 1 : i32
      %scan3A_494 = scf.for %scan3A_591 = %scan3A_490 to %scan3A_492 step %scan3A_493 iter_args(%scan3A_592 = %scan3A_488) -> (vector<16xf32>)  : i32 {
        %mul3A_593 = arith.constant 16 : i32
        %mul3A_594 = arith.muli %scan3A_591, %mul3A_593 : i32
        %get3A = arith.constant 1 : i32
        %get3A_595 = arith.constant 0 : i32
        %get3A_596 = arith.constant 2 : i32
        %get3A_597 = arith.index_cast %get3A : i32 to index
        %get3A_598 = arith.index_cast %get3A_595 : i32 to index
        %get3A_599 = arith.index_cast %get3A_596 : i32 to index
        %get3A_600 = arith.index_cast %mul3A_594 : i32 to index
        %get3A_601 = tpu.vector_load %arg5[%get3A_597, %get3A_598, %get3A_599, %get3A_600] {strides = array<i32>} : memref<2x19x4x512xf32, #tpu.memory_space<vmem>>, vector<16xf32>,
        %get3A_602 = arith.constant 1 : i32
        %get3A_603 = arith.constant 1 : i32
        %get3A_604 = arith.constant 2 : i32
        %get3A_605 = arith.index_cast %get3A_602 : i32 to index
        %get3A_606 = arith.index_cast %get3A_603 : i32 to index
        %get3A_607 = arith.index_cast %get3A_604 : i32 to index
        %get3A_608 = arith.index_cast %mul3A_594 : i32 to index
        %get3A_609 = tpu.vector_load %arg5[%get3A_605, %get3A_606, %get3A_607, %get3A_608] {strides = array<i32>} : memref<2x19x4x512xf32, #tpu.memory_space<vmem>>, vector<16xf32>,
        %get3A_610 = arith.constant 1 : i32
        %get3A_611 = arith.constant 2 : i32
        %get3A_612 = arith.constant 2 : i32
        %get3A_613 = arith.index_cast %get3A_610 : i32 to index
        %get3A_614 = arith.index_cast %get3A_611 : i32 to index
        %get3A_615 = arith.index_cast %get3A_612 : i32 to index
        %get3A_616 = arith.index_cast %mul3A_594 : i32 to index
        %get3A_617 = tpu.vector_load %arg5[%get3A_613, %get3A_614, %get3A_615, %get3A_616] {strides = array<i32>} : memref<2x19x4x512xf32, #tpu.memory_space<vmem>>, vector<16xf32>,
        %get3A_618 = arith.constant 1 : i32
        %get3A_619 = arith.constant 3 : i32
        %get3A_620 = arith.constant 2 : i32
        %get3A_621 = arith.index_cast %get3A_618 : i32 to index
        %get3A_622 = arith.index_cast %get3A_619 : i32 to index
        %get3A_623 = arith.index_cast %get3A_620 : i32 to index
        %get3A_624 = arith.index_cast %mul3A_594 : i32 to index
        %get3A_625 = tpu.vector_load %arg5[%get3A_621, %get3A_622, %get3A_623, %get3A_624] {strides = array<i32>} : memref<2x19x4x512xf32, #tpu.memory_space<vmem>>, vector<16xf32>,
        %get3A_626 = arith.constant 1 : i32
        %get3A_627 = arith.constant 4 : i32
        %get3A_628 = arith.constant 2 : i32
        %get3A_629 = arith.index_cast %get3A_626 : i32 to index
        %get3A_630 = arith.index_cast %get3A_627 : i32 to index
        %get3A_631 = arith.index_cast %get3A_628 : i32 to index
        %get3A_632 = arith.index_cast %mul3A_594 : i32 to index
        %get3A_633 = tpu.vector_load %arg5[%get3A_629, %get3A_630, %get3A_631, %get3A_632] {strides = array<i32>} : memref<2x19x4x512xf32, #tpu.memory_space<vmem>>, vector<16xf32>,
        %get3A_634 = arith.constant 1 : i32
        %get3A_635 = arith.constant 5 : i32
        %get3A_636 = arith.constant 2 : i32
        %get3A_637 = arith.index_cast %get3A_634 : i32 to index
        %get3A_638 = arith.index_cast %get3A_635 : i32 to index
        %get3A_639 = arith.index_cast %get3A_636 : i32 to index
        %get3A_640 = arith.index_cast %mul3A_594 : i32 to index
        %get3A_641 = tpu.vector_load %arg5[%get3A_637, %get3A_638, %get3A_639, %get3A_640] {strides = array<i32>} : memref<2x19x4x512xf32, #tpu.memory_space<vmem>>, vector<16xf32>,
        %get3A_642 = arith.constant 1 : i32
        %get3A_643 = arith.constant 6 : i32
        %get3A_644 = arith.constant 2 : i32
        %get3A_645 = arith.index_cast %get3A_642 : i32 to index
        %get3A_646 = arith.index_cast %get3A_643 : i32 to index
        %get3A_647 = arith.index_cast %get3A_644 : i32 to index
        %get3A_648 = arith.index_cast %mul3A_594 : i32 to index
        %get3A_649 = tpu.vector_load %arg5[%get3A_645, %get3A_646, %get3A_647, %get3A_648] {strides = array<i32>} : memref<2x19x4x512xf32, #tpu.memory_space<vmem>>, vector<16xf32>,
        %get3A_650 = arith.constant 1 : i32
        %get3A_651 = arith.constant 7 : i32
        %get3A_652 = arith.constant 2 : i32
        %get3A_653 = arith.index_cast %get3A_650 : i32 to index
        %get3A_654 = arith.index_cast %get3A_651 : i32 to index
        %get3A_655 = arith.index_cast %get3A_652 : i32 to index
        %get3A_656 = arith.index_cast %mul3A_594 : i32 to index
        %get3A_657 = tpu.vector_load %arg5[%get3A_653, %get3A_654, %get3A_655, %get3A_656] {strides = array<i32>} : memref<2x19x4x512xf32, #tpu.memory_space<vmem>>, vector<16xf32>,
        %get3A_658 = arith.constant 1 : i32
        %get3A_659 = arith.constant 8 : i32
        %get3A_660 = arith.constant 2 : i32
        %get3A_661 = arith.index_cast %get3A_658 : i32 to index
        %get3A_662 = arith.index_cast %get3A_659 : i32 to index
        %get3A_663 = arith.index_cast %get3A_660 : i32 to index
        %get3A_664 = arith.index_cast %mul3A_594 : i32 to index
        %get3A_665 = tpu.vector_load %arg5[%get3A_661, %get3A_662, %get3A_663, %get3A_664] {strides = array<i32>} : memref<2x19x4x512xf32, #tpu.memory_space<vmem>>, vector<16xf32>,
        %get3A_666 = arith.constant 1 : i32
        %get3A_667 = arith.constant 9 : i32
        %get3A_668 = arith.constant 2 : i32
        %get3A_669 = arith.index_cast %get3A_666 : i32 to index
        %get3A_670 = arith.index_cast %get3A_667 : i32 to index
        %get3A_671 = arith.index_cast %get3A_668 : i32 to index
        %get3A_672 = arith.index_cast %mul3A_594 : i32 to index
        %get3A_673 = tpu.vector_load %arg5[%get3A_669, %get3A_670, %get3A_671, %get3A_672] {strides = array<i32>} : memref<2x19x4x512xf32, #tpu.memory_space<vmem>>, vector<16xf32>,
        %get3A_674 = arith.constant 1 : i32
        %get3A_675 = arith.constant 10 : i32
        %get3A_676 = arith.constant 2 : i32
        %get3A_677 = arith.index_cast %get3A_674 : i32 to index
        %get3A_678 = arith.index_cast %get3A_675 : i32 to index
        %get3A_679 = arith.index_cast %get3A_676 : i32 to index
        %get3A_680 = arith.index_cast %mul3A_594 : i32 to index
        %get3A_681 = tpu.vector_load %arg5[%get3A_677, %get3A_678, %get3A_679, %get3A_680] {strides = array<i32>} : memref<2x19x4x512xf32, #tpu.memory_space<vmem>>, vector<16xf32>,
        %get3A_682 = arith.constant 1 : i32
        %get3A_683 = arith.constant 11 : i32
        %get3A_684 = arith.constant 2 : i32
        %get3A_685 = arith.index_cast %get3A_682 : i32 to index
        %get3A_686 = arith.index_cast %get3A_683 : i32 to index
        %get3A_687 = arith.index_cast %get3A_684 : i32 to index
        %get3A_688 = arith.index_cast %mul3A_594 : i32 to index
        %get3A_689 = tpu.vector_load %arg5[%get3A_685, %get3A_686, %get3A_687, %get3A_688] {strides = array<i32>} : memref<2x19x4x512xf32, #tpu.memory_space<vmem>>, vector<16xf32>,
        %get3A_690 = arith.constant 1 : i32
        %get3A_691 = arith.constant 12 : i32
        %get3A_692 = arith.constant 2 : i32
        %get3A_693 = arith.index_cast %get3A_690 : i32 to index
        %get3A_694 = arith.index_cast %get3A_691 : i32 to index
        %get3A_695 = arith.index_cast %get3A_692 : i32 to index
        %get3A_696 = arith.index_cast %mul3A_594 : i32 to index
        %get3A_697 = tpu.vector_load %arg5[%get3A_693, %get3A_694, %get3A_695, %get3A_696] {strides = array<i32>} : memref<2x19x4x512xf32, #tpu.memory_space<vmem>>, vector<16xf32>,
        %get3A_698 = arith.constant 1 : i32
        %get3A_699 = arith.constant 13 : i32
        %get3A_700 = arith.constant 2 : i32
        %get3A_701 = arith.index_cast %get3A_698 : i32 to index
        %get3A_702 = arith.index_cast %get3A_699 : i32 to index
        %get3A_703 = arith.index_cast %get3A_700 : i32 to index
        %get3A_704 = arith.index_cast %mul3A_594 : i32 to index
        %get3A_705 = tpu.vector_load %arg5[%get3A_701, %get3A_702, %get3A_703, %get3A_704] {strides = array<i32>} : memref<2x19x4x512xf32, #tpu.memory_space<vmem>>, vector<16xf32>,
        %get3A_706 = arith.constant 1 : i32
        %get3A_707 = arith.constant 14 : i32
        %get3A_708 = arith.constant 2 : i32
        %get3A_709 = arith.index_cast %get3A_706 : i32 to index
        %get3A_710 = arith.index_cast %get3A_707 : i32 to index
        %get3A_711 = arith.index_cast %get3A_708 : i32 to index
        %get3A_712 = arith.index_cast %mul3A_594 : i32 to index
        %get3A_713 = tpu.vector_load %arg5[%get3A_709, %get3A_710, %get3A_711, %get3A_712] {strides = array<i32>} : memref<2x19x4x512xf32, #tpu.memory_space<vmem>>, vector<16xf32>,
        %get3A_714 = arith.constant 1 : i32
        %get3A_715 = arith.constant 15 : i32
        %get3A_716 = arith.constant 2 : i32
        %get3A_717 = arith.index_cast %get3A_714 : i32 to index
        %get3A_718 = arith.index_cast %get3A_715 : i32 to index
        %get3A_719 = arith.index_cast %get3A_716 : i32 to index
        %get3A_720 = arith.index_cast %mul3A_594 : i32 to index
        %get3A_721 = tpu.vector_load %arg5[%get3A_717, %get3A_718, %get3A_719, %get3A_720] {strides = array<i32>} : memref<2x19x4x512xf32, #tpu.memory_space<vmem>>, vector<16xf32>,
        %get3A_722 = arith.constant 1 : i32
        %get3A_723 = arith.constant 16 : i32
        %get3A_724 = arith.constant 2 : i32
        %get3A_725 = arith.index_cast %get3A_722 : i32 to index
        %get3A_726 = arith.index_cast %get3A_723 : i32 to index
        %get3A_727 = arith.index_cast %get3A_724 : i32 to index
        %get3A_728 = arith.index_cast %mul3A_594 : i32 to index
        %get3A_729 = tpu.vector_load %arg5[%get3A_725, %get3A_726, %get3A_727, %get3A_728] {strides = array<i32>} : memref<2x19x4x512xf32, #tpu.memory_space<vmem>>, vector<16xf32>,
        %get3A_730 = arith.constant 1 : i32
        %get3A_731 = arith.constant 17 : i32
        %get3A_732 = arith.constant 2 : i32
        %get3A_733 = arith.index_cast %get3A_730 : i32 to index
        %get3A_734 = arith.index_cast %get3A_731 : i32 to index
        %get3A_735 = arith.index_cast %get3A_732 : i32 to index
        %get3A_736 = arith.index_cast %mul3A_594 : i32 to index
        %get3A_737 = tpu.vector_load %arg5[%get3A_733, %get3A_734, %get3A_735, %get3A_736] {strides = array<i32>} : memref<2x19x4x512xf32, #tpu.memory_space<vmem>>, vector<16xf32>,
        %get3A_738 = arith.constant 1 : i32
        %get3A_739 = arith.constant 18 : i32
        %get3A_740 = arith.constant 2 : i32
        %get3A_741 = arith.index_cast %get3A_738 : i32 to index
        %get3A_742 = arith.index_cast %get3A_739 : i32 to index
        %get3A_743 = arith.index_cast %get3A_740 : i32 to index
        %get3A_744 = arith.index_cast %mul3A_594 : i32 to index
        %get3A_745 = tpu.vector_load %arg5[%get3A_741, %get3A_742, %get3A_743, %get3A_744] {strides = array<i32>} : memref<2x19x4x512xf32, #tpu.memory_space<vmem>>, vector<16xf32>,
        %add3A_746 = arith.addf %get3A_601, %get3A_609 : vector<16xf32>
        %add3A_747 = arith.addf %add3A_746, %get3A_617 : vector<16xf32>
        %add3A_748 = arith.addf %add3A_747, %get3A_625 : vector<16xf32>
        %add3A_749 = arith.addf %add3A_748, %get3A_633 : vector<16xf32>
        %add3A_750 = arith.addf %add3A_749, %get3A_641 : vector<16xf32>
        %add3A_751 = arith.addf %add3A_750, %get3A_649 : vector<16xf32>
        %add3A_752 = arith.addf %add3A_751, %get3A_657 : vector<16xf32>
        %add3A_753 = arith.addf %add3A_752, %get3A_665 : vector<16xf32>
        %add3A_754 = arith.addf %add3A_753, %get3A_673 : vector<16xf32>
        %add3A_755 = arith.addf %add3A_754, %get3A_681 : vector<16xf32>
        %add3A_756 = arith.addf %add3A_755, %get3A_689 : vector<16xf32>
        %add3A_757 = arith.addf %add3A_756, %get3A_697 : vector<16xf32>
        %add3A_758 = arith.addf %add3A_757, %get3A_705 : vector<16xf32>
        %add3A_759 = arith.addf %add3A_758, %get3A_713 : vector<16xf32>
        %add3A_760 = arith.addf %add3A_759, %get3A_721 : vector<16xf32>
        %add3A_761 = arith.addf %add3A_760, %get3A_729 : vector<16xf32>
        %add3A_762 = arith.addf %add3A_761, %get3A_737 : vector<16xf32>
        %add3A_763 = arith.addf %add3A_762, %get3A_745 : vector<16xf32>
        %exp3A = math.exp %get3A_601 : vector<16xf32>
        %exp3A_764 = math.exp %get3A_609 : vector<16xf32>
        %add3A_765 = arith.addf %exp3A, %exp3A_764 : vector<16xf32>
        %exp3A_766 = math.exp %get3A_617 : vector<16xf32>
        %add3A_767 = arith.addf %add3A_765, %exp3A_766 : vector<16xf32>
        %exp3A_768 = math.exp %get3A_625 : vector<16xf32>
        %add3A_769 = arith.addf %add3A_767, %exp3A_768 : vector<16xf32>
        %exp3A_770 = math.exp %get3A_633 : vector<16xf32>
        %add3A_771 = arith.addf %add3A_769, %exp3A_770 : vector<16xf32>
        %exp3A_772 = math.exp %get3A_641 : vector<16xf32>
        %add3A_773 = arith.addf %add3A_771, %exp3A_772 : vector<16xf32>
        %exp3A_774 = math.exp %get3A_649 : vector<16xf32>
        %add3A_775 = arith.addf %add3A_773, %exp3A_774 : vector<16xf32>
        %exp3A_776 = math.exp %get3A_657 : vector<16xf32>
        %add3A_777 = arith.addf %add3A_775, %exp3A_776 : vector<16xf32>
        %exp3A_778 = math.exp %get3A_665 : vector<16xf32>
        %add3A_779 = arith.addf %add3A_777, %exp3A_778 : vector<16xf32>
        %exp3A_780 = math.exp %get3A_673 : vector<16xf32>
        %add3A_781 = arith.addf %add3A_779, %exp3A_780 : vector<16xf32>
        %exp3A_782 = math.exp %get3A_681 : vector<16xf32>
        %add3A_783 = arith.addf %add3A_781, %exp3A_782 : vector<16xf32>
        %exp3A_784 = math.exp %get3A_689 : vector<16xf32>
        %add3A_785 = arith.addf %add3A_783, %exp3A_784 : vector<16xf32>
        %exp3A_786 = math.exp %get3A_697 : vector<16xf32>
        %add3A_787 = arith.addf %add3A_785, %exp3A_786 : vector<16xf32>
        %exp3A_788 = math.exp %get3A_705 : vector<16xf32>
        %add3A_789 = arith.addf %add3A_787, %exp3A_788 : vector<16xf32>
        %exp3A_790 = math.exp %get3A_713 : vector<16xf32>
        %add3A_791 = arith.addf %add3A_789, %exp3A_790 : vector<16xf32>
        %exp3A_792 = math.exp %get3A_721 : vector<16xf32>
        %add3A_793 = arith.addf %add3A_791, %exp3A_792 : vector<16xf32>
        %exp3A_794 = math.exp %get3A_729 : vector<16xf32>
        %add3A_795 = arith.addf %add3A_793, %exp3A_794 : vector<16xf32>
        %exp3A_796 = math.exp %get3A_737 : vector<16xf32>
        %add3A_797 = arith.addf %add3A_795, %exp3A_796 : vector<16xf32>
        %exp3A_798 = math.exp %get3A_745 : vector<16xf32>
        %add3A_799 = arith.addf %add3A_797, %exp3A_798 : vector<16xf32>
        %bitcast_convert_type3A = tpu.bitcast %add3A_799 : vector<16xf32> -> vector<16xi32>
        %shift_right_logical3A = arith.constant 23 : i32
        %shift_right_logical3A_800 = vector.broadcast %shift_right_logical3A : i32 to vector<16xi32>
        %shift_right_logical3A_801 = arith.shrui %bitcast_convert_type3A, %shift_right_logical3A_800 : vector<16xi32>
        %sub3A_802 = arith.constant 127 : i32
        %sub3A_803 = vector.broadcast %sub3A_802 : i32 to vector<16xi32>
        %sub3A_804 = arith.subi %shift_right_logical3A_801, %sub3A_803 : vector<16xi32>
        %and3A_805 = arith.constant 8388607 : i32
        %and3A_806 = vector.broadcast %and3A_805 : i32 to vector<16xi32>
        %and3A_807 = arith.andi %bitcast_convert_type3A, %and3A_806 : vector<16xi32>
        %or3A = arith.constant 1065353216 : i32
        %or3A_808 = vector.broadcast %or3A : i32 to vector<16xi32>
        %or3A_809 = arith.ori %and3A_807, %or3A_808 : vector<16xi32>
        %bitcast_convert_type3A_810 = tpu.bitcast %or3A_809 : vector<16xi32> -> vector<16xf32>
        %gt3A = arith.constant 1.41421354 : f32
        %gt3A_811 = vector.broadcast %gt3A : f32 to vector<16xf32>
        %gt3A_812 = arith.cmpf ogt, %bitcast_convert_type3A_810, %gt3A_811 : vector<16xf32>
        %mul3A_813 = arith.constant 5.000000e-01 : f32
        %mul3A_814 = vector.broadcast %mul3A_813 : f32 to vector<16xf32>
        %mul3A_815 = arith.mulf %bitcast_convert_type3A_810, %mul3A_814 : vector<16xf32>
        %select_n3A_816 = arith.select %gt3A_812, %mul3A_815, %bitcast_convert_type3A_810 : vector<16xi1>, vector<16xf32>
        %convert_element_type3A = arith.sitofp %sub3A_804 : vector<16xi32> to vector<16xf32>
        %jit3A_817 = arith.constant 1.000000e+00 : f32
        %jit3A_818 = arith.constant 0.000000e+00 : f32
        %broadcast_in_dim3A_819 = vector.broadcast %jit3A_817 : f32 to vector<16xf32>
        %broadcast_in_dim3A_820 = vector.broadcast %jit3A_818 : f32 to vector<16xf32>
        %select_n3A_821 = arith.select %gt3A_812, %broadcast_in_dim3A_819, %broadcast_in_dim3A_820 : vector<16xi1>, vector<16xf32>
        %add3A_822 = arith.addf %convert_element_type3A, %select_n3A_821 : vector<16xf32>
        %sub3A_823 = arith.constant 1.000000e+00 : f32
        %sub3A_824 = vector.broadcast %sub3A_823 : f32 to vector<16xf32>
        %sub3A_825 = arith.subf %select_n3A_816, %sub3A_824 : vector<16xf32>
        %add3A_826 = arith.constant 1.000000e+00 : f32
        %add3A_827 = vector.broadcast %add3A_826 : f32 to vector<16xf32>
        %add3A_828 = arith.addf %select_n3A_816, %add3A_827 : vector<16xf32>
        %div3A_829 = arith.divf %sub3A_825, %add3A_828 : vector<16xf32>
        %mul3A_830 = arith.mulf %div3A_829, %div3A_829 : vector<16xf32>
        %mul3A_831 = arith.constant 0.285714298 : f32
        %mul3A_832 = vector.broadcast %mul3A_831 : f32 to vector<16xf32>
        %mul3A_833 = arith.mulf %mul3A_830, %mul3A_832 : vector<16xf32>
        %add3A_834 = arith.constant 4.000000e-01 : f32
        %add3A_835 = vector.broadcast %add3A_834 : f32 to vector<16xf32>
        %add3A_836 = arith.addf %add3A_835, %mul3A_833 : vector<16xf32>
        %mul3A_837 = arith.mulf %mul3A_830, %add3A_836 : vector<16xf32>
        %add3A_838 = arith.constant 0.666666686 : f32
        %add3A_839 = vector.broadcast %add3A_838 : f32 to vector<16xf32>
        %add3A_840 = arith.addf %add3A_839, %mul3A_837 : vector<16xf32>
        %mul3A_841 = arith.mulf %mul3A_830, %add3A_840 : vector<16xf32>
        %add3A_842 = arith.constant 2.000000e+00 : f32
        %add3A_843 = vector.broadcast %add3A_842 : f32 to vector<16xf32>
        %add3A_844 = arith.addf %add3A_843, %mul3A_841 : vector<16xf32>
        %mul3A_845 = arith.mulf %div3A_829, %add3A_844 : vector<16xf32>
        %mul3A_846 = arith.constant 0.693147182 : f32
        %mul3A_847 = vector.broadcast %mul3A_846 : f32 to vector<16xf32>
        %mul3A_848 = arith.mulf %add3A_822, %mul3A_847 : vector<16xf32>
        %add3A_849 = arith.addf %mul3A_848, %mul3A_845 : vector<16xf32>
        %get3A_850 = arith.constant 1 : i32
        %get3A_851 = arith.constant 2 : i32
        %get3A_852 = arith.index_cast %get3A_850 : i32 to index
        %get3A_853 = arith.index_cast %get3A_851 : i32 to index
        %get3A_854 = arith.index_cast %mul3A_594 : i32 to index
        %get3A_855 = tpu.vector_load %arg6[%get3A_852, %get3A_853, %get3A_854] {strides = array<i32>} : memref<2x4x512xi32, #tpu.memory_space<vmem>>, vector<16xi32>,
        %ne3A_856 = arith.constant 255 : i32
        %ne3A_857 = vector.broadcast %ne3A_856 : i32 to vector<16xi32>
        %ne3A_858 = arith.cmpi ne, %get3A_855, %ne3A_857 : vector<16xi32>
        %jit3A_859 = arith.constant 0 : i32
        %broadcast_in_dim3A_860 = vector.broadcast %jit3A_859 : i32 to vector<16xi32>
        %select_n3A_861 = arith.select %ne3A_858, %get3A_855, %broadcast_in_dim3A_860 : vector<16xi1>, vector<16xi32>
        %broadcast_in_dim3A_862 = arith.constant 2 : i32
        %broadcast_in_dim3A_863 = vector.broadcast %broadcast_in_dim3A_862 : i32 to vector<16xi32>
        %add3A_864 = vector.broadcast %mul3A_594 : i32 to vector<16xi32>
        %add3A_865 = arith.addi %add3A_864, %iota3A : vector<16xi32>
        %gather3A = arith.constant 1 : i32
        %gather3A_866 = arith.constant 0 : i32
        %gather3A_867 = arith.constant 0 : i32
        %gather3A_868 = arith.constant 0 : i32
        %gather3A_869 = tpu.memref_slice %arg5[%gather3A, %gather3A_866, %gather3A_867, %gather3A_868] : memref<2x19x4x512xf32, #tpu.memory_space<vmem>> -> memref<1x19x4x512xf32, #tpu.memory_space<vmem>>
        %gather3A_870 = tpu.memref_squeeze %gather3A_869 : memref<1x19x4x512xf32, #tpu.memory_space<vmem>> -> memref<19x4x512xf32, #tpu.memory_space<vmem>>
        %gather3A_871 = tpu.vector_load_idx %gather3A_870[%select_n3A_861, %broadcast_in_dim3A_863, %add3A_865] : memref<19x4x512xf32, #tpu.memory_space<vmem>>[vector<16xi32>, vector<16xi32>, vector<16xi32>], vector<16xf32>,
        %mul3A_872 = arith.constant 0.00555555569 : f32
        %mul3A_873 = vector.broadcast %mul3A_872 : f32 to vector<16xf32>
        %mul3A_874 = arith.mulf %mul3A_873, %add3A_763 : vector<16xf32>
        %sub3A_875 = arith.subf %add3A_849, %mul3A_874 : vector<16xf32>
        %mul3A_876 = arith.constant 0.894444465 : f32
        %mul3A_877 = vector.broadcast %mul3A_876 : f32 to vector<16xf32>
        %mul3A_878 = arith.mulf %mul3A_877, %gather3A_871 : vector<16xf32>
        %sub3A_879 = arith.subf %sub3A_875, %mul3A_878 : vector<16xf32>
        %jit3A_880 = arith.constant 0.000000e+00 : f32
        %broadcast_in_dim3A_881 = vector.broadcast %jit3A_880 : f32 to vector<16xf32>
        %select_n3A_882 = arith.select %ne3A_858, %sub3A_879, %broadcast_in_dim3A_881 : vector<16xi1>, vector<16xf32>
        %add3A_883 = arith.addf %scan3A_592, %select_n3A_882 : vector<16xf32>
        scf.yield %add3A_883 : vector<16xf32>
      }
      %scan3A_495 = arith.constant 32 : i32
      %scan3A_496 = arith.constant 0 : i32
      %scan3A_497 = arith.constant 32 : i32
      %scan3A_498 = arith.addi %scan3A_496, %scan3A_497 : i32
      %scan3A_499 = arith.constant 1 : i32
      %scan3A_500 = scf.for %scan3A_591 = %scan3A_496 to %scan3A_498 step %scan3A_499 iter_args(%scan3A_592 = %scan3A_494) -> (vector<16xf32>)  : i32 {
        %mul3A_593 = arith.constant 16 : i32
        %mul3A_594 = arith.muli %scan3A_591, %mul3A_593 : i32
        %get3A = arith.constant 1 : i32
        %get3A_595 = arith.constant 0 : i32
        %get3A_596 = arith.constant 3 : i32
        %get3A_597 = arith.index_cast %get3A : i32 to index
        %get3A_598 = arith.index_cast %get3A_595 : i32 to index
        %get3A_599 = arith.index_cast %get3A_596 : i32 to index
        %get3A_600 = arith.index_cast %mul3A_594 : i32 to index
        %get3A_601 = tpu.vector_load %arg5[%get3A_597, %get3A_598, %get3A_599, %get3A_600] {strides = array<i32>} : memref<2x19x4x512xf32, #tpu.memory_space<vmem>>, vector<16xf32>,
        %get3A_602 = arith.constant 1 : i32
        %get3A_603 = arith.constant 1 : i32
        %get3A_604 = arith.constant 3 : i32
        %get3A_605 = arith.index_cast %get3A_602 : i32 to index
        %get3A_606 = arith.index_cast %get3A_603 : i32 to index
        %get3A_607 = arith.index_cast %get3A_604 : i32 to index
        %get3A_608 = arith.index_cast %mul3A_594 : i32 to index
        %get3A_609 = tpu.vector_load %arg5[%get3A_605, %get3A_606, %get3A_607, %get3A_608] {strides = array<i32>} : memref<2x19x4x512xf32, #tpu.memory_space<vmem>>, vector<16xf32>,
        %get3A_610 = arith.constant 1 : i32
        %get3A_611 = arith.constant 2 : i32
        %get3A_612 = arith.constant 3 : i32
        %get3A_613 = arith.index_cast %get3A_610 : i32 to index
        %get3A_614 = arith.index_cast %get3A_611 : i32 to index
        %get3A_615 = arith.index_cast %get3A_612 : i32 to index
        %get3A_616 = arith.index_cast %mul3A_594 : i32 to index
        %get3A_617 = tpu.vector_load %arg5[%get3A_613, %get3A_614, %get3A_615, %get3A_616] {strides = array<i32>} : memref<2x19x4x512xf32, #tpu.memory_space<vmem>>, vector<16xf32>,
        %get3A_618 = arith.constant 1 : i32
        %get3A_619 = arith.constant 3 : i32
        %get3A_620 = arith.constant 3 : i32
        %get3A_621 = arith.index_cast %get3A_618 : i32 to index
        %get3A_622 = arith.index_cast %get3A_619 : i32 to index
        %get3A_623 = arith.index_cast %get3A_620 : i32 to index
        %get3A_624 = arith.index_cast %mul3A_594 : i32 to index
        %get3A_625 = tpu.vector_load %arg5[%get3A_621, %get3A_622, %get3A_623, %get3A_624] {strides = array<i32>} : memref<2x19x4x512xf32, #tpu.memory_space<vmem>>, vector<16xf32>,
        %get3A_626 = arith.constant 1 : i32
        %get3A_627 = arith.constant 4 : i32
        %get3A_628 = arith.constant 3 : i32
        %get3A_629 = arith.index_cast %get3A_626 : i32 to index
        %get3A_630 = arith.index_cast %get3A_627 : i32 to index
        %get3A_631 = arith.index_cast %get3A_628 : i32 to index
        %get3A_632 = arith.index_cast %mul3A_594 : i32 to index
        %get3A_633 = tpu.vector_load %arg5[%get3A_629, %get3A_630, %get3A_631, %get3A_632] {strides = array<i32>} : memref<2x19x4x512xf32, #tpu.memory_space<vmem>>, vector<16xf32>,
        %get3A_634 = arith.constant 1 : i32
        %get3A_635 = arith.constant 5 : i32
        %get3A_636 = arith.constant 3 : i32
        %get3A_637 = arith.index_cast %get3A_634 : i32 to index
        %get3A_638 = arith.index_cast %get3A_635 : i32 to index
        %get3A_639 = arith.index_cast %get3A_636 : i32 to index
        %get3A_640 = arith.index_cast %mul3A_594 : i32 to index
        %get3A_641 = tpu.vector_load %arg5[%get3A_637, %get3A_638, %get3A_639, %get3A_640] {strides = array<i32>} : memref<2x19x4x512xf32, #tpu.memory_space<vmem>>, vector<16xf32>,
        %get3A_642 = arith.constant 1 : i32
        %get3A_643 = arith.constant 6 : i32
        %get3A_644 = arith.constant 3 : i32
        %get3A_645 = arith.index_cast %get3A_642 : i32 to index
        %get3A_646 = arith.index_cast %get3A_643 : i32 to index
        %get3A_647 = arith.index_cast %get3A_644 : i32 to index
        %get3A_648 = arith.index_cast %mul3A_594 : i32 to index
        %get3A_649 = tpu.vector_load %arg5[%get3A_645, %get3A_646, %get3A_647, %get3A_648] {strides = array<i32>} : memref<2x19x4x512xf32, #tpu.memory_space<vmem>>, vector<16xf32>,
        %get3A_650 = arith.constant 1 : i32
        %get3A_651 = arith.constant 7 : i32
        %get3A_652 = arith.constant 3 : i32
        %get3A_653 = arith.index_cast %get3A_650 : i32 to index
        %get3A_654 = arith.index_cast %get3A_651 : i32 to index
        %get3A_655 = arith.index_cast %get3A_652 : i32 to index
        %get3A_656 = arith.index_cast %mul3A_594 : i32 to index
        %get3A_657 = tpu.vector_load %arg5[%get3A_653, %get3A_654, %get3A_655, %get3A_656] {strides = array<i32>} : memref<2x19x4x512xf32, #tpu.memory_space<vmem>>, vector<16xf32>,
        %get3A_658 = arith.constant 1 : i32
        %get3A_659 = arith.constant 8 : i32
        %get3A_660 = arith.constant 3 : i32
        %get3A_661 = arith.index_cast %get3A_658 : i32 to index
        %get3A_662 = arith.index_cast %get3A_659 : i32 to index
        %get3A_663 = arith.index_cast %get3A_660 : i32 to index
        %get3A_664 = arith.index_cast %mul3A_594 : i32 to index
        %get3A_665 = tpu.vector_load %arg5[%get3A_661, %get3A_662, %get3A_663, %get3A_664] {strides = array<i32>} : memref<2x19x4x512xf32, #tpu.memory_space<vmem>>, vector<16xf32>,
        %get3A_666 = arith.constant 1 : i32
        %get3A_667 = arith.constant 9 : i32
        %get3A_668 = arith.constant 3 : i32
        %get3A_669 = arith.index_cast %get3A_666 : i32 to index
        %get3A_670 = arith.index_cast %get3A_667 : i32 to index
        %get3A_671 = arith.index_cast %get3A_668 : i32 to index
        %get3A_672 = arith.index_cast %mul3A_594 : i32 to index
        %get3A_673 = tpu.vector_load %arg5[%get3A_669, %get3A_670, %get3A_671, %get3A_672] {strides = array<i32>} : memref<2x19x4x512xf32, #tpu.memory_space<vmem>>, vector<16xf32>,
        %get3A_674 = arith.constant 1 : i32
        %get3A_675 = arith.constant 10 : i32
        %get3A_676 = arith.constant 3 : i32
        %get3A_677 = arith.index_cast %get3A_674 : i32 to index
        %get3A_678 = arith.index_cast %get3A_675 : i32 to index
        %get3A_679 = arith.index_cast %get3A_676 : i32 to index
        %get3A_680 = arith.index_cast %mul3A_594 : i32 to index
        %get3A_681 = tpu.vector_load %arg5[%get3A_677, %get3A_678, %get3A_679, %get3A_680] {strides = array<i32>} : memref<2x19x4x512xf32, #tpu.memory_space<vmem>>, vector<16xf32>,
        %get3A_682 = arith.constant 1 : i32
        %get3A_683 = arith.constant 11 : i32
        %get3A_684 = arith.constant 3 : i32
        %get3A_685 = arith.index_cast %get3A_682 : i32 to index
        %get3A_686 = arith.index_cast %get3A_683 : i32 to index
        %get3A_687 = arith.index_cast %get3A_684 : i32 to index
        %get3A_688 = arith.index_cast %mul3A_594 : i32 to index
        %get3A_689 = tpu.vector_load %arg5[%get3A_685, %get3A_686, %get3A_687, %get3A_688] {strides = array<i32>} : memref<2x19x4x512xf32, #tpu.memory_space<vmem>>, vector<16xf32>,
        %get3A_690 = arith.constant 1 : i32
        %get3A_691 = arith.constant 12 : i32
        %get3A_692 = arith.constant 3 : i32
        %get3A_693 = arith.index_cast %get3A_690 : i32 to index
        %get3A_694 = arith.index_cast %get3A_691 : i32 to index
        %get3A_695 = arith.index_cast %get3A_692 : i32 to index
        %get3A_696 = arith.index_cast %mul3A_594 : i32 to index
        %get3A_697 = tpu.vector_load %arg5[%get3A_693, %get3A_694, %get3A_695, %get3A_696] {strides = array<i32>} : memref<2x19x4x512xf32, #tpu.memory_space<vmem>>, vector<16xf32>,
        %get3A_698 = arith.constant 1 : i32
        %get3A_699 = arith.constant 13 : i32
        %get3A_700 = arith.constant 3 : i32
        %get3A_701 = arith.index_cast %get3A_698 : i32 to index
        %get3A_702 = arith.index_cast %get3A_699 : i32 to index
        %get3A_703 = arith.index_cast %get3A_700 : i32 to index
        %get3A_704 = arith.index_cast %mul3A_594 : i32 to index
        %get3A_705 = tpu.vector_load %arg5[%get3A_701, %get3A_702, %get3A_703, %get3A_704] {strides = array<i32>} : memref<2x19x4x512xf32, #tpu.memory_space<vmem>>, vector<16xf32>,
        %get3A_706 = arith.constant 1 : i32
        %get3A_707 = arith.constant 14 : i32
        %get3A_708 = arith.constant 3 : i32
        %get3A_709 = arith.index_cast %get3A_706 : i32 to index
        %get3A_710 = arith.index_cast %get3A_707 : i32 to index
        %get3A_711 = arith.index_cast %get3A_708 : i32 to index
        %get3A_712 = arith.index_cast %mul3A_594 : i32 to index
        %get3A_713 = tpu.vector_load %arg5[%get3A_709, %get3A_710, %get3A_711, %get3A_712] {strides = array<i32>} : memref<2x19x4x512xf32, #tpu.memory_space<vmem>>, vector<16xf32>,
        %get3A_714 = arith.constant 1 : i32
        %get3A_715 = arith.constant 15 : i32
        %get3A_716 = arith.constant 3 : i32
        %get3A_717 = arith.index_cast %get3A_714 : i32 to index
        %get3A_718 = arith.index_cast %get3A_715 : i32 to index
        %get3A_719 = arith.index_cast %get3A_716 : i32 to index
        %get3A_720 = arith.index_cast %mul3A_594 : i32 to index
        %get3A_721 = tpu.vector_load %arg5[%get3A_717, %get3A_718, %get3A_719, %get3A_720] {strides = array<i32>} : memref<2x19x4x512xf32, #tpu.memory_space<vmem>>, vector<16xf32>,
        %get3A_722 = arith.constant 1 : i32
        %get3A_723 = arith.constant 16 : i32
        %get3A_724 = arith.constant 3 : i32
        %get3A_725 = arith.index_cast %get3A_722 : i32 to index
        %get3A_726 = arith.index_cast %get3A_723 : i32 to index
        %get3A_727 = arith.index_cast %get3A_724 : i32 to index
        %get3A_728 = arith.index_cast %mul3A_594 : i32 to index
        %get3A_729 = tpu.vector_load %arg5[%get3A_725, %get3A_726, %get3A_727, %get3A_728] {strides = array<i32>} : memref<2x19x4x512xf32, #tpu.memory_space<vmem>>, vector<16xf32>,
        %get3A_730 = arith.constant 1 : i32
        %get3A_731 = arith.constant 17 : i32
        %get3A_732 = arith.constant 3 : i32
        %get3A_733 = arith.index_cast %get3A_730 : i32 to index
        %get3A_734 = arith.index_cast %get3A_731 : i32 to index
        %get3A_735 = arith.index_cast %get3A_732 : i32 to index
        %get3A_736 = arith.index_cast %mul3A_594 : i32 to index
        %get3A_737 = tpu.vector_load %arg5[%get3A_733, %get3A_734, %get3A_735, %get3A_736] {strides = array<i32>} : memref<2x19x4x512xf32, #tpu.memory_space<vmem>>, vector<16xf32>,
        %get3A_738 = arith.constant 1 : i32
        %get3A_739 = arith.constant 18 : i32
        %get3A_740 = arith.constant 3 : i32
        %get3A_741 = arith.index_cast %get3A_738 : i32 to index
        %get3A_742 = arith.index_cast %get3A_739 : i32 to index
        %get3A_743 = arith.index_cast %get3A_740 : i32 to index
        %get3A_744 = arith.index_cast %mul3A_594 : i32 to index
        %get3A_745 = tpu.vector_load %arg5[%get3A_741, %get3A_742, %get3A_743, %get3A_744] {strides = array<i32>} : memref<2x19x4x512xf32, #tpu.memory_space<vmem>>, vector<16xf32>,
        %add3A_746 = arith.addf %get3A_601, %get3A_609 : vector<16xf32>
        %add3A_747 = arith.addf %add3A_746, %get3A_617 : vector<16xf32>
        %add3A_748 = arith.addf %add3A_747, %get3A_625 : vector<16xf32>
        %add3A_749 = arith.addf %add3A_748, %get3A_633 : vector<16xf32>
        %add3A_750 = arith.addf %add3A_749, %get3A_641 : vector<16xf32>
        %add3A_751 = arith.addf %add3A_750, %get3A_649 : vector<16xf32>
        %add3A_752 = arith.addf %add3A_751, %get3A_657 : vector<16xf32>
        %add3A_753 = arith.addf %add3A_752, %get3A_665 : vector<16xf32>
        %add3A_754 = arith.addf %add3A_753, %get3A_673 : vector<16xf32>
        %add3A_755 = arith.addf %add3A_754, %get3A_681 : vector<16xf32>
        %add3A_756 = arith.addf %add3A_755, %get3A_689 : vector<16xf32>
        %add3A_757 = arith.addf %add3A_756, %get3A_697 : vector<16xf32>
        %add3A_758 = arith.addf %add3A_757, %get3A_705 : vector<16xf32>
        %add3A_759 = arith.addf %add3A_758, %get3A_713 : vector<16xf32>
        %add3A_760 = arith.addf %add3A_759, %get3A_721 : vector<16xf32>
        %add3A_761 = arith.addf %add3A_760, %get3A_729 : vector<16xf32>
        %add3A_762 = arith.addf %add3A_761, %get3A_737 : vector<16xf32>
        %add3A_763 = arith.addf %add3A_762, %get3A_745 : vector<16xf32>
        %exp3A = math.exp %get3A_601 : vector<16xf32>
        %exp3A_764 = math.exp %get3A_609 : vector<16xf32>
        %add3A_765 = arith.addf %exp3A, %exp3A_764 : vector<16xf32>
        %exp3A_766 = math.exp %get3A_617 : vector<16xf32>
        %add3A_767 = arith.addf %add3A_765, %exp3A_766 : vector<16xf32>
        %exp3A_768 = math.exp %get3A_625 : vector<16xf32>
        %add3A_769 = arith.addf %add3A_767, %exp3A_768 : vector<16xf32>
        %exp3A_770 = math.exp %get3A_633 : vector<16xf32>
        %add3A_771 = arith.addf %add3A_769, %exp3A_770 : vector<16xf32>
        %exp3A_772 = math.exp %get3A_641 : vector<16xf32>
        %add3A_773 = arith.addf %add3A_771, %exp3A_772 : vector<16xf32>
        %exp3A_774 = math.exp %get3A_649 : vector<16xf32>
        %add3A_775 = arith.addf %add3A_773, %exp3A_774 : vector<16xf32>
        %exp3A_776 = math.exp %get3A_657 : vector<16xf32>
        %add3A_777 = arith.addf %add3A_775, %exp3A_776 : vector<16xf32>
        %exp3A_778 = math.exp %get3A_665 : vector<16xf32>
        %add3A_779 = arith.addf %add3A_777, %exp3A_778 : vector<16xf32>
        %exp3A_780 = math.exp %get3A_673 : vector<16xf32>
        %add3A_781 = arith.addf %add3A_779, %exp3A_780 : vector<16xf32>
        %exp3A_782 = math.exp %get3A_681 : vector<16xf32>
        %add3A_783 = arith.addf %add3A_781, %exp3A_782 : vector<16xf32>
        %exp3A_784 = math.exp %get3A_689 : vector<16xf32>
        %add3A_785 = arith.addf %add3A_783, %exp3A_784 : vector<16xf32>
        %exp3A_786 = math.exp %get3A_697 : vector<16xf32>
        %add3A_787 = arith.addf %add3A_785, %exp3A_786 : vector<16xf32>
        %exp3A_788 = math.exp %get3A_705 : vector<16xf32>
        %add3A_789 = arith.addf %add3A_787, %exp3A_788 : vector<16xf32>
        %exp3A_790 = math.exp %get3A_713 : vector<16xf32>
        %add3A_791 = arith.addf %add3A_789, %exp3A_790 : vector<16xf32>
        %exp3A_792 = math.exp %get3A_721 : vector<16xf32>
        %add3A_793 = arith.addf %add3A_791, %exp3A_792 : vector<16xf32>
        %exp3A_794 = math.exp %get3A_729 : vector<16xf32>
        %add3A_795 = arith.addf %add3A_793, %exp3A_794 : vector<16xf32>
        %exp3A_796 = math.exp %get3A_737 : vector<16xf32>
        %add3A_797 = arith.addf %add3A_795, %exp3A_796 : vector<16xf32>
        %exp3A_798 = math.exp %get3A_745 : vector<16xf32>
        %add3A_799 = arith.addf %add3A_797, %exp3A_798 : vector<16xf32>
        %bitcast_convert_type3A = tpu.bitcast %add3A_799 : vector<16xf32> -> vector<16xi32>
        %shift_right_logical3A = arith.constant 23 : i32
        %shift_right_logical3A_800 = vector.broadcast %shift_right_logical3A : i32 to vector<16xi32>
        %shift_right_logical3A_801 = arith.shrui %bitcast_convert_type3A, %shift_right_logical3A_800 : vector<16xi32>
        %sub3A_802 = arith.constant 127 : i32
        %sub3A_803 = vector.broadcast %sub3A_802 : i32 to vector<16xi32>
        %sub3A_804 = arith.subi %shift_right_logical3A_801, %sub3A_803 : vector<16xi32>
        %and3A_805 = arith.constant 8388607 : i32
        %and3A_806 = vector.broadcast %and3A_805 : i32 to vector<16xi32>
        %and3A_807 = arith.andi %bitcast_convert_type3A, %and3A_806 : vector<16xi32>
        %or3A = arith.constant 1065353216 : i32
        %or3A_808 = vector.broadcast %or3A : i32 to vector<16xi32>
        %or3A_809 = arith.ori %and3A_807, %or3A_808 : vector<16xi32>
        %bitcast_convert_type3A_810 = tpu.bitcast %or3A_809 : vector<16xi32> -> vector<16xf32>
        %gt3A = arith.constant 1.41421354 : f32
        %gt3A_811 = vector.broadcast %gt3A : f32 to vector<16xf32>
        %gt3A_812 = arith.cmpf ogt, %bitcast_convert_type3A_810, %gt3A_811 : vector<16xf32>
        %mul3A_813 = arith.constant 5.000000e-01 : f32
        %mul3A_814 = vector.broadcast %mul3A_813 : f32 to vector<16xf32>
        %mul3A_815 = arith.mulf %bitcast_convert_type3A_810, %mul3A_814 : vector<16xf32>
        %select_n3A_816 = arith.select %gt3A_812, %mul3A_815, %bitcast_convert_type3A_810 : vector<16xi1>, vector<16xf32>
        %convert_element_type3A = arith.sitofp %sub3A_804 : vector<16xi32> to vector<16xf32>
        %jit3A_817 = arith.constant 1.000000e+00 : f32
        %jit3A_818 = arith.constant 0.000000e+00 : f32
        %broadcast_in_dim3A_819 = vector.broadcast %jit3A_817 : f32 to vector<16xf32>
        %broadcast_in_dim3A_820 = vector.broadcast %jit3A_818 : f32 to vector<16xf32>
        %select_n3A_821 = arith.select %gt3A_812, %broadcast_in_dim3A_819, %broadcast_in_dim3A_820 : vector<16xi1>, vector<16xf32>
        %add3A_822 = arith.addf %convert_element_type3A, %select_n3A_821 : vector<16xf32>
        %sub3A_823 = arith.constant 1.000000e+00 : f32
        %sub3A_824 = vector.broadcast %sub3A_823 : f32 to vector<16xf32>
        %sub3A_825 = arith.subf %select_n3A_816, %sub3A_824 : vector<16xf32>
        %add3A_826 = arith.constant 1.000000e+00 : f32
        %add3A_827 = vector.broadcast %add3A_826 : f32 to vector<16xf32>
        %add3A_828 = arith.addf %select_n3A_816, %add3A_827 : vector<16xf32>
        %div3A_829 = arith.divf %sub3A_825, %add3A_828 : vector<16xf32>
        %mul3A_830 = arith.mulf %div3A_829, %div3A_829 : vector<16xf32>
        %mul3A_831 = arith.constant 0.285714298 : f32
        %mul3A_832 = vector.broadcast %mul3A_831 : f32 to vector<16xf32>
        %mul3A_833 = arith.mulf %mul3A_830, %mul3A_832 : vector<16xf32>
        %add3A_834 = arith.constant 4.000000e-01 : f32
        %add3A_835 = vector.broadcast %add3A_834 : f32 to vector<16xf32>
        %add3A_836 = arith.addf %add3A_835, %mul3A_833 : vector<16xf32>
        %mul3A_837 = arith.mulf %mul3A_830, %add3A_836 : vector<16xf32>
        %add3A_838 = arith.constant 0.666666686 : f32
        %add3A_839 = vector.broadcast %add3A_838 : f32 to vector<16xf32>
        %add3A_840 = arith.addf %add3A_839, %mul3A_837 : vector<16xf32>
        %mul3A_841 = arith.mulf %mul3A_830, %add3A_840 : vector<16xf32>
        %add3A_842 = arith.constant 2.000000e+00 : f32
        %add3A_843 = vector.broadcast %add3A_842 : f32 to vector<16xf32>
        %add3A_844 = arith.addf %add3A_843, %mul3A_841 : vector<16xf32>
        %mul3A_845 = arith.mulf %div3A_829, %add3A_844 : vector<16xf32>
        %mul3A_846 = arith.constant 0.693147182 : f32
        %mul3A_847 = vector.broadcast %mul3A_846 : f32 to vector<16xf32>
        %mul3A_848 = arith.mulf %add3A_822, %mul3A_847 : vector<16xf32>
        %add3A_849 = arith.addf %mul3A_848, %mul3A_845 : vector<16xf32>
        %get3A_850 = arith.constant 1 : i32
        %get3A_851 = arith.constant 3 : i32
        %get3A_852 = arith.index_cast %get3A_850 : i32 to index
        %get3A_853 = arith.index_cast %get3A_851 : i32 to index
        %get3A_854 = arith.index_cast %mul3A_594 : i32 to index
        %get3A_855 = tpu.vector_load %arg6[%get3A_852, %get3A_853, %get3A_854] {strides = array<i32>} : memref<2x4x512xi32, #tpu.memory_space<vmem>>, vector<16xi32>,
        %ne3A_856 = arith.constant 255 : i32
        %ne3A_857 = vector.broadcast %ne3A_856 : i32 to vector<16xi32>
        %ne3A_858 = arith.cmpi ne, %get3A_855, %ne3A_857 : vector<16xi32>
        %jit3A_859 = arith.constant 0 : i32
        %broadcast_in_dim3A_860 = vector.broadcast %jit3A_859 : i32 to vector<16xi32>
        %select_n3A_861 = arith.select %ne3A_858, %get3A_855, %broadcast_in_dim3A_860 : vector<16xi1>, vector<16xi32>
        %broadcast_in_dim3A_862 = arith.constant 3 : i32
        %broadcast_in_dim3A_863 = vector.broadcast %broadcast_in_dim3A_862 : i32 to vector<16xi32>
        %add3A_864 = vector.broadcast %mul3A_594 : i32 to vector<16xi32>
        %add3A_865 = arith.addi %add3A_864, %iota3A : vector<16xi32>
        %gather3A = arith.constant 1 : i32
        %gather3A_866 = arith.constant 0 : i32
        %gather3A_867 = arith.constant 0 : i32
        %gather3A_868 = arith.constant 0 : i32
        %gather3A_869 = tpu.memref_slice %arg5[%gather3A, %gather3A_866, %gather3A_867, %gather3A_868] : memref<2x19x4x512xf32, #tpu.memory_space<vmem>> -> memref<1x19x4x512xf32, #tpu.memory_space<vmem>>
        %gather3A_870 = tpu.memref_squeeze %gather3A_869 : memref<1x19x4x512xf32, #tpu.memory_space<vmem>> -> memref<19x4x512xf32, #tpu.memory_space<vmem>>
        %gather3A_871 = tpu.vector_load_idx %gather3A_870[%select_n3A_861, %broadcast_in_dim3A_863, %add3A_865] : memref<19x4x512xf32, #tpu.memory_space<vmem>>[vector<16xi32>, vector<16xi32>, vector<16xi32>], vector<16xf32>,
        %mul3A_872 = arith.constant 0.00555555569 : f32
        %mul3A_873 = vector.broadcast %mul3A_872 : f32 to vector<16xf32>
        %mul3A_874 = arith.mulf %mul3A_873, %add3A_763 : vector<16xf32>
        %sub3A_875 = arith.subf %add3A_849, %mul3A_874 : vector<16xf32>
        %mul3A_876 = arith.constant 0.894444465 : f32
        %mul3A_877 = vector.broadcast %mul3A_876 : f32 to vector<16xf32>
        %mul3A_878 = arith.mulf %mul3A_877, %gather3A_871 : vector<16xf32>
        %sub3A_879 = arith.subf %sub3A_875, %mul3A_878 : vector<16xf32>
        %jit3A_880 = arith.constant 0.000000e+00 : f32
        %broadcast_in_dim3A_881 = vector.broadcast %jit3A_880 : f32 to vector<16xf32>
        %select_n3A_882 = arith.select %ne3A_858, %sub3A_879, %broadcast_in_dim3A_881 : vector<16xi1>, vector<16xf32>
        %add3A_883 = arith.addf %scan3A_592, %select_n3A_882 : vector<16xf32>
        scf.yield %add3A_883 : vector<16xf32>
      }
      %scan3A_501 = arith.constant 32 : i32
      %add3A_502 = arith.constant 2 : i32
      %add3A_503 = arith.addi %add3A_431, %add3A_502 : i32
      %min3A_504 = arith.constant 13 : i32
      %min3A_505 = arith.minsi %add3A_503, %min3A_504 : i32
      %mul3A_506 = arith.constant 14 : i32
      %mul3A_507 = arith.muli %add3A, %mul3A_506 : i32
      %add3A_508 = arith.addi %mul3A_507, %min3A_505 : i32
      %jit3A_509 = arith.constant 128 : i32
      %div3A_510 = arith.divsi %add3A_508, %jit3A_509 : i32
      %sign3A_511 = arith.constant 0 : i32
      %sign3A_512 = arith.cmpi sgt, %add3A_508, %sign3A_511 : i32
      %sign3A_513 = arith.extui %sign3A_512 : i1 to i32
      %sign3A_514 = arith.constant 0 : i32
      %sign3A_515 = arith.cmpi slt, %add3A_508, %sign3A_514 : i32
      %sign3A_516 = arith.extui %sign3A_515 : i1 to i32
      %sign3A_517 = arith.subi %sign3A_513, %sign3A_516 : i32
      %sign3A_518 = arith.constant 0 : i32
      %sign3A_519 = arith.cmpi sgt, %jit3A_509, %sign3A_518 : i32
      %sign3A_520 = arith.extui %sign3A_519 : i1 to i32
      %sign3A_521 = arith.constant 0 : i32
      %sign3A_522 = arith.cmpi slt, %jit3A_509, %sign3A_521 : i32
      %sign3A_523 = arith.extui %sign3A_522 : i1 to i32
      %sign3A_524 = arith.subi %sign3A_520, %sign3A_523 : i32
      %ne3A_525 = arith.cmpi ne, %sign3A_517, %sign3A_524 : i32
      %rem3A_526 = arith.remsi %add3A_508, %jit3A_509 : i32
      %ne3A_527 = arith.constant 0 : i32
      %ne3A_528 = arith.cmpi ne, %rem3A_526, %ne3A_527 : i32
      %and3A_529 = arith.andi %ne3A_525, %ne3A_528 : i1
      %sub3A_530 = arith.constant 1 : i32
      %sub3A_531 = arith.subi %div3A_510, %sub3A_530 : i32
      %select_n3A_532 = arith.select %and3A_529, %sub3A_531, %div3A_510 : i32
      %jit3A_533 = arith.constant 128 : i32
      %eq3A_534 = arith.constant 0 : i32
      %eq3A_535 = arith.cmpi eq, %jit3A_533, %eq3A_534 : i32
      %jit3A_536 = arith.constant 1 : i32
      %select_n3A_537 = arith.select %eq3A_535, %jit3A_536, %jit3A_533 : i32
      %rem3A_538 = arith.remsi %add3A_508, %select_n3A_537 : i32
      %ne3A_539 = arith.constant 0 : i32
      %ne3A_540 = arith.cmpi ne, %rem3A_538, %ne3A_539 : i32
      %lt3A_541 = arith.constant 0 : i32
      %lt3A_542 = arith.cmpi slt, %rem3A_538, %lt3A_541 : i32
      %lt3A_543 = arith.constant 0 : i32
      %lt3A_544 = arith.cmpi slt, %select_n3A_537, %lt3A_543 : i32
      %ne3A_545 = arith.xori %lt3A_542, %lt3A_544 : i1
      %and3A_546 = arith.andi %ne3A_545, %ne3A_540 : i1
      %add3A_547 = arith.addi %rem3A_538, %select_n3A_537 : i32
      %select_n3A_548 = arith.select %and3A_546, %add3A_547, %rem3A_538 : i32
      %mul3A_549 = arith.constant 4 : i32
      %mul3A_550 = arith.muli %select_n3A_548, %mul3A_549 : i32
      %dma_start3A_551 = arith.constant 1 : i32
      %dma_start3A_552 = arith.constant 1 : i32
      %dma_start3A_553 = arith.constant 0 : i32
      %dma_start3A_554 = arith.constant 0 : i32
      %dma_start3A_555 = arith.constant 0 : i32
      %dma_start3A_556 = tpu.memref_slice %arg5[%dma_start3A_551, %dma_start3A_553, %dma_start3A_554, %dma_start3A_555] : memref<2x19x4x512xf32, #tpu.memory_space<vmem>> -> memref<1x19x4x512xf32, #tpu.memory_space<vmem>>
      %dma_start3A_557 = tpu.memref_squeeze %dma_start3A_556 : memref<1x19x4x512xf32, #tpu.memory_space<vmem>> -> memref<19x4x512xf32, #tpu.memory_space<vmem>>
      %dma_start3A_558 = arith.constant 0 : i32
      %dma_start3A_559 = arith.constant 0 : i32
      %dma_start3A_560 = tpu.memref_slice %arg2[%select_n3A_532, %dma_start3A_558, %mul3A_550, %dma_start3A_559] : memref<8x19x512x512xf32, #tpu.memory_space<hbm>> -> memref<1x19x4x512xf32, #tpu.memory_space<hbm>>
      %dma_start3A_561 = tpu.memref_squeeze %dma_start3A_560 : memref<1x19x4x512xf32, #tpu.memory_space<hbm>> -> memref<19x4x512xf32, #tpu.memory_space<hbm>>
      %dma_start3A_562 = tpu.memref_slice %arg8[%dma_start3A_552] : memref<2x!tpu.dma_semaphore, #tpu.memory_space<semaphore_mem>> -> memref<1x!tpu.dma_semaphore, #tpu.memory_space<semaphore_mem>>
      %dma_start3A_563 = tpu.memref_squeeze %dma_start3A_562 : memref<1x!tpu.dma_semaphore, #tpu.memory_space<semaphore_mem>> -> memref<!tpu.dma_semaphore, #tpu.memory_space<semaphore_mem>>
      %dma_start3A_564 = arith.constant 0 : i32
      %dma_start3A_565 = arith.constant 0 : i32
      %dma_start3A_566 = arith.constant 0 : i32
      %dma_start3A_567 = tpu.memref_slice %arg5[%dma_start3A_551, %dma_start3A_564, %dma_start3A_565, %dma_start3A_566] : memref<2x19x4x512xf32, #tpu.memory_space<vmem>> -> memref<1x19x4x512xf32, #tpu.memory_space<vmem>>
      %dma_start3A_568 = tpu.memref_squeeze %dma_start3A_567 : memref<1x19x4x512xf32, #tpu.memory_space<vmem>> -> memref<19x4x512xf32, #tpu.memory_space<vmem>>
      %dma_start3A_569 = arith.constant 0 : i32
      %dma_start3A_570 = arith.constant 0 : i32
      %dma_start3A_571 = tpu.memref_slice %arg2[%select_n3A_532, %dma_start3A_569, %mul3A_550, %dma_start3A_570] : memref<8x19x512x512xf32, #tpu.memory_space<hbm>> -> memref<1x19x4x512xf32, #tpu.memory_space<hbm>>
      %dma_start3A_572 = tpu.memref_squeeze %dma_start3A_571 : memref<1x19x4x512xf32, #tpu.memory_space<hbm>> -> memref<19x4x512xf32, #tpu.memory_space<hbm>>
      tpu.enqueue_dma source(%dma_start3A_572 : memref<19x4x512xf32, #tpu.memory_space<hbm>>) target(%dma_start3A_568 : memref<19x4x512xf32, #tpu.memory_space<vmem>>) target_semaphore(%dma_start3A_563 : memref<!tpu.dma_semaphore, #tpu.memory_space<semaphore_mem>>)
      %dma_start3A_573 = arith.constant 1 : i32
      %dma_start3A_574 = arith.constant 1 : i32
      %dma_start3A_575 = arith.constant 0 : i32
      %dma_start3A_576 = arith.constant 0 : i32
      %dma_start3A_577 = tpu.memref_slice %arg6[%dma_start3A_573, %dma_start3A_575, %dma_start3A_576] : memref<2x4x512xi32, #tpu.memory_space<vmem>> -> memref<1x4x512xi32, #tpu.memory_space<vmem>>
      %dma_start3A_578 = tpu.memref_squeeze %dma_start3A_577 : memref<1x4x512xi32, #tpu.memory_space<vmem>> -> memref<4x512xi32, #tpu.memory_space<vmem>>
      %dma_start3A_579 = arith.constant 0 : i32
      %dma_start3A_580 = tpu.memref_slice %arg3[%select_n3A_532, %mul3A_550, %dma_start3A_579] : memref<8x512x512xi32, #tpu.memory_space<hbm>> -> memref<1x4x512xi32, #tpu.memory_space<hbm>>
      %dma_start3A_581 = tpu.memref_squeeze %dma_start3A_580 : memref<1x4x512xi32, #tpu.memory_space<hbm>> -> memref<4x512xi32, #tpu.memory_space<hbm>>
      %dma_start3A_582 = tpu.memref_slice %arg9[%dma_start3A_574] : memref<2x!tpu.dma_semaphore, #tpu.memory_space<semaphore_mem>> -> memref<1x!tpu.dma_semaphore, #tpu.memory_space<semaphore_mem>>
      %dma_start3A_583 = tpu.memref_squeeze %dma_start3A_582 : memref<1x!tpu.dma_semaphore, #tpu.memory_space<semaphore_mem>> -> memref<!tpu.dma_semaphore, #tpu.memory_space<semaphore_mem>>
      %dma_start3A_584 = arith.constant 0 : i32
      %dma_start3A_585 = arith.constant 0 : i32
      %dma_start3A_586 = tpu.memref_slice %arg6[%dma_start3A_573, %dma_start3A_584, %dma_start3A_585] : memref<2x4x512xi32, #tpu.memory_space<vmem>> -> memref<1x4x512xi32, #tpu.memory_space<vmem>>
      %dma_start3A_587 = tpu.memref_squeeze %dma_start3A_586 : memref<1x4x512xi32, #tpu.memory_space<vmem>> -> memref<4x512xi32, #tpu.memory_space<vmem>>
      %dma_start3A_588 = arith.constant 0 : i32
      %dma_start3A_589 = tpu.memref_slice %arg3[%select_n3A_532, %mul3A_550, %dma_start3A_588] : memref<8x512x512xi32, #tpu.memory_space<hbm>> -> memref<1x4x512xi32, #tpu.memory_space<hbm>>
      %dma_start3A_590 = tpu.memref_squeeze %dma_start3A_589 : memref<1x4x512xi32, #tpu.memory_space<hbm>> -> memref<4x512xi32, #tpu.memory_space<hbm>>
      tpu.enqueue_dma source(%dma_start3A_590 : memref<4x512xi32, #tpu.memory_space<hbm>>) target(%dma_start3A_587 : memref<4x512xi32, #tpu.memory_space<vmem>>) target_semaphore(%dma_start3A_583 : memref<!tpu.dma_semaphore, #tpu.memory_space<semaphore_mem>>)
      scf.yield %scan3A_500 : vector<16xf32>
    }
    %scan3A_170 = arith.constant 7 : i32
    %dma_wait3A = arith.constant 0 : i32
    %dma_wait3A_171 = arith.constant 0 : i32
    %dma_wait3A_172 = arith.constant 0 : i32
    %dma_wait3A_173 = arith.constant 0 : i32
    %dma_wait3A_174 = arith.constant 0 : i32
    %dma_wait3A_175 = arith.constant 0 : i32
    %dma_wait3A_176 = tpu.memref_slice %arg5[%dma_wait3A_171, %dma_wait3A_173, %dma_wait3A_174, %dma_wait3A_175] : memref<2x19x4x512xf32, #tpu.memory_space<vmem>> -> memref<1x19x4x512xf32, #tpu.memory_space<vmem>>
    %dma_wait3A_177 = tpu.memref_squeeze %dma_wait3A_176 : memref<1x19x4x512xf32, #tpu.memory_space<vmem>> -> memref<19x4x512xf32, #tpu.memory_space<vmem>>
    %dma_wait3A_178 = arith.constant 0 : i32
    %dma_wait3A_179 = arith.constant 0 : i32
    %dma_wait3A_180 = arith.constant 0 : i32
    %dma_wait3A_181 = tpu.memref_slice %arg2[%dma_wait3A, %dma_wait3A_178, %dma_wait3A_179, %dma_wait3A_180] : memref<8x19x512x512xf32, #tpu.memory_space<hbm>> -> memref<1x19x4x512xf32, #tpu.memory_space<hbm>>
    %dma_wait3A_182 = tpu.memref_squeeze %dma_wait3A_181 : memref<1x19x4x512xf32, #tpu.memory_space<hbm>> -> memref<19x4x512xf32, #tpu.memory_space<hbm>>
    %dma_wait3A_183 = tpu.memref_slice %arg8[%dma_wait3A_172] : memref<2x!tpu.dma_semaphore, #tpu.memory_space<semaphore_mem>> -> memref<1x!tpu.dma_semaphore, #tpu.memory_space<semaphore_mem>>
    %dma_wait3A_184 = tpu.memref_squeeze %dma_wait3A_183 : memref<1x!tpu.dma_semaphore, #tpu.memory_space<semaphore_mem>> -> memref<!tpu.dma_semaphore, #tpu.memory_space<semaphore_mem>>
    %dma_wait3A_185 = arith.constant 0 : i32
    %dma_wait3A_186 = arith.constant 0 : i32
    %dma_wait3A_187 = arith.constant 0 : i32
    %dma_wait3A_188 = tpu.memref_slice %arg5[%dma_wait3A_171, %dma_wait3A_185, %dma_wait3A_186, %dma_wait3A_187] : memref<2x19x4x512xf32, #tpu.memory_space<vmem>> -> memref<1x19x4x512xf32, #tpu.memory_space<vmem>>
    %dma_wait3A_189 = tpu.memref_squeeze %dma_wait3A_188 : memref<1x19x4x512xf32, #tpu.memory_space<vmem>> -> memref<19x4x512xf32, #tpu.memory_space<vmem>>
    %dma_wait3A_190 = arith.constant 0 : i32
    %dma_wait3A_191 = arith.constant 0 : i32
    %dma_wait3A_192 = arith.constant 0 : i32
    %dma_wait3A_193 = tpu.memref_slice %arg2[%dma_wait3A, %dma_wait3A_190, %dma_wait3A_191, %dma_wait3A_192] : memref<8x19x512x512xf32, #tpu.memory_space<hbm>> -> memref<1x19x4x512xf32, #tpu.memory_space<hbm>>
    %dma_wait3A_194 = tpu.memref_squeeze %dma_wait3A_193 : memref<1x19x4x512xf32, #tpu.memory_space<hbm>> -> memref<19x4x512xf32, #tpu.memory_space<hbm>>
    tpu.wait_dma2 semaphore(%dma_wait3A_184 : memref<!tpu.dma_semaphore, #tpu.memory_space<semaphore_mem>>) src(%dma_wait3A_194 : memref<19x4x512xf32, #tpu.memory_space<hbm>>) dst(%dma_wait3A_189 : memref<19x4x512xf32, #tpu.memory_space<vmem>>)
    %dma_wait3A_195 = arith.constant 0 : i32
    %dma_wait3A_196 = arith.constant 0 : i32
    %dma_wait3A_197 = arith.constant 0 : i32
    %dma_wait3A_198 = arith.constant 0 : i32
    %dma_wait3A_199 = arith.constant 0 : i32
    %dma_wait3A_200 = tpu.memref_slice %arg6[%dma_wait3A_196, %dma_wait3A_198, %dma_wait3A_199] : memref<2x4x512xi32, #tpu.memory_space<vmem>> -> memref<1x4x512xi32, #tpu.memory_space<vmem>>
    %dma_wait3A_201 = tpu.memref_squeeze %dma_wait3A_200 : memref<1x4x512xi32, #tpu.memory_space<vmem>> -> memref<4x512xi32, #tpu.memory_space<vmem>>
    %dma_wait3A_202 = arith.constant 0 : i32
    %dma_wait3A_203 = arith.constant 0 : i32
    %dma_wait3A_204 = tpu.memref_slice %arg3[%dma_wait3A_195, %dma_wait3A_202, %dma_wait3A_203] : memref<8x512x512xi32, #tpu.memory_space<hbm>> -> memref<1x4x512xi32, #tpu.memory_space<hbm>>
    %dma_wait3A_205 = tpu.memref_squeeze %dma_wait3A_204 : memref<1x4x512xi32, #tpu.memory_space<hbm>> -> memref<4x512xi32, #tpu.memory_space<hbm>>
    %dma_wait3A_206 = tpu.memref_slice %arg9[%dma_wait3A_197] : memref<2x!tpu.dma_semaphore, #tpu.memory_space<semaphore_mem>> -> memref<1x!tpu.dma_semaphore, #tpu.memory_space<semaphore_mem>>
    %dma_wait3A_207 = tpu.memref_squeeze %dma_wait3A_206 : memref<1x!tpu.dma_semaphore, #tpu.memory_space<semaphore_mem>> -> memref<!tpu.dma_semaphore, #tpu.memory_space<semaphore_mem>>
    %dma_wait3A_208 = arith.constant 0 : i32
    %dma_wait3A_209 = arith.constant 0 : i32
    %dma_wait3A_210 = tpu.memref_slice %arg6[%dma_wait3A_196, %dma_wait3A_208, %dma_wait3A_209] : memref<2x4x512xi32, #tpu.memory_space<vmem>> -> memref<1x4x512xi32, #tpu.memory_space<vmem>>
    %dma_wait3A_211 = tpu.memref_squeeze %dma_wait3A_210 : memref<1x4x512xi32, #tpu.memory_space<vmem>> -> memref<4x512xi32, #tpu.memory_space<vmem>>
    %dma_wait3A_212 = arith.constant 0 : i32
    %dma_wait3A_213 = arith.constant 0 : i32
    %dma_wait3A_214 = tpu.memref_slice %arg3[%dma_wait3A_195, %dma_wait3A_212, %dma_wait3A_213] : memref<8x512x512xi32, #tpu.memory_space<hbm>> -> memref<1x4x512xi32, #tpu.memory_space<hbm>>
    %dma_wait3A_215 = tpu.memref_squeeze %dma_wait3A_214 : memref<1x4x512xi32, #tpu.memory_space<hbm>> -> memref<4x512xi32, #tpu.memory_space<hbm>>
    tpu.wait_dma2 semaphore(%dma_wait3A_207 : memref<!tpu.dma_semaphore, #tpu.memory_space<semaphore_mem>>) src(%dma_wait3A_215 : memref<4x512xi32, #tpu.memory_space<hbm>>) dst(%dma_wait3A_211 : memref<4x512xi32, #tpu.memory_space<vmem>>)
    %dma_wait3A_216 = arith.constant 0 : i32
    %dma_wait3A_217 = arith.constant 1 : i32
    %dma_wait3A_218 = arith.constant 1 : i32
    %dma_wait3A_219 = arith.constant 0 : i32
    %dma_wait3A_220 = arith.constant 0 : i32
    %dma_wait3A_221 = arith.constant 0 : i32
    %dma_wait3A_222 = tpu.memref_slice %arg5[%dma_wait3A_217, %dma_wait3A_219, %dma_wait3A_220, %dma_wait3A_221] : memref<2x19x4x512xf32, #tpu.memory_space<vmem>> -> memref<1x19x4x512xf32, #tpu.memory_space<vmem>>
    %dma_wait3A_223 = tpu.memref_squeeze %dma_wait3A_222 : memref<1x19x4x512xf32, #tpu.memory_space<vmem>> -> memref<19x4x512xf32, #tpu.memory_space<vmem>>
    %dma_wait3A_224 = arith.constant 0 : i32
    %dma_wait3A_225 = arith.constant 0 : i32
    %dma_wait3A_226 = arith.constant 0 : i32
    %dma_wait3A_227 = tpu.memref_slice %arg2[%dma_wait3A_216, %dma_wait3A_224, %dma_wait3A_225, %dma_wait3A_226] : memref<8x19x512x512xf32, #tpu.memory_space<hbm>> -> memref<1x19x4x512xf32, #tpu.memory_space<hbm>>
    %dma_wait3A_228 = tpu.memref_squeeze %dma_wait3A_227 : memref<1x19x4x512xf32, #tpu.memory_space<hbm>> -> memref<19x4x512xf32, #tpu.memory_space<hbm>>
    %dma_wait3A_229 = tpu.memref_slice %arg8[%dma_wait3A_218] : memref<2x!tpu.dma_semaphore, #tpu.memory_space<semaphore_mem>> -> memref<1x!tpu.dma_semaphore, #tpu.memory_space<semaphore_mem>>
    %dma_wait3A_230 = tpu.memref_squeeze %dma_wait3A_229 : memref<1x!tpu.dma_semaphore, #tpu.memory_space<semaphore_mem>> -> memref<!tpu.dma_semaphore, #tpu.memory_space<semaphore_mem>>
    %dma_wait3A_231 = arith.constant 0 : i32
    %dma_wait3A_232 = arith.constant 0 : i32
    %dma_wait3A_233 = arith.constant 0 : i32
    %dma_wait3A_234 = tpu.memref_slice %arg5[%dma_wait3A_217, %dma_wait3A_231, %dma_wait3A_232, %dma_wait3A_233] : memref<2x19x4x512xf32, #tpu.memory_space<vmem>> -> memref<1x19x4x512xf32, #tpu.memory_space<vmem>>
    %dma_wait3A_235 = tpu.memref_squeeze %dma_wait3A_234 : memref<1x19x4x512xf32, #tpu.memory_space<vmem>> -> memref<19x4x512xf32, #tpu.memory_space<vmem>>
    %dma_wait3A_236 = arith.constant 0 : i32
    %dma_wait3A_237 = arith.constant 0 : i32
    %dma_wait3A_238 = arith.constant 0 : i32
    %dma_wait3A_239 = tpu.memref_slice %arg2[%dma_wait3A_216, %dma_wait3A_236, %dma_wait3A_237, %dma_wait3A_238] : memref<8x19x512x512xf32, #tpu.memory_space<hbm>> -> memref<1x19x4x512xf32, #tpu.memory_space<hbm>>
    %dma_wait3A_240 = tpu.memref_squeeze %dma_wait3A_239 : memref<1x19x4x512xf32, #tpu.memory_space<hbm>> -> memref<19x4x512xf32, #tpu.memory_space<hbm>>
    tpu.wait_dma2 semaphore(%dma_wait3A_230 : memref<!tpu.dma_semaphore, #tpu.memory_space<semaphore_mem>>) src(%dma_wait3A_240 : memref<19x4x512xf32, #tpu.memory_space<hbm>>) dst(%dma_wait3A_235 : memref<19x4x512xf32, #tpu.memory_space<vmem>>)
    %dma_wait3A_241 = arith.constant 0 : i32
    %dma_wait3A_242 = arith.constant 1 : i32
    %dma_wait3A_243 = arith.constant 1 : i32
    %dma_wait3A_244 = arith.constant 0 : i32
    %dma_wait3A_245 = arith.constant 0 : i32
    %dma_wait3A_246 = tpu.memref_slice %arg6[%dma_wait3A_242, %dma_wait3A_244, %dma_wait3A_245] : memref<2x4x512xi32, #tpu.memory_space<vmem>> -> memref<1x4x512xi32, #tpu.memory_space<vmem>>
    %dma_wait3A_247 = tpu.memref_squeeze %dma_wait3A_246 : memref<1x4x512xi32, #tpu.memory_space<vmem>> -> memref<4x512xi32, #tpu.memory_space<vmem>>
    %dma_wait3A_248 = arith.constant 0 : i32
    %dma_wait3A_249 = arith.constant 0 : i32
    %dma_wait3A_250 = tpu.memref_slice %arg3[%dma_wait3A_241, %dma_wait3A_248, %dma_wait3A_249] : memref<8x512x512xi32, #tpu.memory_space<hbm>> -> memref<1x4x512xi32, #tpu.memory_space<hbm>>
    %dma_wait3A_251 = tpu.memref_squeeze %dma_wait3A_250 : memref<1x4x512xi32, #tpu.memory_space<hbm>> -> memref<4x512xi32, #tpu.memory_space<hbm>>
    %dma_wait3A_252 = tpu.memref_slice %arg9[%dma_wait3A_243] : memref<2x!tpu.dma_semaphore, #tpu.memory_space<semaphore_mem>> -> memref<1x!tpu.dma_semaphore, #tpu.memory_space<semaphore_mem>>
    %dma_wait3A_253 = tpu.memref_squeeze %dma_wait3A_252 : memref<1x!tpu.dma_semaphore, #tpu.memory_space<semaphore_mem>> -> memref<!tpu.dma_semaphore, #tpu.memory_space<semaphore_mem>>
    %dma_wait3A_254 = arith.constant 0 : i32
    %dma_wait3A_255 = arith.constant 0 : i32
    %dma_wait3A_256 = tpu.memref_slice %arg6[%dma_wait3A_242, %dma_wait3A_254, %dma_wait3A_255] : memref<2x4x512xi32, #tpu.memory_space<vmem>> -> memref<1x4x512xi32, #tpu.memory_space<vmem>>
    %dma_wait3A_257 = tpu.memref_squeeze %dma_wait3A_256 : memref<1x4x512xi32, #tpu.memory_space<vmem>> -> memref<4x512xi32, #tpu.memory_space<vmem>>
    %dma_wait3A_258 = arith.constant 0 : i32
    %dma_wait3A_259 = arith.constant 0 : i32
    %dma_wait3A_260 = tpu.memref_slice %arg3[%dma_wait3A_241, %dma_wait3A_258, %dma_wait3A_259] : memref<8x512x512xi32, #tpu.memory_space<hbm>> -> memref<1x4x512xi32, #tpu.memory_space<hbm>>
    %dma_wait3A_261 = tpu.memref_squeeze %dma_wait3A_260 : memref<1x4x512xi32, #tpu.memory_space<hbm>> -> memref<4x512xi32, #tpu.memory_space<hbm>>
    tpu.wait_dma2 semaphore(%dma_wait3A_253 : memref<!tpu.dma_semaphore, #tpu.memory_space<semaphore_mem>>) src(%dma_wait3A_261 : memref<4x512xi32, #tpu.memory_space<hbm>>) dst(%dma_wait3A_257 : memref<4x512xi32, #tpu.memory_space<vmem>>)
    %swap3A = arith.constant 0 : index
    %swap3A_262 = tpu.vector_load %arg7[%swap3A] {strides = array<i32>} : memref<16xf32, #tpu.memory_space<vmem>>, vector<16xf32>,
    tpu.vector_store %arg7[%swap3A], %scan3A_169 {strides = array<i32>} : memref<16xf32, #tpu.memory_space<vmem>>, vector<16xf32>,
    "tpu.region"() ({
      %run_scoped3A = tpu.sem_alloc : memref<!tpu.dma_semaphore, #tpu.memory_space<semaphore_mem>>
      %dma_start3A_263 = arith.constant 0 : i32
      %dma_start3A_264 = tpu.memref_slice %arg4[%add3A, %dma_start3A_263] : memref<32x16xf32, #tpu.memory_space<hbm>> -> memref<1x16xf32, #tpu.memory_space<hbm>>
      %dma_start3A_265 = tpu.memref_squeeze %dma_start3A_264 : memref<1x16xf32, #tpu.memory_space<hbm>> -> memref<16xf32, #tpu.memory_space<hbm>>
      %dma_start3A_266 = arith.constant 0 : i32
      %dma_start3A_267 = tpu.memref_slice %arg4[%add3A, %dma_start3A_266] : memref<32x16xf32, #tpu.memory_space<hbm>> -> memref<1x16xf32, #tpu.memory_space<hbm>>
      %dma_start3A_268 = tpu.memref_squeeze %dma_start3A_267 : memref<1x16xf32, #tpu.memory_space<hbm>> -> memref<16xf32, #tpu.memory_space<hbm>>
      tpu.enqueue_dma source(%arg7 : memref<16xf32, #tpu.memory_space<vmem>>) target(%dma_start3A_268 : memref<16xf32, #tpu.memory_space<hbm>>) target_semaphore(%run_scoped3A : memref<!tpu.dma_semaphore, #tpu.memory_space<semaphore_mem>>)
      %dma_wait3A_269 = arith.constant 0 : i32
      %dma_wait3A_270 = tpu.memref_slice %arg4[%add3A, %dma_wait3A_269] : memref<32x16xf32, #tpu.memory_space<hbm>> -> memref<1x16xf32, #tpu.memory_space<hbm>>
      %dma_wait3A_271 = tpu.memref_squeeze %dma_wait3A_270 : memref<1x16xf32, #tpu.memory_space<hbm>> -> memref<16xf32, #tpu.memory_space<hbm>>
      %dma_wait3A_272 = arith.constant 0 : i32
      %dma_wait3A_273 = tpu.memref_slice %arg4[%add3A, %dma_wait3A_272] : memref<32x16xf32, #tpu.memory_space<hbm>> -> memref<1x16xf32, #tpu.memory_space<hbm>>
      %dma_wait3A_274 = tpu.memref_squeeze %dma_wait3A_273 : memref<1x16xf32, #tpu.memory_space<hbm>> -> memref<16xf32, #tpu.memory_space<hbm>>
      tpu.wait_dma2 semaphore(%run_scoped3A : memref<!tpu.dma_semaphore, #tpu.memory_space<semaphore_mem>>) src(%arg7 : memref<16xf32, #tpu.memory_space<vmem>>) dst(%dma_wait3A_274 : memref<16xf32, #tpu.memory_space<hbm>>)
      tpu.yield
    }) : () -> ()
    return
  }
}

module attributes {stable_mosaic.version = 14 : i64} {
  func.func @_tc_body(%arg0: i32, %arg1: memref<1x19x128x512xf32, #tpu.memory_space<vmem>>, %arg2: memref<1x128x512xi32, #tpu.memory_space<vmem>>, %arg3: memref<1xf32, #tpu.memory_space<smem>>, %arg4: memref<128x512xf32, #tpu.memory_space<vmem>>) attributes {dimension_semantics = [#tpu.dimension_semantics<arbitrary>], iteration_bounds = array<i64: 18>, scalar_prefetch = 0 : i64, scratch_operands = 1 : i64, tpu.core_type = #tpu.core_type<tc>, window_params = [{transform_indices = @transform_0, window_bounds = array<i64: 1, 19, 128, 512>}, {transform_indices = @transform_1, window_bounds = array<i64: 1, 128, 512>}, {transform_indices = @transform_2, window_bounds = array<i64: 1>}]} {
    %eq3A = arith.constant 0 : i32
    %eq3A_0 = arith.cmpi eq, %arg0, %eq3A : i32
    %convert_element_type3A = arith.extui %eq3A_0 : i1 to i32
    %cond3A = arith.constant 0 : i32
    %cond3A_1 = arith.cmpi ne, %convert_element_type3A, %cond3A : i32
    scf.if %cond3A_1 {
      %broadcast_in_dim3A_598 = arith.constant 0.000000e+00 : f32
      %broadcast_in_dim3A_599 = vector.broadcast %broadcast_in_dim3A_598 : f32 to vector<128x512xf32>
      %swap3A_600 = arith.constant 0 : index
      %swap3A_601 = arith.constant 0 : index
      %swap3A_602 = vector.load %arg4[%swap3A_600, %swap3A_601] : memref<128x512xf32, #tpu.memory_space<vmem>>, vector<128x512xf32>
      tpu.vector_store %arg4[%swap3A_600, %swap3A_601], %broadcast_in_dim3A_599 {strides = array<i32>} : memref<128x512xf32, #tpu.memory_space<vmem>>, vector<128x512xf32>,
    } else {
    }
    %get3A = arith.constant 0 : index
    %get3A_2 = arith.constant 0 : index
    %get3A_3 = arith.constant 0 : index
    %get3A_4 = vector.load %arg2[%get3A, %get3A_2, %get3A_3] : memref<1x128x512xi32, #tpu.memory_space<vmem>>, vector<1x128x512xi32>
    %get3A_5 = vector.shape_cast %get3A_4 : vector<1x128x512xi32> to vector<128x512xi32>
    %get3A_6 = arith.constant 0 : index
    %get3A_7 = arith.constant 0 : index
    %get3A_8 = arith.constant 0 : index
    %get3A_9 = arith.constant 0 : index
    %get3A_10 = vector.load %arg1[%get3A_6, %get3A_7, %get3A_8, %get3A_9] : memref<1x19x128x512xf32, #tpu.memory_space<vmem>>, vector<1x1x128x512xf32>
    %get3A_11 = vector.shape_cast %get3A_10 : vector<1x1x128x512xf32> to vector<128x512xf32>
    %get3A_12 = arith.constant 0 : index
    %get3A_13 = arith.constant 0 : index
    %get3A_14 = arith.constant 0 : index
    %get3A_15 = arith.constant 0 : index
    %get3A_16 = vector.load %arg1[%get3A_12, %get3A_13, %get3A_14, %get3A_15] : memref<1x19x128x512xf32, #tpu.memory_space<vmem>>, vector<1x1x128x512xf32>
    %get3A_17 = vector.shape_cast %get3A_16 : vector<1x1x128x512xf32> to vector<128x512xf32>
    %get3A_18 = arith.constant 0 : index
    %get3A_19 = arith.constant 1 : index
    %get3A_20 = arith.constant 0 : index
    %get3A_21 = arith.constant 0 : index
    %get3A_22 = vector.load %arg1[%get3A_18, %get3A_19, %get3A_20, %get3A_21] : memref<1x19x128x512xf32, #tpu.memory_space<vmem>>, vector<1x1x128x512xf32>
    %get3A_23 = vector.shape_cast %get3A_22 : vector<1x1x128x512xf32> to vector<128x512xf32>
    %max3A = arith.maximumf %get3A_11, %get3A_23 : vector<128x512xf32>
    %add3A = arith.addf %get3A_17, %get3A_23 : vector<128x512xf32>
    %get3A_24 = arith.constant 0 : index
    %get3A_25 = arith.constant 2 : index
    %get3A_26 = arith.constant 0 : index
    %get3A_27 = arith.constant 0 : index
    %get3A_28 = vector.load %arg1[%get3A_24, %get3A_25, %get3A_26, %get3A_27] : memref<1x19x128x512xf32, #tpu.memory_space<vmem>>, vector<1x1x128x512xf32>
    %get3A_29 = vector.shape_cast %get3A_28 : vector<1x1x128x512xf32> to vector<128x512xf32>
    %max3A_30 = arith.maximumf %max3A, %get3A_29 : vector<128x512xf32>
    %add3A_31 = arith.addf %add3A, %get3A_29 : vector<128x512xf32>
    %get3A_32 = arith.constant 0 : index
    %get3A_33 = arith.constant 3 : index
    %get3A_34 = arith.constant 0 : index
    %get3A_35 = arith.constant 0 : index
    %get3A_36 = vector.load %arg1[%get3A_32, %get3A_33, %get3A_34, %get3A_35] : memref<1x19x128x512xf32, #tpu.memory_space<vmem>>, vector<1x1x128x512xf32>
    %get3A_37 = vector.shape_cast %get3A_36 : vector<1x1x128x512xf32> to vector<128x512xf32>
    %max3A_38 = arith.maximumf %max3A_30, %get3A_37 : vector<128x512xf32>
    %add3A_39 = arith.addf %add3A_31, %get3A_37 : vector<128x512xf32>
    %get3A_40 = arith.constant 0 : index
    %get3A_41 = arith.constant 4 : index
    %get3A_42 = arith.constant 0 : index
    %get3A_43 = arith.constant 0 : index
    %get3A_44 = vector.load %arg1[%get3A_40, %get3A_41, %get3A_42, %get3A_43] : memref<1x19x128x512xf32, #tpu.memory_space<vmem>>, vector<1x1x128x512xf32>
    %get3A_45 = vector.shape_cast %get3A_44 : vector<1x1x128x512xf32> to vector<128x512xf32>
    %max3A_46 = arith.maximumf %max3A_38, %get3A_45 : vector<128x512xf32>
    %add3A_47 = arith.addf %add3A_39, %get3A_45 : vector<128x512xf32>
    %get3A_48 = arith.constant 0 : index
    %get3A_49 = arith.constant 5 : index
    %get3A_50 = arith.constant 0 : index
    %get3A_51 = arith.constant 0 : index
    %get3A_52 = vector.load %arg1[%get3A_48, %get3A_49, %get3A_50, %get3A_51] : memref<1x19x128x512xf32, #tpu.memory_space<vmem>>, vector<1x1x128x512xf32>
    %get3A_53 = vector.shape_cast %get3A_52 : vector<1x1x128x512xf32> to vector<128x512xf32>
    %max3A_54 = arith.maximumf %max3A_46, %get3A_53 : vector<128x512xf32>
    %add3A_55 = arith.addf %add3A_47, %get3A_53 : vector<128x512xf32>
    %get3A_56 = arith.constant 0 : index
    %get3A_57 = arith.constant 6 : index
    %get3A_58 = arith.constant 0 : index
    %get3A_59 = arith.constant 0 : index
    %get3A_60 = vector.load %arg1[%get3A_56, %get3A_57, %get3A_58, %get3A_59] : memref<1x19x128x512xf32, #tpu.memory_space<vmem>>, vector<1x1x128x512xf32>
    %get3A_61 = vector.shape_cast %get3A_60 : vector<1x1x128x512xf32> to vector<128x512xf32>
    %max3A_62 = arith.maximumf %max3A_54, %get3A_61 : vector<128x512xf32>
    %add3A_63 = arith.addf %add3A_55, %get3A_61 : vector<128x512xf32>
    %get3A_64 = arith.constant 0 : index
    %get3A_65 = arith.constant 7 : index
    %get3A_66 = arith.constant 0 : index
    %get3A_67 = arith.constant 0 : index
    %get3A_68 = vector.load %arg1[%get3A_64, %get3A_65, %get3A_66, %get3A_67] : memref<1x19x128x512xf32, #tpu.memory_space<vmem>>, vector<1x1x128x512xf32>
    %get3A_69 = vector.shape_cast %get3A_68 : vector<1x1x128x512xf32> to vector<128x512xf32>
    %max3A_70 = arith.maximumf %max3A_62, %get3A_69 : vector<128x512xf32>
    %add3A_71 = arith.addf %add3A_63, %get3A_69 : vector<128x512xf32>
    %get3A_72 = arith.constant 0 : index
    %get3A_73 = arith.constant 8 : index
    %get3A_74 = arith.constant 0 : index
    %get3A_75 = arith.constant 0 : index
    %get3A_76 = vector.load %arg1[%get3A_72, %get3A_73, %get3A_74, %get3A_75] : memref<1x19x128x512xf32, #tpu.memory_space<vmem>>, vector<1x1x128x512xf32>
    %get3A_77 = vector.shape_cast %get3A_76 : vector<1x1x128x512xf32> to vector<128x512xf32>
    %max3A_78 = arith.maximumf %max3A_70, %get3A_77 : vector<128x512xf32>
    %add3A_79 = arith.addf %add3A_71, %get3A_77 : vector<128x512xf32>
    %get3A_80 = arith.constant 0 : index
    %get3A_81 = arith.constant 9 : index
    %get3A_82 = arith.constant 0 : index
    %get3A_83 = arith.constant 0 : index
    %get3A_84 = vector.load %arg1[%get3A_80, %get3A_81, %get3A_82, %get3A_83] : memref<1x19x128x512xf32, #tpu.memory_space<vmem>>, vector<1x1x128x512xf32>
    %get3A_85 = vector.shape_cast %get3A_84 : vector<1x1x128x512xf32> to vector<128x512xf32>
    %max3A_86 = arith.maximumf %max3A_78, %get3A_85 : vector<128x512xf32>
    %add3A_87 = arith.addf %add3A_79, %get3A_85 : vector<128x512xf32>
    %get3A_88 = arith.constant 0 : index
    %get3A_89 = arith.constant 10 : index
    %get3A_90 = arith.constant 0 : index
    %get3A_91 = arith.constant 0 : index
    %get3A_92 = vector.load %arg1[%get3A_88, %get3A_89, %get3A_90, %get3A_91] : memref<1x19x128x512xf32, #tpu.memory_space<vmem>>, vector<1x1x128x512xf32>
    %get3A_93 = vector.shape_cast %get3A_92 : vector<1x1x128x512xf32> to vector<128x512xf32>
    %max3A_94 = arith.maximumf %max3A_86, %get3A_93 : vector<128x512xf32>
    %add3A_95 = arith.addf %add3A_87, %get3A_93 : vector<128x512xf32>
    %get3A_96 = arith.constant 0 : index
    %get3A_97 = arith.constant 11 : index
    %get3A_98 = arith.constant 0 : index
    %get3A_99 = arith.constant 0 : index
    %get3A_100 = vector.load %arg1[%get3A_96, %get3A_97, %get3A_98, %get3A_99] : memref<1x19x128x512xf32, #tpu.memory_space<vmem>>, vector<1x1x128x512xf32>
    %get3A_101 = vector.shape_cast %get3A_100 : vector<1x1x128x512xf32> to vector<128x512xf32>
    %max3A_102 = arith.maximumf %max3A_94, %get3A_101 : vector<128x512xf32>
    %add3A_103 = arith.addf %add3A_95, %get3A_101 : vector<128x512xf32>
    %get3A_104 = arith.constant 0 : index
    %get3A_105 = arith.constant 12 : index
    %get3A_106 = arith.constant 0 : index
    %get3A_107 = arith.constant 0 : index
    %get3A_108 = vector.load %arg1[%get3A_104, %get3A_105, %get3A_106, %get3A_107] : memref<1x19x128x512xf32, #tpu.memory_space<vmem>>, vector<1x1x128x512xf32>
    %get3A_109 = vector.shape_cast %get3A_108 : vector<1x1x128x512xf32> to vector<128x512xf32>
    %max3A_110 = arith.maximumf %max3A_102, %get3A_109 : vector<128x512xf32>
    %add3A_111 = arith.addf %add3A_103, %get3A_109 : vector<128x512xf32>
    %get3A_112 = arith.constant 0 : index
    %get3A_113 = arith.constant 13 : index
    %get3A_114 = arith.constant 0 : index
    %get3A_115 = arith.constant 0 : index
    %get3A_116 = vector.load %arg1[%get3A_112, %get3A_113, %get3A_114, %get3A_115] : memref<1x19x128x512xf32, #tpu.memory_space<vmem>>, vector<1x1x128x512xf32>
    %get3A_117 = vector.shape_cast %get3A_116 : vector<1x1x128x512xf32> to vector<128x512xf32>
    %max3A_118 = arith.maximumf %max3A_110, %get3A_117 : vector<128x512xf32>
    %add3A_119 = arith.addf %add3A_111, %get3A_117 : vector<128x512xf32>
    %get3A_120 = arith.constant 0 : index
    %get3A_121 = arith.constant 14 : index
    %get3A_122 = arith.constant 0 : index
    %get3A_123 = arith.constant 0 : index
    %get3A_124 = vector.load %arg1[%get3A_120, %get3A_121, %get3A_122, %get3A_123] : memref<1x19x128x512xf32, #tpu.memory_space<vmem>>, vector<1x1x128x512xf32>
    %get3A_125 = vector.shape_cast %get3A_124 : vector<1x1x128x512xf32> to vector<128x512xf32>
    %max3A_126 = arith.maximumf %max3A_118, %get3A_125 : vector<128x512xf32>
    %add3A_127 = arith.addf %add3A_119, %get3A_125 : vector<128x512xf32>
    %get3A_128 = arith.constant 0 : index
    %get3A_129 = arith.constant 15 : index
    %get3A_130 = arith.constant 0 : index
    %get3A_131 = arith.constant 0 : index
    %get3A_132 = vector.load %arg1[%get3A_128, %get3A_129, %get3A_130, %get3A_131] : memref<1x19x128x512xf32, #tpu.memory_space<vmem>>, vector<1x1x128x512xf32>
    %get3A_133 = vector.shape_cast %get3A_132 : vector<1x1x128x512xf32> to vector<128x512xf32>
    %max3A_134 = arith.maximumf %max3A_126, %get3A_133 : vector<128x512xf32>
    %add3A_135 = arith.addf %add3A_127, %get3A_133 : vector<128x512xf32>
    %get3A_136 = arith.constant 0 : index
    %get3A_137 = arith.constant 16 : index
    %get3A_138 = arith.constant 0 : index
    %get3A_139 = arith.constant 0 : index
    %get3A_140 = vector.load %arg1[%get3A_136, %get3A_137, %get3A_138, %get3A_139] : memref<1x19x128x512xf32, #tpu.memory_space<vmem>>, vector<1x1x128x512xf32>
    %get3A_141 = vector.shape_cast %get3A_140 : vector<1x1x128x512xf32> to vector<128x512xf32>
    %max3A_142 = arith.maximumf %max3A_134, %get3A_141 : vector<128x512xf32>
    %add3A_143 = arith.addf %add3A_135, %get3A_141 : vector<128x512xf32>
    %get3A_144 = arith.constant 0 : index
    %get3A_145 = arith.constant 17 : index
    %get3A_146 = arith.constant 0 : index
    %get3A_147 = arith.constant 0 : index
    %get3A_148 = vector.load %arg1[%get3A_144, %get3A_145, %get3A_146, %get3A_147] : memref<1x19x128x512xf32, #tpu.memory_space<vmem>>, vector<1x1x128x512xf32>
    %get3A_149 = vector.shape_cast %get3A_148 : vector<1x1x128x512xf32> to vector<128x512xf32>
    %max3A_150 = arith.maximumf %max3A_142, %get3A_149 : vector<128x512xf32>
    %add3A_151 = arith.addf %add3A_143, %get3A_149 : vector<128x512xf32>
    %get3A_152 = arith.constant 0 : index
    %get3A_153 = arith.constant 18 : index
    %get3A_154 = arith.constant 0 : index
    %get3A_155 = arith.constant 0 : index
    %get3A_156 = vector.load %arg1[%get3A_152, %get3A_153, %get3A_154, %get3A_155] : memref<1x19x128x512xf32, #tpu.memory_space<vmem>>, vector<1x1x128x512xf32>
    %get3A_157 = vector.shape_cast %get3A_156 : vector<1x1x128x512xf32> to vector<128x512xf32>
    %max3A_158 = arith.maximumf %max3A_150, %get3A_157 : vector<128x512xf32>
    %add3A_159 = arith.addf %add3A_151, %get3A_157 : vector<128x512xf32>
    %get3A_160 = arith.constant 0 : index
    %get3A_161 = arith.constant 0 : index
    %get3A_162 = arith.constant 0 : index
    %get3A_163 = arith.constant 0 : index
    %get3A_164 = vector.load %arg1[%get3A_160, %get3A_161, %get3A_162, %get3A_163] : memref<1x19x128x512xf32, #tpu.memory_space<vmem>>, vector<1x1x128x512xf32>
    %get3A_165 = vector.shape_cast %get3A_164 : vector<1x1x128x512xf32> to vector<128x512xf32>
    %sub3A = arith.subf %get3A_165, %max3A_158 : vector<128x512xf32>
    %exp3A = math.exp %sub3A : vector<128x512xf32>
    %get3A_166 = arith.constant 0 : index
    %get3A_167 = arith.constant 1 : index
    %get3A_168 = arith.constant 0 : index
    %get3A_169 = arith.constant 0 : index
    %get3A_170 = vector.load %arg1[%get3A_166, %get3A_167, %get3A_168, %get3A_169] : memref<1x19x128x512xf32, #tpu.memory_space<vmem>>, vector<1x1x128x512xf32>
    %get3A_171 = vector.shape_cast %get3A_170 : vector<1x1x128x512xf32> to vector<128x512xf32>
    %sub3A_172 = arith.subf %get3A_171, %max3A_158 : vector<128x512xf32>
    %exp3A_173 = math.exp %sub3A_172 : vector<128x512xf32>
    %add3A_174 = arith.addf %exp3A, %exp3A_173 : vector<128x512xf32>
    %get3A_175 = arith.constant 0 : index
    %get3A_176 = arith.constant 2 : index
    %get3A_177 = arith.constant 0 : index
    %get3A_178 = arith.constant 0 : index
    %get3A_179 = vector.load %arg1[%get3A_175, %get3A_176, %get3A_177, %get3A_178] : memref<1x19x128x512xf32, #tpu.memory_space<vmem>>, vector<1x1x128x512xf32>
    %get3A_180 = vector.shape_cast %get3A_179 : vector<1x1x128x512xf32> to vector<128x512xf32>
    %sub3A_181 = arith.subf %get3A_180, %max3A_158 : vector<128x512xf32>
    %exp3A_182 = math.exp %sub3A_181 : vector<128x512xf32>
    %add3A_183 = arith.addf %add3A_174, %exp3A_182 : vector<128x512xf32>
    %get3A_184 = arith.constant 0 : index
    %get3A_185 = arith.constant 3 : index
    %get3A_186 = arith.constant 0 : index
    %get3A_187 = arith.constant 0 : index
    %get3A_188 = vector.load %arg1[%get3A_184, %get3A_185, %get3A_186, %get3A_187] : memref<1x19x128x512xf32, #tpu.memory_space<vmem>>, vector<1x1x128x512xf32>
    %get3A_189 = vector.shape_cast %get3A_188 : vector<1x1x128x512xf32> to vector<128x512xf32>
    %sub3A_190 = arith.subf %get3A_189, %max3A_158 : vector<128x512xf32>
    %exp3A_191 = math.exp %sub3A_190 : vector<128x512xf32>
    %add3A_192 = arith.addf %add3A_183, %exp3A_191 : vector<128x512xf32>
    %get3A_193 = arith.constant 0 : index
    %get3A_194 = arith.constant 4 : index
    %get3A_195 = arith.constant 0 : index
    %get3A_196 = arith.constant 0 : index
    %get3A_197 = vector.load %arg1[%get3A_193, %get3A_194, %get3A_195, %get3A_196] : memref<1x19x128x512xf32, #tpu.memory_space<vmem>>, vector<1x1x128x512xf32>
    %get3A_198 = vector.shape_cast %get3A_197 : vector<1x1x128x512xf32> to vector<128x512xf32>
    %sub3A_199 = arith.subf %get3A_198, %max3A_158 : vector<128x512xf32>
    %exp3A_200 = math.exp %sub3A_199 : vector<128x512xf32>
    %add3A_201 = arith.addf %add3A_192, %exp3A_200 : vector<128x512xf32>
    %get3A_202 = arith.constant 0 : index
    %get3A_203 = arith.constant 5 : index
    %get3A_204 = arith.constant 0 : index
    %get3A_205 = arith.constant 0 : index
    %get3A_206 = vector.load %arg1[%get3A_202, %get3A_203, %get3A_204, %get3A_205] : memref<1x19x128x512xf32, #tpu.memory_space<vmem>>, vector<1x1x128x512xf32>
    %get3A_207 = vector.shape_cast %get3A_206 : vector<1x1x128x512xf32> to vector<128x512xf32>
    %sub3A_208 = arith.subf %get3A_207, %max3A_158 : vector<128x512xf32>
    %exp3A_209 = math.exp %sub3A_208 : vector<128x512xf32>
    %add3A_210 = arith.addf %add3A_201, %exp3A_209 : vector<128x512xf32>
    %get3A_211 = arith.constant 0 : index
    %get3A_212 = arith.constant 6 : index
    %get3A_213 = arith.constant 0 : index
    %get3A_214 = arith.constant 0 : index
    %get3A_215 = vector.load %arg1[%get3A_211, %get3A_212, %get3A_213, %get3A_214] : memref<1x19x128x512xf32, #tpu.memory_space<vmem>>, vector<1x1x128x512xf32>
    %get3A_216 = vector.shape_cast %get3A_215 : vector<1x1x128x512xf32> to vector<128x512xf32>
    %sub3A_217 = arith.subf %get3A_216, %max3A_158 : vector<128x512xf32>
    %exp3A_218 = math.exp %sub3A_217 : vector<128x512xf32>
    %add3A_219 = arith.addf %add3A_210, %exp3A_218 : vector<128x512xf32>
    %get3A_220 = arith.constant 0 : index
    %get3A_221 = arith.constant 7 : index
    %get3A_222 = arith.constant 0 : index
    %get3A_223 = arith.constant 0 : index
    %get3A_224 = vector.load %arg1[%get3A_220, %get3A_221, %get3A_222, %get3A_223] : memref<1x19x128x512xf32, #tpu.memory_space<vmem>>, vector<1x1x128x512xf32>
    %get3A_225 = vector.shape_cast %get3A_224 : vector<1x1x128x512xf32> to vector<128x512xf32>
    %sub3A_226 = arith.subf %get3A_225, %max3A_158 : vector<128x512xf32>
    %exp3A_227 = math.exp %sub3A_226 : vector<128x512xf32>
    %add3A_228 = arith.addf %add3A_219, %exp3A_227 : vector<128x512xf32>
    %get3A_229 = arith.constant 0 : index
    %get3A_230 = arith.constant 8 : index
    %get3A_231 = arith.constant 0 : index
    %get3A_232 = arith.constant 0 : index
    %get3A_233 = vector.load %arg1[%get3A_229, %get3A_230, %get3A_231, %get3A_232] : memref<1x19x128x512xf32, #tpu.memory_space<vmem>>, vector<1x1x128x512xf32>
    %get3A_234 = vector.shape_cast %get3A_233 : vector<1x1x128x512xf32> to vector<128x512xf32>
    %sub3A_235 = arith.subf %get3A_234, %max3A_158 : vector<128x512xf32>
    %exp3A_236 = math.exp %sub3A_235 : vector<128x512xf32>
    %add3A_237 = arith.addf %add3A_228, %exp3A_236 : vector<128x512xf32>
    %get3A_238 = arith.constant 0 : index
    %get3A_239 = arith.constant 9 : index
    %get3A_240 = arith.constant 0 : index
    %get3A_241 = arith.constant 0 : index
    %get3A_242 = vector.load %arg1[%get3A_238, %get3A_239, %get3A_240, %get3A_241] : memref<1x19x128x512xf32, #tpu.memory_space<vmem>>, vector<1x1x128x512xf32>
    %get3A_243 = vector.shape_cast %get3A_242 : vector<1x1x128x512xf32> to vector<128x512xf32>
    %sub3A_244 = arith.subf %get3A_243, %max3A_158 : vector<128x512xf32>
    %exp3A_245 = math.exp %sub3A_244 : vector<128x512xf32>
    %add3A_246 = arith.addf %add3A_237, %exp3A_245 : vector<128x512xf32>
    %get3A_247 = arith.constant 0 : index
    %get3A_248 = arith.constant 10 : index
    %get3A_249 = arith.constant 0 : index
    %get3A_250 = arith.constant 0 : index
    %get3A_251 = vector.load %arg1[%get3A_247, %get3A_248, %get3A_249, %get3A_250] : memref<1x19x128x512xf32, #tpu.memory_space<vmem>>, vector<1x1x128x512xf32>
    %get3A_252 = vector.shape_cast %get3A_251 : vector<1x1x128x512xf32> to vector<128x512xf32>
    %sub3A_253 = arith.subf %get3A_252, %max3A_158 : vector<128x512xf32>
    %exp3A_254 = math.exp %sub3A_253 : vector<128x512xf32>
    %add3A_255 = arith.addf %add3A_246, %exp3A_254 : vector<128x512xf32>
    %get3A_256 = arith.constant 0 : index
    %get3A_257 = arith.constant 11 : index
    %get3A_258 = arith.constant 0 : index
    %get3A_259 = arith.constant 0 : index
    %get3A_260 = vector.load %arg1[%get3A_256, %get3A_257, %get3A_258, %get3A_259] : memref<1x19x128x512xf32, #tpu.memory_space<vmem>>, vector<1x1x128x512xf32>
    %get3A_261 = vector.shape_cast %get3A_260 : vector<1x1x128x512xf32> to vector<128x512xf32>
    %sub3A_262 = arith.subf %get3A_261, %max3A_158 : vector<128x512xf32>
    %exp3A_263 = math.exp %sub3A_262 : vector<128x512xf32>
    %add3A_264 = arith.addf %add3A_255, %exp3A_263 : vector<128x512xf32>
    %get3A_265 = arith.constant 0 : index
    %get3A_266 = arith.constant 12 : index
    %get3A_267 = arith.constant 0 : index
    %get3A_268 = arith.constant 0 : index
    %get3A_269 = vector.load %arg1[%get3A_265, %get3A_266, %get3A_267, %get3A_268] : memref<1x19x128x512xf32, #tpu.memory_space<vmem>>, vector<1x1x128x512xf32>
    %get3A_270 = vector.shape_cast %get3A_269 : vector<1x1x128x512xf32> to vector<128x512xf32>
    %sub3A_271 = arith.subf %get3A_270, %max3A_158 : vector<128x512xf32>
    %exp3A_272 = math.exp %sub3A_271 : vector<128x512xf32>
    %add3A_273 = arith.addf %add3A_264, %exp3A_272 : vector<128x512xf32>
    %get3A_274 = arith.constant 0 : index
    %get3A_275 = arith.constant 13 : index
    %get3A_276 = arith.constant 0 : index
    %get3A_277 = arith.constant 0 : index
    %get3A_278 = vector.load %arg1[%get3A_274, %get3A_275, %get3A_276, %get3A_277] : memref<1x19x128x512xf32, #tpu.memory_space<vmem>>, vector<1x1x128x512xf32>
    %get3A_279 = vector.shape_cast %get3A_278 : vector<1x1x128x512xf32> to vector<128x512xf32>
    %sub3A_280 = arith.subf %get3A_279, %max3A_158 : vector<128x512xf32>
    %exp3A_281 = math.exp %sub3A_280 : vector<128x512xf32>
    %add3A_282 = arith.addf %add3A_273, %exp3A_281 : vector<128x512xf32>
    %get3A_283 = arith.constant 0 : index
    %get3A_284 = arith.constant 14 : index
    %get3A_285 = arith.constant 0 : index
    %get3A_286 = arith.constant 0 : index
    %get3A_287 = vector.load %arg1[%get3A_283, %get3A_284, %get3A_285, %get3A_286] : memref<1x19x128x512xf32, #tpu.memory_space<vmem>>, vector<1x1x128x512xf32>
    %get3A_288 = vector.shape_cast %get3A_287 : vector<1x1x128x512xf32> to vector<128x512xf32>
    %sub3A_289 = arith.subf %get3A_288, %max3A_158 : vector<128x512xf32>
    %exp3A_290 = math.exp %sub3A_289 : vector<128x512xf32>
    %add3A_291 = arith.addf %add3A_282, %exp3A_290 : vector<128x512xf32>
    %get3A_292 = arith.constant 0 : index
    %get3A_293 = arith.constant 15 : index
    %get3A_294 = arith.constant 0 : index
    %get3A_295 = arith.constant 0 : index
    %get3A_296 = vector.load %arg1[%get3A_292, %get3A_293, %get3A_294, %get3A_295] : memref<1x19x128x512xf32, #tpu.memory_space<vmem>>, vector<1x1x128x512xf32>
    %get3A_297 = vector.shape_cast %get3A_296 : vector<1x1x128x512xf32> to vector<128x512xf32>
    %sub3A_298 = arith.subf %get3A_297, %max3A_158 : vector<128x512xf32>
    %exp3A_299 = math.exp %sub3A_298 : vector<128x512xf32>
    %add3A_300 = arith.addf %add3A_291, %exp3A_299 : vector<128x512xf32>
    %get3A_301 = arith.constant 0 : index
    %get3A_302 = arith.constant 16 : index
    %get3A_303 = arith.constant 0 : index
    %get3A_304 = arith.constant 0 : index
    %get3A_305 = vector.load %arg1[%get3A_301, %get3A_302, %get3A_303, %get3A_304] : memref<1x19x128x512xf32, #tpu.memory_space<vmem>>, vector<1x1x128x512xf32>
    %get3A_306 = vector.shape_cast %get3A_305 : vector<1x1x128x512xf32> to vector<128x512xf32>
    %sub3A_307 = arith.subf %get3A_306, %max3A_158 : vector<128x512xf32>
    %exp3A_308 = math.exp %sub3A_307 : vector<128x512xf32>
    %add3A_309 = arith.addf %add3A_300, %exp3A_308 : vector<128x512xf32>
    %get3A_310 = arith.constant 0 : index
    %get3A_311 = arith.constant 17 : index
    %get3A_312 = arith.constant 0 : index
    %get3A_313 = arith.constant 0 : index
    %get3A_314 = vector.load %arg1[%get3A_310, %get3A_311, %get3A_312, %get3A_313] : memref<1x19x128x512xf32, #tpu.memory_space<vmem>>, vector<1x1x128x512xf32>
    %get3A_315 = vector.shape_cast %get3A_314 : vector<1x1x128x512xf32> to vector<128x512xf32>
    %sub3A_316 = arith.subf %get3A_315, %max3A_158 : vector<128x512xf32>
    %exp3A_317 = math.exp %sub3A_316 : vector<128x512xf32>
    %add3A_318 = arith.addf %add3A_309, %exp3A_317 : vector<128x512xf32>
    %get3A_319 = arith.constant 0 : index
    %get3A_320 = arith.constant 18 : index
    %get3A_321 = arith.constant 0 : index
    %get3A_322 = arith.constant 0 : index
    %get3A_323 = vector.load %arg1[%get3A_319, %get3A_320, %get3A_321, %get3A_322] : memref<1x19x128x512xf32, #tpu.memory_space<vmem>>, vector<1x1x128x512xf32>
    %get3A_324 = vector.shape_cast %get3A_323 : vector<1x1x128x512xf32> to vector<128x512xf32>
    %sub3A_325 = arith.subf %get3A_324, %max3A_158 : vector<128x512xf32>
    %exp3A_326 = math.exp %sub3A_325 : vector<128x512xf32>
    %add3A_327 = arith.addf %add3A_318, %exp3A_326 : vector<128x512xf32>
    %log3A = math.log %add3A_327 : vector<128x512xf32>
    %add3A_328 = arith.addf %max3A_158, %log3A : vector<128x512xf32>
    %ne3A = arith.constant 255 : i32
    %ne3A_329 = vector.broadcast %ne3A : i32 to vector<128x512xi32>
    %ne3A_330 = arith.cmpi ne, %get3A_5, %ne3A_329 : vector<128x512xi32>
    %jit3A = arith.constant 0 : i32
    %broadcast_in_dim3A = vector.broadcast %jit3A : i32 to vector<128x512xi32>
    %select_n3A = arith.select %ne3A_330, %get3A_5, %broadcast_in_dim3A : vector<128x512xi1>, vector<128x512xi32>
    %eq3A_331 = arith.constant 0 : i32
    %eq3A_332 = vector.broadcast %eq3A_331 : i32 to vector<128x512xi32>
    %eq3A_333 = arith.cmpi eq, %select_n3A, %eq3A_332 : vector<128x512xi32>
    %get3A_334 = arith.constant 0 : index
    %get3A_335 = arith.constant 0 : index
    %get3A_336 = arith.constant 0 : index
    %get3A_337 = arith.constant 0 : index
    %get3A_338 = vector.load %arg1[%get3A_334, %get3A_335, %get3A_336, %get3A_337] : memref<1x19x128x512xf32, #tpu.memory_space<vmem>>, vector<1x1x128x512xf32>
    %get3A_339 = vector.shape_cast %get3A_338 : vector<1x1x128x512xf32> to vector<128x512xf32>
    %jit3A_340 = arith.constant 0.000000e+00 : f32
    %broadcast_in_dim3A_341 = vector.broadcast %jit3A_340 : f32 to vector<128x512xf32>
    %select_n3A_342 = arith.select %eq3A_333, %get3A_339, %broadcast_in_dim3A_341 : vector<128x512xi1>, vector<128x512xf32>
    %eq3A_343 = arith.constant 1 : i32
    %eq3A_344 = vector.broadcast %eq3A_343 : i32 to vector<128x512xi32>
    %eq3A_345 = arith.cmpi eq, %select_n3A, %eq3A_344 : vector<128x512xi32>
    %get3A_346 = arith.constant 0 : index
    %get3A_347 = arith.constant 1 : index
    %get3A_348 = arith.constant 0 : index
    %get3A_349 = arith.constant 0 : index
    %get3A_350 = vector.load %arg1[%get3A_346, %get3A_347, %get3A_348, %get3A_349] : memref<1x19x128x512xf32, #tpu.memory_space<vmem>>, vector<1x1x128x512xf32>
    %get3A_351 = vector.shape_cast %get3A_350 : vector<1x1x128x512xf32> to vector<128x512xf32>
    %jit3A_352 = arith.constant 0.000000e+00 : f32
    %broadcast_in_dim3A_353 = vector.broadcast %jit3A_352 : f32 to vector<128x512xf32>
    %select_n3A_354 = arith.select %eq3A_345, %get3A_351, %broadcast_in_dim3A_353 : vector<128x512xi1>, vector<128x512xf32>
    %add3A_355 = arith.addf %select_n3A_342, %select_n3A_354 : vector<128x512xf32>
    %eq3A_356 = arith.constant 2 : i32
    %eq3A_357 = vector.broadcast %eq3A_356 : i32 to vector<128x512xi32>
    %eq3A_358 = arith.cmpi eq, %select_n3A, %eq3A_357 : vector<128x512xi32>
    %get3A_359 = arith.constant 0 : index
    %get3A_360 = arith.constant 2 : index
    %get3A_361 = arith.constant 0 : index
    %get3A_362 = arith.constant 0 : index
    %get3A_363 = vector.load %arg1[%get3A_359, %get3A_360, %get3A_361, %get3A_362] : memref<1x19x128x512xf32, #tpu.memory_space<vmem>>, vector<1x1x128x512xf32>
    %get3A_364 = vector.shape_cast %get3A_363 : vector<1x1x128x512xf32> to vector<128x512xf32>
    %jit3A_365 = arith.constant 0.000000e+00 : f32
    %broadcast_in_dim3A_366 = vector.broadcast %jit3A_365 : f32 to vector<128x512xf32>
    %select_n3A_367 = arith.select %eq3A_358, %get3A_364, %broadcast_in_dim3A_366 : vector<128x512xi1>, vector<128x512xf32>
    %add3A_368 = arith.addf %add3A_355, %select_n3A_367 : vector<128x512xf32>
    %eq3A_369 = arith.constant 3 : i32
    %eq3A_370 = vector.broadcast %eq3A_369 : i32 to vector<128x512xi32>
    %eq3A_371 = arith.cmpi eq, %select_n3A, %eq3A_370 : vector<128x512xi32>
    %get3A_372 = arith.constant 0 : index
    %get3A_373 = arith.constant 3 : index
    %get3A_374 = arith.constant 0 : index
    %get3A_375 = arith.constant 0 : index
    %get3A_376 = vector.load %arg1[%get3A_372, %get3A_373, %get3A_374, %get3A_375] : memref<1x19x128x512xf32, #tpu.memory_space<vmem>>, vector<1x1x128x512xf32>
    %get3A_377 = vector.shape_cast %get3A_376 : vector<1x1x128x512xf32> to vector<128x512xf32>
    %jit3A_378 = arith.constant 0.000000e+00 : f32
    %broadcast_in_dim3A_379 = vector.broadcast %jit3A_378 : f32 to vector<128x512xf32>
    %select_n3A_380 = arith.select %eq3A_371, %get3A_377, %broadcast_in_dim3A_379 : vector<128x512xi1>, vector<128x512xf32>
    %add3A_381 = arith.addf %add3A_368, %select_n3A_380 : vector<128x512xf32>
    %eq3A_382 = arith.constant 4 : i32
    %eq3A_383 = vector.broadcast %eq3A_382 : i32 to vector<128x512xi32>
    %eq3A_384 = arith.cmpi eq, %select_n3A, %eq3A_383 : vector<128x512xi32>
    %get3A_385 = arith.constant 0 : index
    %get3A_386 = arith.constant 4 : index
    %get3A_387 = arith.constant 0 : index
    %get3A_388 = arith.constant 0 : index
    %get3A_389 = vector.load %arg1[%get3A_385, %get3A_386, %get3A_387, %get3A_388] : memref<1x19x128x512xf32, #tpu.memory_space<vmem>>, vector<1x1x128x512xf32>
    %get3A_390 = vector.shape_cast %get3A_389 : vector<1x1x128x512xf32> to vector<128x512xf32>
    %jit3A_391 = arith.constant 0.000000e+00 : f32
    %broadcast_in_dim3A_392 = vector.broadcast %jit3A_391 : f32 to vector<128x512xf32>
    %select_n3A_393 = arith.select %eq3A_384, %get3A_390, %broadcast_in_dim3A_392 : vector<128x512xi1>, vector<128x512xf32>
    %add3A_394 = arith.addf %add3A_381, %select_n3A_393 : vector<128x512xf32>
    %eq3A_395 = arith.constant 5 : i32
    %eq3A_396 = vector.broadcast %eq3A_395 : i32 to vector<128x512xi32>
    %eq3A_397 = arith.cmpi eq, %select_n3A, %eq3A_396 : vector<128x512xi32>
    %get3A_398 = arith.constant 0 : index
    %get3A_399 = arith.constant 5 : index
    %get3A_400 = arith.constant 0 : index
    %get3A_401 = arith.constant 0 : index
    %get3A_402 = vector.load %arg1[%get3A_398, %get3A_399, %get3A_400, %get3A_401] : memref<1x19x128x512xf32, #tpu.memory_space<vmem>>, vector<1x1x128x512xf32>
    %get3A_403 = vector.shape_cast %get3A_402 : vector<1x1x128x512xf32> to vector<128x512xf32>
    %jit3A_404 = arith.constant 0.000000e+00 : f32
    %broadcast_in_dim3A_405 = vector.broadcast %jit3A_404 : f32 to vector<128x512xf32>
    %select_n3A_406 = arith.select %eq3A_397, %get3A_403, %broadcast_in_dim3A_405 : vector<128x512xi1>, vector<128x512xf32>
    %add3A_407 = arith.addf %add3A_394, %select_n3A_406 : vector<128x512xf32>
    %eq3A_408 = arith.constant 6 : i32
    %eq3A_409 = vector.broadcast %eq3A_408 : i32 to vector<128x512xi32>
    %eq3A_410 = arith.cmpi eq, %select_n3A, %eq3A_409 : vector<128x512xi32>
    %get3A_411 = arith.constant 0 : index
    %get3A_412 = arith.constant 6 : index
    %get3A_413 = arith.constant 0 : index
    %get3A_414 = arith.constant 0 : index
    %get3A_415 = vector.load %arg1[%get3A_411, %get3A_412, %get3A_413, %get3A_414] : memref<1x19x128x512xf32, #tpu.memory_space<vmem>>, vector<1x1x128x512xf32>
    %get3A_416 = vector.shape_cast %get3A_415 : vector<1x1x128x512xf32> to vector<128x512xf32>
    %jit3A_417 = arith.constant 0.000000e+00 : f32
    %broadcast_in_dim3A_418 = vector.broadcast %jit3A_417 : f32 to vector<128x512xf32>
    %select_n3A_419 = arith.select %eq3A_410, %get3A_416, %broadcast_in_dim3A_418 : vector<128x512xi1>, vector<128x512xf32>
    %add3A_420 = arith.addf %add3A_407, %select_n3A_419 : vector<128x512xf32>
    %eq3A_421 = arith.constant 7 : i32
    %eq3A_422 = vector.broadcast %eq3A_421 : i32 to vector<128x512xi32>
    %eq3A_423 = arith.cmpi eq, %select_n3A, %eq3A_422 : vector<128x512xi32>
    %get3A_424 = arith.constant 0 : index
    %get3A_425 = arith.constant 7 : index
    %get3A_426 = arith.constant 0 : index
    %get3A_427 = arith.constant 0 : index
    %get3A_428 = vector.load %arg1[%get3A_424, %get3A_425, %get3A_426, %get3A_427] : memref<1x19x128x512xf32, #tpu.memory_space<vmem>>, vector<1x1x128x512xf32>
    %get3A_429 = vector.shape_cast %get3A_428 : vector<1x1x128x512xf32> to vector<128x512xf32>
    %jit3A_430 = arith.constant 0.000000e+00 : f32
    %broadcast_in_dim3A_431 = vector.broadcast %jit3A_430 : f32 to vector<128x512xf32>
    %select_n3A_432 = arith.select %eq3A_423, %get3A_429, %broadcast_in_dim3A_431 : vector<128x512xi1>, vector<128x512xf32>
    %add3A_433 = arith.addf %add3A_420, %select_n3A_432 : vector<128x512xf32>
    %eq3A_434 = arith.constant 8 : i32
    %eq3A_435 = vector.broadcast %eq3A_434 : i32 to vector<128x512xi32>
    %eq3A_436 = arith.cmpi eq, %select_n3A, %eq3A_435 : vector<128x512xi32>
    %get3A_437 = arith.constant 0 : index
    %get3A_438 = arith.constant 8 : index
    %get3A_439 = arith.constant 0 : index
    %get3A_440 = arith.constant 0 : index
    %get3A_441 = vector.load %arg1[%get3A_437, %get3A_438, %get3A_439, %get3A_440] : memref<1x19x128x512xf32, #tpu.memory_space<vmem>>, vector<1x1x128x512xf32>
    %get3A_442 = vector.shape_cast %get3A_441 : vector<1x1x128x512xf32> to vector<128x512xf32>
    %jit3A_443 = arith.constant 0.000000e+00 : f32
    %broadcast_in_dim3A_444 = vector.broadcast %jit3A_443 : f32 to vector<128x512xf32>
    %select_n3A_445 = arith.select %eq3A_436, %get3A_442, %broadcast_in_dim3A_444 : vector<128x512xi1>, vector<128x512xf32>
    %add3A_446 = arith.addf %add3A_433, %select_n3A_445 : vector<128x512xf32>
    %eq3A_447 = arith.constant 9 : i32
    %eq3A_448 = vector.broadcast %eq3A_447 : i32 to vector<128x512xi32>
    %eq3A_449 = arith.cmpi eq, %select_n3A, %eq3A_448 : vector<128x512xi32>
    %get3A_450 = arith.constant 0 : index
    %get3A_451 = arith.constant 9 : index
    %get3A_452 = arith.constant 0 : index
    %get3A_453 = arith.constant 0 : index
    %get3A_454 = vector.load %arg1[%get3A_450, %get3A_451, %get3A_452, %get3A_453] : memref<1x19x128x512xf32, #tpu.memory_space<vmem>>, vector<1x1x128x512xf32>
    %get3A_455 = vector.shape_cast %get3A_454 : vector<1x1x128x512xf32> to vector<128x512xf32>
    %jit3A_456 = arith.constant 0.000000e+00 : f32
    %broadcast_in_dim3A_457 = vector.broadcast %jit3A_456 : f32 to vector<128x512xf32>
    %select_n3A_458 = arith.select %eq3A_449, %get3A_455, %broadcast_in_dim3A_457 : vector<128x512xi1>, vector<128x512xf32>
    %add3A_459 = arith.addf %add3A_446, %select_n3A_458 : vector<128x512xf32>
    %eq3A_460 = arith.constant 10 : i32
    %eq3A_461 = vector.broadcast %eq3A_460 : i32 to vector<128x512xi32>
    %eq3A_462 = arith.cmpi eq, %select_n3A, %eq3A_461 : vector<128x512xi32>
    %get3A_463 = arith.constant 0 : index
    %get3A_464 = arith.constant 10 : index
    %get3A_465 = arith.constant 0 : index
    %get3A_466 = arith.constant 0 : index
    %get3A_467 = vector.load %arg1[%get3A_463, %get3A_464, %get3A_465, %get3A_466] : memref<1x19x128x512xf32, #tpu.memory_space<vmem>>, vector<1x1x128x512xf32>
    %get3A_468 = vector.shape_cast %get3A_467 : vector<1x1x128x512xf32> to vector<128x512xf32>
    %jit3A_469 = arith.constant 0.000000e+00 : f32
    %broadcast_in_dim3A_470 = vector.broadcast %jit3A_469 : f32 to vector<128x512xf32>
    %select_n3A_471 = arith.select %eq3A_462, %get3A_468, %broadcast_in_dim3A_470 : vector<128x512xi1>, vector<128x512xf32>
    %add3A_472 = arith.addf %add3A_459, %select_n3A_471 : vector<128x512xf32>
    %eq3A_473 = arith.constant 11 : i32
    %eq3A_474 = vector.broadcast %eq3A_473 : i32 to vector<128x512xi32>
    %eq3A_475 = arith.cmpi eq, %select_n3A, %eq3A_474 : vector<128x512xi32>
    %get3A_476 = arith.constant 0 : index
    %get3A_477 = arith.constant 11 : index
    %get3A_478 = arith.constant 0 : index
    %get3A_479 = arith.constant 0 : index
    %get3A_480 = vector.load %arg1[%get3A_476, %get3A_477, %get3A_478, %get3A_479] : memref<1x19x128x512xf32, #tpu.memory_space<vmem>>, vector<1x1x128x512xf32>
    %get3A_481 = vector.shape_cast %get3A_480 : vector<1x1x128x512xf32> to vector<128x512xf32>
    %jit3A_482 = arith.constant 0.000000e+00 : f32
    %broadcast_in_dim3A_483 = vector.broadcast %jit3A_482 : f32 to vector<128x512xf32>
    %select_n3A_484 = arith.select %eq3A_475, %get3A_481, %broadcast_in_dim3A_483 : vector<128x512xi1>, vector<128x512xf32>
    %add3A_485 = arith.addf %add3A_472, %select_n3A_484 : vector<128x512xf32>
    %eq3A_486 = arith.constant 12 : i32
    %eq3A_487 = vector.broadcast %eq3A_486 : i32 to vector<128x512xi32>
    %eq3A_488 = arith.cmpi eq, %select_n3A, %eq3A_487 : vector<128x512xi32>
    %get3A_489 = arith.constant 0 : index
    %get3A_490 = arith.constant 12 : index
    %get3A_491 = arith.constant 0 : index
    %get3A_492 = arith.constant 0 : index
    %get3A_493 = vector.load %arg1[%get3A_489, %get3A_490, %get3A_491, %get3A_492] : memref<1x19x128x512xf32, #tpu.memory_space<vmem>>, vector<1x1x128x512xf32>
    %get3A_494 = vector.shape_cast %get3A_493 : vector<1x1x128x512xf32> to vector<128x512xf32>
    %jit3A_495 = arith.constant 0.000000e+00 : f32
    %broadcast_in_dim3A_496 = vector.broadcast %jit3A_495 : f32 to vector<128x512xf32>
    %select_n3A_497 = arith.select %eq3A_488, %get3A_494, %broadcast_in_dim3A_496 : vector<128x512xi1>, vector<128x512xf32>
    %add3A_498 = arith.addf %add3A_485, %select_n3A_497 : vector<128x512xf32>
    %eq3A_499 = arith.constant 13 : i32
    %eq3A_500 = vector.broadcast %eq3A_499 : i32 to vector<128x512xi32>
    %eq3A_501 = arith.cmpi eq, %select_n3A, %eq3A_500 : vector<128x512xi32>
    %get3A_502 = arith.constant 0 : index
    %get3A_503 = arith.constant 13 : index
    %get3A_504 = arith.constant 0 : index
    %get3A_505 = arith.constant 0 : index
    %get3A_506 = vector.load %arg1[%get3A_502, %get3A_503, %get3A_504, %get3A_505] : memref<1x19x128x512xf32, #tpu.memory_space<vmem>>, vector<1x1x128x512xf32>
    %get3A_507 = vector.shape_cast %get3A_506 : vector<1x1x128x512xf32> to vector<128x512xf32>
    %jit3A_508 = arith.constant 0.000000e+00 : f32
    %broadcast_in_dim3A_509 = vector.broadcast %jit3A_508 : f32 to vector<128x512xf32>
    %select_n3A_510 = arith.select %eq3A_501, %get3A_507, %broadcast_in_dim3A_509 : vector<128x512xi1>, vector<128x512xf32>
    %add3A_511 = arith.addf %add3A_498, %select_n3A_510 : vector<128x512xf32>
    %eq3A_512 = arith.constant 14 : i32
    %eq3A_513 = vector.broadcast %eq3A_512 : i32 to vector<128x512xi32>
    %eq3A_514 = arith.cmpi eq, %select_n3A, %eq3A_513 : vector<128x512xi32>
    %get3A_515 = arith.constant 0 : index
    %get3A_516 = arith.constant 14 : index
    %get3A_517 = arith.constant 0 : index
    %get3A_518 = arith.constant 0 : index
    %get3A_519 = vector.load %arg1[%get3A_515, %get3A_516, %get3A_517, %get3A_518] : memref<1x19x128x512xf32, #tpu.memory_space<vmem>>, vector<1x1x128x512xf32>
    %get3A_520 = vector.shape_cast %get3A_519 : vector<1x1x128x512xf32> to vector<128x512xf32>
    %jit3A_521 = arith.constant 0.000000e+00 : f32
    %broadcast_in_dim3A_522 = vector.broadcast %jit3A_521 : f32 to vector<128x512xf32>
    %select_n3A_523 = arith.select %eq3A_514, %get3A_520, %broadcast_in_dim3A_522 : vector<128x512xi1>, vector<128x512xf32>
    %add3A_524 = arith.addf %add3A_511, %select_n3A_523 : vector<128x512xf32>
    %eq3A_525 = arith.constant 15 : i32
    %eq3A_526 = vector.broadcast %eq3A_525 : i32 to vector<128x512xi32>
    %eq3A_527 = arith.cmpi eq, %select_n3A, %eq3A_526 : vector<128x512xi32>
    %get3A_528 = arith.constant 0 : index
    %get3A_529 = arith.constant 15 : index
    %get3A_530 = arith.constant 0 : index
    %get3A_531 = arith.constant 0 : index
    %get3A_532 = vector.load %arg1[%get3A_528, %get3A_529, %get3A_530, %get3A_531] : memref<1x19x128x512xf32, #tpu.memory_space<vmem>>, vector<1x1x128x512xf32>
    %get3A_533 = vector.shape_cast %get3A_532 : vector<1x1x128x512xf32> to vector<128x512xf32>
    %jit3A_534 = arith.constant 0.000000e+00 : f32
    %broadcast_in_dim3A_535 = vector.broadcast %jit3A_534 : f32 to vector<128x512xf32>
    %select_n3A_536 = arith.select %eq3A_527, %get3A_533, %broadcast_in_dim3A_535 : vector<128x512xi1>, vector<128x512xf32>
    %add3A_537 = arith.addf %add3A_524, %select_n3A_536 : vector<128x512xf32>
    %eq3A_538 = arith.constant 16 : i32
    %eq3A_539 = vector.broadcast %eq3A_538 : i32 to vector<128x512xi32>
    %eq3A_540 = arith.cmpi eq, %select_n3A, %eq3A_539 : vector<128x512xi32>
    %get3A_541 = arith.constant 0 : index
    %get3A_542 = arith.constant 16 : index
    %get3A_543 = arith.constant 0 : index
    %get3A_544 = arith.constant 0 : index
    %get3A_545 = vector.load %arg1[%get3A_541, %get3A_542, %get3A_543, %get3A_544] : memref<1x19x128x512xf32, #tpu.memory_space<vmem>>, vector<1x1x128x512xf32>
    %get3A_546 = vector.shape_cast %get3A_545 : vector<1x1x128x512xf32> to vector<128x512xf32>
    %jit3A_547 = arith.constant 0.000000e+00 : f32
    %broadcast_in_dim3A_548 = vector.broadcast %jit3A_547 : f32 to vector<128x512xf32>
    %select_n3A_549 = arith.select %eq3A_540, %get3A_546, %broadcast_in_dim3A_548 : vector<128x512xi1>, vector<128x512xf32>
    %add3A_550 = arith.addf %add3A_537, %select_n3A_549 : vector<128x512xf32>
    %eq3A_551 = arith.constant 17 : i32
    %eq3A_552 = vector.broadcast %eq3A_551 : i32 to vector<128x512xi32>
    %eq3A_553 = arith.cmpi eq, %select_n3A, %eq3A_552 : vector<128x512xi32>
    %get3A_554 = arith.constant 0 : index
    %get3A_555 = arith.constant 17 : index
    %get3A_556 = arith.constant 0 : index
    %get3A_557 = arith.constant 0 : index
    %get3A_558 = vector.load %arg1[%get3A_554, %get3A_555, %get3A_556, %get3A_557] : memref<1x19x128x512xf32, #tpu.memory_space<vmem>>, vector<1x1x128x512xf32>
    %get3A_559 = vector.shape_cast %get3A_558 : vector<1x1x128x512xf32> to vector<128x512xf32>
    %jit3A_560 = arith.constant 0.000000e+00 : f32
    %broadcast_in_dim3A_561 = vector.broadcast %jit3A_560 : f32 to vector<128x512xf32>
    %select_n3A_562 = arith.select %eq3A_553, %get3A_559, %broadcast_in_dim3A_561 : vector<128x512xi1>, vector<128x512xf32>
    %add3A_563 = arith.addf %add3A_550, %select_n3A_562 : vector<128x512xf32>
    %eq3A_564 = arith.constant 18 : i32
    %eq3A_565 = vector.broadcast %eq3A_564 : i32 to vector<128x512xi32>
    %eq3A_566 = arith.cmpi eq, %select_n3A, %eq3A_565 : vector<128x512xi32>
    %get3A_567 = arith.constant 0 : index
    %get3A_568 = arith.constant 18 : index
    %get3A_569 = arith.constant 0 : index
    %get3A_570 = arith.constant 0 : index
    %get3A_571 = vector.load %arg1[%get3A_567, %get3A_568, %get3A_569, %get3A_570] : memref<1x19x128x512xf32, #tpu.memory_space<vmem>>, vector<1x1x128x512xf32>
    %get3A_572 = vector.shape_cast %get3A_571 : vector<1x1x128x512xf32> to vector<128x512xf32>
    %jit3A_573 = arith.constant 0.000000e+00 : f32
    %broadcast_in_dim3A_574 = vector.broadcast %jit3A_573 : f32 to vector<128x512xf32>
    %select_n3A_575 = arith.select %eq3A_566, %get3A_572, %broadcast_in_dim3A_574 : vector<128x512xi1>, vector<128x512xf32>
    %add3A_576 = arith.addf %add3A_563, %select_n3A_575 : vector<128x512xf32>
    %mul3A = arith.constant 0.00555555569 : f32
    %mul3A_577 = vector.broadcast %mul3A : f32 to vector<128x512xf32>
    %mul3A_578 = arith.mulf %mul3A_577, %add3A_159 : vector<128x512xf32>
    %sub3A_579 = arith.subf %add3A_328, %mul3A_578 : vector<128x512xf32>
    %mul3A_580 = arith.constant 0.894444465 : f32
    %mul3A_581 = vector.broadcast %mul3A_580 : f32 to vector<128x512xf32>
    %mul3A_582 = arith.mulf %mul3A_581, %add3A_576 : vector<128x512xf32>
    %sub3A_583 = arith.subf %sub3A_579, %mul3A_582 : vector<128x512xf32>
    %jit3A_584 = arith.constant 0.000000e+00 : f32
    %broadcast_in_dim3A_585 = vector.broadcast %jit3A_584 : f32 to vector<128x512xf32>
    %select_n3A_586 = arith.select %ne3A_330, %sub3A_583, %broadcast_in_dim3A_585 : vector<128x512xi1>, vector<128x512xf32>
    %get3A_587 = arith.constant 0 : index
    %get3A_588 = arith.constant 0 : index
    %get3A_589 = vector.load %arg4[%get3A_587, %get3A_588] : memref<128x512xf32, #tpu.memory_space<vmem>>, vector<128x512xf32>
    %add3A_590 = arith.addf %get3A_589, %select_n3A_586 : vector<128x512xf32>
    %swap3A = arith.constant 0 : index
    %swap3A_591 = arith.constant 0 : index
    %swap3A_592 = vector.load %arg4[%swap3A, %swap3A_591] : memref<128x512xf32, #tpu.memory_space<vmem>>, vector<128x512xf32>
    tpu.vector_store %arg4[%swap3A, %swap3A_591], %add3A_590 {strides = array<i32>} : memref<128x512xf32, #tpu.memory_space<vmem>>, vector<128x512xf32>,
    %eq3A_593 = arith.constant 17 : i32
    %eq3A_594 = arith.cmpi eq, %arg0, %eq3A_593 : i32
    %convert_element_type3A_595 = arith.extui %eq3A_594 : i1 to i32
    %cond3A_596 = arith.constant 0 : i32
    %cond3A_597 = arith.cmpi ne, %convert_element_type3A_595, %cond3A_596 : i32
    scf.if %cond3A_597 {
      %get3A_598 = arith.constant 0 : index
      %get3A_599 = arith.constant 0 : index
      %get3A_600 = vector.load %arg4[%get3A_598, %get3A_599] : memref<128x512xf32, #tpu.memory_space<vmem>>, vector<128x512xf32>
      %reduce_sum3A = vector.shape_cast %get3A_600 : vector<128x512xf32> to vector<1x128x512xf32>
      %reduce_sum3A_601 = arith.constant dense<0.000000e+00> : vector<1xf32>
      %reduce_sum3A_602 = vector.multi_reduction <add>, %reduce_sum3A, %reduce_sum3A_601 [1, 2] : vector<1x128x512xf32> to vector<1xf32>
      %reduce_sum3A_603 = vector.shape_cast %reduce_sum3A_602 : vector<1xf32> to vector<1x1x1xf32>
      %reduce_sum3A_604 = vector.extract %reduce_sum3A_603[0, 0, 0] : f32 from vector<1x1x1xf32>
      %swap3A_605 = arith.constant 0 : index
      %swap3A_606 = memref.load %arg3[%swap3A_605] : memref<1xf32, #tpu.memory_space<smem>>
      memref.store %reduce_sum3A_604, %arg3[%swap3A_605] : memref<1xf32, #tpu.memory_space<smem>>
    } else {
    }
    return
  }
  func.func @transform_0(%arg0: i32) -> (i32, i32, i32, i32) {
    %add3A = arith.constant 14 : i32
    %add3A_0 = arith.addi %arg0, %add3A : i32
    %jit3A = arith.constant 4 : i32
    %div3A = arith.divsi %add3A_0, %jit3A : i32
    %sign3A = arith.constant 0 : i32
    %sign3A_1 = arith.cmpi sgt, %add3A_0, %sign3A : i32
    %sign3A_2 = arith.extui %sign3A_1 : i1 to i32
    %sign3A_3 = arith.constant 0 : i32
    %sign3A_4 = arith.cmpi slt, %add3A_0, %sign3A_3 : i32
    %sign3A_5 = arith.extui %sign3A_4 : i1 to i32
    %sign3A_6 = arith.subi %sign3A_2, %sign3A_5 : i32
    %sign3A_7 = arith.constant 0 : i32
    %sign3A_8 = arith.cmpi sgt, %jit3A, %sign3A_7 : i32
    %sign3A_9 = arith.extui %sign3A_8 : i1 to i32
    %sign3A_10 = arith.constant 0 : i32
    %sign3A_11 = arith.cmpi slt, %jit3A, %sign3A_10 : i32
    %sign3A_12 = arith.extui %sign3A_11 : i1 to i32
    %sign3A_13 = arith.subi %sign3A_9, %sign3A_12 : i32
    %ne3A = arith.cmpi ne, %sign3A_6, %sign3A_13 : i32
    %rem3A = arith.remsi %add3A_0, %jit3A : i32
    %ne3A_14 = arith.constant 0 : i32
    %ne3A_15 = arith.cmpi ne, %rem3A, %ne3A_14 : i32
    %and3A = arith.andi %ne3A, %ne3A_15 : i1
    %sub3A = arith.constant 1 : i32
    %sub3A_16 = arith.subi %div3A, %sub3A : i32
    %select_n3A = arith.select %and3A, %sub3A_16, %div3A : i32
    %add3A_17 = arith.constant 14 : i32
    %add3A_18 = arith.addi %arg0, %add3A_17 : i32
    %jit3A_19 = arith.constant 4 : i32
    %eq3A = arith.constant 0 : i32
    %eq3A_20 = arith.cmpi eq, %jit3A_19, %eq3A : i32
    %jit3A_21 = arith.constant 1 : i32
    %select_n3A_22 = arith.select %eq3A_20, %jit3A_21, %jit3A_19 : i32
    %rem3A_23 = arith.remsi %add3A_18, %select_n3A_22 : i32
    %ne3A_24 = arith.constant 0 : i32
    %ne3A_25 = arith.cmpi ne, %rem3A_23, %ne3A_24 : i32
    %lt3A = arith.constant 0 : i32
    %lt3A_26 = arith.cmpi slt, %rem3A_23, %lt3A : i32
    %lt3A_27 = arith.constant 0 : i32
    %lt3A_28 = arith.cmpi slt, %select_n3A_22, %lt3A_27 : i32
    %ne3A_29 = arith.xori %lt3A_26, %lt3A_28 : i1
    %and3A_30 = arith.andi %ne3A_29, %ne3A_25 : i1
    %add3A_31 = arith.addi %rem3A_23, %select_n3A_22 : i32
    %select_n3A_32 = arith.select %and3A_30, %add3A_31, %rem3A_23 : i32
    %c0_i32 = arith.constant 0 : i32
    %c0_i32_33 = arith.constant 0 : i32
    %c0_i32_34 = arith.constant 0 : i32
    return %select_n3A, %c0_i32, %select_n3A_32, %c0_i32_33 : i32, i32, i32, i32
  }
  func.func @transform_1(%arg0: i32) -> (i32, i32, i32) {
    %add3A = arith.constant 14 : i32
    %add3A_0 = arith.addi %arg0, %add3A : i32
    %jit3A = arith.constant 4 : i32
    %div3A = arith.divsi %add3A_0, %jit3A : i32
    %sign3A = arith.constant 0 : i32
    %sign3A_1 = arith.cmpi sgt, %add3A_0, %sign3A : i32
    %sign3A_2 = arith.extui %sign3A_1 : i1 to i32
    %sign3A_3 = arith.constant 0 : i32
    %sign3A_4 = arith.cmpi slt, %add3A_0, %sign3A_3 : i32
    %sign3A_5 = arith.extui %sign3A_4 : i1 to i32
    %sign3A_6 = arith.subi %sign3A_2, %sign3A_5 : i32
    %sign3A_7 = arith.constant 0 : i32
    %sign3A_8 = arith.cmpi sgt, %jit3A, %sign3A_7 : i32
    %sign3A_9 = arith.extui %sign3A_8 : i1 to i32
    %sign3A_10 = arith.constant 0 : i32
    %sign3A_11 = arith.cmpi slt, %jit3A, %sign3A_10 : i32
    %sign3A_12 = arith.extui %sign3A_11 : i1 to i32
    %sign3A_13 = arith.subi %sign3A_9, %sign3A_12 : i32
    %ne3A = arith.cmpi ne, %sign3A_6, %sign3A_13 : i32
    %rem3A = arith.remsi %add3A_0, %jit3A : i32
    %ne3A_14 = arith.constant 0 : i32
    %ne3A_15 = arith.cmpi ne, %rem3A, %ne3A_14 : i32
    %and3A = arith.andi %ne3A, %ne3A_15 : i1
    %sub3A = arith.constant 1 : i32
    %sub3A_16 = arith.subi %div3A, %sub3A : i32
    %select_n3A = arith.select %and3A, %sub3A_16, %div3A : i32
    %add3A_17 = arith.constant 14 : i32
    %add3A_18 = arith.addi %arg0, %add3A_17 : i32
    %jit3A_19 = arith.constant 4 : i32
    %eq3A = arith.constant 0 : i32
    %eq3A_20 = arith.cmpi eq, %jit3A_19, %eq3A : i32
    %jit3A_21 = arith.constant 1 : i32
    %select_n3A_22 = arith.select %eq3A_20, %jit3A_21, %jit3A_19 : i32
    %rem3A_23 = arith.remsi %add3A_18, %select_n3A_22 : i32
    %ne3A_24 = arith.constant 0 : i32
    %ne3A_25 = arith.cmpi ne, %rem3A_23, %ne3A_24 : i32
    %lt3A = arith.constant 0 : i32
    %lt3A_26 = arith.cmpi slt, %rem3A_23, %lt3A : i32
    %lt3A_27 = arith.constant 0 : i32
    %lt3A_28 = arith.cmpi slt, %select_n3A_22, %lt3A_27 : i32
    %ne3A_29 = arith.xori %lt3A_26, %lt3A_28 : i1
    %and3A_30 = arith.andi %ne3A_29, %ne3A_25 : i1
    %add3A_31 = arith.addi %rem3A_23, %select_n3A_22 : i32
    %select_n3A_32 = arith.select %and3A_30, %add3A_31, %rem3A_23 : i32
    %c0_i32 = arith.constant 0 : i32
    %c0_i32_33 = arith.constant 0 : i32
    return %select_n3A, %select_n3A_32, %c0_i32 : i32, i32, i32
  }
  func.func @transform_2(%arg0: i32) -> i32 {
    %c0_i32 = arith.constant 0 : i32
    %c0_i32_0 = arith.constant 0 : i32
    return %c0_i32 : i32
  }
}

</mosaic_0001>

<sc_bundles>
// kernel: kernel.4.cloned.1.call-start
scs
__scs_entry_jumppad:
0x0: {  	(pc) =	sbr.rel $0x88, $3  }
0x1: {  	(tag) =	ssettag $0x0;
	lr =	simm.s32 $0x1  }
0x2: {  	[smem:$0x3F9F] =	sst lr;
	_ =	strace $0xD0000000  }
0x3: {  	_ = 	snop  }
0x4: {  	_ = 	snop  }
0x5: {  	_ = 	snop  }
0x6: {  	_ = 	snop  }
0x7: {  	_ = 	snop  }
__scs_overlays_trampoline_lowered:
0x8: {  	[smem:$0x3FAE] =	sst s0  }
0x9: {  	[smem:$0x3FAF] =	sst s1  }
0xa: {  	[smem:$0x3FB0] =	sst s2  }
0xb: {  	[smem:$0x3FB1] =	sst s3  }
0xc: {  	[smem:$0x3FB2] =	sst s4  }
0xd: {  	[smem:$0x3FB3] =	sst s5  }
0xe: {  	[smem:$0x3FB4] =	sst s6  }
0xf: {  	[smem:$0x3FB5] =	sst s7  }
0x10: {  	[smem:$0x3FB6] =	sst s8  }
0x11: {  	[smem:$0x3FB7] =	sst s9;
	s0 =	simm.s32 @!p0 $0x0  }
0x12: {  	s1 =	sld [smem:$0x3F9D];
	s0 =	simm.s32 @p0 $0x1  }
0x13: {  	[smem:$0x3FB8] =	sst s0;
	s0 =	simm.s32 @!p1 $0x0  }
0x14: {  	s2 =	sld [smem:$0x3F9C];
	s0 =	simm.s32 @p1 $0x1  }
0x15: {  	[smem:$0x3FB9] =	sst s0;
	s0 =	simm.s32 @!p2 $0x0  }
0x16: {  	s3 =	sld [smem:$0x3FDB];
	s0 =	simm.s32 @p2 $0x1  }
0x17: {  	s4 =	simm.s32 $0x1BF5;
	[smem:$0x3FBB] =	sst s0  }
0x18: {  	s0 =	sld [smem:$0x3F9E];
	_ =	swait.ge [sflag:s4], $0x0  }
0x19: {  	s7 =	sld [smem:$0x3F9F]  }
0x1a: {  	s8 =	sadd.s32 $0xFFFFE003, lr  }
0x1b: {  	s9 =	sadd.s32 $0xFFFFFEF7, lr;
	s5 =	simm.s32 $0xFFFFFFFF;
	p2 =	slt.u32 s8, $0xFFFFF086  }
0x1c: {  	p1 =	slt.u32 s9, $0xF7A;
	s5 =	simm.s32 @!p2 $0x0  }
0x1d: {  	s5 =	simm.s32 @p1 $0x1;
	p0 =	seq.s32 s7, s2  }
0x1e: {  	s7 =	smul.u32 @!p0 $0xF7A, s2;
	p2 =	seq.s32 @!p0 s5, $0x0  }
0x1f: {  	s9 =	smul.u32 $0xF7A, s1;
	s8 =	simm.s32 @!p0 $0x1BF5;
	p2 =	por !p2, p0  }
0x20: {  	[sflag:s8] =	ssyncset.s32 @!p0 $0xFFFFF086;
	s6 =	sadd.s32 @!p0 s3, s7;
	s7 =	simm.s32 @!p0 $0x108  }
0x21: {  	s3 =	sadd.s32 s3, s9;
	s6 =	sadd.s32 @!p0 $0x88, s6;
	s7 =	simm.s32 @p2 $0x1082  }
0x22: {  	[simem:s7], [sflag:s8] =	dma.local @!p0 [hbm:s6], $0xF7A  }
0x23: {  	s9 =	sor.u32 $0xD0000000, s2;
	s6 =	simm.s32 $0x108;
	_ =	swait.ge @!p0 [sflag:s8], $0x0  }
0x24: {  	s3 =	sadd.s32 $0x88, s3;
	s6 =	simm.s32 @!p1 $0x1082;
	[sflag:s4] =	ssyncset.s32 $0xFFFFF086  }
0x25: {  	[simem:s6], [sflag:s4] =	dma.local [hbm:s3], $0xF7A  }
0x26: {  	[smem:$0x3F9F] =	sst s1;
	(tag) =	ssettag s2;
	_ =	strace s9  }
0x27: {  	s1 =	sld [smem:$0x3FAF]  }
0x28: {  	s2 =	sld [smem:$0x3FB0]  }
0x29: {  	s4 =	sld [smem:$0x3FB2]  }
0x2a: {  	p0 =	seq.s32 s5, $0x0;
	s5 =	sld [smem:$0x3FB3]  }
0x2b: {  	s6 =	sld [smem:$0x3FB4]  }
0x2c: {  	s7 =	sld [smem:$0x3FB5]  }
0x2d: {  	s3 =	simm.s32 $0x108;
	s8 =	sld [smem:$0x3FB6]  }
0x2e: {  	s3 =	simm.s32 @!p0 $0x1082;
	s9 =	sld [smem:$0x3FB7]  }
0x2f: {  	lr =	sadd.s32 s0, s3;
	s0 =	sld [smem:$0x3FAE]  }
0x30: {  	s3 =	sld [smem:$0x3FB1]  }
0x31: {  	[smem:$0x3FBA] =	sst s10  }
0x32: {  	s10 =	sld [smem:$0x3FB8];
	_ =	sdelay $0x3  }
0x33: {  	p0 =	seq.s32 s10, $0x1;
	s10 =	sld [smem:$0x3FBA];
	_ =	sdelay $0x3  }
0x34: {  	[smem:$0x3FBA] =	sst s10  }
0x35: {  	s10 =	sld [smem:$0x3FB9];
	_ =	sdelay $0x3  }
0x36: {  	p1 =	seq.s32 s10, $0x1;
	s10 =	sld [smem:$0x3FBA];
	_ =	sdelay $0x3  }
0x37: {  	[smem:$0x3FBA] =	sst s10  }
0x38: {  	s10 =	sld [smem:$0x3FBB]  }
0x39: {  	_ = 	snop;
	(pc) =	sbr.ind lr, $3  }
0x3a: {  	_ = 	snop  }
0x3b: {  	_ = 	snop  }
0x3c: {  	p2 =	seq.s32 s10, $0x1;
	s10 =	sld [smem:$0x3FBA]  }
0x3d: {  	_ =	shalt  }
0x3e: {  	_ =	shalt  }
0x3f: {  	_ =	shalt  }
0x40: {  	_ =	shalt  }
0x41: {  	_ =	shalt  }
0x42: {  	_ =	shalt  }
0x43: {  	_ =	shalt  }
0x44: {  	_ =	shalt  }
0x45: {  	_ =	shalt  }
0x46: {  	_ =	shalt  }
0x47: {  	_ =	shalt  }
0x48: {  	_ =	shalt  }
0x49: {  	_ =	shalt  }
0x4a: {  	_ =	shalt  }
0x4b: {  	_ =	shalt  }
0x4c: {  	_ =	shalt  }
0x4d: {  	_ =	shalt  }
0x4e: {  	_ =	shalt  }
0x4f: {  	_ =	shalt  }
0x50: {  	_ =	shalt  }
0x51: {  	_ =	shalt  }
0x52: {  	_ =	shalt  }
0x53: {  	_ =	shalt  }
0x54: {  	_ =	shalt  }
0x55: {  	_ =	shalt  }
0x56: {  	_ =	shalt  }
0x57: {  	_ =	shalt  }
0x58: {  	_ =	shalt  }
0x59: {  	_ =	shalt  }
0x5a: {  	_ =	shalt  }
0x5b: {  	_ =	shalt  }
0x5c: {  	_ =	shalt  }
0x5d: {  	_ =	shalt  }
0x5e: {  	_ =	shalt  }
0x5f: {  	_ =	shalt  }
0x60: {  	_ =	shalt  }
0x61: {  	_ =	shalt  }
0x62: {  	_ =	shalt  }
0x63: {  	_ =	shalt  }
0x64: {  	_ =	shalt  }
0x65: {  	_ =	shalt  }
0x66: {  	_ =	shalt  }
0x67: {  	_ =	shalt  }
0x68: {  	_ =	shalt  }
0x69: {  	_ =	shalt  }
0x6a: {  	_ =	shalt  }
0x6b: {  	_ =	shalt  }
0x6c: {  	_ =	shalt  }
0x6d: {  	_ =	shalt  }
0x6e: {  	_ =	shalt  }
0x6f: {  	_ =	shalt  }
0x70: {  	_ =	shalt  }
0x71: {  	_ =	shalt  }
0x72: {  	_ =	shalt  }
0x73: {  	_ =	shalt  }
0x74: {  	_ =	shalt  }
0x75: {  	_ =	shalt  }
0x76: {  	_ =	shalt  }
0x77: {  	_ =	shalt  }
0x78: {  	_ =	shalt  }
0x79: {  	_ =	shalt  }
0x7a: {  	_ =	shalt  }
0x7b: {  	_ =	shalt  }
0x7c: {  	_ =	shalt  }
0x7d: {  	_ =	shalt  }
0x7e: {  	_ =	shalt  }
0x7f: {  	_ =	shalt  }
0x80: {  	_ =	shalt  }
0x81: {  	_ =	shalt  }
0x82: {  	_ =	shalt  }
0x83: {  	_ =	shalt  }
0x84: {  	_ =	shalt  }
0x85: {  	_ =	shalt  }
0x86: {  	_ =	shalt  }
0x87: {  	_ =	shalt  }
.Lfunc_end0:
.L_simem_size_0:
called_computation_lowered:
.L_overlay_start_0:
0x88: {  	s2 =	sld [smem:$0x3FD9]  }
0x89: {  	s3 =	sld [smem:$0x3FFE];
	_ =	sdelay $0x1  }
0x8a: {  	s1 =	srdreg.scid  }
0x8b: {  	s0 =	sand.u32 $0x1, s1  }
0x8c: {  	s17 =	sshll.u32 s0, $0xA;
	s2 =	sadd.s32 s3, s2  }
0x8d: {  	s2 =	sadd.s32 s2, s17  }
0x8e: {  	[smem:$0x3FC6] =	sst s2  }
0x8f: {  	_ = 	snop  }
0x90: {  	s2 =	sld [smem:$0x3FC9]  }
0x91: {  	s18 =	sld [smem:$0x3FC8];
	(tm) =	ssettm $0x1  }
0x92: {  	s4 =	sld [smem:$0x3FFB];
	_ =	sdelay $0x3  }
0x93: {  	_ =	strace s4  }
0x94: {  	s4 =	sld [smem:$0x3FFC];
	_ =	sdelay $0x3  }
0x95: {  	_ =	strace s4  }
0x96: {  	s4 =	sld [smem:$0x3FFD];
	_ =	sdelay $0x3  }
0x97: {  	_ =	strace s4  }
0x98: {  	_ =	strace $0x8FFFFFFF  }
0x99: {  	s19 =	sld [smem:$0x3FDB];
	_ =	sdelay $0x1  }
0x9a: {  	s5 =	simm.s32 $_scs_section_size  }
0x9b: {  	s6 =	simm.s32 $_size__tile_overlayer_lowered;
	s7 =	simm.s32 $_tile_overlayer_lowered  }
0x9c: {  	s22 =	simm.s32 $0x1BFF;
	s21 =	sshll.u32 s7, $0x1;
	s4 =	sadd.s32 s5, s19  }
0x9d: {  	s8 =	simm.s32 $0x0;
	s20 =	sshll.u32 s6, $0x1;
	s6 =	sadd.s32 s21, s4  }
0x9e: {  	[timem:s8], [sflag:s22] =	dma.local [hbm:s6], s20  }
0x9f: {  	_ =	swait.ge [sflag:s22], s20  }
0xa0: {  	s5 =	ssub.s32 $0x0, s20;
	[sflag:s22] =	ssyncset.done $0x0  }
0xa1: {  	[sflag:s22] =	ssyncadd.s32 s5;
	_ =	sdelay $0x1  }
0xa2: {  	s23 =	simm.s32 $0x1B8B  }
0xa3: {  	_ =	swait.ge [sflag:s23], $0x1  }
0xa4: {  	[sflag:s23] =	ssyncset.done $0x0  }
0xa5: {  	s25 =	simm.s32 $0x1B8E;
	s24 =	sld [smem:$0x3FFE];
	[sflag:s23] =	ssyncadd.s32 $0xFFFFFFFF  }
0xa6: {  	s26 =	simm.s32 $execute0_lowered;
	[smem:$0x3FD2] =	sst s25  }
0xa7: {  	s6 =	sshll.u32 s26, $0x1;
	_ =	strace $0x80000046;
	[dreg:$0x1] =	wrdreg $0xFFFFFFFF  }
0xa8: {  	s28 =	simm.s32 $_size_execute0_lowered;
	s4 =	sadd.s32 s4, s6;
	[dreg:$0x0] =	wrdreg $0x0  }
0xa9: {  	s6 =	sshll.u32 s28, $0x1;
	[dreg:$0x2] =	wrdreg s4  }
0xaa: {  	[dreg:$0x3] =	wrdreg s6  }
0xab: {  	[dreg:$0x4] =	wrdreg $0xC0  }
0xac: {  	_ =	task [dreg:s8], $0x5FFFF  }
0xad: {  	[dreg:$0x1] =	wrdreg $0xFFFFFFFF  }
0xae: {  	[dreg:$0x0] =	wrdreg $0x60  }
0xaf: {  	[dreg:$0x2] =	wrdreg s2  }
0xb0: {  	[dreg:$0x3] =	wrdreg s18  }
0xb1: {  	[dreg:$0x4] =	wrdreg s24  }
0xb2: {  	[dreg:$0x5] =	wrdreg $0x9  }
0xb3: {  	_ =	task.clear_ibuf [dreg:s8], $0x6FFFF;
	_ =	strace $0x90000046  }
0xb4: {  	s29 =	simm.s32 $0x9;
	_ =	strace $0x80000048  }
0xb5: {  	_ =	swait.ge [sflag:s29], $0x1  }
0xb6: {  	[sflag:s29] =	ssyncadd.s32 $0xFFFFFFFF  }
0xb7: {  	_ =	strace $0x90000048  }
0xb8: {  	_ =	sfence  }
0xb9: {  	s30 =	sld [smem:$0x0];
	_ =	sdelay $0x2  }
0xba: {  	s31 =	sshll.u32 s1, $0xD;
	s1 =	sshrl.u32 s1, $0x2  }
0xbb: {  	s3 =	sand.u32 $0x4000, s31;
	s1 =	sadd.s32 s1, s30  }
0xbc: {  	s0 =	sor.u32 s3, s0;
	s1 =	sshll.u32 s1, $0x11  }
0xbd: {  	s0 =	sor.u32 s1, s0  }
0xbe: {  	s0 =	sadd.s32 $0x8F2B, s0  }
0xbf: {  	[sflag:s0] =	ssyncadd.remote.s32 $0x1  }
0xc0: {  	_ =	sfence.sel $0xFFFF  }
0xc1: {  	[dreg:$0x0] =	wrdreg $0xFFFFFFFF;
	(pc) =	sbr.abs _section_cstart, $3  }
0xc2: {  	[dreg:$0x1] =	wrdreg $0xFFFFFFFF  }
0xc3: {  	_ =	task.clear_ibuf [dreg:s8], $0x2FFFF;
	_ =	strace $0x9FFFFFFF  }
0xc4: {  	(tm) =	ssettm $0x7FFFFFFF  }
0xc5: {  	_ =	shalt  }
tec
execute0_lowered:
.L_overlay_start_1:
0x0: {  	(tag) =	ssettag $0x1  }
0x1: {  	s3 =	rddreg [dreg:$0x0]  }
0x2: {  	s0 =	srdreg.scid;
	s22 =	rddreg [dreg:$0x1]  }
0x3: {  	s1 =	stileid.u32;
	s5 =	rddreg [dreg:$0x2];
	s4 =	simm.s32 $0x0  }
0x4: {  	s15 =	simm.s32 $0x200;
	s16 =	simm.s32 $0x400;
	s17 =	simm.s32 $0x13000  }
0x5: {  	s18 =	simm.s32 $0x13800;
	s19 =	simm.s32 $0x1;
	s20 =	simm.s32 $0x3  }
0x6: {  	s21 =	simm.s32 $0x2;
	s0 =	sand.u32 $0x1, s0;
	s2 =	sshll.u32 s1, $0x1  }
0x7: {  	s28 =	simm.s32 $0x0;
	[smem:$0x7FF] =	sst s4;
	s2 =	sor.u32 s0, s2  }
0x8: {  	_ =	strace $0x80000047;
	s0 =	ssub.s32 $0x2, s0;
	s6 =	smul.u32 $0xE, s2  }
0x9: {  	s8 =	smul.u32 $0x7000, s2;
	s2 =	sshll.u32 s2, $0x4;
	s24 =	sshrl.u32 s0, $0x1  }
0xa: {  	s2 =	sadd.s32 s2, s5;
	s0 =	ssub.s32 s0, s24;
	s7 =	sshrl.u32 s6, $0x7  }
0xb: {  	s23 =	sand.u32 $0x3F000, s8;
	s11 =	sadd.s32 $0x2, s6;
	s12 =	sadd.s32 $0x3, s6  }
0xc: {  	s31 =	sadd.s32 $0x200, s2;
	s9 =	smul.u32 $0x4C0000, s7;
	s7 =	sshll.u32 s7, $0x12  }
0xd: {  	s0 =	smax.u32 s0, $0x1;
	s2 =	simm.s32 $0x0;
	s5 =	sor.u32 s23, s7  }
0xe: {  	[dreg:$0x8] =	wrdreg s31;
	s8 =	sor.u32 s23, s9;
	s5 =	sshrl.u32 s5, $0x3  }
0xf: {  	[dreg:$0x9] =	wrdreg s0;
	s10 =	sshrl.u32 s8, $0x3;
	s26 =	sadd.s32 s22, s5  }
0x10: {  	s7 =	sadd.s32 $0x40, s3;
	s25 =	sadd.s32 s3, s10;
	[dreg:$0x5] =	wrdreg s26  }
0x11: {  	s8 =	sadd.s32 $0x40, s22;
	s29 =	sadd.s32 s10, s7;
	[dreg:$0x4] =	wrdreg s25  }
0x12: {  	s23 =	simm.s32 $0x9800;
	s30 =	sadd.s32 s5, s8;
	[dreg:$0x6] =	wrdreg s29  }
0x13: {  	v0 =	vimm.f32 $0.0e+00;
	v1 =	vlaneseq.u32;
	s3 =	smov.u32 s22;
	s22 =	simm.s32 $0x4;
	[dreg:$0x7] =	wrdreg s30  }
.LBB2_1:
0x14: {  	[dreg:$0xa] =	wrdreg s2  }
0x15: {  	s5 =	rddreg [dreg:$0x4]  }
0x16: {  	s0 =	simm.s32 $0x2000;
	s6 =	simm.s32 $0x0;
	s2 =	sadd.s32 $0x8000, s5  }
.LBB2_2:
0x17: {  	[tilespmem:s6], [sflag:$0x1] =	stream.strided.gather [hbm4b:s5+s15], $0x800, s16, s15, $0x38;
	[tilespmem:$0x14080] =	vst v63  }
0x18: {  	s6 =	smov.u32 s0;
	s5 =	smov.u32 s2;
	p0 =	sne.s32 s0, $0x24000  }
.Ltmp0:
0x19: {  	s0 =	sadd.s32 $0x2000, s0;
	(pc) =	sbr.rel @p0 .LBB2_2-.Ltmp0, $2  }
0x1a: {  	_ =	sdelay $0x2  }
0x1b: {  	s2 =	sadd.s32 $0x8000, s2;
	s6 =	sshra.s32 s6, $0x2  }
0x1c: {  	[tilespmem:s6], [sflag:$0x1] =	stream.strided.gather [hbm4b:s5+s15], $0x800, s16, s15, $0x38;
	[tilespmem:$0x14080] =	vst v63  }
0x1d: {  	s0 =	rddreg [dreg:$0x5]  }
0x1e: {  	[tilespmem:s17], [sflag:$0x3] =	stream.strided.gather [hbm4b:s0+s15], $0x800, s16, s15, $0x38;
	[tilespmem:$0x14080] =	vst v63  }
0x1f: {  	s31 =	simm.s32 $0x9800;
	s2 =	rddreg [dreg:$0x6];
	s0 =	simm.s32 $0x2000  }
0x20: {  	[tilespmem:s31], [sflag:$0x2] =	stream.strided.gather [hbm4b:s2+s15], $0x800, s16, s15, $0x38;
	[tilespmem:$0x14080] =	vst v63  }
.LBB2_4:
0x21: {  	p0 =	sne.s32 s0, $0x24000  }
.Ltmp1:
0x22: {  	_ = 	snop;
	(pc) =	sbr.rel @p0 .LBB2_4-.Ltmp1, $4  }
0x23: {  	_ = 	snop  }
0x24: {  	s5 =	sshra.s32 s0, $0x2;
	s0 =	sadd.s32 $0x2000, s0  }
0x25: {  	s2 =	sadd.s32 $0x8000, s2;
	s5 =	sadd.s32 $0x9800, s5  }
0x26: {  	[tilespmem:s5], [sflag:$0x2] =	stream.strided.gather [hbm4b:s2+s15], $0x800, s16, s15, $0x38;
	[tilespmem:$0x14080] =	vst v63  }
0x27: {  	s0 =	rddreg [dreg:$0x7];
	s29 =	simm.s32 $0x0  }
0x28: {  	v2 =	vimm.f32 $0.0e+00;
	[tilespmem:s18], [sflag:$0x4] =	stream.strided.gather [hbm4b:s0+s15], $0x800, s16, s15, $0x38;
	[tilespmem:$0x14080] =	vst v63  }
.LBB2_6:
0x29: {  	_ =	swait.ge [sflag:s19], $0x9800  }
0x2a: {  	[sflag:s19] =	ssyncset.done $0x0  }
0x2b: {  	[sflag:s19] =	ssyncadd.s32 $0xFFFF6800  }
0x2c: {  	_ =	swait.ge [sflag:s20], $0x800  }
0x2d: {  	s0 =	sand.u32 $0x70, s28;
	s2 =	sand.u32 $0x600, s28;
	[sflag:s20] =	ssyncset.done $0x0  }
0x2e: {  	s9 =	sor.u32 s0, s2;
	[sflag:s20] =	ssyncadd.s32 $0xFFFFF800  }
0x2f: {  	v3 =	vld [tilespmem:s9+$0x0]  }
0x30: {  	v12 =	vld [tilespmem:s9+$0x800];
	_ =	sdelay $0x1  }
0x31: {  	v13 =	vld [tilespmem:s9+$0x1000];
	_ =	sdelay $0x1  }
0x32: {  	v15 =	vld [tilespmem:s9+$0x1800];
	v4 =	vmul.f32 $1.442695020e+00, v3  }
0x33: {  	v14 =	vld [tilespmem:s9+$0x2000];
	v5 =	vmul.f32 $1.442695020e+00, v12  }
0x34: {  	(erf) = vpow2.f32 v4;
	v4 =	vld [tilespmem:s9+$0x3800]  }
0x35: {  	v25 =	vld [tilespmem:s9+$0x2800];
	v6 =	vmul.f32 $1.442695020e+00, v13;
	(erf) = vpow2.f32 v5;
	_ =	sdelay $0x1  }
0x36: {  	v28 =	vld [tilespmem:s9+$0x3000];
	v5 =	vmul.f32 $1.442695020e+00, v15;
	(erf) = vpow2.f32 v6  }
0x37: {  	v6 =	vmul.f32 $1.442695020e+00, v14  }
0x38: {  	(erf) = vpow2.f32 v5;
	v5 =	vmul.f32 $1.442695020e+00, v4  }
0x39: {  	v7 =	vmul.f32 $1.442695020e+00, v25  }
0x3a: {  	(erf) = vpow2.f32 v6  }
0x3b: {  	v27 =	vld [tilespmem:s9+$0x4000];
	v6 =	vmul.f32 $1.442695020e+00, v28;
	(erf) = vpow2.f32 v5  }
0x3c: {  	v31 =	vld [tilespmem:s9+$0x4800];
	v5 =	vpop (erf);
	(erf) = vpow2.f32 v7  }
0x3d: {  	v7 =	vpop (erf)  }
0x3e: {  	v33 =	vld [tilespmem:s9+$0x5000];
	(erf) = vpow2.f32 v6;
	v5 =	vadd.f32 v7, v5  }
0x3f: {  	v6 =	vpop (erf)  }
0x40: {  	v7 =	vmul.f32 $1.442695020e+00, v27;
	v5 =	vadd.f32 v6, v5  }
0x41: {  	v8 =	vmul.f32 $1.442695020e+00, v31;
	v6 =	vpop (erf)  }
0x42: {  	v35 =	vld [tilespmem:s9+$0x5800];
	(erf) = vpow2.f32 v7;
	v5 =	vadd.f32 v6, v5  }
0x43: {  	v10 =	vld [tilespmem:s9+$0x6800];
	v7 =	vmul.f32 $1.442695020e+00, v33;
	v6 =	vpop (erf)  }
0x44: {  	v32 =	vld [tilespmem:s9+$0x6000];
	(erf) = vpow2.f32 v8;
	v5 =	vadd.f32 v6, v5;
	v6 =	vpop (erf)  }
0x45: {  	v8 =	vpop (erf)  }
0x46: {  	v5 =	vadd.f32 v8, v5  }
0x47: {  	v11 =	vld [tilespmem:s9+$0x7000];
	v9 =	vmul.f32 $1.442695020e+00, v35;
	(erf) = vpow2.f32 v7;
	v7 =	vpop (erf)  }
0x48: {  	v16 =	vmul.f32 $1.442695020e+00, v10;
	v5 =	vadd.f32 v7, v5  }
0x49: {  	v8 =	vmul.f32 $1.442695020e+00, v32;
	(erf) = vpow2.f32 v9  }
0x4a: {  	v5 =	vadd.f32 v6, v5  }
0x4b: {  	v9 =	vld [tilespmem:s9+$0x7800];
	(erf) = vpow2.f32 v8;
	v6 =	vpop (erf)  }
0x4c: {  	v8 =	vmul.f32 $1.442695020e+00, v11;
	v6 =	vadd.f32 v6, v5  }
0x4d: {  	v7 =	vld [tilespmem:s9+$0x8000];
	(erf) = vpow2.f32 v16;
	v16 =	vpop (erf)  }
0x4e: {  	v16 =	vadd.f32 v16, v6  }
0x4f: {  	s31 =	simm.s32 $0x40;
	s0 =	simm.s32 $0x10;
	v5 =	vld [tilespmem:s9+$0x8800]  }
0x50: {  	s2 =	sand.u32 $0x600, s31;
	s5 =	sand.u32 $0x70, s0;
	v17 =	vmul.f32 $1.442695020e+00, v9;
	(erf) = vpow2.f32 v8;
	v8 =	vpop (erf)  }
0x51: {  	s2 =	sor.u32 s5, s2;
	v6 =	vld [tilespmem:s9+$0x9000];
	v8 =	vadd.f32 v8, v16  }
0x52: {  	v23 =	vld [tilespmem:s2+$0x0];
	v18 =	vmul.f32 $1.442695020e+00, v7;
	(erf) = vpow2.f32 v17;
	v16 =	vpop (erf)  }
0x53: {  	v8 =	vadd.f32 v16, v8  }
0x54: {  	v24 =	vld [tilespmem:s2+$0x800];
	v17 =	vmul.f32 $1.442695020e+00, v5;
	(erf) = vpow2.f32 v18;
	v16 =	vpop (erf)  }
0x55: {  	v8 =	vadd.f32 v16, v8  }
0x56: {  	v22 =	vld [tilespmem:s2+$0x1000];
	v18 =	vmul.f32 $1.442695020e+00, v6;
	(erf) = vpow2.f32 v17;
	v16 =	vpop (erf)  }
0x57: {  	v8 =	vadd.f32 v16, v8;
	v16 =	vmul.f32 $1.442695020e+00, v23  }
0x58: {  	(erf) = vpow2.f32 v18;
	v18 =	vld [tilespmem:s2+$0x1800]  }
0x59: {  	v19 =	vmul.f32 $1.442695020e+00, v24;
	v17 =	vpop (erf)  }
0x5a: {  	v20 =	vld [tilespmem:s2+$0x2000];
	v17 =	vadd.f32 v17, v8  }
0x5b: {  	v21 =	vmul.f32 $1.442695020e+00, v22;
	(erf) = vpow2.f32 v16;
	v8 =	vld [tilespmem:s2+$0x3800];
	v16 =	vpop (erf)  }
0x5c: {  	(erf) = vpow2.f32 v19;
	v17 =	vadd.f32 v16, v17;
	v16 =	vld [tilespmem:s2+$0x2800]  }
0x5d: {  	v26 =	vmul.f32 $1.442695020e+00, v18;
	v19 =	vpop (erf)  }
0x5e: {  	(erf) = vpow2.f32 v21;
	v17 =	vadd.f32 v19, v17  }
0x5f: {  	v21 =	vpop (erf);
	v19 =	vld [tilespmem:s2+$0x3000]  }
0x60: {  	v29 =	vmul.f32 $1.442695020e+00, v20;
	v17 =	vadd.f32 v21, v17;
	v21 =	vmul.f32 $1.442695020e+00, v8  }
0x61: {  	v3 =	vadd.f32 v12, v3;
	(erf) = vpow2.f32 v26;
	v26 =	vpop (erf);
	v30 =	vmul.f32 $1.442695020e+00, v16  }
0x62: {  	v12 =	vld [tilespmem:s2+$0x4000];
	v26 =	vadd.f32 v26, v17  }
0x63: {  	v3 =	vadd.f32 v13, v3;
	(erf) = vpow2.f32 v29  }
0x64: {  	(erf) = vpow2.f32 v21;
	v29 =	vmul.f32 $1.442695020e+00, v19;
	v21 =	vpop (erf);
	v17 =	vand.u32 $0x7FFFFF, v26  }
0x65: {  	v15 =	vadd.f32 v15, v3;
	(erf) = vpow2.f32 v30;
	v30 =	vpop (erf);
	v34 =	vor.u32 $0x3F800000, v17  }
0x66: {  	v13 =	vld [tilespmem:s2+$0x4800];
	(erf) = vpow2.f32 v29;
	v21 =	vadd.f32 v30, v21;
	v29 =	vmul.f32 $5.000000000e-01, v34  }
0x67: {  	v37 =	vadd.f32 v14, v15;
	v17 =	vld [tilespmem:s2+$0x5000];
	v30 =	vmul.f32 $1.442695020e+00, v12;
	v36 =	vpop (erf)  }
0x68: {  	vm1 =	vgt.f32 v34, $1.414213540e+00;
	v36 =	vadd.f32 v36, v21  }
0x69: {  	v15 =	vld [tilespmem:s2+$0x5800];
	v34 =	vsel vm1, v29, v34;
	(erf) = vpow2.f32 v30;
	v30 =	vadd.f32 v25, v37  }
0x6a: {  	v3 =	vld [tilespmem:s2+$0x9000];
	v39 =	vadd.f32 $1.000000000e+00, v34;
	v29 =	vpop (erf)  }
0x6b: {  	v14 =	vld [tilespmem:s2+$0x6000];
	v38 =	vmul.f32 $1.442695020e+00, v13;
	v54 =	vadd.f32 v28, v30;
	v36 =	vadd.f32 v29, v36  }
0x6c: {  	v40 =	vor.u32 s28, v1;
	v21 =	vld [tilespmem:s2+$0x8800];
	v51 =	vmul.f32 $1.442695020e+00, v17;
	v41 =	vpop (erf);
	(erf) = vrcp.f32 v39  }
0x6d: {  	v28 =	vld [tilespmem:s2+$0x7800];
	v53 =	vpop (erf);
	(erf) = vpow2.f32 v38;
	v38 =	vadd.f32 v4, v54;
	v52 =	vadd.f32 v41, v36  }
0x6e: {  	v42 =	vmov s28;
	v40 =	vand.u32 $0x7F, v40;
	v43 =	vmul.f32 $1.442695020e+00, v15;
	v29 =	vld [tilespmem:s2+$0x6800];
	v44 =	vpop (erf)  }
0x6f: {  	v30 =	vld [tilespmem:s2+$0x7000];
	(erf) = vpow2.f32 v51;
	v38 =	vadd.f32 v27, v38;
	v39 =	vadd.f32 v44, v52  }
0x70: {  	s6 =	simm.s32 $0x20;
	v42 =	vshll.u32 v42, $0x2;
	s5 =	simm.s32 $0x80;
	v48 =	vld [tilespmem:s9+$0x13000];
	v55 =	vmul.f32 $1.442695020e+00, v14;
	v36 =	vmul.f32 $1.442695020e+00, v3;
	v45 =	vpop (erf)  }
0x71: {  	s10 =	sand.u32 $0x70, s6;
	s13 =	sand.u32 $0x600, s5;
	v25 =	vld [tilespmem:s2+$0x8000];
	(erf) = vpow2.f32 v43;
	v38 =	vadd.f32 v31, v38;
	v45 =	vadd.f32 v45, v39  }
0x72: {  	v42 =	vand.u32 $0x600, v42;
	s10 =	sor.u32 s10, s13;
	v37 =	vmul.f32 $1.442695020e+00, v21;
	(erf) = vpow2.f32 v55  }
0x73: {  	v4 =	vld [tilespmem:s10+$0x4000];
	v56 =	vmul.f32 $1.442695020e+00, v29;
	v38 =	vadd.f32 v33, v38;
	v41 =	vadd.f32 v53, v45  }
0x74: {  	v47 =	vadd.f32 $-1.000000000e+00, v34;
	v27 =	vld [tilespmem:s10+$0x1000];
	v57 =	vmul.f32 $1.442695020e+00, v30;
	v58 =	vmul.f32 $1.442695020e+00, v28;
	v46 =	vpop (erf)  }
0x75: {  	v31 =	vld [tilespmem:s10+$0x0];
	(erf) = vpow2.f32 v56;
	v59 =	vpop (erf);
	v62 =	vadd.f32 v35, v38;
	v41 =	vadd.f32 v46, v41  }
0x76: {  	vm0 =	veq.s32 v48, $0xFF;
	v39 =	vmul.f32 $1.442695020e+00, v25;
	v60 =	vpop (erf);
	v33 =	vmul.f32 v59, v47  }
0x77: {  	(erf) = vpow2.f32 v57;
	v51 =	vadd.f32 v32, v62;
	v32 =	vld [tilespmem:s10+$0x800];
	v61 =	vadd.f32 v60, v41  }
0x78: {  	v50 =	vshll.u32 v48, $0xB;
	v34 =	vmul.f32 $1.442695020e+00, v4;
	v63 =	vpop (erf);
	v46 =	vmul.f32 v33, v33  }
0x79: {  	v38 =	vmul.f32 $1.442695020e+00, v27;
	(erf) = vpow2.f32 v58;
	v35 =	vadd.f32 v63, v61  }
0x7a: {  	s9 =	simm.s32 $0x30;
	v47 =	vor.u32 v42, v40;
	v40 =	vmul.f32 $1.442695020e+00, v31;
	v41 =	vpop (erf);
	v49 =	vmul.f32 $2.857142980e-01, v46  }
.LBB2_7:
0x7b: {  	p0 =	sne.s32 s9, $0x1F0;
	v35 =	vadd.f32 v41, v35;
	(erf) = vpow2.f32 v39;
	v39 =	vadd.f32 v10, v51;
	v10 =	vmovc v29  }
0x7c: {  	v43 =	vsel vm0, $0x0, v50;
	v29 =	vmul.f32 $1.442695020e+00, v32;
	v41 =	vpop (erf);
	v42 =	vadd.f32 $4.000000060e-01, v49  }
0x7d: {  	v41 =	vadd.f32 v41, v35;
	(erf) = vpow2.f32 v37;
	v37 =	vadd.f32 v11, v39;
	v11 =	vmovc v30  }
0x7e: {  	v39 =	vor.u32 v43, v47;
	v30 =	vpop (erf);
	(erf) = vpow2.f32 v36;
	v36 =	vmul.f32 v42, v46  }
0x7f: {  	v35 =	vld [tilespmem:s10+$0x3800];
	(erf) = vpow2.f32 v40;
	v30 =	vadd.f32 v30, v41;
	v37 =	vadd.f32 v9, v37;
	v9 =	vmovc v28  }
0x80: {  	v26 =	vshrl.u32 v26, $0x17;
	v28 =	vld [tilespmem:s10+$0x1800];
	(erf) = vpow2.f32 v29;
	v29 =	vpop (erf);
	v36 =	vadd.f32 $6.666666860e-01, v36  }
0x81: {  	v26 =	vadd.s32 $0xFFFFFF81, v26;
	v29 =	vadd.f32 v29, v30;
	v30 =	vadd.f32 v7, v37;
	v7 =	vmovc v25  }
0x82: {  	v42 =	vcvt.s32.f32 v26;
	v37 =	vadd.f32 v24, v23;
	v25 =	vld [tilespmem:s10+$0x2000];
	v23 =	vpop (erf);
	v26 =	vmul.f32 v36, v46  }
0x83: {  	s31 =	simm.s32 $0x0;
	v40 =	vsel vm1, $0x3F800000, v0;
	v36 =	vld [tilespmem:s10+$0x2800];
	v29 =	vadd.f32 v23, v29;
	v30 =	vadd.f32 v5, v30;
	v5 =	vmovc v21;
	v23 =	vmovc v31  }
0x84: {  	v40 =	vadd.f32 v42, v40;
	v21 =	vmul.f32 $1.442695020e+00, v35;
	v31 =	vpop (erf);
	v26 =	vadd.f32 $2.000000000e+00, v26;
	v39 =	vld.idx.msk [tilespmem:v39+s31+$0x0], $0xffff  }
0x85: {  	v24 =	vmovc v32;
	v41 =	vmul.f32 $1.442695020e+00, v28;
	(erf) = vpow2.f32 v38;
	v29 =	vadd.f32 v31, v29  }
0x86: {  	v6 =	vadd.f32 v6, v30;
	v30 =	vmul.f32 $6.931471820e-01, v40;
	v31 =	vld [tilespmem:s10+$0x3000];
	v32 =	vpop (erf);
	v26 =	vmul.f32 v26, v33  }
0x87: {  	v33 =	vmul.f32 $1.442695020e+00, v25;
	(erf) = vpow2.f32 v41;
	v29 =	vadd.f32 v32, v29;
	v32 =	vpop (erf)  }
0x88: {  	v42 =	vmul.f32 $-5.555555690e-03, v6;
	v38 =	vmul.f32 $1.442695020e+00, v36;
	v40 =	vpop (erf);
	v30 =	vadd.f32 v26, v30  }
0x89: {  	v41 =	vpop (erf);
	(erf) = vpow2.f32 v33;
	v33 =	vadd.f32 v22, v37;
	v26 =	vadd.f32 v32, v29  }
0x8a: {  	v29 =	vmul.f32 $-8.944444650e-01, v39;
	v6 =	vmovc v3;
	v22 =	vmovc v27;
	(erf) = vpow2.f32 v21;
	v21 =	vadd.f32 v42, v30  }
0x8b: {  	v32 =	vld [tilespmem:s10+$0x4800];
	v3 =	vmul.f32 $1.442695020e+00, v31;
	(erf) = vpow2.f32 v38;
	v27 =	vand.u32 $0x7FFFFF, v26  }
0x8c: {  	v30 =	vadd.f32 v18, v33;
	v18 =	vmovc v28;
	v27 =	vor.u32 $0x3F800000, v27;
	v21 =	vadd.f32 v29, v21  }
0x8d: {  	v28 =	vadd.f32 v41, v40;
	v38 =	vld [tilespmem:s10+$0x5000];
	(erf) = vpow2.f32 v3;
	v29 =	vmul.f32 $5.000000000e-01, v27  }
0x8e: {  	v30 =	vadd.f32 v20, v30;
	vm1 =	vgt.f32 v27, $1.414213540e+00;
	v3 =	vld [tilespmem:s10+$0x9000];
	v33 =	vpop (erf);
	v21 =	vsel vm0, $0x0, v21  }
0x8f: {  	v20 =	vmovc v25;
	v40 =	vld [tilespmem:s10+$0x5800];
	v28 =	vadd.f32 v33, v28;
	v33 =	vsel vm1, v29, v27;
	v2 =	vadd.f32 v21, v2  }
0x90: {  	v37 =	vor.u32 s0, v1;
	v21 =	vld [tilespmem:s10+$0x8800];
	v27 =	vmul.f32 $1.442695020e+00, v32;
	v25 =	vpop (erf);
	v29 =	vadd.f32 $1.000000000e+00, v33  }
0x91: {  	v30 =	vadd.f32 v16, v30;
	v16 =	vmovc v36;
	v41 =	vld [tilespmem:s10+$0x6000];
	v28 =	vadd.f32 v25, v28;
	(erf) = vpow2.f32 v34  }
0x92: {  	v39 =	vmov s0;
	s0 =	smov.u32 s6;
	s6 =	smov.u32 s9;
	v25 =	vld [tilespmem:s10+$0x8000];
	v34 =	vmul.f32 $1.442695020e+00, v38;
	v36 =	vpop (erf);
	(erf) = vrcp.f32 v29  }
0x93: {  	v46 =	vadd.f32 v19, v30;
	v29 =	vld [tilespmem:s10+$0x6800];
	v42 =	vadd.f32 v36, v28;
	v43 =	vpop (erf);
	(erf) = vpow2.f32 v27  }
0x94: {  	s5 =	sadd.s32 $0x40, s5;
	v45 =	vand.u32 $0x7F, v37;
	v36 =	vmul.f32 $1.442695020e+00, v3;
	v28 =	vld [tilespmem:s10+$0x7800];
	v27 =	vmul.f32 $1.442695020e+00, v40;
	v44 =	vpop (erf)  }
0x95: {  	s13 =	sand.u32 $0x70, s9;
	s14 =	sand.u32 $0x600, s5;
	v19 =	vmovc v31;
	v30 =	vld [tilespmem:s10+$0x7000];
	v42 =	vadd.f32 v44, v42;
	(erf) = vpow2.f32 v34;
	v34 =	vadd.f32 v8, v46;
	v8 =	vmovc v35  }
0x96: {  	s13 =	sor.u32 s13, s14;
	v37 =	vmul.f32 $1.442695020e+00, v21;
	v44 =	vshll.u32 v39, $0x2;
	v31 =	vmul.f32 $1.442695020e+00, v41;
	v35 =	vpop (erf)  }
0x97: {  	v35 =	vadd.f32 v35, v42;
	(erf) = vpow2.f32 v27;
	v34 =	vadd.f32 v12, v34;
	v12 =	vmovc v4;
	v4 =	vld [tilespmem:s13+$0x4000]  }
0x98: {  	v44 =	vand.u32 $0x600, v44;
	v39 =	vmul.f32 $1.442695020e+00, v25;
	v42 =	vmul.f32 $1.442695020e+00, v29;
	v48 =	vld [tilespmem:s2+$0x13000];
	s2 =	smov.u32 s10;
	s10 =	smov.u32 s13  }
0x99: {  	v27 =	vld [tilespmem:s10+$0x1000];
	v35 =	vadd.f32 v43, v35;
	(erf) = vpow2.f32 v31;
	v34 =	vadd.f32 v13, v34;
	v13 =	vmovc v32  }
0x9a: {  	v33 =	vadd.f32 $-1.000000000e+00, v33;
	v49 =	vmul.f32 $1.442695020e+00, v28;
	v43 =	vmul.f32 $1.442695020e+00, v30;
	v32 =	vpop (erf)  }
0x9b: {  	v31 =	vld [tilespmem:s10+$0x0];
	v35 =	vadd.f32 v32, v35;
	(erf) = vpow2.f32 v42;
	v46 =	vadd.f32 v17, v34;
	v32 =	vpop (erf)  }
.Ltmp2:
0x9c: {  	v47 =	vor.u32 v44, v45;
	v34 =	vmul.f32 $1.442695020e+00, v4;
	v42 =	vpop (erf);
	v33 =	vmul.f32 v32, v33;
	(pc) =	sbr.rel @p0 .LBB2_7-.Ltmp2, $4  }
0x9d: {  	v17 =	vmovc v38;
	v32 =	vld [tilespmem:s10+$0x800];
	v35 =	vadd.f32 v42, v35;
	(erf) = vpow2.f32 v43;
	v42 =	vadd.f32 v15, v46;
	v15 =	vmovc v40  }
0x9e: {  	vm0 =	veq.s32 v48, $0xFF;
	v38 =	vmul.f32 $1.442695020e+00, v27;
	v40 =	vpop (erf);
	v46 =	vmul.f32 v33, v33  }
0x9f: {  	v35 =	vadd.f32 v40, v35;
	(erf) = vpow2.f32 v49;
	v51 =	vadd.f32 v14, v42;
	v14 =	vmovc v41  }
0xa0: {  	s9 =	sadd.s32 $0x10, s9;
	v50 =	vshll.u32 v48, $0xB;
	v40 =	vmul.f32 $1.442695020e+00, v31;
	v41 =	vpop (erf);
	v49 =	vmul.f32 $2.857142980e-01, v46  }
0xa1: {  	v35 =	vadd.f32 v41, v35;
	(erf) = vpow2.f32 v39  }
0xa2: {  	v54 =	vpop (erf)  }
0xa3: {  	(erf) = vpow2.f32 v37;
	v35 =	vadd.f32 v54, v35  }
0xa4: {  	v55 =	vpop (erf)  }
0xa5: {  	(erf) = vpow2.f32 v36;
	v35 =	vadd.f32 v55, v35  }
0xa6: {  	v45 =	vld [tilespmem:s10+$0x1800];
	v56 =	vpop (erf)  }
0xa7: {  	v57 =	vmul.f32 $1.442695020e+00, v32;
	v36 =	vadd.f32 v56, v35  }
0xa8: {  	v44 =	vld [tilespmem:s10+$0x2000];
	(erf) = vpow2.f32 v40;
	v58 =	vpop (erf)  }
0xa9: {  	v35 =	vld [tilespmem:s10+$0x3800];
	(erf) = vpow2.f32 v57;
	v36 =	vadd.f32 v58, v36  }
0xaa: {  	v43 =	vld [tilespmem:s10+$0x2800];
	v59 =	vpop (erf)  }
0xab: {  	v60 =	vmul.f32 $1.442695020e+00, v45;
	(erf) = vpow2.f32 v38;
	v36 =	vadd.f32 v59, v36  }
0xac: {  	v42 =	vld [tilespmem:s10+$0x3000];
	v61 =	vpop (erf)  }
0xad: {  	v62 =	vmul.f32 $1.442695020e+00, v44;
	(erf) = vpow2.f32 v60;
	v36 =	vadd.f32 v61, v36  }
0xae: {  	v63 =	vmul.f32 $1.442695020e+00, v35;
	v48 =	vpop (erf)  }
0xaf: {  	v52 =	vmul.f32 $1.442695020e+00, v43;
	(erf) = vpow2.f32 v62;
	v48 =	vadd.f32 v48, v36  }
0xb0: {  	(erf) = vpow2.f32 v63  }
0xb1: {  	v54 =	vmul.f32 $1.442695020e+00, v42;
	v53 =	vpop (erf);
	(erf) = vpow2.f32 v52;
	v55 =	vand.u32 $0x7FFFFF, v48  }
0xb2: {  	v41 =	vld [tilespmem:s10+$0x4800];
	v56 =	vpop (erf);
	v38 =	vor.u32 $0x3F800000, v55  }
0xb3: {  	v36 =	vld [tilespmem:s10+$0x5000];
	(erf) = vpow2.f32 v54;
	v39 =	vadd.f32 v56, v53;
	v57 =	vmul.f32 $5.000000000e-01, v38  }
0xb4: {  	v58 =	vpop (erf);
	vm2 =	vgt.f32 v38, $1.414213540e+00  }
0xb5: {  	v39 =	vadd.f32 v58, v39;
	v52 =	vsel vm2, v57, v38  }
0xb6: {  	v59 =	vpop (erf);
	v38 =	vld [tilespmem:s10+$0x5800];
	v60 =	vadd.f32 $1.000000000e+00, v52  }
0xb7: {  	v53 =	vmul.f32 $1.442695020e+00, v41;
	(erf) = vpow2.f32 v34;
	v37 =	vadd.f32 v59, v39  }
0xb8: {  	v54 =	vmul.f32 $1.442695020e+00, v36;
	v61 =	vpop (erf);
	(erf) = vrcp.f32 v60  }
0xb9: {  	v55 =	vpop (erf);
	v34 =	vadd.f32 v61, v37;
	(erf) = vpow2.f32 v53  }
0xba: {  	v23 =	vadd.f32 v24, v23;
	v40 =	vld [tilespmem:s10+$0x6000];
	v62 =	vpop (erf)  }
0xbb: {  	v39 =	vld [tilespmem:s10+$0x6800];
	v34 =	vadd.f32 v62, v34;
	v63 =	vmul.f32 $1.442695020e+00, v38;
	(erf) = vpow2.f32 v54  }
0xbc: {  	v23 =	vadd.f32 v22, v23;
	v54 =	vpop (erf)  }
0xbd: {  	v10 =	vadd.f32 v10, v51;
	v57 =	vld [tilespmem:s10+$0x7800];
	v34 =	vadd.f32 v54, v34;
	(erf) = vpow2.f32 v63  }
0xbe: {  	v18 =	vadd.f32 v18, v23;
	v37 =	vld [tilespmem:s10+$0x7000]  }
0xbf: {  	v10 =	vadd.f32 v11, v10;
	v11 =	vadd.f32 v55, v34  }
0xc0: {  	v18 =	vadd.f32 v20, v18;
	v56 =	vmul.f32 $1.442695020e+00, v40;
	v24 =	vmul.f32 $1.442695020e+00, v39;
	v58 =	vpop (erf)  }
0xc1: {  	v11 =	vadd.f32 v58, v11;
	v59 =	vpop (erf)  }
0xc2: {  	v16 =	vadd.f32 v16, v18;
	v23 =	vmul.f32 $1.442695020e+00, v57;
	(erf) = vpow2.f32 v56;
	v22 =	vpop (erf)  }
0xc3: {  	v9 =	vadd.f32 v9, v10;
	v10 =	vld [tilespmem:s10+$0x8000];
	v60 =	vmul.f32 $1.442695020e+00, v37;
	v11 =	vadd.f32 v22, v11  }
0xc4: {  	v16 =	vadd.f32 v19, v16;
	(erf) = vpow2.f32 v24;
	v24 =	vpop (erf)  }
0xc5: {  	v61 =	vadd.f32 $4.000000060e-01, v49;
	(erf) = vpow2.f32 v60;
	v22 =	vld [tilespmem:s10+$0x8800];
	v24 =	vadd.f32 v24, v11  }
0xc6: {  	v26 =	vshrl.u32 v26, $0x17;
	(erf) = vpow2.f32 v23;
	v23 =	vpop (erf)  }
0xc7: {  	v8 =	vadd.f32 v8, v16;
	v11 =	vld [tilespmem:s10+$0x9000];
	v23 =	vadd.f32 v23, v24;
	v24 =	vmul.f32 v61, v46  }
0xc8: {  	v26 =	vadd.s32 $0xFFFFFF81, v26;
	v20 =	vmul.f32 $1.442695020e+00, v10  }
0xc9: {  	v26 =	vcvt.s32.f32 v26;
	v8 =	vadd.f32 v12, v8;
	v24 =	vadd.f32 $6.666666860e-01, v24  }
0xca: {  	(erf) = vpow2.f32 v20;
	v20 =	vmul.f32 $1.442695020e+00, v22  }
0xcb: {  	v7 =	vadd.f32 v7, v9;
	v9 =	vsel vm0, $0x0, v50;
	v8 =	vadd.f32 v13, v8;
	v18 =	vpop (erf)  }
0xcc: {  	v18 =	vadd.f32 v18, v23;
	(erf) = vpow2.f32 v20;
	v20 =	vmul.f32 $1.442695020e+00, v11  }
0xcd: {  	v9 =	vor.u32 v9, v47;
	v5 =	vadd.f32 v5, v7;
	v23 =	vmul.f32 v24, v46;
	v24 =	vpop (erf)  }
0xce: {  	v7 =	vsel vm1, $0x3F800000, v0;
	v8 =	vadd.f32 v17, v8;
	v18 =	vadd.f32 v24, v18  }
0xcf: {  	v7 =	vadd.f32 v26, v7;
	v19 =	vadd.f32 $2.000000000e+00, v23  }
0xd0: {  	v5 =	vadd.f32 v6, v5;
	v8 =	vadd.f32 v15, v8;
	(erf) = vpow2.f32 v20;
	v20 =	vpop (erf)  }
0xd1: {  	v7 =	vmul.f32 $6.931471820e-01, v7;
	v6 =	vmul.f32 v19, v33;
	v16 =	vadd.f32 v20, v18  }
0xd2: {  	v9 =	vld.idx.msk [tilespmem:v9+s31+$0x0], $0xffff;
	v8 =	vadd.f32 v14, v8;
	v18 =	vpop (erf)  }
0xd3: {  	v5 =	vmul.f32 $-5.555555690e-03, v5;
	v6 =	vadd.f32 v6, v7;
	v12 =	vadd.f32 v18, v16;
	_ =	sdelay $0x1  }
0xd4: {  	v8 =	vadd.f32 v29, v8;
	v7 =	vpop (erf);
	v5 =	vadd.f32 v5, v6  }
0xd5: {  	v7 =	vadd.f32 v7, v12  }
0xd6: {  	s13 =	sand.u32 $0x70, s31;
	s5 =	sand.u32 $0x600, s31;
	v8 =	vadd.f32 v30, v8;
	v6 =	vmul.f32 $-8.944444650e-01, v9;
	v9 =	vadd.f32 $-1.000000000e+00, v52;
	v12 =	vpop (erf)  }
0xd7: {  	s24 =	sor.u32 s5, s13;
	v7 =	vadd.f32 v12, v7  }
0xd8: {  	v26 =	vld [tilespmem:s24+$0x1880];
	v8 =	vadd.f32 v28, v8;
	v13 =	vadd.f32 v6, v5;
	v6 =	vmul.f32 v59, v9;
	v5 =	vpop (erf)  }
0xd9: {  	v12 =	vadd.f32 v5, v7  }
0xda: {  	v8 =	vadd.f32 v25, v8;
	v9 =	vmul.f32 v6, v6;
	v5 =	vor.u32 s0, v1  }
0xdb: {  	v62 =	vld [tilespmem:s24+$0x1080];
	v15 =	vand.u32 $0x7F, v5;
	v5 =	vand.u32 $0x7FFFFF, v12  }
0xdc: {  	v8 =	vadd.f32 v21, v8;
	v14 =	vmul.f32 $2.857142980e-01, v9;
	v17 =	vor.u32 $0x3F800000, v5;
	v5 =	vld [tilespmem:s24+$0x80]  }
0xdd: {  	v25 =	vmul.f32 $1.442695020e+00, v26;
	v18 =	vmul.f32 $5.000000000e-01, v17  }
0xde: {  	v8 =	vadd.f32 v3, v8;
	v19 =	vld [tilespmem:s24+$0x880];
	v14 =	vadd.f32 $4.000000060e-01, v14;
	vm3 =	vgt.f32 v17, $1.414213540e+00  }
0xdf: {  	v24 =	vshrl.u32 v48, $0x17;
	v20 =	vadd.f32 v32, v31;
	v17 =	vsel vm3, v18, v17  }
0xe0: {  	v24 =	vadd.s32 $0xFFFFFF81, v24;
	v14 =	vmul.f32 v14, v9;
	v18 =	vadd.f32 $1.000000000e+00, v17  }
0xe1: {  	v20 =	vadd.f32 v27, v20;
	v27 =	vmul.f32 $1.442695020e+00, v62;
	v23 =	vmul.f32 $1.442695020e+00, v5  }
0xe2: {  	v16 =	vld [tilespmem:s2+$0x13000];
	v7 =	vmov s0;
	v14 =	vadd.f32 $6.666666860e-01, v14;
	(erf) = vrcp.f32 v18  }
0xe3: {  	v7 =	vshll.u32 v7, $0x2;
	v18 =	vmul.f32 $1.442695020e+00, v19;
	(erf) = vpow2.f32 v23  }
0xe4: {  	v20 =	vadd.f32 v45, v20;
	v7 =	vand.u32 $0x600, v7;
	v9 =	vmul.f32 v14, v9;
	v23 =	vld [tilespmem:s24+$0x2080]  }
0xe5: {  	v7 =	vor.u32 v7, v15;
	(erf) = vpow2.f32 v18;
	v18 =	vcvt.s32.f32 v24;
	v24 =	vld [tilespmem:s24+$0x2880]  }
0xe6: {  	v15 =	vsel vm2, $0x3F800000, v0;
	v14 =	vadd.f32 v44, v20;
	v9 =	vadd.f32 $2.000000000e+00, v9  }
0xe7: {  	vm1 =	veq.s32 v16, $0xFF;
	(erf) = vpow2.f32 v27;
	v15 =	vadd.f32 v18, v15  }
0xe8: {  	v30 =	vld [tilespmem:s24+$0x3080];
	v16 =	vshll.u32 v16, $0xB;
	v14 =	vadd.f32 v43, v14;
	v6 =	vmul.f32 v9, v6  }
0xe9: {  	v29 =	vld [tilespmem:s24+$0x3880];
	v16 =	vsel vm1, $0x0, v16;
	(erf) = vpow2.f32 v25;
	v18 =	vmul.f32 $1.442695020e+00, v23  }
0xea: {  	v3 =	vld [tilespmem:s24+$0x4080];
	v14 =	vadd.f32 v42, v14;
	v9 =	vmul.f32 $6.931471820e-01, v15;
	v20 =	vmul.f32 $1.442695020e+00, v24  }
0xeb: {  	v31 =	vld [tilespmem:s24+$0x4880];
	v16 =	vor.u32 v16, v7;
	(erf) = vpow2.f32 v18;
	v15 =	vpop (erf)  }
0xec: {  	v7 =	vpop (erf);
	(erf) = vpow2.f32 v20;
	v20 =	vadd.f32 v6, v9;
	v6 =	vadd.f32 v35, v14  }
0xed: {  	v18 =	vmul.f32 $1.442695020e+00, v30  }
0xee: {  	v21 =	vmul.f32 $-5.555555690e-03, v8;
	v12 =	vshrl.u32 v12, $0x17;
	v9 =	vmul.f32 $1.442695020e+00, v29;
	v8 =	vpop (erf)  }
0xef: {  	v32 =	vld [tilespmem:s24+$0x5080];
	(erf) = vpow2.f32 v18;
	v7 =	vadd.f32 v8, v7;
	v4 =	vadd.f32 v4, v6  }
0xf0: {  	v49 =	vld.idx.msk [tilespmem:v16+s31+$0x0], $0xffff;
	v16 =	vadd.s32 $0xFFFFFF81, v12;
	v25 =	vmul.f32 $1.442695020e+00, v31;
	v18 =	vmul.f32 $1.442695020e+00, v3;
	v6 =	vpop (erf)  }
0xf1: {  	(erf) = vpow2.f32 v9;
	v4 =	vadd.f32 v41, v4;
	v6 =	vadd.f32 v6, v7  }
0xf2: {  	v14 =	vmov s6;
	v35 =	vld [tilespmem:s24+$0x5880];
	v8 =	vor.u32 s6, v1;
	(erf) = vpow2.f32 v18;
	v9 =	vpop (erf)  }
0xf3: {  	v7 =	vand.u32 $0x7F, v8;
	v4 =	vadd.f32 v36, v4;
	v36 =	vld [tilespmem:s24+$0x6080];
	v6 =	vadd.f32 v9, v6  }
0xf4: {  	v18 =	vmul.f32 $1.442695020e+00, v32;
	v8 =	vshll.u32 v14, $0x2;
	v14 =	vld [tilespmem:s10+$0x13000];
	v9 =	vadd.f32 $-1.000000000e+00, v17;
	v17 =	vpop (erf)  }
0xf5: {  	(erf) = vpow2.f32 v25;
	v8 =	vand.u32 $0x600, v8;
	v6 =	vadd.f32 v17, v6  }
0xf6: {  	v4 =	vadd.f32 v38, v4;
	v38 =	vld [tilespmem:s24+$0x6880];
	v15 =	vmul.f32 v15, v9;
	v17 =	vor.u32 v8, v7;
	v7 =	vpop (erf)  }
0xf7: {  	v8 =	vmul.f32 $1.442695020e+00, v35;
	(erf) = vpow2.f32 v18;
	v6 =	vadd.f32 v7, v6  }
0xf8: {  	v4 =	vadd.f32 v40, v4;
	v18 =	vmul.f32 v15, v15;
	v7 =	vld [tilespmem:s24+$0x7080];
	v9 =	vpop (erf);
	v27 =	vmul.f32 $1.442695020e+00, v36  }
0xf9: {  	vm2 =	veq.s32 v14, $0xFF;
	(erf) = vpow2.f32 v8;
	v6 =	vadd.f32 v9, v6  }
0xfa: {  	v28 =	vpop (erf);
	v8 =	vmul.f32 $2.857142980e-01, v18;
	v9 =	vld [tilespmem:s24+$0x7880];
	(erf) = vpow2.f32 v27;
	v27 =	vadd.f32 v39, v4  }
0xfb: {  	v14 =	vshll.u32 v14, $0xB;
	v63 =	vmul.f32 $1.442695020e+00, v38;
	v6 =	vadd.f32 v28, v6  }
0xfc: {  	v14 =	vsel vm2, $0x0, v14;
	v44 =	vpop (erf);
	v28 =	vadd.f32 $4.000000060e-01, v8;
	v8 =	vld [tilespmem:s24+$0x8080];
	v27 =	vadd.f32 v37, v27  }
0xfd: {  	v4 =	vld [tilespmem:s24+$0x9080];
	(erf) = vpow2.f32 v63;
	v45 =	vmul.f32 $1.442695020e+00, v7;
	v39 =	vadd.f32 v44, v6  }
0xfe: {  	v14 =	vor.u32 v14, v17;
	v17 =	vpop (erf);
	v28 =	vmul.f32 v28, v18;
	v27 =	vadd.f32 v57, v27  }
0xff: {  	s30 =	simm.s32 $0x10;
	s14 =	simm.s32 $0x40;
	v6 =	vld [tilespmem:s24+$0x8880];
	v46 =	vmul.f32 $1.442695020e+00, v9;
	(erf) = vpow2.f32 v45;
	v17 =	vadd.f32 v17, v39  }
0x100: {  	s25 =	sand.u32 $0x70, s30;
	s0 =	sand.u32 $0x600, s14;
	v47 =	vpop (erf);
	v28 =	vadd.f32 $6.666666860e-01, v28;
	v10 =	vadd.f32 v10, v27;
	v27 =	vcvt.s32.f32 v16  }
0x101: {  	s14 =	sor.u32 s0, s25;
	v48 =	vmul.f32 $1.442695020e+00, v8;
	(erf) = vpow2.f32 v46;
	v17 =	vadd.f32 v47, v17  }
0x102: {  	v12 =	vld [tilespmem:s14+$0x80];
	v25 =	vsel vm3, $0x3F800000, v0;
	v50 =	vpop (erf);
	v18 =	vmul.f32 v28, v18;
	v28 =	vmul.f32 $1.442695020e+00, v4  }
0x103: {  	v10 =	vadd.f32 v22, v10;
	(erf) = vpow2.f32 v48;
	v17 =	vadd.f32 v50, v17  }
0x104: {  	v22 =	vadd.f32 v27, v25;
	v51 =	vmul.f32 $1.442695020e+00, v6;
	v52 =	vpop (erf);
	(erf) = vpow2.f32 v28  }
0x105: {  	v16 =	vld [tilespmem:s14+$0x880];
	v18 =	vadd.f32 $2.000000000e+00, v18;
	v28 =	vsel vm0, $0x0, v13;
	v17 =	vadd.f32 v52, v17  }
0x106: {  	v14 =	vld.idx.msk [tilespmem:v14+s31+$0x0], $0xffff;
	v10 =	vadd.f32 v11, v10;
	v11 =	vmul.f32 $6.931471820e-01, v22;
	(erf) = vpow2.f32 v51;
	v25 =	vpop (erf)  }
0x107: {  	v13 =	vld [tilespmem:s14+$0x1080];
	v15 =	vmul.f32 v18, v15;
	v18 =	vmul.f32 $1.442695020e+00, v12;
	v17 =	vadd.f32 v25, v17  }
0x108: {  	v20 =	vadd.f32 v21, v20;
	v22 =	vpop (erf)  }
0x109: {  	v21 =	vld [tilespmem:s14+$0x1880];
	v10 =	vmul.f32 $-5.555555690e-03, v10;
	v11 =	vadd.f32 v15, v11;
	v22 =	vadd.f32 v22, v17  }
0x10a: {  	v27 =	vmul.f32 $1.442695020e+00, v16;
	v25 =	vmul.f32 $-8.944444650e-01, v49  }
0x10b: {  	(erf) = vpow2.f32 v18;
	v17 =	vld [tilespmem:s14+$0x2080];
	v18 =	vpop (erf);
	v10 =	vadd.f32 v10, v11;
	v11 =	vmul.f32 $-8.944444650e-01, v14  }
0x10c: {  	v53 =	vmul.f32 $1.442695020e+00, v13;
	(erf) = vpow2.f32 v27;
	v18 =	vadd.f32 v18, v22  }
0x10d: {  	v15 =	vld [tilespmem:s14+$0x2880];
	v20 =	vadd.f32 v25, v20;
	v22 =	vpop (erf)  }
0x10e: {  	v25 =	vmul.f32 $1.442695020e+00, v21;
	v14 =	vld [tilespmem:s14+$0x3080];
	(erf) = vpow2.f32 v53;
	v22 =	vadd.f32 v22, v18;
	v27 =	vpop (erf)  }
0x10f: {  	v2 =	vadd.f32 v28, v2;
	v20 =	vsel vm1, $0x0, v20;
	v10 =	vadd.f32 v11, v10;
	v11 =	vpop (erf)  }
0x110: {  	v18 =	vld [tilespmem:s14+$0x3880];
	v28 =	vmul.f32 $1.442695020e+00, v17;
	(erf) = vpow2.f32 v25;
	v11 =	vadd.f32 v11, v22  }
0x111: {  	v19 =	vadd.f32 v19, v5;
	v2 =	vadd.f32 v20, v2;
	v10 =	vsel vm2, $0x0, v10  }
0x112: {  	v20 =	vld [tilespmem:s14+$0x4080];
	v22 =	vmul.f32 $1.442695020e+00, v15;
	(erf) = vpow2.f32 v28;
	v28 =	vadd.f32 v27, v11  }
0x113: {  	v5 =	vadd.f32 v10, v2;
	v2 =	vmul.f32 $1.442695020e+00, v14  }
0x114: {  	v10 =	vpop (erf);
	v11 =	vadd.f32 v62, v19;
	v19 =	vld [tilespmem:s14+$0x4880];
	(erf) = vpow2.f32 v22;
	v22 =	vand.u32 $0x7FFFFF, v28  }
0x115: {  	v54 =	vpop (erf);
	v27 =	vmul.f32 $1.442695020e+00, v18;
	(erf) = vpow2.f32 v2;
	v2 =	vor.u32 $0x3F800000, v22  }
0x116: {  	v25 =	vld [tilespmem:s14+$0x5080];
	v11 =	vadd.f32 v26, v11;
	v26 =	vadd.f32 v54, v10;
	v55 =	vmul.f32 $5.000000000e-01, v2  }
0x117: {  	v33 =	vld [tilespmem:s14+$0x7080];
	v56 =	vmul.f32 $1.442695020e+00, v20;
	v57 =	vpop (erf);
	(erf) = vpow2.f32 v27;
	vm0 =	vgt.f32 v2, $1.414213540e+00  }
0x118: {  	v22 =	vld [tilespmem:s14+$0x5880];
	v11 =	vadd.f32 v23, v11;
	v27 =	vadd.f32 v57, v26;
	v39 =	vsel vm0, v55, v2  }
0x119: {  	v60 =	vor.u32 s31, v1;
	v10 =	vld [tilespmem:s14+$0x9080];
	v58 =	vmul.f32 $1.442695020e+00, v19;
	v2 =	vpop (erf);
	v59 =	vadd.f32 $1.000000000e+00, v39  }
0x11a: {  	v23 =	vld [tilespmem:s14+$0x6080];
	(erf) = vpow2.f32 v56;
	v11 =	vadd.f32 v24, v11;
	v2 =	vadd.f32 v2, v27  }
0x11b: {  	v63 =	vmov s31;
	v62 =	vmul.f32 $1.442695020e+00, v25;
	v26 =	vld [tilespmem:s14+$0x8880];
	v61 =	vpop (erf);
	(erf) = vrcp.f32 v59  }
0x11c: {  	v24 =	vld [tilespmem:s14+$0x6880];
	v11 =	vadd.f32 v30, v11;
	v34 =	vadd.f32 v61, v2;
	(erf) = vpow2.f32 v58  }
0x11d: {  	v42 =	vshll.u32 v63, $0x2;
	v56 =	vmul.f32 $1.442695020e+00, v33;
	v55 =	vld [tilespmem:s24+$0x13080];
	v48 =	vmul.f32 $1.442695020e+00, v22;
	v49 =	vpop (erf)  }
0x11e: {  	v27 =	vld [tilespmem:s14+$0x8080];
	v29 =	vadd.f32 v29, v11;
	v34 =	vadd.f32 v49, v34;
	(erf) = vpow2.f32 v62  }
0x11f: {  	v37 =	vmul.f32 $1.442695020e+00, v10;
	v39 =	vadd.f32 $-1.000000000e+00, v39;
	v51 =	vmul.f32 $1.442695020e+00, v23;
	v50 =	vpop (erf)  }
0x120: {  	s5 =	simm.s32 $0x80;
	s0 =	simm.s32 $0x20;
	v30 =	vld [tilespmem:s14+$0x7880];
	(erf) = vpow2.f32 v48;
	v52 =	vadd.f32 v3, v29;
	v34 =	vadd.f32 v50, v34  }
0x121: {  	s26 =	sand.u32 $0x600, s5;
	s6 =	sand.u32 $0x70, s0;
	v2 =	vand.u32 $0x7F, v60;
	v40 =	vmul.f32 $1.442695020e+00, v26;
	v54 =	vmul.f32 $1.442695020e+00, v24;
	v53 =	vpop (erf)  }
0x122: {  	s10 =	sor.u32 s26, s6;
	(erf) = vpow2.f32 v51;
	v41 =	vadd.f32 v31, v52;
	v34 =	vadd.f32 v53, v34  }
0x123: {  	v11 =	vld [tilespmem:s10+$0x4080];
	vm1 =	veq.s32 v55, $0xFF;
	v47 =	vshll.u32 v55, $0xB;
	v46 =	vmul.f32 $1.442695020e+00, v27;
	v58 =	vpop (erf)  }
0x124: {  	v29 =	vld [tilespmem:s10+$0x1080];
	(erf) = vpow2.f32 v54;
	v41 =	vadd.f32 v32, v41;
	v44 =	vadd.f32 v58, v34;
	v59 =	vpop (erf)  }
0x125: {  	v3 =	vand.u32 $0x600, v42;
	v57 =	vmul.f32 $1.442695020e+00, v30;
	v31 =	vld [tilespmem:s10+$0x80];
	v60 =	vpop (erf);
	v39 =	vmul.f32 v59, v39  }
0x126: {  	(erf) = vpow2.f32 v56;
	v32 =	vld [tilespmem:s10+$0x880];
	v41 =	vadd.f32 v35, v41;
	v44 =	vadd.f32 v60, v44  }
0x127: {  	v51 =	vor.u32 v2, v3;
	(erf) = vpow2.f32 v57;
	v61 =	vpop (erf);
	v50 =	vmul.f32 v39, v39  }
0x128: {  	v34 =	vmul.f32 $1.442695020e+00, v11;
	v36 =	vadd.f32 v36, v41;
	v44 =	vadd.f32 v61, v44  }
0x129: {  	v53 =	vsel vm1, $0x0, v47;
	v35 =	vmul.f32 $1.442695020e+00, v29;
	v62 =	vpop (erf);
	v63 =	vmul.f32 $2.857142980e-01, v50  }
0x12a: {  	s9 =	simm.s32 $0x30;
	v42 =	vmul.f32 $1.442695020e+00, v31;
	v54 =	vadd.f32 v38, v36;
	v43 =	vadd.f32 v62, v44  }
0x12b: {  	s13 =	simm.s32 $0x20;
	s25 =	simm.s32 $0x10;
	s2 =	smov.u32 s14;
	(erf) = vpow2.f32 v46;
	v41 =	vmul.f32 $1.442695020e+00, v32;
	v38 =	vpop (erf);
	v36 =	vadd.f32 $4.000000060e-01, v63  }
.LBB2_9:
0x12c: {  	p0 =	sne.s32 s9, $0x1F0;
	v38 =	vadd.f32 v38, v43;
	(erf) = vpow2.f32 v37;
	v37 =	vadd.f32 v7, v54;
	v7 =	vmovc v33  }
0x12d: {  	v43 =	vor.u32 v53, v51;
	v33 =	vpop (erf);
	(erf) = vpow2.f32 v40;
	v36 =	vmul.f32 v36, v50  }
0x12e: {  	v33 =	vadd.f32 v33, v38;
	v37 =	vadd.f32 v9, v37;
	v38 =	vor.u32 $0x80, v43;
	v9 =	vmovc v30  }
0x12f: {  	v28 =	vshrl.u32 v28, $0x17;
	v30 =	vld [tilespmem:s10+$0x1880];
	(erf) = vpow2.f32 v42;
	v40 =	vpop (erf);
	v36 =	vadd.f32 $6.666666860e-01, v36  }
0x130: {  	v28 =	vadd.s32 $0xFFFFFF81, v28;
	v33 =	vadd.f32 v40, v33;
	v37 =	vadd.f32 v8, v37;
	v8 =	vmovc v27  }
0x131: {  	v28 =	vcvt.s32.f32 v28;
	v27 =	vld [tilespmem:s10+$0x2080];
	v40 =	vpop (erf);
	v36 =	vmul.f32 v36, v50  }
0x132: {  	v42 =	vld [tilespmem:s10+$0x2880];
	v33 =	vadd.f32 v40, v33;
	v37 =	vadd.f32 v6, v37;
	v40 =	vsel vm0, $0x3F800000, v0;
	v6 =	vmovc v26  }
0x133: {  	(erf) = vpow2.f32 v41;
	v26 =	vadd.f32 v28, v40;
	v28 =	vadd.f32 $2.000000000e+00, v36;
	v36 =	vld.idx.msk [tilespmem:v38+s31+$0x0], $0xffff  }
0x134: {  	v38 =	vld [tilespmem:s10+$0x3880];
	v43 =	vmul.f32 $1.442695020e+00, v30;
	(erf) = vpow2.f32 v35;
	v35 =	vpop (erf);
	v37 =	vadd.f32 v4, v37  }
0x135: {  	v41 =	vld [tilespmem:s10+$0x3080];
	v33 =	vadd.f32 v35, v33;
	v35 =	vpop (erf);
	v28 =	vmul.f32 v28, v39;
	v26 =	vmul.f32 $6.931471820e-01, v26  }
0x136: {  	v4 =	vmov v10;
	v39 =	vmul.f32 $1.442695020e+00, v27;
	(erf) = vpow2.f32 v43;
	v40 =	vpop (erf)  }
0x137: {  	v10 =	vadd.f32 v40, v33;
	v26 =	vadd.f32 v28, v26;
	v33 =	vmul.f32 $-5.555555690e-03, v37  }
0x138: {  	v37 =	vmul.f32 $1.442695020e+00, v42;
	v40 =	vpop (erf);
	(erf) = vpow2.f32 v39;
	v39 =	vadd.f32 v16, v12  }
0x139: {  	v36 =	vmul.f32 $-8.944444650e-01, v36;
	v12 =	vmovc v31;
	v16 =	vmovc v32;
	v28 =	vadd.f32 v35, v10;
	v10 =	vadd.f32 v33, v26  }
0x13a: {  	v32 =	vmul.f32 $1.442695020e+00, v38;
	v31 =	vmul.f32 $1.442695020e+00, v41;
	v39 =	vadd.f32 v13, v39;
	v13 =	vmovc v29  }
0x13b: {  	v35 =	vld [tilespmem:s10+$0x4880];
	(erf) = vpow2.f32 v37;
	v29 =	vand.u32 $0x7FFFFF, v28;
	v10 =	vadd.f32 v36, v10  }
0x13c: {  	v26 =	vpop (erf);
	(erf) = vpow2.f32 v31;
	v31 =	vadd.f32 v21, v39;
	v29 =	vor.u32 $0x3F800000, v29  }
0x13d: {  	v36 =	vld [tilespmem:s10+$0x5080];
	v26 =	vadd.f32 v26, v40;
	v33 =	vpop (erf);
	v37 =	vmul.f32 $5.000000000e-01, v29;
	v39 =	vsel vm1, $0x0, v10  }
0x13e: {  	v21 =	vmovc v30;
	vm0 =	vgt.f32 v29, $1.414213540e+00;
	v10 =	vld [tilespmem:s10+$0x9080];
	(erf) = vpow2.f32 v32;
	v5 =	vadd.f32 v39, v5  }
0x13f: {  	v31 =	vadd.f32 v17, v31;
	v43 =	vld [tilespmem:s10+$0x5880];
	v30 =	vadd.f32 v33, v26;
	v32 =	vpop (erf);
	v39 =	vsel vm0, v37, v29  }
0x140: {  	v40 =	vor.u32 s25, v1;
	v17 =	vmovc v27;
	v26 =	vld [tilespmem:s10+$0x8880];
	v29 =	vmul.f32 $1.442695020e+00, v35;
	v33 =	vadd.f32 $1.000000000e+00, v39  }
0x141: {  	v31 =	vadd.f32 v15, v31;
	v44 =	vld [tilespmem:s10+$0x6080];
	v30 =	vadd.f32 v32, v30;
	v32 =	vpop (erf);
	(erf) = vpow2.f32 v34  }
0x142: {  	v45 =	vmov s25;
	s25 =	smov.u32 s13;
	s13 =	smov.u32 s9;
	v15 =	vmovc v42;
	v27 =	vld [tilespmem:s10+$0x8080];
	v34 =	vmul.f32 $1.442695020e+00, v36;
	(erf) = vrcp.f32 v33  }
0x143: {  	v46 =	vld [tilespmem:s10+$0x6880];
	v32 =	vadd.f32 v32, v30;
	(erf) = vpow2.f32 v29;
	v29 =	vadd.f32 v14, v31;
	v14 =	vmovc v41  }
0x144: {  	s5 =	sadd.s32 $0x40, s5;
	v42 =	vand.u32 $0x7F, v40;
	v37 =	vmul.f32 $1.442695020e+00, v10;
	v30 =	vld [tilespmem:s10+$0x7880];
	v31 =	vmul.f32 $1.442695020e+00, v43;
	v41 =	vpop (erf)  }
0x145: {  	s26 =	sand.u32 $0x70, s9;
	s1 =	sand.u32 $0x600, s5;
	v33 =	vld [tilespmem:s10+$0x7080];
	v32 =	vadd.f32 v41, v32;
	v41 =	vpop (erf);
	(erf) = vpow2.f32 v34;
	v29 =	vadd.f32 v18, v29  }
0x146: {  	v45 =	vshll.u32 v45, $0x2;
	s1 =	sor.u32 s1, s26;
	v40 =	vmul.f32 $1.442695020e+00, v26;
	v18 =	vmovc v38;
	v34 =	vmul.f32 $1.442695020e+00, v44  }
0x147: {  	v38 =	vld [tilespmem:s1+$0x4080];
	v32 =	vadd.f32 v41, v32;
	v41 =	vpop (erf);
	(erf) = vpow2.f32 v31;
	v31 =	vadd.f32 v20, v29  }
0x148: {  	v45 =	vand.u32 $0x600, v45;
	v48 =	vmul.f32 $1.442695020e+00, v27;
	v20 =	vmovc v11;
	v50 =	vmul.f32 $1.442695020e+00, v46;
	v49 =	vld [tilespmem:s2+$0x13080];
	s2 =	smov.u32 s10;
	s10 =	smov.u32 s1  }
0x149: {  	v29 =	vld [tilespmem:s10+$0x1080];
	v11 =	vadd.f32 v41, v32;
	(erf) = vpow2.f32 v34;
	v32 =	vadd.f32 v19, v31;
	v19 =	vmovc v35  }
0x14a: {  	v39 =	vadd.f32 $-1.000000000e+00, v39;
	v41 =	vmul.f32 $1.442695020e+00, v30;
	v35 =	vmul.f32 $1.442695020e+00, v33;
	v34 =	vpop (erf)  }
0x14b: {  	v31 =	vld [tilespmem:s10+$0x80];
	v11 =	vadd.f32 v34, v11;
	(erf) = vpow2.f32 v50;
	v52 =	vadd.f32 v25, v32;
	v47 =	vpop (erf)  }
0x14c: {  	v51 =	vor.u32 v42, v45;
	v32 =	vld [tilespmem:s10+$0x880];
	v34 =	vmul.f32 $1.442695020e+00, v38;
	v50 =	vpop (erf);
	v39 =	vmul.f32 v47, v39  }
0x14d: {  	v25 =	vmovc v36;
	v47 =	vadd.f32 v50, v11;
	(erf) = vpow2.f32 v35;
	v42 =	vadd.f32 v22, v52;
	v22 =	vmovc v43  }
.Ltmp3:
0x14e: {  	vm1 =	veq.s32 v49, $0xFF;
	v35 =	vmul.f32 $1.442695020e+00, v29;
	v36 =	vpop (erf);
	v50 =	vmul.f32 v39, v39;
	(pc) =	sbr.rel @p0 .LBB2_9-.Ltmp3, $4  }
0x14f: {  	v36 =	vadd.f32 v36, v47;
	(erf) = vpow2.f32 v41;
	v45 =	vadd.f32 v23, v42;
	v23 =	vmovc v44;
	v11 =	vmovc v38  }
0x150: {  	v47 =	vshll.u32 v49, $0xB;
	v42 =	vmul.f32 $1.442695020e+00, v31;
	v38 =	vpop (erf);
	v44 =	vmul.f32 $2.857142980e-01, v50  }
0x151: {  	v41 =	vmul.f32 $1.442695020e+00, v32;
	v43 =	vadd.f32 v38, v36;
	v54 =	vadd.f32 v24, v45;
	v24 =	vmovc v46  }
0x152: {  	s9 =	sadd.s32 $0x10, s9;
	v53 =	vsel vm1, $0x0, v47;
	v38 =	vpop (erf);
	(erf) = vpow2.f32 v48;
	v36 =	vadd.f32 $4.000000060e-01, v44  }
0x153: {  	(erf) = vpow2.f32 v37  }
0x154: {  	v46 =	vadd.f32 v38, v43;
	(erf) = vpow2.f32 v40  }
0x155: {  	v47 =	vpop (erf)  }
0x156: {  	v37 =	vadd.f32 v47, v46  }
0x157: {  	v49 =	vld [tilespmem:s10+$0x1880];
	v48 =	vpop (erf)  }
0x158: {  	v37 =	vadd.f32 v48, v37  }
0x159: {  	(erf) = vpow2.f32 v42;
	v48 =	vld [tilespmem:s10+$0x2080];
	v52 =	vpop (erf)  }
0x15a: {  	(erf) = vpow2.f32 v41;
	v37 =	vadd.f32 v52, v37  }
0x15b: {  	v47 =	vld [tilespmem:s10+$0x2880];
	v55 =	vpop (erf)  }
0x15c: {  	v56 =	vmul.f32 $1.442695020e+00, v49;
	(erf) = vpow2.f32 v35;
	v57 =	vadd.f32 v55, v37;
	v58 =	vpop (erf)  }
0x15d: {  	v46 =	vld [tilespmem:s10+$0x3080];
	v59 =	vpop (erf)  }
0x15e: {  	v45 =	vld [tilespmem:s10+$0x3880];
	v60 =	vmul.f32 $1.442695020e+00, v48;
	(erf) = vpow2.f32 v56;
	v35 =	vadd.f32 v59, v57;
	_ =	sdelay $0x1  }
0x15f: {  	v61 =	vmul.f32 $1.442695020e+00, v47;
	(erf) = vpow2.f32 v60;
	v52 =	vadd.f32 v58, v35;
	_ =	sdelay $0x1  }
0x160: {  	v63 =	vmul.f32 $1.442695020e+00, v46;
	v62 =	vpop (erf);
	(erf) = vpow2.f32 v61;
	v55 =	vand.u32 $0x7FFFFF, v52  }
0x161: {  	v44 =	vld [tilespmem:s10+$0x4880];
	v56 =	vmul.f32 $1.442695020e+00, v45;
	v57 =	vpop (erf);
	v38 =	vor.u32 $0x3F800000, v55  }
0x162: {  	(erf) = vpow2.f32 v63;
	v35 =	vadd.f32 v57, v62;
	v58 =	vmul.f32 $5.000000000e-01, v38  }
0x163: {  	v43 =	vld [tilespmem:s10+$0x5080];
	v59 =	vpop (erf);
	vm2 =	vgt.f32 v38, $1.414213540e+00  }
0x164: {  	(erf) = vpow2.f32 v56;
	v35 =	vadd.f32 v59, v35;
	v55 =	vsel vm2, v58, v38  }
0x165: {  	v41 =	vld [tilespmem:s10+$0x5880];
	v60 =	vpop (erf);
	v38 =	vadd.f32 $1.000000000e+00, v55  }
0x166: {  	v61 =	vmul.f32 $1.442695020e+00, v44;
	(erf) = vpow2.f32 v34;
	v35 =	vadd.f32 v60, v35  }
0x167: {  	v62 =	vpop (erf);
	(erf) = vrcp.f32 v38  }
0x168: {  	v40 =	vld [tilespmem:s10+$0x6880];
	v63 =	vmul.f32 $1.442695020e+00, v43;
	v34 =	vadd.f32 v62, v35;
	(erf) = vpow2.f32 v61  }
0x169: {  	v42 =	vld [tilespmem:s10+$0x6080];
	v38 =	vpop (erf)  }
0x16a: {  	v56 =	vmul.f32 $1.442695020e+00, v41;
	(erf) = vpow2.f32 v63;
	v34 =	vadd.f32 v38, v34;
	v38 =	vld [tilespmem:s10+$0x7080]  }
0x16b: {  	v7 =	vadd.f32 v7, v54;
	v57 =	vpop (erf)  }
0x16c: {  	v37 =	vld [tilespmem:s10+$0x7880];
	(erf) = vpow2.f32 v56;
	v34 =	vadd.f32 v57, v34  }
0x16d: {  	v7 =	vadd.f32 v9, v7;
	v9 =	vmul.f32 $1.442695020e+00, v40;
	v59 =	vpop (erf)  }
0x16e: {  	v58 =	vmul.f32 $1.442695020e+00, v42;
	v34 =	vadd.f32 v59, v34  }
0x16f: {  	v7 =	vadd.f32 v8, v7;
	v60 =	vpop (erf);
	v8 =	vmul.f32 $1.442695020e+00, v38  }
0x170: {  	v63 =	vld [tilespmem:s10+$0x8080];
	(erf) = vpow2.f32 v58;
	v35 =	vadd.f32 v60, v34;
	v57 =	vpop (erf)  }
0x171: {  	v12 =	vadd.f32 v16, v12;
	v16 =	vmul.f32 $1.442695020e+00, v37;
	(erf) = vpow2.f32 v9;
	v34 =	vld [tilespmem:s10+$0x9080];
	v9 =	vpop (erf)  }
0x172: {  	v9 =	vadd.f32 v9, v35  }
0x173: {  	v59 =	vld [tilespmem:s10+$0x8880];
	(erf) = vpow2.f32 v8;
	v8 =	vpop (erf)  }
0x174: {  	v8 =	vadd.f32 v8, v9  }
0x175: {  	v12 =	vadd.f32 v13, v12;
	(erf) = vpow2.f32 v16;
	v16 =	vpop (erf)  }
0x176: {  	v13 =	vmul.f32 $1.442695020e+00, v63;
	v8 =	vadd.f32 v16, v8;
	v16 =	vmul.f32 $1.442695020e+00, v34  }
0x177: {  	v51 =	vor.u32 v53, v51;
	v28 =	vshrl.u32 v28, $0x17;
	v62 =	vmul.f32 v36, v50  }
0x178: {  	v28 =	vadd.s32 $0xFFFFFF81, v28;
	(erf) = vpow2.f32 v13;
	v13 =	vmul.f32 $1.442695020e+00, v59  }
0x179: {  	v12 =	vadd.f32 v21, v12;
	v58 =	vadd.f32 $6.666666860e-01, v62;
	v9 =	vor.u32 $0x80, v51  }
0x17a: {  	v21 =	vcvt.s32.f32 v28;
	v6 =	vadd.f32 v6, v7;
	(erf) = vpow2.f32 v16;
	v16 =	vpop (erf)  }
0x17b: {  	v61 =	vsel vm0, $0x3F800000, v0;
	v60 =	vmul.f32 v58, v50;
	v7 =	vadd.f32 v16, v8  }
0x17c: {  	v12 =	vadd.f32 v17, v12;
	(erf) = vpow2.f32 v13;
	v8 =	vadd.f32 v21, v61;
	v13 =	vpop (erf)  }
0x17d: {  	v7 =	vadd.f32 v13, v7;
	v13 =	vadd.f32 $2.000000000e+00, v60  }
0x17e: {  	v4 =	vadd.f32 v4, v6;
	v6 =	vld.idx.msk [tilespmem:v9+s31+$0x0], $0xffff;
	v9 =	vadd.f32 v15, v12  }
0x17f: {  	v8 =	vmul.f32 $6.931471820e-01, v8;
	v13 =	vmul.f32 v13, v39  }
0x180: {  	v9 =	vadd.f32 v14, v9;
	v12 =	vpop (erf)  }
0x181: {  	v7 =	vadd.f32 v12, v7;
	v8 =	vadd.f32 v13, v8  }
0x182: {  	v4 =	vmul.f32 $-5.555555690e-03, v4;
	v12 =	vpop (erf)  }
0x183: {  	v9 =	vadd.f32 v18, v9;
	v7 =	vadd.f32 v12, v7  }
0x184: {  	v6 =	vmul.f32 $-8.944444650e-01, v6;
	v12 =	vpop (erf);
	v4 =	vadd.f32 v4, v8  }
0x185: {  	v9 =	vadd.f32 v20, v9;
	v7 =	vadd.f32 v12, v7;
	v8 =	vpop (erf)  }
0x186: {  	v4 =	vadd.f32 v6, v4;
	v12 =	vpop (erf)  }
0x187: {  	v6 =	vadd.f32 v12, v7;
	v7 =	vadd.f32 v19, v9  }
0x188: {  	v4 =	vsel vm1, $0x0, v4;
	v9 =	vadd.f32 $-1.000000000e+00, v55;
	v12 =	vld [tilespmem:s2+$0x13080]  }
0x189: {  	v13 =	vadd.f32 v8, v6;
	v6 =	vor.u32 s25, v1;
	v7 =	vadd.f32 v25, v7  }
0x18a: {  	v8 =	vmov s25;
	v9 =	vmul.f32 v57, v9;
	v6 =	vand.u32 $0x7F, v6  }
0x18b: {  	v8 =	vshll.u32 v8, $0x2;
	v14 =	vand.u32 $0x7FFFFF, v13;
	v7 =	vadd.f32 v22, v7  }
0x18c: {  	v15 =	vld [tilespmem:s24+$0x100];
	v8 =	vand.u32 $0x600, v8;
	v16 =	vmul.f32 v9, v9;
	v14 =	vor.u32 $0x3F800000, v14  }
0x18d: {  	v61 =	vld [tilespmem:s24+$0x1100];
	v6 =	vor.u32 v6, v8;
	vm1 =	veq.s32 v12, $0xFF;
	v12 =	vshll.u32 v12, $0xB  }
0x18e: {  	v28 =	vld [tilespmem:s24+$0x900];
	v17 =	vmul.f32 $5.000000000e-01, v14;
	v7 =	vadd.f32 v23, v7;
	v8 =	vmul.f32 $2.857142980e-01, v16  }
0x18f: {  	vm0 =	vgt.f32 v14, $1.414213540e+00;
	v12 =	vsel vm1, $0x0, v12  }
0x190: {  	v14 =	vsel vm0, v17, v14;
	v7 =	vadd.f32 v24, v7;
	v8 =	vadd.f32 $4.000000060e-01, v8  }
0x191: {  	v18 =	vld [tilespmem:s24+$0x1900];
	v19 =	vmul.f32 $1.442695020e+00, v15;
	v6 =	vor.u32 v12, v6;
	v17 =	vadd.f32 $1.000000000e+00, v14  }
0x192: {  	v12 =	vmul.f32 $1.442695020e+00, v61;
	v7 =	vadd.f32 v33, v7;
	v8 =	vmul.f32 v8, v16  }
0x193: {  	(erf) = vrcp.f32 v17;
	v17 =	vmul.f32 $1.442695020e+00, v28  }
0x194: {  	v6 =	vor.u32 $0x80, v6;
	(erf) = vpow2.f32 v19;
	v7 =	vadd.f32 v30, v7  }
0x195: {  	v19 =	vld [tilespmem:s24+$0x2100];
	v8 =	vadd.f32 $6.666666860e-01, v8;
	(erf) = vpow2.f32 v17;
	v17 =	vshrl.u32 v52, $0x17  }
0x196: {  	v20 =	vld [tilespmem:s24+$0x2900];
	v22 =	vmul.f32 $1.442695020e+00, v18;
	v24 =	vadd.f32 v4, v5;
	v17 =	vadd.s32 $0xFFFFFF81, v17  }
0x197: {  	(erf) = vpow2.f32 v12;
	v7 =	vadd.f32 v27, v7;
	v5 =	vmul.f32 v8, v16  }
0x198: {  	v21 =	vsel vm2, $0x3F800000, v0;
	v30 =	vld [tilespmem:s24+$0x3100];
	v8 =	vadd.f32 v32, v31;
	v17 =	vcvt.s32.f32 v17  }
0x199: {  	(erf) = vpow2.f32 v22;
	v7 =	vadd.f32 v26, v7;
	v5 =	vadd.f32 $2.000000000e+00, v5  }
0x19a: {  	v6 =	vld.idx.msk [tilespmem:v6+s31+$0x0], $0xffff;
	v8 =	vadd.f32 v29, v8;
	v4 =	vmul.f32 $1.442695020e+00, v19;
	v16 =	vadd.f32 v17, v21  }
0x19b: {  	v12 =	vld [tilespmem:s24+$0x3900];
	v17 =	vmul.f32 $1.442695020e+00, v20;
	v7 =	vadd.f32 v10, v7;
	v5 =	vmul.f32 v5, v9  }
0x19c: {  	v8 =	vadd.f32 v49, v8;
	(erf) = vpow2.f32 v4;
	v9 =	vmul.f32 $6.931471820e-01, v16;
	v21 =	vpop (erf)  }
0x19d: {  	v22 =	vmul.f32 $1.442695020e+00, v30;
	v4 =	vld [tilespmem:s24+$0x4100];
	v7 =	vmul.f32 $-5.555555690e-03, v7;
	v10 =	vpop (erf)  }
0x19e: {  	v8 =	vadd.f32 v48, v8;
	(erf) = vpow2.f32 v17;
	v5 =	vadd.f32 v5, v9;
	v16 =	vpop (erf)  }
0x19f: {  	v31 =	vld [tilespmem:s24+$0x4900];
	v6 =	vmul.f32 $-8.944444650e-01, v6;
	v10 =	vadd.f32 v16, v10  }
0x1a0: {  	v17 =	vmul.f32 $1.442695020e+00, v12;
	(erf) = vpow2.f32 v22;
	v9 =	vpop (erf);
	v5 =	vadd.f32 v7, v5  }
0x1a1: {  	v32 =	vld [tilespmem:s24+$0x5100];
	v7 =	vadd.f32 v47, v8;
	v9 =	vadd.f32 v9, v10  }
0x1a2: {  	v39 =	vld [tilespmem:s24+$0x5900];
	(erf) = vpow2.f32 v17;
	v16 =	vmul.f32 $1.442695020e+00, v4;
	v8 =	vpop (erf);
	v5 =	vadd.f32 v6, v5  }
0x1a3: {  	v6 =	vadd.f32 v46, v7;
	v8 =	vadd.f32 v8, v9  }
0x1a4: {  	v13 =	vshrl.u32 v13, $0x17;
	v22 =	vld [tilespmem:s10+$0x13080];
	v10 =	vmul.f32 $1.442695020e+00, v31;
	(erf) = vpow2.f32 v16  }
0x1a5: {  	v13 =	vadd.s32 $0xFFFFFF81, v13;
	v14 =	vadd.f32 $-1.000000000e+00, v14;
	v46 =	vld [tilespmem:s24+$0x6100];
	v6 =	vadd.f32 v45, v6;
	v7 =	vpop (erf)  }
0x1a6: {  	v9 =	vmul.f32 $1.442695020e+00, v32;
	(erf) = vpow2.f32 v10;
	v45 =	vld [tilespmem:s24+$0x6900];
	v7 =	vadd.f32 v7, v8  }
0x1a7: {  	v14 =	vmul.f32 v21, v14;
	v16 =	vmul.f32 $1.442695020e+00, v39;
	v10 =	vsel vm1, $0x0, v5;
	v8 =	vpop (erf)  }
0x1a8: {  	v5 =	vor.u32 s13, v1;
	(erf) = vpow2.f32 v9;
	v9 =	vld [tilespmem:s24+$0x7100];
	v7 =	vadd.f32 v8, v7  }
0x1a9: {  	vm2 =	veq.s32 v22, $0xFF;
	v17 =	vand.u32 $0x7F, v5;
	v5 =	vadd.f32 v11, v6;
	v6 =	vpop (erf)  }
0x1aa: {  	v11 =	vmul.f32 $1.442695020e+00, v46;
	(erf) = vpow2.f32 v16;
	v6 =	vadd.f32 v6, v7  }
0x1ab: {  	v5 =	vadd.f32 v44, v5;
	v8 =	vmov s13;
	v23 =	vmul.f32 $1.442695020e+00, v45;
	v16 =	vpop (erf);
	v7 =	vld [tilespmem:s24+$0x7900]  }
0x1ac: {  	v8 =	vshll.u32 v8, $0x2;
	(erf) = vpow2.f32 v11;
	v6 =	vadd.f32 v16, v6  }
0x1ad: {  	v11 =	vand.u32 $0x600, v8;
	v8 =	vld [tilespmem:s24+$0x8100];
	v21 =	vpop (erf);
	v16 =	vadd.f32 v43, v5;
	v25 =	vmul.f32 $1.442695020e+00, v9  }
0x1ae: {  	v22 =	vshll.u32 v22, $0xB;
	(erf) = vpow2.f32 v23;
	v5 =	vld [tilespmem:s24+$0x9100];
	v21 =	vadd.f32 v21, v6  }
0x1af: {  	v13 =	vcvt.s32.f32 v13;
	v22 =	vsel vm2, $0x0, v22;
	v23 =	vpop (erf);
	v16 =	vadd.f32 v41, v16;
	v6 =	vld [tilespmem:s24+$0x8900]  }
0x1b0: {  	(erf) = vpow2.f32 v25;
	v26 =	vmul.f32 $1.442695020e+00, v7;
	v21 =	vadd.f32 v23, v21  }
0x1b1: {  	v11 =	vor.u32 v17, v11;
	v17 =	vmul.f32 v14, v14;
	v16 =	vadd.f32 v42, v16;
	v25 =	vpop (erf)  }
0x1b2: {  	v27 =	vmul.f32 $1.442695020e+00, v8;
	(erf) = vpow2.f32 v26;
	v21 =	vadd.f32 v25, v21  }
0x1b3: {  	v23 =	vmul.f32 $2.857142980e-01, v17;
	v26 =	vmul.f32 $1.442695020e+00, v5;
	v29 =	vpop (erf);
	v25 =	vadd.f32 v40, v16  }
0x1b4: {  	v16 =	vld [tilespmem:s14+$0x100];
	(erf) = vpow2.f32 v27;
	v62 =	vmul.f32 $1.442695020e+00, v6;
	v21 =	vadd.f32 v29, v21  }
0x1b5: {  	v11 =	vor.u32 v22, v11;
	v27 =	vadd.f32 $4.000000060e-01, v23;
	v23 =	vld [tilespmem:s14+$0x900];
	(erf) = vpow2.f32 v26;
	v29 =	vpop (erf)  }
0x1b6: {  	v25 =	vadd.f32 v38, v25;
	(erf) = vpow2.f32 v62;
	v21 =	vadd.f32 v29, v21  }
0x1b7: {  	v22 =	vld [tilespmem:s14+$0x1100];
	v41 =	vsel vm0, $0x3F800000, v0;
	v29 =	vadd.f32 v10, v24;
	v10 =	vmul.f32 v27, v17;
	v24 =	vpop (erf)  }
0x1b8: {  	v26 =	vadd.f32 v37, v25;
	v27 =	vor.u32 $0x80, v11;
	v11 =	vadd.f32 v24, v21  }
0x1b9: {  	v33 =	vadd.f32 v13, v41;
	v25 =	vld [tilespmem:s14+$0x1900];
	v10 =	vadd.f32 $6.666666860e-01, v10;
	v21 =	vmul.f32 $1.442695020e+00, v16;
	v24 =	vpop (erf)  }
0x1ba: {  	v13 =	vld [tilespmem:s14+$0x3900];
	v26 =	vadd.f32 v63, v26;
	v63 =	vmul.f32 $1.442695020e+00, v23;
	v11 =	vadd.f32 v24, v11  }
0x1bb: {  	v10 =	vmul.f32 v10, v17;
	(erf) = vpow2.f32 v21;
	v21 =	vld [tilespmem:s14+$0x2100];
	v24 =	vpop (erf)  }
0x1bc: {  	v40 =	vmul.f32 $1.442695020e+00, v22;
	v17 =	vld [tilespmem:s14+$0x2900];
	(erf) = vpow2.f32 v63;
	v24 =	vadd.f32 v24, v11  }
0x1bd: {  	v33 =	vmul.f32 $6.931471820e-01, v33;
	v26 =	vadd.f32 v59, v26;
	v42 =	vpop (erf);
	v27 =	vld.idx.msk [tilespmem:v27+s31+$0x0], $0xffff;
	v10 =	vadd.f32 $2.000000000e+00, v10  }
0x1be: {  	v43 =	vmul.f32 $1.442695020e+00, v25;
	(erf) = vpow2.f32 v40;
	v11 =	vld [tilespmem:s14+$0x3100];
	v44 =	vpop (erf);
	v24 =	vadd.f32 v42, v24  }
0x1bf: {  	v51 =	vmul.f32 $1.442695020e+00, v13;
	v26 =	vadd.f32 v34, v26;
	v10 =	vmul.f32 v10, v14;
	v14 =	vpop (erf)  }
0x1c0: {  	(erf) = vpow2.f32 v43;
	v47 =	vmul.f32 $1.442695020e+00, v21;
	v24 =	vadd.f32 v14, v24  }
0x1c1: {  	v15 =	vadd.f32 v28, v15;
	v49 =	vmul.f32 $-5.555555690e-03, v26;
	v48 =	vmul.f32 $1.442695020e+00, v17  }
0x1c2: {  	v14 =	vld [tilespmem:s14+$0x4100];
	v33 =	vadd.f32 v10, v33;
	(erf) = vpow2.f32 v47;
	v28 =	vadd.f32 v44, v24  }
0x1c3: {  	v58 =	vmul.f32 $-8.944444650e-01, v27;
	v10 =	vmul.f32 $1.442695020e+00, v11;
	v24 =	vadd.f32 v61, v15  }
0x1c4: {  	v15 =	vld [tilespmem:s14+$0x4900];
	v33 =	vadd.f32 v49, v33;
	v26 =	vpop (erf);
	(erf) = vpow2.f32 v48;
	v50 =	vand.u32 $0x7FFFFF, v28  }
0x1c5: {  	v52 =	vpop (erf);
	(erf) = vpow2.f32 v10;
	v53 =	vadd.f32 v18, v24;
	v34 =	vor.u32 $0x3F800000, v50  }
0x1c6: {  	v24 =	vld [tilespmem:s14+$0x5100];
	v37 =	vadd.f32 v58, v33;
	v26 =	vadd.f32 v52, v26;
	v54 =	vmul.f32 $5.000000000e-01, v34  }
0x1c7: {  	v18 =	vld [tilespmem:s14+$0x5900];
	v55 =	vmul.f32 $1.442695020e+00, v14;
	v56 =	vpop (erf);
	(erf) = vpow2.f32 v51;
	vm1 =	vgt.f32 v34, $1.414213540e+00  }
0x1c8: {  	v33 =	vld [tilespmem:s14+$0x7100];
	v38 =	vadd.f32 v19, v53;
	v57 =	vadd.f32 v56, v26;
	v34 =	vsel vm1, v54, v34  }
0x1c9: {  	v10 =	vld [tilespmem:s14+$0x9100];
	v27 =	vpop (erf);
	v59 =	vmul.f32 $1.442695020e+00, v15;
	v60 =	vadd.f32 $1.000000000e+00, v34  }
0x1ca: {  	v19 =	vld [tilespmem:s14+$0x6100];
	(erf) = vpow2.f32 v55;
	v38 =	vadd.f32 v20, v38;
	v36 =	vadd.f32 v27, v57  }
0x1cb: {  	v26 =	vld [tilespmem:s14+$0x8900];
	v62 =	vmul.f32 $1.442695020e+00, v24;
	v61 =	vpop (erf);
	(erf) = vrcp.f32 v60  }
0x1cc: {  	v20 =	vld [tilespmem:s14+$0x6900];
	v38 =	vadd.f32 v30, v38;
	v35 =	vadd.f32 v61, v36;
	(erf) = vpow2.f32 v59  }
0x1cd: {  	v54 =	vld [tilespmem:s24+$0x13100];
	v63 =	vmul.f32 $1.442695020e+00, v18;
	v55 =	vmul.f32 $1.442695020e+00, v33;
	v47 =	vpop (erf)  }
0x1ce: {  	v27 =	vld [tilespmem:s14+$0x8100];
	v38 =	vadd.f32 v12, v38;
	v35 =	vadd.f32 v47, v35;
	(erf) = vpow2.f32 v62  }
0x1cf: {  	v48 =	vsel vm2, $0x0, v37;
	v36 =	vmul.f32 $1.442695020e+00, v10;
	v50 =	vmul.f32 $1.442695020e+00, v19;
	v49 =	vpop (erf)  }
0x1d0: {  	s2 =	simm.s32 $0x80;
	v30 =	vld [tilespmem:s14+$0x7900];
	(erf) = vpow2.f32 v63;
	v38 =	vadd.f32 v4, v38;
	v35 =	vadd.f32 v49, v35  }
0x1d1: {  	s1 =	sand.u32 $0x600, s2;
	v34 =	vadd.f32 $-1.000000000e+00, v34;
	v37 =	vmul.f32 $1.442695020e+00, v26;
	v52 =	vmul.f32 $1.442695020e+00, v20;
	v51 =	vpop (erf)  }
0x1d2: {  	s10 =	sor.u32 s1, s6;
	(erf) = vpow2.f32 v50;
	v38 =	vadd.f32 v31, v38;
	v35 =	vadd.f32 v51, v35  }
0x1d3: {  	v12 =	vld [tilespmem:s10+$0x4100];
	vm0 =	veq.s32 v54, $0xFF;
	v4 =	vadd.f32 v48, v29;
	v53 =	vmul.f32 $1.442695020e+00, v27;
	v57 =	vpop (erf)  }
0x1d4: {  	v29 =	vld [tilespmem:s10+$0x1100];
	(erf) = vpow2.f32 v52;
	v38 =	vadd.f32 v32, v38;
	v47 =	vadd.f32 v57, v35;
	v58 =	vpop (erf)  }
0x1d5: {  	v48 =	vor.u32 v2, v3;
	v56 =	vmul.f32 $1.442695020e+00, v30;
	v31 =	vld [tilespmem:s10+$0x100];
	v59 =	vpop (erf);
	v34 =	vmul.f32 v58, v34  }
0x1d6: {  	(erf) = vpow2.f32 v55;
	v32 =	vld [tilespmem:s10+$0x900];
	v38 =	vadd.f32 v39, v38;
	v3 =	vadd.f32 v59, v47  }
0x1d7: {  	v44 =	vshll.u32 v54, $0xB;
	(erf) = vpow2.f32 v56;
	v60 =	vpop (erf);
	v47 =	vmul.f32 v34, v34  }
0x1d8: {  	v35 =	vmul.f32 $1.442695020e+00, v12;
	v61 =	vadd.f32 v46, v38;
	v39 =	vadd.f32 v60, v3  }
0x1d9: {  	v49 =	vsel vm0, $0x0, v44;
	v2 =	vmul.f32 $1.442695020e+00, v29;
	v62 =	vpop (erf);
	v63 =	vmul.f32 $2.857142980e-01, v47  }
0x1da: {  	v38 =	vmul.f32 $1.442695020e+00, v31;
	v50 =	vadd.f32 v45, v61;
	v39 =	vadd.f32 v62, v39  }
0x1db: {  	s5 =	simm.s32 $0x30;
	(erf) = vpow2.f32 v53;
	v3 =	vmul.f32 $1.442695020e+00, v32;
	v40 =	vpop (erf);
	v51 =	vadd.f32 $4.000000060e-01, v63  }
.LBB2_11:
0x1dc: {  	p0 =	sne.s32 s5, $0x1F0;
	v39 =	vadd.f32 v40, v39;
	(erf) = vpow2.f32 v36;
	v36 =	vadd.f32 v9, v50;
	v9 =	vmovc v33  }
0x1dd: {  	v40 =	vor.u32 v49, v48;
	v33 =	vpop (erf);
	(erf) = vpow2.f32 v37;
	v37 =	vmul.f32 v51, v47  }
0x1de: {  	v33 =	vadd.f32 v33, v39;
	v36 =	vadd.f32 v7, v36;
	v39 =	vor.u32 $0x100, v40;
	v7 =	vmovc v30  }
0x1df: {  	v28 =	vshrl.u32 v28, $0x17;
	v30 =	vld [tilespmem:s10+$0x1900];
	(erf) = vpow2.f32 v38;
	v38 =	vpop (erf);
	v37 =	vadd.f32 $6.666666860e-01, v37  }
0x1e0: {  	v28 =	vadd.s32 $0xFFFFFF81, v28;
	v33 =	vadd.f32 v38, v33;
	v36 =	vadd.f32 v8, v36;
	v8 =	vmovc v27  }
0x1e1: {  	v28 =	vcvt.s32.f32 v28;
	v27 =	vld [tilespmem:s10+$0x2100];
	v38 =	vpop (erf);
	v37 =	vmul.f32 v37, v47  }
0x1e2: {  	s6 =	simm.s32 $0x0;
	v40 =	vld [tilespmem:s10+$0x2900];
	v41 =	vadd.f32 v38, v33;
	v36 =	vadd.f32 v6, v36;
	v38 =	vsel vm1, $0x3F800000, v0;
	v6 =	vmovc v26  }
0x1e3: {  	(erf) = vpow2.f32 v3;
	v3 =	vadd.f32 v28, v38;
	v26 =	vadd.f32 $2.000000000e+00, v37;
	v37 =	vld.idx.msk [tilespmem:v39+s6+$0x0], $0xffff  }
0x1e4: {  	v38 =	vld [tilespmem:s10+$0x3900];
	v42 =	vmul.f32 $1.442695020e+00, v30;
	(erf) = vpow2.f32 v2;
	v2 =	vpop (erf);
	v36 =	vadd.f32 v5, v36  }
0x1e5: {  	v39 =	vld [tilespmem:s10+$0x3100];
	v2 =	vadd.f32 v2, v41;
	v33 =	vpop (erf);
	v26 =	vmul.f32 v26, v34;
	v3 =	vmul.f32 $6.931471820e-01, v3  }
0x1e6: {  	v5 =	vmov v10;
	v34 =	vmul.f32 $1.442695020e+00, v27;
	(erf) = vpow2.f32 v42;
	v28 =	vpop (erf)  }
0x1e7: {  	v10 =	vmul.f32 $-5.555555690e-03, v36;
	v2 =	vadd.f32 v28, v2;
	v3 =	vadd.f32 v26, v3  }
0x1e8: {  	v26 =	vmul.f32 $1.442695020e+00, v40;
	v36 =	vpop (erf);
	(erf) = vpow2.f32 v34;
	v34 =	vadd.f32 v23, v16  }
0x1e9: {  	v16 =	vmovc v31;
	v23 =	vmovc v32;
	v28 =	vadd.f32 v33, v2;
	v2 =	vadd.f32 v10, v3;
	v33 =	vmul.f32 $-8.944444650e-01, v37  }
0x1ea: {  	v31 =	vmul.f32 $1.442695020e+00, v38;
	v10 =	vmul.f32 $1.442695020e+00, v39;
	v37 =	vadd.f32 v22, v34;
	v22 =	vmovc v29  }
0x1eb: {  	v34 =	vld [tilespmem:s10+$0x4900];
	(erf) = vpow2.f32 v26;
	v26 =	vand.u32 $0x7FFFFF, v28;
	v2 =	vadd.f32 v33, v2  }
0x1ec: {  	v3 =	vpop (erf);
	(erf) = vpow2.f32 v10;
	v29 =	vadd.f32 v25, v37;
	v26 =	vor.u32 $0x3F800000, v26  }
0x1ed: {  	v41 =	vld [tilespmem:s10+$0x5100];
	v3 =	vadd.f32 v3, v36;
	v32 =	vpop (erf);
	v33 =	vmul.f32 $5.000000000e-01, v26;
	v2 =	vsel vm0, $0x0, v2  }
0x1ee: {  	v25 =	vmovc v30;
	vm1 =	vgt.f32 v26, $1.414213540e+00;
	v10 =	vld [tilespmem:s10+$0x9100];
	(erf) = vpow2.f32 v31;
	v4 =	vadd.f32 v2, v4  }
0x1ef: {  	v29 =	vadd.f32 v21, v29;
	v2 =	vld [tilespmem:s10+$0x5900];
	v3 =	vadd.f32 v32, v3;
	v30 =	vpop (erf);
	v31 =	vsel vm1, v33, v26  }
0x1f0: {  	v37 =	vor.u32 s30, v1;
	v21 =	vmovc v27;
	v26 =	vld [tilespmem:s10+$0x8900];
	v32 =	vmul.f32 $1.442695020e+00, v34;
	v33 =	vadd.f32 $1.000000000e+00, v31  }
0x1f1: {  	v29 =	vadd.f32 v17, v29;
	v42 =	vld [tilespmem:s10+$0x6100];
	v3 =	vadd.f32 v30, v3;
	v30 =	vpop (erf);
	(erf) = vpow2.f32 v35  }
0x1f2: {  	v43 =	vmov s30;
	s30 =	smov.u32 s0;
	s0 =	smov.u32 s5;
	v17 =	vmovc v40;
	v27 =	vld [tilespmem:s10+$0x8100];
	v35 =	vmul.f32 $1.442695020e+00, v41;
	(erf) = vrcp.f32 v33  }
0x1f3: {  	v29 =	vadd.f32 v11, v29;
	v11 =	vmovc v39;
	v40 =	vld [tilespmem:s10+$0x6900];
	v3 =	vadd.f32 v30, v3;
	(erf) = vpow2.f32 v32  }
0x1f4: {  	s2 =	sadd.s32 $0x40, s2;
	v44 =	vand.u32 $0x7F, v37;
	v36 =	vmul.f32 $1.442695020e+00, v10;
	v30 =	vld [tilespmem:s10+$0x7900];
	v32 =	vmul.f32 $1.442695020e+00, v2;
	v39 =	vpop (erf)  }
0x1f5: {  	s1 =	sand.u32 $0x70, s5;
	s9 =	sand.u32 $0x600, s2;
	v29 =	vadd.f32 v13, v29;
	v33 =	vld [tilespmem:s10+$0x7100];
	v3 =	vadd.f32 v39, v3;
	v39 =	vpop (erf);
	(erf) = vpow2.f32 v35  }
0x1f6: {  	v43 =	vshll.u32 v43, $0x2;
	s1 =	sor.u32 s9, s1;
	v13 =	vmovc v38;
	v37 =	vmul.f32 $1.442695020e+00, v26;
	v35 =	vmul.f32 $1.442695020e+00, v42  }
0x1f7: {  	v47 =	vadd.f32 v14, v29;
	v38 =	vld [tilespmem:s1+$0x4100];
	v3 =	vadd.f32 v39, v3;
	v39 =	vpop (erf);
	(erf) = vpow2.f32 v32  }
0x1f8: {  	v43 =	vand.u32 $0x600, v43;
	v14 =	vmovc v12;
	v46 =	vmul.f32 $1.442695020e+00, v27;
	v45 =	vmul.f32 $1.442695020e+00, v40;
	v49 =	vld [tilespmem:s14+$0x13100];
	s14 =	smov.u32 s10;
	s10 =	smov.u32 s1  }
0x1f9: {  	v12 =	vadd.f32 v15, v47;
	v15 =	vmovc v34;
	v29 =	vld [tilespmem:s10+$0x1100];
	v3 =	vadd.f32 v39, v3;
	(erf) = vpow2.f32 v35  }
0x1fa: {  	v34 =	vadd.f32 $-1.000000000e+00, v31;
	v50 =	vmul.f32 $1.442695020e+00, v30;
	v39 =	vmul.f32 $1.442695020e+00, v33;
	v32 =	vpop (erf)  }
0x1fb: {  	v12 =	vadd.f32 v24, v12;
	v31 =	vld [tilespmem:s10+$0x100];
	v3 =	vadd.f32 v32, v3;
	(erf) = vpow2.f32 v45;
	v24 =	vpop (erf)  }
0x1fc: {  	v48 =	vor.u32 v44, v43;
	v32 =	vld [tilespmem:s10+$0x900];
	v35 =	vmul.f32 $1.442695020e+00, v38;
	v45 =	vpop (erf);
	v34 =	vmul.f32 v24, v34  }
0x1fd: {  	v43 =	vadd.f32 v18, v12;
	v24 =	vmovc v41;
	v18 =	vmovc v2;
	v3 =	vadd.f32 v45, v3;
	(erf) = vpow2.f32 v39  }
.Ltmp4:
0x1fe: {  	vm0 =	veq.s32 v49, $0xFF;
	v2 =	vmul.f32 $1.442695020e+00, v29;
	v39 =	vpop (erf);
	v47 =	vmul.f32 v34, v34;
	(pc) =	sbr.rel @p0 .LBB2_11-.Ltmp4, $4  }
0x1ff: {  	v41 =	vadd.f32 v19, v43;
	v19 =	vmovc v42;
	v12 =	vmovc v38;
	v39 =	vadd.f32 v39, v3;
	(erf) = vpow2.f32 v50  }
0x200: {  	v44 =	vshll.u32 v49, $0xB;
	v38 =	vmul.f32 $1.442695020e+00, v31;
	v42 =	vpop (erf);
	v43 =	vmul.f32 $2.857142980e-01, v47  }
0x201: {  	v50 =	vadd.f32 v20, v41;
	v20 =	vmovc v40;
	v3 =	vmul.f32 $1.442695020e+00, v32;
	v39 =	vadd.f32 v42, v39  }
0x202: {  	s5 =	sadd.s32 $0x10, s5;
	v49 =	vsel vm0, $0x0, v44;
	v40 =	vpop (erf);
	(erf) = vpow2.f32 v46;
	v51 =	vadd.f32 $4.000000060e-01, v43  }
0x203: {  	(erf) = vpow2.f32 v36  }
0x204: {  	v40 =	vadd.f32 v40, v39;
	(erf) = vpow2.f32 v37  }
0x205: {  	v41 =	vpop (erf)  }
0x206: {  	v36 =	vadd.f32 v41, v40  }
0x207: {  	v42 =	vpop (erf)  }
0x208: {  	v45 =	vld [tilespmem:s10+$0x1900];
	v36 =	vadd.f32 v42, v36  }
0x209: {  	v43 =	vpop (erf)  }
0x20a: {  	v44 =	vld [tilespmem:s10+$0x2100];
	(erf) = vpow2.f32 v38;
	v36 =	vadd.f32 v43, v36  }
0x20b: {  	(erf) = vpow2.f32 v3;
	v3 =	vpop (erf)  }
0x20c: {  	v43 =	vld [tilespmem:s10+$0x2900];
	(erf) = vpow2.f32 v2;
	v2 =	vadd.f32 v3, v36;
	v3 =	vpop (erf)  }
0x20d: {  	v42 =	vld [tilespmem:s10+$0x3100];
	v46 =	vmul.f32 $1.442695020e+00, v45;
	v52 =	vpop (erf)  }
0x20e: {  	v2 =	vadd.f32 v52, v2  }
0x20f: {  	v53 =	vmul.f32 $1.442695020e+00, v44;
	(erf) = vpow2.f32 v46  }
0x210: {  	v41 =	vld [tilespmem:s10+$0x3900];
	v46 =	vadd.f32 v3, v2  }
0x211: {  	(erf) = vpow2.f32 v53;
	v54 =	vmul.f32 $1.442695020e+00, v43  }
0x212: {  	v3 =	vmul.f32 $1.442695020e+00, v42;
	v55 =	vand.u32 $0x7FFFFF, v46  }
0x213: {  	(erf) = vpow2.f32 v54;
	v2 =	vpop (erf);
	v36 =	vor.u32 $0x3F800000, v55  }
0x214: {  	(erf) = vpow2.f32 v3;
	v57 =	vpop (erf);
	v3 =	vmul.f32 $5.000000000e-01, v36  }
0x215: {  	v56 =	vmul.f32 $1.442695020e+00, v41;
	v2 =	vadd.f32 v57, v2  }
0x216: {  	v40 =	vld [tilespmem:s10+$0x4900];
	v58 =	vpop (erf)  }
0x217: {  	(erf) = vpow2.f32 v56;
	vm2 =	vgt.f32 v36, $1.414213540e+00;
	v2 =	vadd.f32 v58, v2  }
0x218: {  	v39 =	vld [tilespmem:s10+$0x5100];
	v52 =	vsel vm2, v3, v36;
	v3 =	vpop (erf)  }
0x219: {  	(erf) = vpow2.f32 v35;
	v2 =	vadd.f32 v3, v2  }
0x21a: {  	v36 =	vld [tilespmem:s10+$0x5900];
	v59 =	vadd.f32 $1.000000000e+00, v52;
	v3 =	vpop (erf)  }
0x21b: {  	v53 =	vmul.f32 $1.442695020e+00, v40;
	v2 =	vadd.f32 v3, v2  }
0x21c: {  	v38 =	vld [tilespmem:s10+$0x6100];
	(erf) = vrcp.f32 v59;
	v3 =	vpop (erf)  }
0x21d: {  	v60 =	vmul.f32 $1.442695020e+00, v39;
	(erf) = vpow2.f32 v53;
	v2 =	vadd.f32 v3, v2  }
0x21e: {  	v37 =	vld [tilespmem:s10+$0x6900];
	v62 =	vpop (erf)  }
0x21f: {  	v61 =	vmul.f32 $1.442695020e+00, v36;
	(erf) = vpow2.f32 v60;
	v2 =	vadd.f32 v62, v2  }
0x220: {  	v16 =	vadd.f32 v23, v16;
	v3 =	vld [tilespmem:s10+$0x7100];
	v56 =	vpop (erf)  }
0x221: {  	v23 =	vld [tilespmem:s10+$0x7900];
	v63 =	vmul.f32 $1.442695020e+00, v38;
	(erf) = vpow2.f32 v61;
	v2 =	vadd.f32 v56, v2  }
0x222: {  	v22 =	vadd.f32 v22, v16;
	v58 =	vpop (erf)  }
0x223: {  	v57 =	vmul.f32 $1.442695020e+00, v37;
	(erf) = vpow2.f32 v63;
	v35 =	vadd.f32 v58, v2;
	v2 =	vld [tilespmem:s10+$0x9100]  }
0x224: {  	v9 =	vadd.f32 v9, v50;
	v16 =	vld [tilespmem:s10+$0x8100];
	v25 =	vadd.f32 v25, v22  }
0x225: {  	(erf) = vpow2.f32 v57;
	v60 =	vpop (erf);
	v54 =	vmul.f32 $1.442695020e+00, v3  }
0x226: {  	v7 =	vadd.f32 v7, v9;
	v9 =	vmul.f32 $1.442695020e+00, v23;
	v21 =	vadd.f32 v21, v25;
	v22 =	vpop (erf)  }
0x227: {  	v59 =	vmul.f32 v51, v47;
	(erf) = vpow2.f32 v54;
	v35 =	vadd.f32 v22, v35;
	v22 =	vld [tilespmem:s10+$0x8900]  }
0x228: {  	v7 =	vadd.f32 v8, v7;
	v17 =	vadd.f32 v17, v21;
	v62 =	vpop (erf);
	v21 =	vmul.f32 $1.442695020e+00, v2  }
0x229: {  	v8 =	vmul.f32 $1.442695020e+00, v16;
	v61 =	vadd.f32 $6.666666860e-01, v59;
	v25 =	vadd.f32 v62, v35  }
0x22a: {  	v48 =	vor.u32 v49, v48;
	(erf) = vpow2.f32 v9;
	v9 =	vpop (erf)  }
0x22b: {  	v63 =	vmul.f32 v61, v47;
	(erf) = vpow2.f32 v8;
	v9 =	vadd.f32 v9, v25  }
0x22c: {  	v6 =	vadd.f32 v6, v7;
	v8 =	vmul.f32 $1.442695020e+00, v22;
	(erf) = vpow2.f32 v21;
	v21 =	vpop (erf)  }
0x22d: {  	v25 =	vshrl.u32 v28, $0x17;
	v28 =	vor.u32 $0x100, v48;
	v9 =	vadd.f32 v21, v9  }
0x22e: {  	v25 =	vadd.s32 $0xFFFFFF81, v25;
	(erf) = vpow2.f32 v8;
	v8 =	vadd.f32 v11, v17;
	v11 =	vpop (erf)  }
0x22f: {  	v21 =	vcvt.s32.f32 v25;
	v9 =	vadd.f32 v11, v9;
	v11 =	vadd.f32 $2.000000000e+00, v63  }
0x230: {  	v7 =	vsel vm1, $0x3F800000, v0;
	v5 =	vadd.f32 v5, v6;
	v8 =	vadd.f32 v13, v8;
	v13 =	vpop (erf)  }
0x231: {  	v7 =	vadd.f32 v21, v7;
	v6 =	vadd.f32 v13, v9;
	v9 =	vmul.f32 v11, v34  }
0x232: {  	s1 =	sand.u32 $0x70, s6;
	s5 =	sand.u32 $0x600, s6;
	v17 =	vld.idx.msk [tilespmem:v28+s6+$0x0], $0xffff  }
0x233: {  	s2 =	sor.u32 s1, s5;
	v8 =	vadd.f32 v14, v8;
	v7 =	vmul.f32 $6.931471820e-01, v7;
	v11 =	vpop (erf)  }
0x234: {  	v25 =	vadd.f32 v32, v31;
	v28 =	vld [tilespmem:s2+$0x1180];
	v6 =	vadd.f32 v11, v6  }
0x235: {  	v5 =	vmul.f32 $-5.555555690e-03, v5;
	v8 =	vadd.f32 v15, v8;
	v7 =	vadd.f32 v9, v7;
	v9 =	vpop (erf)  }
0x236: {  	v11 =	vadd.f32 $-1.000000000e+00, v52;
	v6 =	vadd.f32 v9, v6;
	v9 =	vpop (erf)  }
0x237: {  	v8 =	vadd.f32 v24, v8;
	v5 =	vadd.f32 v5, v7;
	v7 =	vmul.f32 $-8.944444650e-01, v17;
	v13 =	vpop (erf)  }
0x238: {  	v25 =	vadd.f32 v29, v25;
	v14 =	vmul.f32 v60, v11;
	v6 =	vadd.f32 v13, v6  }
0x239: {  	v29 =	vmul.f32 $1.442695020e+00, v28;
	v11 =	vadd.f32 v7, v5;
	v5 =	vadd.f32 v18, v8  }
0x23a: {  	v7 =	vor.u32 s30, v1;
	v8 =	vmul.f32 v14, v14;
	v9 =	vadd.f32 v9, v6  }
0x23b: {  	v7 =	vand.u32 $0x7F, v7;
	v5 =	vadd.f32 v19, v5;
	v6 =	vmov s30  }
0x23c: {  	s13 =	sor.u32 s5, s6;
	v13 =	vld [tilespmem:s14+$0x13100];
	v17 =	vmul.f32 $2.857142980e-01, v8;
	v6 =	vshll.u32 v6, $0x2;
	v15 =	vand.u32 $0x7FFFFF, v9  }
0x23d: {  	s24 =	sor.u32 $0x180, s13;
	v5 =	vadd.f32 v20, v5;
	v6 =	vand.u32 $0x600, v6;
	v18 =	vor.u32 $0x3F800000, v15;
	v15 =	vld [tilespmem:s2+$0x980]  }
0x23e: {  	v6 =	vor.u32 v7, v6;
	v7 =	vadd.f32 $4.000000060e-01, v17;
	v17 =	vld [tilespmem:s24+$0x0];
	v19 =	vmul.f32 $5.000000000e-01, v18  }
0x23f: {  	v20 =	vsel vm2, $0x3F800000, v0;
	v5 =	vadd.f32 v33, v5;
	vm2 =	vgt.f32 v18, $1.414213540e+00  }
0x240: {  	v7 =	vmul.f32 v7, v8;
	v18 =	vsel vm2, v19, v18;
	v19 =	vshrl.u32 v46, $0x17  }
0x241: {  	v24 =	vld [tilespmem:s2+$0x1980];
	v5 =	vadd.f32 v30, v5;
	v21 =	vadd.f32 $1.000000000e+00, v18;
	v19 =	vadd.s32 $0xFFFFFF81, v19  }
0x242: {  	v7 =	vadd.f32 $6.666666860e-01, v7;
	v30 =	vmul.f32 $1.442695020e+00, v15;
	v31 =	vcvt.s32.f32 v19  }
0x243: {  	vm1 =	veq.s32 v13, $0xFF;
	v19 =	vld [tilespmem:s2+$0x2180];
	(erf) = vrcp.f32 v21;
	v21 =	vmul.f32 $1.442695020e+00, v17  }
0x244: {  	v7 =	vmul.f32 v7, v8;
	v8 =	vadd.f32 v45, v25;
	(erf) = vpow2.f32 v30  }
0x245: {  	v13 =	vshll.u32 v13, $0xB;
	v5 =	vadd.f32 v27, v5;
	(erf) = vpow2.f32 v21  }
0x246: {  	v13 =	vsel vm1, $0x0, v13;
	v27 =	vmul.f32 $1.442695020e+00, v24;
	v21 =	vld [tilespmem:s2+$0x2980];
	v8 =	vadd.f32 v44, v8  }
0x247: {  	v5 =	vadd.f32 v26, v5;
	v7 =	vadd.f32 $2.000000000e+00, v7;
	(erf) = vpow2.f32 v29  }
0x248: {  	v25 =	vld [tilespmem:s2+$0x3180];
	v20 =	vadd.f32 v31, v20;
	v26 =	vmul.f32 $1.442695020e+00, v19;
	v8 =	vadd.f32 v43, v8  }
0x249: {  	v32 =	vld [tilespmem:s2+$0x4980];
	v6 =	vor.u32 v13, v6;
	(erf) = vpow2.f32 v27;
	v7 =	vmul.f32 v7, v14  }
0x24a: {  	v29 =	vld [tilespmem:s2+$0x3980];
	v14 =	vmul.f32 $6.931471820e-01, v20;
	v20 =	vor.u32 $0x100, v6;
	v6 =	vadd.f32 v42, v8  }
0x24b: {  	(erf) = vpow2.f32 v26;
	v13 =	vmul.f32 $1.442695020e+00, v21  }
0x24c: {  	v30 =	vld [tilespmem:s2+$0x4180];
	v5 =	vadd.f32 v10, v5;
	v6 =	vadd.f32 v41, v6;
	v8 =	vpop (erf)  }
0x24d: {  	v10 =	vmul.f32 $1.442695020e+00, v25;
	v14 =	vadd.f32 v7, v14;
	v7 =	vpop (erf);
	(erf) = vpow2.f32 v13  }
0x24e: {  	v49 =	vmul.f32 $1.442695020e+00, v32;
	v6 =	vadd.f32 v12, v6;
	v26 =	vpop (erf)  }
0x24f: {  	v27 =	vmul.f32 $1.442695020e+00, v29;
	(erf) = vpow2.f32 v10;
	v7 =	vadd.f32 v7, v26  }
0x250: {  	v31 =	vld [tilespmem:s2+$0x5180];
	v13 =	vmul.f32 $-5.555555690e-03, v5;
	v5 =	vor.u32 s0, v1;
	v12 =	vpop (erf);
	v6 =	vadd.f32 v40, v6  }
0x251: {  	v34 =	vld [tilespmem:s2+$0x5980];
	v26 =	vmul.f32 $1.442695020e+00, v30;
	(erf) = vpow2.f32 v27;
	v7 =	vadd.f32 v12, v7  }
0x252: {  	v10 =	vmov s0;
	v12 =	vadd.f32 $-1.000000000e+00, v18;
	v18 =	vpop (erf);
	v6 =	vadd.f32 v39, v6  }
0x253: {  	v35 =	vld [tilespmem:s2+$0x6180];
	v10 =	vshll.u32 v10, $0x2;
	(erf) = vpow2.f32 v26;
	v7 =	vadd.f32 v18, v7  }
0x254: {  	v5 =	vand.u32 $0x7F, v5;
	v10 =	vand.u32 $0x600, v10;
	v12 =	vmul.f32 v8, v12;
	v8 =	vpop (erf)  }
0x255: {  	v27 =	vld [tilespmem:s10+$0x13100];
	(erf) = vpow2.f32 v49;
	v18 =	vmul.f32 $1.442695020e+00, v31;
	v7 =	vadd.f32 v8, v7  }
0x256: {  	v26 =	vmul.f32 $1.442695020e+00, v34;
	v8 =	vor.u32 v5, v10;
	v5 =	vadd.f32 v36, v6;
	v6 =	vpop (erf)  }
0x257: {  	v10 =	vmul.f32 v12, v12;
	v36 =	vld [tilespmem:s2+$0x6980];
	(erf) = vpow2.f32 v18;
	v6 =	vadd.f32 v6, v7  }
0x258: {  	v51 =	vmul.f32 $1.442695020e+00, v35;
	v7 =	vadd.f32 v38, v5;
	v50 =	vpop (erf)  }
0x259: {  	v5 =	vld [tilespmem:s2+$0x7180];
	(erf) = vpow2.f32 v26;
	v26 =	vmul.f32 $2.857142980e-01, v10;
	v33 =	vadd.f32 v50, v6  }
0x25a: {  	v18 =	vsel vm2, $0x3F800000, v0;
	vm2 =	veq.s32 v27, $0xFF;
	v52 =	vpop (erf)  }
0x25b: {  	(erf) = vpow2.f32 v51;
	v26 =	vadd.f32 $4.000000060e-01, v26;
	v33 =	vadd.f32 v52, v33  }
0x25c: {  	v27 =	vshll.u32 v27, $0xB;
	v7 =	vadd.f32 v37, v7;
	v6 =	vld [tilespmem:s2+$0x7980];
	v53 =	vmul.f32 $1.442695020e+00, v36;
	v55 =	vpop (erf)  }
0x25d: {  	v27 =	vsel vm2, $0x0, v27;
	v26 =	vmul.f32 v26, v10;
	v33 =	vadd.f32 v55, v33  }
0x25e: {  	v54 =	vadd.f32 v3, v7;
	v7 =	vld [tilespmem:s2+$0x8180];
	v57 =	vpop (erf);
	v56 =	vmul.f32 $1.442695020e+00, v5;
	(erf) = vpow2.f32 v53  }
0x25f: {  	v9 =	vshrl.u32 v9, $0x17;
	v27 =	vor.u32 v27, v8;
	v3 =	vld [tilespmem:s2+$0x9180];
	v33 =	vadd.f32 v57, v33  }
0x260: {  	v8 =	vld [tilespmem:s2+$0x8980];
	v23 =	vadd.f32 v23, v54;
	v26 =	vadd.f32 $6.666666860e-01, v26;
	(erf) = vpow2.f32 v56;
	v59 =	vpop (erf)  }
0x261: {  	v61 =	vld.idx.msk [tilespmem:v20+s6+$0x0], $0xffff;
	v20 =	vadd.s32 $0xFFFFFF81, v9;
	v58 =	vmul.f32 $1.442695020e+00, v6;
	v33 =	vadd.f32 v59, v33  }
0x262: {  	s14 =	simm.s32 $0x40;
	v20 =	vcvt.s32.f32 v20;
	s0 =	simm.s32 $0x10;
	v27 =	vor.u32 $0x100, v27;
	v26 =	vmul.f32 v26, v10;
	v10 =	vpop (erf)  }
0x263: {  	s1 =	sand.u32 $0x600, s14;
	s25 =	sand.u32 $0x70, s0;
	v60 =	vmul.f32 $1.442695020e+00, v7;
	(erf) = vpow2.f32 v58;
	v33 =	vadd.f32 v10, v33  }
0x264: {  	v41 =	vsel vm0, $0x0, v11;
	s26 =	sor.u32 s25, s1;
	s1 =	sor.u32 s1, s0;
	v16 =	vadd.f32 v16, v23;
	v62 =	vmul.f32 $1.442695020e+00, v3;
	v23 =	vpop (erf)  }
0x265: {  	v9 =	vld [tilespmem:s26+$0x980];
	s2 =	sor.u32 $0x180, s1;
	v63 =	vmul.f32 $1.442695020e+00, v8;
	(erf) = vpow2.f32 v60;
	v23 =	vadd.f32 v23, v33  }
0x266: {  	v18 =	vadd.f32 v20, v18;
	v16 =	vadd.f32 v22, v16;
	v10 =	vld [tilespmem:s2+$0x0];
	(erf) = vpow2.f32 v62  }
0x267: {  	v14 =	vadd.f32 v13, v14;
	v26 =	vadd.f32 $2.000000000e+00, v26;
	v22 =	vld.idx.msk [tilespmem:v27+s6+$0x0], $0xffff;
	(erf) = vpow2.f32 v63;
	v20 =	vpop (erf)  }
0x268: {  	v11 =	vld [tilespmem:s26+$0x1180];
	v2 =	vadd.f32 v2, v16;
	v16 =	vmul.f32 $6.931471820e-01, v18;
	v13 =	vadd.f32 v20, v23  }
0x269: {  	v12 =	vmul.f32 v26, v12;
	v23 =	vpop (erf)  }
0x26a: {  	v18 =	vmul.f32 $1.442695020e+00, v9;
	v26 =	vmul.f32 $-8.944444650e-01, v61;
	v20 =	vld [tilespmem:s26+$0x1980];
	v23 =	vadd.f32 v23, v13  }
0x26b: {  	v2 =	vmul.f32 $-5.555555690e-03, v2;
	v27 =	vmul.f32 $1.442695020e+00, v10  }
0x26c: {  	v12 =	vadd.f32 v12, v16;
	(erf) = vpow2.f32 v18;
	v18 =	vld [tilespmem:s26+$0x2180];
	v22 =	vmul.f32 $-8.944444650e-01, v22;
	v16 =	vpop (erf)  }
0x26d: {  	v42 =	vmul.f32 $1.442695020e+00, v11;
	(erf) = vpow2.f32 v27;
	v16 =	vadd.f32 v16, v23  }
0x26e: {  	v14 =	vadd.f32 v26, v14;
	v2 =	vadd.f32 v2, v12;
	v13 =	vld [tilespmem:s26+$0x2980];
	v23 =	vpop (erf)  }
0x26f: {  	v12 =	vld [tilespmem:s26+$0x3180];
	v26 =	vmul.f32 $1.442695020e+00, v20;
	(erf) = vpow2.f32 v42;
	v16 =	vadd.f32 v23, v16;
	v23 =	vpop (erf)  }
0x270: {  	v4 =	vadd.f32 v41, v4;
	v2 =	vadd.f32 v22, v2;
	v27 =	vsel vm1, $0x0, v14;
	v22 =	vpop (erf)  }
0x271: {  	v14 =	vld [tilespmem:s26+$0x3980];
	v43 =	vmul.f32 $1.442695020e+00, v18;
	(erf) = vpow2.f32 v26;
	v22 =	vadd.f32 v22, v16  }
0x272: {  	v15 =	vadd.f32 v15, v17;
	v4 =	vadd.f32 v27, v4;
	v2 =	vsel vm2, $0x0, v2  }
0x273: {  	v27 =	vmul.f32 $1.442695020e+00, v13;
	(erf) = vpow2.f32 v43;
	v16 =	vld [tilespmem:s26+$0x4180];
	v26 =	vadd.f32 v23, v22  }
0x274: {  	v17 =	vmul.f32 $1.442695020e+00, v12;
	v2 =	vadd.f32 v2, v4;
	v4 =	vld [tilespmem:s26+$0x9180]  }
0x275: {  	v23 =	vpop (erf);
	v22 =	vadd.f32 v28, v15;
	v15 =	vld [tilespmem:s26+$0x4980];
	(erf) = vpow2.f32 v27;
	v27 =	vand.u32 $0x7FFFFF, v26  }
0x276: {  	v28 =	vmul.f32 $1.442695020e+00, v14;
	v44 =	vpop (erf);
	(erf) = vpow2.f32 v17;
	v27 =	vor.u32 $0x3F800000, v27  }
0x277: {  	v24 =	vadd.f32 v24, v22;
	v22 =	vld [tilespmem:s26+$0x5180];
	v33 =	vadd.f32 v23, v44;
	v45 =	vmul.f32 $5.000000000e-01, v27  }
0x278: {  	v17 =	vld [tilespmem:s26+$0x5980];
	v46 =	vmul.f32 $1.442695020e+00, v16;
	v47 =	vpop (erf);
	(erf) = vpow2.f32 v28;
	vm0 =	vgt.f32 v27, $1.414213540e+00  }
0x279: {  	v23 =	vld [tilespmem:s26+$0x8980];
	v48 =	vadd.f32 v19, v24;
	v28 =	vadd.f32 v47, v33;
	v49 =	vsel vm0, v45, v27  }
0x27a: {  	v37 =	vmul.f32 $1.442695020e+00, v4;
	v24 =	vld [tilespmem:s26+$0x8180];
	v53 =	vmul.f32 $1.442695020e+00, v15;
	v27 =	vpop (erf);
	v54 =	vadd.f32 $1.000000000e+00, v49  }
0x27b: {  	s14 =	simm.s32 $0x80;
	s10 =	simm.s32 $0x20;
	v19 =	vld [tilespmem:s26+$0x6180];
	(erf) = vpow2.f32 v46;
	v33 =	vadd.f32 v21, v48;
	v28 =	vadd.f32 v27, v28  }
0x27c: {  	s9 =	sand.u32 $0x600, s14;
	s30 =	sand.u32 $0x70, s10;
	v57 =	vor.u32 s6, v1;
	v21 =	vld [tilespmem:s26+$0x6980];
	v55 =	vpop (erf);
	v56 =	vmul.f32 $1.442695020e+00, v22;
	(erf) = vrcp.f32 v54  }
0x27d: {  	s13 =	sor.u32 s30, s9;
	v27 =	vld [tilespmem:s26+$0x7980];
	v33 =	vadd.f32 v25, v33;
	v38 =	vadd.f32 v55, v28;
	(erf) = vpow2.f32 v53  }
0x27e: {  	v60 =	vmov s6;
	v58 =	vmul.f32 $1.442695020e+00, v17;
	v39 =	vmul.f32 $1.442695020e+00, v23;
	v25 =	vld [tilespmem:s13+$0x4180];
	v59 =	vpop (erf)  }
0x27f: {  	v28 =	vld [tilespmem:s26+$0x7180];
	v33 =	vadd.f32 v29, v33;
	v38 =	vadd.f32 v59, v38;
	(erf) = vpow2.f32 v56  }
0x280: {  	v63 =	vand.u32 $0x7F, v57;
	v62 =	vmul.f32 $1.442695020e+00, v19;
	v42 =	vmul.f32 $1.442695020e+00, v24;
	v61 =	vpop (erf)  }
0x281: {  	v29 =	vld [tilespmem:s13+$0x1180];
	(erf) = vpow2.f32 v58;
	v33 =	vadd.f32 v30, v33;
	v38 =	vadd.f32 v61, v38  }
0x282: {  	v45 =	vshll.u32 v60, $0x2;
	v51 =	vmul.f32 $1.442695020e+00, v21;
	v56 =	vld [tilespmem:s24+$0x13000];
	v52 =	vmul.f32 $1.442695020e+00, v27;
	v50 =	vpop (erf)  }
0x283: {  	v30 =	vld [tilespmem:s13+$0x980];
	(erf) = vpow2.f32 v62;
	v33 =	vadd.f32 v32, v33;
	v38 =	vadd.f32 v50, v38  }
0x284: {  	s31 =	sor.u32 s9, s10;
	v40 =	vadd.f32 $-1.000000000e+00, v49;
	v32 =	vmul.f32 $1.442695020e+00, v25;
	v53 =	vmul.f32 $1.442695020e+00, v28;
	v54 =	vpop (erf)  }
0x285: {  	s6 =	sor.u32 $0x180, s31;
	(erf) = vpow2.f32 v51;
	v55 =	vadd.f32 v31, v33;
	v38 =	vadd.f32 v54, v38;
	v57 =	vpop (erf)  }
0x286: {  	v59 =	vand.u32 $0x600, v45;
	v41 =	vmul.f32 $1.442695020e+00, v29;
	v31 =	vld [tilespmem:s6+$0x0];
	v58 =	vpop (erf);
	v33 =	vmul.f32 v57, v40  }
0x287: {  	(erf) = vpow2.f32 v53;
	v61 =	vadd.f32 v34, v55;
	v60 =	vadd.f32 v58, v38  }
0x288: {  	vm1 =	veq.s32 v56, $0xFF;
	v43 =	vmul.f32 $1.442695020e+00, v30;
	v62 =	vpop (erf);
	v38 =	vmul.f32 v33, v33  }
0x289: {  	(erf) = vpow2.f32 v52;
	v46 =	vadd.f32 v35, v61;
	v45 =	vadd.f32 v62, v60  }
0x28a: {  	v34 =	vor.u32 v63, v59;
	v40 =	vshll.u32 v56, $0xB;
	v63 =	vpop (erf);
	v52 =	vmul.f32 $2.857142980e-01, v38  }
0x28b: {  	s5 =	simm.s32 $0x30;
	v35 =	vmul.f32 $1.442695020e+00, v31;
	v53 =	vadd.f32 v36, v46;
	v44 =	vadd.f32 v63, v45  }
.LBB2_13:
0x28c: {  	p0 =	sne.s32 s5, $0x1F0;
	v36 =	vpop (erf);
	(erf) = vpow2.f32 v42;
	v42 =	vadd.f32 $4.000000060e-01, v52;
	v40 =	vsel vm1, $0x0, v40  }
0x28d: {  	v36 =	vadd.f32 v36, v44;
	(erf) = vpow2.f32 v37;
	v44 =	vadd.f32 v5, v53;
	v5 =	vmovc v28  }
0x28e: {  	v34 =	vor.u32 v40, v34;
	v28 =	vpop (erf);
	(erf) = vpow2.f32 v39;
	v39 =	vmul.f32 v42, v38  }
0x28f: {  	v34 =	vor.u32 $0x180, v34;
	v28 =	vadd.f32 v28, v36;
	v36 =	vadd.f32 v6, v44;
	v6 =	vmovc v27  }
0x290: {  	v26 =	vshrl.u32 v26, $0x17;
	v27 =	vld [tilespmem:s13+$0x1980];
	(erf) = vpow2.f32 v43;
	v37 =	vpop (erf);
	v39 =	vadd.f32 $6.666666860e-01, v39  }
0x291: {  	v26 =	vadd.s32 $0xFFFFFF81, v26;
	v28 =	vadd.f32 v37, v28;
	v36 =	vadd.f32 v7, v36;
	v7 =	vmovc v24  }
0x292: {  	v26 =	vcvt.s32.f32 v26;
	v40 =	vld [tilespmem:s13+$0x2180];
	v24 =	vpop (erf);
	v39 =	vmul.f32 v39, v38  }
0x293: {  	v38 =	vld [tilespmem:s13+$0x2980];
	v24 =	vadd.f32 v24, v28;
	v28 =	vadd.f32 v8, v36;
	v36 =	vsel vm0, $0x3F800000, v0;
	v8 =	vmovc v23  }
0x294: {  	(erf) = vpow2.f32 v35;
	v23 =	vadd.f32 v26, v36;
	v26 =	vadd.f32 $2.000000000e+00, v39;
	v34 =	vld.idx.msk [tilespmem:v34+s4+$0x0], $0xffff  }
0x295: {  	v35 =	vld [tilespmem:s13+$0x3980];
	v42 =	vmul.f32 $1.442695020e+00, v27;
	(erf) = vpow2.f32 v41;
	v37 =	vpop (erf);
	v28 =	vadd.f32 v3, v28  }
0x296: {  	v39 =	vld [tilespmem:s13+$0x3180];
	v24 =	vadd.f32 v37, v24;
	v37 =	vpop (erf);
	v26 =	vmul.f32 v26, v33;
	v23 =	vmul.f32 $6.931471820e-01, v23  }
0x297: {  	v3 =	vmov v4;
	v33 =	vmul.f32 $1.442695020e+00, v40;
	(erf) = vpow2.f32 v42;
	v36 =	vpop (erf)  }
0x298: {  	v4 =	vadd.f32 v36, v24;
	v23 =	vadd.f32 v26, v23;
	v24 =	vmul.f32 $-5.555555690e-03, v28  }
0x299: {  	v28 =	vmul.f32 $1.442695020e+00, v38;
	v36 =	vpop (erf);
	(erf) = vpow2.f32 v33;
	v33 =	vadd.f32 v9, v10  }
0x29a: {  	v9 =	vmovc v30;
	v10 =	vmovc v31;
	v26 =	vadd.f32 v37, v4;
	v23 =	vadd.f32 v24, v23;
	v37 =	vmul.f32 $-8.944444650e-01, v34  }
0x29b: {  	v31 =	vmul.f32 $1.442695020e+00, v35;
	v4 =	vld [tilespmem:s13+$0x9180];
	v41 =	vmul.f32 $1.442695020e+00, v39;
	v33 =	vadd.f32 v11, v33;
	v11 =	vmovc v29  }
0x29c: {  	v34 =	vld [tilespmem:s13+$0x4980];
	(erf) = vpow2.f32 v28;
	v28 =	vand.u32 $0x7FFFFF, v26;
	v23 =	vadd.f32 v37, v23  }
0x29d: {  	v24 =	vpop (erf);
	(erf) = vpow2.f32 v41;
	v29 =	vadd.f32 v20, v33;
	v28 =	vor.u32 $0x3F800000, v28  }
0x29e: {  	v43 =	vld [tilespmem:s13+$0x5180];
	v24 =	vadd.f32 v36, v24;
	v30 =	vpop (erf);
	v33 =	vmul.f32 $5.000000000e-01, v28;
	v36 =	vsel vm1, $0x0, v23  }
0x29f: {  	v20 =	vmovc v27;
	vm0 =	vgt.f32 v28, $1.414213540e+00;
	v23 =	vld [tilespmem:s13+$0x8980];
	(erf) = vpow2.f32 v31;
	v2 =	vadd.f32 v36, v2  }
0x2a0: {  	v29 =	vadd.f32 v18, v29;
	v36 =	vld [tilespmem:s13+$0x5980];
	v27 =	vadd.f32 v30, v24;
	v30 =	vpop (erf);
	v31 =	vsel vm0, v33, v28  }
0x2a1: {  	v18 =	vmovc v40;
	v37 =	vmul.f32 $1.442695020e+00, v4;
	v24 =	vld [tilespmem:s13+$0x8180];
	v28 =	vmul.f32 $1.442695020e+00, v34;
	v33 =	vadd.f32 $1.000000000e+00, v31  }
0x2a2: {  	v29 =	vadd.f32 v13, v29;
	v40 =	vld [tilespmem:s13+$0x6180];
	v30 =	vadd.f32 v30, v27;
	v41 =	vpop (erf);
	(erf) = vpow2.f32 v32  }
0x2a3: {  	s14 =	sadd.s32 $0x40, s14;
	v44 =	vor.u32 s0, v1;
	v13 =	vmovc v38;
	v27 =	vld [tilespmem:s13+$0x7980];
	v32 =	vmul.f32 $1.442695020e+00, v43;
	(erf) = vrcp.f32 v33  }
0x2a4: {  	s1 =	sand.u32 $0x70, s5;
	s9 =	sand.u32 $0x600, s14;
	v29 =	vadd.f32 v12, v29;
	v12 =	vmovc v39;
	v45 =	vld [tilespmem:s13+$0x6980];
	v30 =	vadd.f32 v41, v30;
	(erf) = vpow2.f32 v28  }
0x2a5: {  	v39 =	vmul.f32 $1.442695020e+00, v23;
	v41 =	vmov s0;
	s0 =	smov.u32 s10;
	s10 =	smov.u32 s5;
	v28 =	vld [tilespmem:s13+$0x7180];
	s13 =	sor.u32 s1, s9;
	v33 =	vmul.f32 $1.442695020e+00, v36;
	v38 =	vpop (erf)  }
0x2a6: {  	v46 =	vld [tilespmem:s13+$0x4180];
	v30 =	vadd.f32 v38, v30;
	v38 =	vpop (erf);
	(erf) = vpow2.f32 v32;
	v32 =	vadd.f32 v14, v29  }
0x2a7: {  	v44 =	vand.u32 $0x7F, v44;
	v42 =	vmul.f32 $1.442695020e+00, v24;
	v14 =	vmovc v35;
	v47 =	vmul.f32 $1.442695020e+00, v40  }
0x2a8: {  	v29 =	vld [tilespmem:s13+$0x1180];
	v35 =	vadd.f32 v38, v30;
	v38 =	vpop (erf);
	(erf) = vpow2.f32 v33;
	v32 =	vadd.f32 v16, v32  }
0x2a9: {  	v49 =	vshll.u32 v41, $0x2;
	v48 =	vmul.f32 $1.442695020e+00, v27;
	v16 =	vmovc v25;
	v50 =	vmul.f32 $1.442695020e+00, v45  }
0x2aa: {  	v30 =	vld [tilespmem:s13+$0x980];
	v25 =	vadd.f32 v38, v35;
	(erf) = vpow2.f32 v47;
	v35 =	vadd.f32 v15, v32;
	v15 =	vmovc v34  }
0x2ab: {  	s1 =	sor.u32 s9, s5;
	v34 =	vmul.f32 $1.442695020e+00, v28;
	v47 =	vadd.f32 $-1.000000000e+00, v31;
	v32 =	vmul.f32 $1.442695020e+00, v46;
	v38 =	vpop (erf)  }
0x2ac: {  	v25 =	vadd.f32 v38, v25;
	(erf) = vpow2.f32 v50;
	v50 =	vadd.f32 v22, v35;
	v35 =	vld [tilespmem:s2+$0x13000];
	v33 =	vpop (erf);
	s2 =	smov.u32 s6;
	s6 =	sor.u32 $0x180, s1  }
0x2ad: {  	v31 =	vld [tilespmem:s6+$0x0];
	v41 =	vmul.f32 $1.442695020e+00, v29;
	v38 =	vpop (erf);
	v33 =	vmul.f32 v33, v47;
	v47 =	vand.u32 $0x600, v49  }
.Ltmp5:
0x2ae: {  	v22 =	vmovc v43;
	v51 =	vadd.f32 v38, v25;
	(erf) = vpow2.f32 v34;
	v49 =	vadd.f32 v17, v50;
	v17 =	vmovc v36;
	(pc) =	sbr.rel @p0 .LBB2_13-.Ltmp5, $4  }
0x2af: {  	v34 =	vor.u32 v44, v47;
	v43 =	vmul.f32 $1.442695020e+00, v30;
	v36 =	vpop (erf);
	v38 =	vmul.f32 v33, v33  }
0x2b0: {  	v36 =	vadd.f32 v36, v51;
	(erf) = vpow2.f32 v48;
	v47 =	vadd.f32 v19, v49;
	v19 =	vmovc v40;
	v25 =	vmovc v46  }
0x2b1: {  	v44 =	vpop (erf);
	v52 =	vmul.f32 $2.857142980e-01, v38;
	vm1 =	veq.s32 v35, $0xFF;
	v40 =	vshll.u32 v35, $0xB  }
0x2b2: {  	s5 =	sadd.s32 $0x10, s5;
	v35 =	vmul.f32 $1.442695020e+00, v31;
	v44 =	vadd.f32 v44, v36;
	v53 =	vadd.f32 v21, v47;
	v21 =	vmovc v45  }
0x2b3: {  	(erf) = vpow2.f32 v42  }
0x2b4: {  	v36 =	vpop (erf);
	(erf) = vpow2.f32 v37  }
0x2b5: {  	v36 =	vadd.f32 v36, v44;
	(erf) = vpow2.f32 v39  }
0x2b6: {  	v58 =	vpop (erf)  }
0x2b7: {  	v36 =	vadd.f32 v58, v36  }
0x2b8: {  	v51 =	vld [tilespmem:s13+$0x1980];
	v59 =	vpop (erf)  }
0x2b9: {  	v36 =	vadd.f32 v59, v36  }
0x2ba: {  	v50 =	vld [tilespmem:s13+$0x2180];
	(erf) = vpow2.f32 v43;
	v60 =	vpop (erf)  }
0x2bb: {  	(erf) = vpow2.f32 v35;
	v36 =	vadd.f32 v60, v36  }
0x2bc: {  	v49 =	vld [tilespmem:s13+$0x2980];
	v61 =	vpop (erf)  }
0x2bd: {  	v62 =	vmul.f32 $1.442695020e+00, v51;
	(erf) = vpow2.f32 v41;
	v35 =	vadd.f32 v61, v36;
	v63 =	vpop (erf)  }
0x2be: {  	v48 =	vld [tilespmem:s13+$0x3180];
	v39 =	vpop (erf)  }
0x2bf: {  	v45 =	vld [tilespmem:s13+$0x3980];
	v47 =	vmul.f32 $1.442695020e+00, v50;
	(erf) = vpow2.f32 v62;
	v35 =	vadd.f32 v39, v35;
	_ =	sdelay $0x1  }
0x2c0: {  	v54 =	vmul.f32 $1.442695020e+00, v49;
	(erf) = vpow2.f32 v47;
	v35 =	vadd.f32 v63, v35;
	_ =	sdelay $0x1  }
0x2c1: {  	v56 =	vmul.f32 $1.442695020e+00, v48;
	v55 =	vpop (erf);
	(erf) = vpow2.f32 v54;
	v57 =	vand.u32 $0x7FFFFF, v35  }
0x2c2: {  	v46 =	vld [tilespmem:s13+$0x4980];
	v58 =	vmul.f32 $1.442695020e+00, v45;
	v59 =	vpop (erf);
	v37 =	vor.u32 $0x3F800000, v57  }
0x2c3: {  	(erf) = vpow2.f32 v56;
	v36 =	vadd.f32 v55, v59;
	v60 =	vmul.f32 $5.000000000e-01, v37  }
0x2c4: {  	v47 =	vld [tilespmem:s13+$0x5180];
	v61 =	vpop (erf);
	vm2 =	vgt.f32 v37, $1.414213540e+00  }
0x2c5: {  	(erf) = vpow2.f32 v58;
	v36 =	vadd.f32 v61, v36;
	v54 =	vsel vm2, v60, v37  }
0x2c6: {  	v44 =	vld [tilespmem:s13+$0x5980];
	v62 =	vpop (erf);
	v39 =	vadd.f32 $1.000000000e+00, v54  }
0x2c7: {  	v42 =	vld [tilespmem:s13+$0x6180];
	v63 =	vmul.f32 $1.442695020e+00, v46;
	(erf) = vpow2.f32 v32;
	v36 =	vadd.f32 v62, v36  }
0x2c8: {  	v43 =	vld [tilespmem:s13+$0x6980];
	v55 =	vpop (erf);
	(erf) = vrcp.f32 v39  }
0x2c9: {  	v56 =	vmul.f32 $1.442695020e+00, v47;
	v32 =	vadd.f32 v55, v36;
	(erf) = vpow2.f32 v63  }
0x2ca: {  	v57 =	vpop (erf)  }
0x2cb: {  	v58 =	vmul.f32 $1.442695020e+00, v44;
	v32 =	vadd.f32 v57, v32;
	(erf) = vpow2.f32 v56  }
0x2cc: {  	v41 =	vld [tilespmem:s13+$0x7180];
	v60 =	vmul.f32 $1.442695020e+00, v42;
	v59 =	vpop (erf)  }
0x2cd: {  	v55 =	vmul.f32 $1.442695020e+00, v43;
	v32 =	vadd.f32 v59, v32;
	(erf) = vpow2.f32 v58  }
0x2ce: {  	v39 =	vld [tilespmem:s13+$0x7980];
	v61 =	vpop (erf)  }
0x2cf: {  	v37 =	vld [tilespmem:s13+$0x8180];
	v36 =	vadd.f32 v61, v32;
	(erf) = vpow2.f32 v60  }
0x2d0: {  	v56 =	vpop (erf)  }
0x2d1: {  	v57 =	vmul.f32 $1.442695020e+00, v41;
	v32 =	vld [tilespmem:s13+$0x9180];
	(erf) = vpow2.f32 v55;
	v56 =	vadd.f32 v56, v36;
	v55 =	vpop (erf)  }
0x2d2: {  	v36 =	vld [tilespmem:s13+$0x8980];
	v58 =	vpop (erf)  }
0x2d3: {  	v59 =	vmul.f32 $1.442695020e+00, v39;
	(erf) = vpow2.f32 v57;
	v56 =	vadd.f32 v58, v56  }
0x2d4: {  	v63 =	vmul.f32 $1.442695020e+00, v37;
	v62 =	vpop (erf)  }
0x2d5: {  	(erf) = vpow2.f32 v59;
	v56 =	vadd.f32 v62, v56  }
0x2d6: {  	v60 =	vmul.f32 $1.442695020e+00, v32;
	v61 =	vpop (erf)  }
0x2d7: {  	(erf) = vpow2.f32 v63;
	v62 =	vmul.f32 $1.442695020e+00, v36;
	v56 =	vadd.f32 v61, v56  }
0x2d8: {  	v5 =	vadd.f32 v5, v53;
	(erf) = vpow2.f32 v60;
	v63 =	vpop (erf)  }
0x2d9: {  	(erf) = vpow2.f32 v62;
	v56 =	vadd.f32 v63, v56  }
0x2da: {  	v5 =	vadd.f32 v6, v5;
	v60 =	vpop (erf)  }
0x2db: {  	v9 =	vadd.f32 v9, v10;
	v10 =	vadd.f32 v60, v56  }
0x2dc: {  	v5 =	vadd.f32 v7, v5;
	v61 =	vpop (erf)  }
0x2dd: {  	v9 =	vadd.f32 v11, v9;
	v10 =	vadd.f32 v61, v10  }
0x2de: {  	v5 =	vadd.f32 v8, v5;
	v63 =	vpop (erf)  }
0x2df: {  	v9 =	vadd.f32 v20, v9;
	v10 =	vadd.f32 v63, v10  }
0x2e0: {  	v3 =	vadd.f32 v3, v5;
	v62 =	vadd.f32 $4.000000060e-01, v52;
	v53 =	vpop (erf)  }
0x2e1: {  	v52 =	vadd.f32 v18, v9;
	v56 =	vpop (erf);
	v9 =	vadd.f32 v53, v10  }
0x2e2: {  	v3 =	vmul.f32 $-5.555555690e-03, v3;
	v57 =	vshrl.u32 v26, $0x17;
	v58 =	vpop (erf)  }
0x2e3: {  	v7 =	vadd.s32 $0xFFFFFF81, v57;
	v59 =	vadd.f32 v30, v31;
	v9 =	vadd.f32 v58, v9  }
0x2e4: {  	v26 =	vadd.f32 $-1.000000000e+00, v54;
	v7 =	vcvt.s32.f32 v7;
	v30 =	vld [tilespmem:s2+$0x13000];
	v11 =	vmul.f32 v62, v38  }
0x2e5: {  	v31 =	vor.u32 s0, v1;
	v8 =	vadd.f32 v29, v59;
	v9 =	vadd.f32 v56, v9  }
0x2e6: {  	v29 =	vmul.f32 v55, v26;
	v6 =	vadd.f32 v13, v52;
	v11 =	vadd.f32 $6.666666860e-01, v11  }
0x2e7: {  	v8 =	vadd.f32 v51, v8;
	v51 =	vmov s10;
	v62 =	vand.u32 $0x7FFFFF, v9  }
0x2e8: {  	v6 =	vadd.f32 v12, v6;
	v11 =	vmul.f32 v11, v38;
	v12 =	vor.u32 $0x3F800000, v62  }
0x2e9: {  	vm14 =	veq.s32 v30, $0xFF;
	v60 =	vsel vm0, $0x3F800000, v0;
	v63 =	vmul.f32 $5.000000000e-01, v12  }
0x2ea: {  	v7 =	vadd.f32 v7, v60;
	v11 =	vadd.f32 $2.000000000e+00, v11;
	vm3 =	vgt.f32 v12, $1.414213540e+00  }
0x2eb: {  	v18 =	vadd.f32 v50, v8;
	v6 =	vadd.f32 v14, v6;
	v20 =	vsel vm3, v63, v12  }
0x2ec: {  	v7 =	vmul.f32 $6.931471820e-01, v7;
	v11 =	vmul.f32 v11, v33;
	v12 =	vadd.f32 $1.000000000e+00, v20  }
0x2ed: {  	v50 =	vor.u32 s10, v1;
	v61 =	vsel vm1, $0x0, v40;
	v6 =	vadd.f32 v16, v6  }
0x2ee: {  	v16 =	vadd.f32 v11, v7;
	v7 =	vadd.f32 v49, v18;
	(erf) = vrcp.f32 v12  }
0x2ef: {  	v6 =	vadd.f32 v15, v6;
	v10 =	vor.u32 v61, v34;
	v34 =	vmul.f32 v29, v29  }
0x2f0: {  	v40 =	vsel vm2, $0x3F800000, v0;
	v33 =	vmov s0;
	v7 =	vadd.f32 v48, v7  }
0x2f1: {  	v13 =	vshll.u32 v33, $0x2;
	v6 =	vadd.f32 v22, v6;
	v38 =	vmul.f32 $2.857142980e-01, v34  }
0x2f2: {  	v10 =	vor.u32 $0x180, v10;
	v13 =	vand.u32 $0x600, v13;
	v7 =	vadd.f32 v45, v7  }
0x2f3: {  	v11 =	vshll.u32 v30, $0xB;
	v6 =	vadd.f32 v17, v6;
	v15 =	vadd.f32 $4.000000060e-01, v38  }
0x2f4: {  	v18 =	vshll.u32 v51, $0x2;
	v11 =	vsel vm14, $0x0, v11;
	v48 =	vld [tilespmem:s6+$0x13000];
	v7 =	vadd.f32 v25, v7  }
0x2f5: {  	v18 =	vand.u32 $0x600, v18;
	v6 =	vadd.f32 v19, v6;
	v15 =	vmul.f32 v15, v34  }
0x2f6: {  	v9 =	vshrl.u32 v9, $0x17;
	v7 =	vadd.f32 v46, v7;
	v8 =	vadd.f32 $-1.000000000e+00, v20  }
0x2f7: {  	v3 =	vadd.f32 v3, v16;
	v9 =	vadd.s32 $0xFFFFFF81, v9;
	v6 =	vadd.f32 v21, v6;
	v45 =	vpop (erf)  }
0x2f8: {  	v15 =	vadd.f32 $6.666666860e-01, v15;
	v7 =	vadd.f32 v47, v7;
	v8 =	vmul.f32 v45, v8  }
0x2f9: {  	v57 =	vcvt.s32.f32 v9;
	vm15 =	veq.s32 v48, $0xFF;
	v16 =	vshll.u32 v48, $0xB  }
0x2fa: {  	v6 =	vadd.f32 v28, v6;
	v7 =	vadd.f32 v44, v7;
	v49 =	vmul.f32 v8, v8  }
0x2fb: {  	v46 =	vshrl.u32 v35, $0x17;
	v14 =	vmul.f32 v15, v34;
	v15 =	vand.u32 $0x7F, v50  }
0x2fc: {  	v16 =	vsel vm15, $0x0, v16;
	v7 =	vadd.f32 v42, v7;
	v52 =	vmul.f32 $2.857142980e-01, v49  }
0x2fd: {  	v15 =	vor.u32 v15, v18;
	v6 =	vadd.f32 v27, v6;
	v12 =	vand.u32 $0x7F, v31  }
0x2fe: {  	v12 =	vor.u32 v12, v13;
	v7 =	vadd.f32 v43, v7;
	v19 =	vadd.f32 $4.000000060e-01, v52  }
0x2ff: {  	v47 =	vadd.s32 $0xFFFFFF81, v46;
	v55 =	vor.u32 v16, v15;
	v11 =	vor.u32 v11, v12  }
0x300: {  	v11 =	vor.u32 $0x180, v11;
	v7 =	vadd.f32 v41, v7;
	v54 =	vmul.f32 v19, v49  }
0x301: {  	v14 =	vadd.f32 $2.000000000e+00, v14;
	v6 =	vadd.f32 v24, v6;
	v12 =	vcvt.s32.f32 v47  }
0x302: {  	v10 =	vld.idx.msk [tilespmem:v10+s4+$0x0], $0xffff;
	v13 =	vor.u32 $0x180, v55;
	v7 =	vadd.f32 v39, v7;
	v56 =	vadd.f32 $6.666666860e-01, v54  }
0x303: {  	v53 =	vsel vm3, $0x3F800000, v0;
	v6 =	vadd.f32 v23, v6;
	v12 =	vadd.f32 v12, v40  }
0x304: {  	v5 =	vmul.f32 v14, v29;
	v7 =	vadd.f32 v37, v7;
	v58 =	vmul.f32 v56, v49  }
0x305: {  	v4 =	vadd.f32 v4, v6;
	v6 =	vadd.f32 v57, v53;
	v12 =	vmul.f32 $6.931471820e-01, v12;
	v11 =	vld.idx.msk [tilespmem:v11+s4+$0x0], $0xffff  }
0x306: {  	v7 =	vadd.f32 v36, v7;
	v9 =	vadd.f32 $2.000000000e+00, v58  }
0x307: {  	s30 =	sshll.u32 s29, $0x1;
	v10 =	vmul.f32 $-8.944444650e-01, v10;
	v59 =	vld.idx.msk [tilespmem:v13+s4+$0x0], $0xffff;
	v4 =	vmul.f32 $-5.555555690e-03, v4;
	v5 =	vadd.f32 v5, v12  }
0x308: {  	s14 =	smin.u32 s30, $0xB;
	v6 =	vmul.f32 $6.931471820e-01, v6;
	v7 =	vadd.f32 v32, v7;
	v8 =	vmul.f32 v9, v8  }
0x309: {  	s1 =	sadd.s32 s14, s11;
	v3 =	vadd.f32 v10, v3;
	v4 =	vadd.f32 v4, v5  }
0x30a: {  	s0 =	sshrl.u32 s1, $0x7;
	v60 =	vmul.f32 $-8.944444650e-01, v11;
	v7 =	vmul.f32 $-5.555555690e-03, v7;
	v6 =	vadd.f32 v8, v6  }
0x30b: {  	s24 =	sshll.u32 s1, $0xB;
	s25 =	smul.u32 $0x4C0000, s0;
	v3 =	vsel vm1, $0x0, v3  }
0x30c: {  	s2 =	sand.u32 $0x3F000, s24;
	s1 =	sshll.u32 s1, $0x9;
	v62 =	vmul.f32 $-8.944444650e-01, v59;
	v4 =	vadd.f32 v60, v4;
	v61 =	vadd.f32 v7, v6  }
0x30d: {  	s5 =	sand.u32 $0x200, s1;
	s26 =	sor.u32 s25, s2;
	v2 =	vadd.f32 v3, v2  }
0x30e: {  	s1 =	sor.u32 s5, s26;
	v3 =	vsel vm14, $0x0, v4;
	v63 =	vadd.f32 v62, v61  }
0x30f: {  	s31 =	rddreg [dreg:$0x0];
	s1 =	sshrl.u32 s1, $0x3;
	v2 =	vadd.f32 v3, v2  }
0x310: {  	s6 =	sadd.s32 s31, s1;
	v3 =	vsel vm15, $0x0, v63  }
0x311: {  	s9 =	simm.s32 $0x2000;
	s13 =	simm.s32 $0x0;
	s10 =	sadd.s32 $0x8000, s6;
	v2 =	vadd.f32 v3, v2  }
.LBB2_15:
0x312: {  	[tilespmem:s13], [sflag:$0x1] =	stream.strided.gather [hbm4b:s6+s15], $0x800, s16, s15, $0x38;
	[tilespmem:$0x14080] =	vst v63  }
0x313: {  	s1 =	smov.u32 s9;
	s6 =	smov.u32 s10;
	p0 =	sne.s32 s9, $0x24000  }
.Ltmp6:
0x314: {  	s9 =	sadd.s32 $0x2000, s9;
	(pc) =	sbr.rel @p0 .LBB2_15-.Ltmp6, $2  }
0x315: {  	_ =	sdelay $0x2  }
0x316: {  	s10 =	sadd.s32 $0x8000, s10;
	s13 =	sshra.s32 s1, $0x2  }
0x317: {  	[tilespmem:s13], [sflag:$0x1] =	stream.strided.gather [hbm4b:s6+s15], $0x800, s16, s15, $0x38;
	[tilespmem:$0x14080] =	vst v63  }
0x318: {  	s0 =	sshll.u32 s0, $0x12  }
0x319: {  	s0 =	sor.u32 s0, s2  }
0x31a: {  	s0 =	sor.u32 s5, s0  }
0x31b: {  	s0 =	sshrl.u32 s0, $0x3  }
0x31c: {  	s0 =	sadd.s32 s3, s0  }
0x31d: {  	[tilespmem:s17], [sflag:$0x3] =	stream.strided.gather [hbm4b:s0+s15], $0x800, s16, s15, $0x38;
	[tilespmem:$0x14080] =	vst v63  }
0x31e: {  	_ =	swait.ge [sflag:s21], $0x9800  }
0x31f: {  	[sflag:s21] =	ssyncset.done $0x0  }
0x320: {  	[sflag:s21] =	ssyncadd.s32 $0xFFFF6800  }
0x321: {  	s10 =	simm.s32 $0x0;
	_ =	swait.ge [sflag:s22], $0x800  }
0x322: {  	s1 =	sand.u32 $0x70, s10;
	s13 =	sand.u32 $0x600, s10;
	[sflag:s22] =	ssyncset.done $0x0  }
0x323: {  	s24 =	sor.u32 s1, s13;
	[sflag:s22] =	ssyncadd.s32 $0xFFFFF800  }
0x324: {  	v6 =	vld [tilespmem:s24+$0x9800]  }
0x325: {  	v14 =	vld [tilespmem:s24+$0xA000];
	_ =	sdelay $0x1  }
0x326: {  	v15 =	vld [tilespmem:s24+$0xA800];
	_ =	sdelay $0x1  }
0x327: {  	v17 =	vld [tilespmem:s24+$0xB000];
	v3 =	vmul.f32 $1.442695020e+00, v6  }
0x328: {  	v16 =	vld [tilespmem:s24+$0xB800];
	v5 =	vmul.f32 $1.442695020e+00, v14  }
0x329: {  	v4 =	vld [tilespmem:s24+$0xD000];
	(erf) = vpow2.f32 v3  }
0x32a: {  	v3 =	vmul.f32 $1.442695020e+00, v15;
	(erf) = vpow2.f32 v5;
	v5 =	vld [tilespmem:s24+$0xC000];
	_ =	sdelay $0x1  }
0x32b: {  	v7 =	vmul.f32 $1.442695020e+00, v17;
	(erf) = vpow2.f32 v3;
	v3 =	vld [tilespmem:s24+$0xC800]  }
0x32c: {  	v8 =	vmul.f32 $1.442695020e+00, v16  }
0x32d: {  	(erf) = vpow2.f32 v7;
	v7 =	vmul.f32 $1.442695020e+00, v4  }
0x32e: {  	v9 =	vmul.f32 $1.442695020e+00, v5  }
0x32f: {  	(erf) = vpow2.f32 v8  }
0x330: {  	v29 =	vld [tilespmem:s24+$0xD800];
	(erf) = vpow2.f32 v7;
	v8 =	vmul.f32 $1.442695020e+00, v3  }
0x331: {  	v33 =	vld [tilespmem:s24+$0xE000];
	v7 =	vpop (erf);
	(erf) = vpow2.f32 v9  }
0x332: {  	v9 =	vpop (erf)  }
0x333: {  	v35 =	vld [tilespmem:s24+$0xE800];
	(erf) = vpow2.f32 v8;
	v7 =	vadd.f32 v9, v7  }
0x334: {  	v8 =	vpop (erf)  }
0x335: {  	v9 =	vmul.f32 $1.442695020e+00, v29;
	v7 =	vadd.f32 v8, v7  }
0x336: {  	v36 =	vld [tilespmem:s24+$0xF000];
	v10 =	vmul.f32 $1.442695020e+00, v33;
	v8 =	vpop (erf)  }
0x337: {  	v34 =	vld [tilespmem:s24+$0xF800];
	(erf) = vpow2.f32 v9;
	v7 =	vadd.f32 v8, v7  }
0x338: {  	v9 =	vmul.f32 $1.442695020e+00, v35;
	v8 =	vpop (erf)  }
0x339: {  	v11 =	vld [tilespmem:s24+$0x10000];
	(erf) = vpow2.f32 v10;
	v7 =	vadd.f32 v8, v7;
	v8 =	vpop (erf)  }
0x33a: {  	v10 =	vpop (erf)  }
0x33b: {  	v12 =	vmul.f32 $1.442695020e+00, v36;
	(erf) = vpow2.f32 v9;
	v7 =	vadd.f32 v10, v7;
	v10 =	vld [tilespmem:s24+$0x10800]  }
0x33c: {  	v13 =	vmul.f32 $1.442695020e+00, v34;
	v9 =	vpop (erf)  }
0x33d: {  	(erf) = vpow2.f32 v12;
	v7 =	vadd.f32 v9, v7  }
0x33e: {  	v12 =	vmul.f32 $1.442695020e+00, v11  }
0x33f: {  	(erf) = vpow2.f32 v13;
	v9 =	vld [tilespmem:s24+$0x11000];
	v7 =	vadd.f32 v8, v7  }
0x340: {  	v13 =	vpop (erf);
	v18 =	vmul.f32 $1.442695020e+00, v10  }
0x341: {  	(erf) = vpow2.f32 v12;
	v8 =	vld [tilespmem:s24+$0x11800];
	v13 =	vadd.f32 v13, v7  }
0x342: {  	v12 =	vpop (erf)  }
0x343: {  	s14 =	simm.s32 $0x40;
	s2 =	simm.s32 $0x10;
	v7 =	vld [tilespmem:s24+$0x12000];
	v13 =	vadd.f32 v12, v13  }
0x344: {  	s25 =	sand.u32 $0x70, s2;
	s1 =	sand.u32 $0x600, s14;
	v19 =	vmul.f32 $1.442695020e+00, v9;
	(erf) = vpow2.f32 v18;
	v18 =	vpop (erf)  }
0x345: {  	s25 =	sor.u32 s25, s1;
	v12 =	vld [tilespmem:s24+$0x12800];
	v13 =	vadd.f32 v18, v13  }
0x346: {  	v23 =	vld [tilespmem:s25+$0x9800];
	v20 =	vmul.f32 $1.442695020e+00, v8;
	(erf) = vpow2.f32 v19;
	v18 =	vpop (erf)  }
0x347: {  	v13 =	vadd.f32 v18, v13  }
0x348: {  	v26 =	vld [tilespmem:s25+$0xA000];
	v19 =	vmul.f32 $1.442695020e+00, v7;
	(erf) = vpow2.f32 v20;
	v18 =	vpop (erf)  }
0x349: {  	v13 =	vadd.f32 v18, v13  }
0x34a: {  	v22 =	vld [tilespmem:s25+$0xA800];
	v20 =	vmul.f32 $1.442695020e+00, v12;
	(erf) = vpow2.f32 v19;
	v18 =	vpop (erf)  }
0x34b: {  	v13 =	vadd.f32 v18, v13;
	v18 =	vmul.f32 $1.442695020e+00, v23  }
0x34c: {  	(erf) = vpow2.f32 v20;
	v20 =	vld [tilespmem:s25+$0xB000]  }
0x34d: {  	v24 =	vmul.f32 $1.442695020e+00, v26;
	v19 =	vpop (erf)  }
0x34e: {  	v19 =	vadd.f32 v19, v13  }
0x34f: {  	v21 =	vld [tilespmem:s25+$0xB800];
	v25 =	vmul.f32 $1.442695020e+00, v22;
	(erf) = vpow2.f32 v18;
	v18 =	vpop (erf)  }
0x350: {  	v13 =	vld [tilespmem:s25+$0xD000];
	v19 =	vadd.f32 v18, v19  }
0x351: {  	(erf) = vpow2.f32 v24;
	v27 =	vmul.f32 $1.442695020e+00, v20;
	v18 =	vld [tilespmem:s25+$0xC000];
	v24 =	vpop (erf)  }
0x352: {  	v19 =	vadd.f32 v24, v19  }
0x353: {  	v6 =	vadd.f32 v14, v6;
	(erf) = vpow2.f32 v25;
	v25 =	vpop (erf);
	v24 =	vld [tilespmem:s25+$0xC800]  }
0x354: {  	v28 =	vmul.f32 $1.442695020e+00, v21;
	v19 =	vadd.f32 v25, v19  }
0x355: {  	v6 =	vadd.f32 v15, v6;
	(erf) = vpow2.f32 v27;
	v27 =	vpop (erf);
	v25 =	vmul.f32 $1.442695020e+00, v13  }
0x356: {  	(erf) = vpow2.f32 v28;
	v30 =	vmul.f32 $1.442695020e+00, v18;
	v28 =	vadd.f32 v27, v19  }
0x357: {  	v14 =	vld [tilespmem:s25+$0xD800];
	v17 =	vadd.f32 v17, v6  }
0x358: {  	(erf) = vpow2.f32 v25;
	v27 =	vmul.f32 $1.442695020e+00, v24;
	v19 =	vand.u32 $0x7FFFFF, v28  }
0x359: {  	v25 =	vpop (erf);
	(erf) = vpow2.f32 v30;
	v31 =	vor.u32 $0x3F800000, v19  }
0x35a: {  	v15 =	vld [tilespmem:s25+$0xE000];
	v37 =	vadd.f32 v16, v17;
	v30 =	vpop (erf);
	(erf) = vpow2.f32 v27;
	v27 =	vmul.f32 $5.000000000e-01, v31  }
0x35b: {  	v25 =	vadd.f32 v30, v25  }
0x35c: {  	v5 =	vadd.f32 v5, v37;
	v19 =	vld [tilespmem:s25+$0xE800];
	v30 =	vmul.f32 $1.442695020e+00, v14;
	v32 =	vpop (erf);
	vm1 =	vgt.f32 v31, $1.414213540e+00  }
0x35d: {  	v32 =	vadd.f32 v32, v25;
	v40 =	vsel vm1, v27, v31  }
0x35e: {  	s31 =	simm.s32 $0x20;
	v39 =	vor.u32 s10, v1;
	s5 =	simm.s32 $0x80;
	v16 =	vld [tilespmem:s25+$0xF000];
	v5 =	vadd.f32 v3, v5;
	v31 =	vadd.f32 $1.000000000e+00, v40;
	v27 =	vpop (erf)  }
0x35f: {  	s6 =	sand.u32 $0x70, s31;
	s26 =	sand.u32 $0x600, s5;
	v47 =	vld [tilespmem:s24+$0x13800];
	v38 =	vmul.f32 $1.442695020e+00, v15;
	(erf) = vpow2.f32 v30;
	v32 =	vadd.f32 v27, v32  }
0x360: {  	v41 =	vmov s10;
	s10 =	sor.u32 s6, s26;
	v17 =	vld [tilespmem:s25+$0xF800];
	v4 =	vadd.f32 v4, v5;
	v30 =	vpop (erf);
	(erf) = vrcp.f32 v31  }
0x361: {  	v5 =	vld [tilespmem:s10+$0xD800];
	v50 =	vmul.f32 $1.442695020e+00, v19;
	v43 =	vpop (erf);
	(erf) = vpow2.f32 v38;
	v42 =	vadd.f32 v30, v32  }
0x362: {  	v46 =	vshll.u32 v41, $0x2;
	v53 =	vadd.f32 v29, v4;
	v31 =	vld [tilespmem:s25+$0x10000];
	v45 =	vpop (erf)  }
0x363: {  	v6 =	vld [tilespmem:s25+$0x12800];
	v44 =	vmul.f32 $1.442695020e+00, v16;
	(erf) = vpow2.f32 v50;
	v42 =	vadd.f32 v45, v42  }
0x364: {  	vm0 =	veq.s32 v47, $0xFF;
	v3 =	vand.u32 $0x7F, v39;
	v55 =	vadd.f32 v33, v53;
	v32 =	vld [tilespmem:s25+$0x10800];
	v52 =	vpop (erf)  }
0x365: {  	v51 =	vmul.f32 $1.442695020e+00, v17;
	v25 =	vld [tilespmem:s25+$0x12000];
	(erf) = vpow2.f32 v44;
	v42 =	vadd.f32 v52, v42  }
0x366: {  	v4 =	vand.u32 $0x600, v46;
	v59 =	vadd.f32 v35, v55;
	v35 =	vmul.f32 $1.442695020e+00, v5;
	v30 =	vld [tilespmem:s25+$0x11000]  }
0x367: {  	v27 =	vld [tilespmem:s25+$0x11800];
	(erf) = vpow2.f32 v51;
	v54 =	vmul.f32 $1.442695020e+00, v31;
	v42 =	vadd.f32 v43, v42  }
0x368: {  	v29 =	vld [tilespmem:s10+$0xA800];
	v62 =	vadd.f32 v36, v59;
	v40 =	vadd.f32 $-1.000000000e+00, v40;
	v38 =	vmul.f32 $1.442695020e+00, v6;
	v58 =	vpop (erf)  }
0x369: {  	v33 =	vld [tilespmem:s10+$0x9800];
	v56 =	vmul.f32 $1.442695020e+00, v32;
	(erf) = vpow2.f32 v54;
	v60 =	vpop (erf);
	v42 =	vadd.f32 v58, v42  }
0x36a: {  	v55 =	vadd.f32 v34, v62;
	v39 =	vmul.f32 $1.442695020e+00, v25;
	v61 =	vpop (erf);
	v37 =	vmul.f32 v60, v40  }
0x36b: {  	v34 =	vld [tilespmem:s10+$0xA000];
	v57 =	vmul.f32 $1.442695020e+00, v30;
	(erf) = vpow2.f32 v56;
	v42 =	vadd.f32 v61, v42  }
0x36c: {  	v51 =	vor.u32 v4, v3;
	v41 =	vmul.f32 $1.442695020e+00, v27;
	v63 =	vpop (erf);
	v52 =	vmul.f32 v37, v37  }
0x36d: {  	s9 =	simm.s32 $0x30;
	v40 =	vmul.f32 $1.442695020e+00, v29;
	(erf) = vpow2.f32 v57;
	v36 =	vadd.f32 v63, v42  }
0x36e: {  	s14 =	simm.s32 $0x10;
	s13 =	simm.s32 $0x20;
	s0 =	smov.u32 s25;
	v54 =	vshll.u32 v47, $0xB;
	v43 =	vpop (erf);
	v42 =	vmul.f32 $1.442695020e+00, v33;
	v56 =	vmul.f32 $2.857142980e-01, v52  }
.LBB2_17:
0x36f: {  	p0 =	sne.s32 s9, $0x1F0;
	v36 =	vadd.f32 v43, v36;
	(erf) = vpow2.f32 v41;
	v41 =	vadd.f32 v11, v55;
	v11 =	vmovc v31  }
0x370: {  	v45 =	vsel vm0, $0x0, v54;
	v31 =	vmul.f32 $1.442695020e+00, v34;
	v43 =	vpop (erf);
	v44 =	vadd.f32 $4.000000060e-01, v56  }
0x371: {  	v43 =	vadd.f32 v43, v36;
	(erf) = vpow2.f32 v39;
	v39 =	vadd.f32 v10, v41;
	v10 =	vmovc v32  }
0x372: {  	v41 =	vor.u32 v45, v51;
	v32 =	vpop (erf);
	(erf) = vpow2.f32 v38;
	v38 =	vmul.f32 v44, v52  }
0x373: {  	v36 =	vld [tilespmem:s10+$0xD000];
	(erf) = vpow2.f32 v42;
	v32 =	vadd.f32 v32, v43;
	v39 =	vadd.f32 v9, v39;
	v9 =	vmovc v30  }
0x374: {  	v28 =	vshrl.u32 v28, $0x17;
	v30 =	vld [tilespmem:s10+$0xB000];
	(erf) = vpow2.f32 v31;
	v31 =	vpop (erf);
	v38 =	vadd.f32 $6.666666860e-01, v38  }
0x375: {  	v28 =	vadd.s32 $0xFFFFFF81, v28;
	v31 =	vadd.f32 v31, v32;
	v32 =	vadd.f32 v8, v39;
	v8 =	vmovc v27  }
0x376: {  	v44 =	vcvt.s32.f32 v28;
	v39 =	vadd.f32 v26, v23;
	v27 =	vld [tilespmem:s10+$0xB800];
	v23 =	vpop (erf);
	v28 =	vmul.f32 v38, v52  }
0x377: {  	v42 =	vsel vm1, $0x3F800000, v0;
	v38 =	vld [tilespmem:s10+$0xC000];
	v31 =	vadd.f32 v23, v31;
	v32 =	vadd.f32 v7, v32;
	v7 =	vmovc v25;
	v23 =	vmovc v33  }
0x378: {  	v42 =	vadd.f32 v44, v42;
	v25 =	vmul.f32 $1.442695020e+00, v36;
	v33 =	vpop (erf);
	v28 =	vadd.f32 $2.000000000e+00, v28;
	v41 =	vld.idx.msk [tilespmem:v41+s23+$0x0], $0xffff  }
0x379: {  	v26 =	vmovc v34;
	v43 =	vmul.f32 $1.442695020e+00, v30;
	(erf) = vpow2.f32 v40;
	v31 =	vadd.f32 v33, v31  }
0x37a: {  	v12 =	vadd.f32 v12, v32;
	v32 =	vmul.f32 $6.931471820e-01, v42;
	v33 =	vld [tilespmem:s10+$0xC800];
	v34 =	vpop (erf);
	v28 =	vmul.f32 v28, v37  }
0x37b: {  	v37 =	vmul.f32 $1.442695020e+00, v27;
	(erf) = vpow2.f32 v43;
	v31 =	vadd.f32 v34, v31;
	v34 =	vpop (erf)  }
0x37c: {  	v44 =	vmul.f32 $-5.555555690e-03, v12;
	v40 =	vmul.f32 $1.442695020e+00, v38;
	v42 =	vpop (erf);
	v32 =	vadd.f32 v28, v32  }
0x37d: {  	v43 =	vpop (erf);
	(erf) = vpow2.f32 v37;
	v37 =	vadd.f32 v22, v39;
	v28 =	vadd.f32 v34, v31  }
0x37e: {  	v31 =	vmul.f32 $-8.944444650e-01, v41;
	v12 =	vmovc v6;
	v22 =	vmovc v29;
	(erf) = vpow2.f32 v25;
	v25 =	vadd.f32 v44, v32  }
0x37f: {  	v34 =	vld [tilespmem:s10+$0xE000];
	v6 =	vmul.f32 $1.442695020e+00, v33;
	(erf) = vpow2.f32 v40;
	v29 =	vand.u32 $0x7FFFFF, v28  }
0x380: {  	v32 =	vadd.f32 v20, v37;
	v20 =	vmovc v30;
	v29 =	vor.u32 $0x3F800000, v29;
	v25 =	vadd.f32 v31, v25  }
0x381: {  	v30 =	vadd.f32 v43, v42;
	v40 =	vld [tilespmem:s10+$0xE800];
	(erf) = vpow2.f32 v6;
	v31 =	vmul.f32 $5.000000000e-01, v29  }
0x382: {  	v32 =	vadd.f32 v21, v32;
	vm1 =	vgt.f32 v29, $1.414213540e+00;
	v6 =	vld [tilespmem:s10+$0x12800];
	v37 =	vpop (erf);
	v25 =	vsel vm0, $0x0, v25  }
0x383: {  	v21 =	vmovc v27;
	v42 =	vld [tilespmem:s10+$0xF000];
	v30 =	vadd.f32 v37, v30;
	v37 =	vsel vm1, v31, v29;
	v2 =	vadd.f32 v25, v2  }
0x384: {  	v39 =	vor.u32 s14, v1;
	v25 =	vld [tilespmem:s10+$0x12000];
	v29 =	vmul.f32 $1.442695020e+00, v34;
	v27 =	vpop (erf);
	v31 =	vadd.f32 $1.000000000e+00, v37  }
0x385: {  	v32 =	vadd.f32 v18, v32;
	v18 =	vmovc v38;
	v43 =	vld [tilespmem:s10+$0xF800];
	v30 =	vadd.f32 v27, v30;
	(erf) = vpow2.f32 v35  }
0x386: {  	v41 =	vmov s14;
	s14 =	smov.u32 s13;
	s13 =	smov.u32 s9;
	v27 =	vld [tilespmem:s10+$0x11800];
	v35 =	vmul.f32 $1.442695020e+00, v40;
	v38 =	vpop (erf);
	(erf) = vrcp.f32 v31  }
0x387: {  	v48 =	vadd.f32 v24, v32;
	v31 =	vld [tilespmem:s10+$0x10000];
	v44 =	vadd.f32 v38, v30;
	v45 =	vpop (erf);
	(erf) = vpow2.f32 v29  }
0x388: {  	s5 =	sadd.s32 $0x40, s5;
	v47 =	vand.u32 $0x7F, v39;
	v38 =	vmul.f32 $1.442695020e+00, v6;
	v30 =	vld [tilespmem:s10+$0x11000];
	v29 =	vmul.f32 $1.442695020e+00, v42;
	v46 =	vpop (erf)  }
0x389: {  	s1 =	sand.u32 $0x70, s9;
	s26 =	sand.u32 $0x600, s5;
	v24 =	vmovc v33;
	v32 =	vld [tilespmem:s10+$0x10800];
	v44 =	vadd.f32 v46, v44;
	(erf) = vpow2.f32 v35;
	v35 =	vadd.f32 v13, v48;
	v13 =	vmovc v36  }
0x38a: {  	s1 =	sor.u32 s1, s26;
	v39 =	vmul.f32 $1.442695020e+00, v25;
	v46 =	vshll.u32 v41, $0x2;
	v33 =	vmul.f32 $1.442695020e+00, v43;
	v36 =	vpop (erf)  }
0x38b: {  	v36 =	vadd.f32 v36, v44;
	(erf) = vpow2.f32 v29;
	v35 =	vadd.f32 v14, v35;
	v14 =	vmovc v5;
	v5 =	vld [tilespmem:s1+$0xD800]  }
0x38c: {  	v46 =	vand.u32 $0x600, v46;
	v41 =	vmul.f32 $1.442695020e+00, v27;
	v44 =	vmul.f32 $1.442695020e+00, v31;
	v48 =	vld [tilespmem:s0+$0x13800];
	s0 =	smov.u32 s10;
	s10 =	smov.u32 s1  }
0x38d: {  	v29 =	vld [tilespmem:s10+$0xA800];
	v36 =	vadd.f32 v45, v36;
	(erf) = vpow2.f32 v33;
	v35 =	vadd.f32 v15, v35;
	v15 =	vmovc v34  }
0x38e: {  	v37 =	vadd.f32 $-1.000000000e+00, v37;
	v49 =	vmul.f32 $1.442695020e+00, v30;
	v45 =	vmul.f32 $1.442695020e+00, v32;
	v34 =	vpop (erf)  }
0x38f: {  	v33 =	vld [tilespmem:s10+$0x9800];
	v36 =	vadd.f32 v34, v36;
	(erf) = vpow2.f32 v44;
	v50 =	vadd.f32 v19, v35;
	v34 =	vpop (erf)  }
.Ltmp7:
0x390: {  	v51 =	vor.u32 v46, v47;
	v35 =	vmul.f32 $1.442695020e+00, v5;
	v44 =	vpop (erf);
	v37 =	vmul.f32 v34, v37;
	(pc) =	sbr.rel @p0 .LBB2_17-.Ltmp7, $4  }
0x391: {  	v19 =	vmovc v40;
	v34 =	vld [tilespmem:s10+$0xA000];
	v36 =	vadd.f32 v44, v36;
	(erf) = vpow2.f32 v45;
	v44 =	vadd.f32 v16, v50;
	v16 =	vmovc v42  }
0x392: {  	vm0 =	veq.s32 v48, $0xFF;
	v40 =	vmul.f32 $1.442695020e+00, v29;
	v42 =	vpop (erf);
	v52 =	vmul.f32 v37, v37  }
0x393: {  	v36 =	vadd.f32 v42, v36;
	(erf) = vpow2.f32 v49;
	v55 =	vadd.f32 v17, v44;
	v17 =	vmovc v43  }
0x394: {  	s9 =	sadd.s32 $0x10, s9;
	v54 =	vshll.u32 v48, $0xB;
	v42 =	vmul.f32 $1.442695020e+00, v33;
	v43 =	vpop (erf);
	v56 =	vmul.f32 $2.857142980e-01, v52  }
0x395: {  	v36 =	vadd.f32 v43, v36;
	(erf) = vpow2.f32 v41  }
0x396: {  	v57 =	vpop (erf)  }
0x397: {  	(erf) = vpow2.f32 v39;
	v36 =	vadd.f32 v57, v36  }
0x398: {  	v58 =	vpop (erf)  }
0x399: {  	(erf) = vpow2.f32 v38;
	v36 =	vadd.f32 v58, v36  }
0x39a: {  	v50 =	vld [tilespmem:s10+$0xB000];
	v59 =	vpop (erf)  }
0x39b: {  	v60 =	vmul.f32 $1.442695020e+00, v34;
	v36 =	vadd.f32 v59, v36  }
0x39c: {  	v49 =	vld [tilespmem:s10+$0xB800];
	(erf) = vpow2.f32 v42;
	v61 =	vpop (erf)  }
0x39d: {  	v41 =	vld [tilespmem:s10+$0xD000];
	(erf) = vpow2.f32 v60;
	v36 =	vadd.f32 v61, v36  }
0x39e: {  	v48 =	vld [tilespmem:s10+$0xC000];
	v62 =	vpop (erf)  }
0x39f: {  	v63 =	vmul.f32 $1.442695020e+00, v50;
	(erf) = vpow2.f32 v40;
	v36 =	vadd.f32 v62, v36  }
0x3a0: {  	v47 =	vld [tilespmem:s10+$0xC800];
	v46 =	vpop (erf)  }
0x3a1: {  	v53 =	vmul.f32 $1.442695020e+00, v49;
	(erf) = vpow2.f32 v63;
	v36 =	vadd.f32 v46, v36  }
0x3a2: {  	v57 =	vmul.f32 $1.442695020e+00, v41;
	v58 =	vpop (erf)  }
0x3a3: {  	v59 =	vmul.f32 $1.442695020e+00, v48;
	(erf) = vpow2.f32 v53;
	v53 =	vadd.f32 v58, v36  }
0x3a4: {  	(erf) = vpow2.f32 v57  }
0x3a5: {  	v61 =	vmul.f32 $1.442695020e+00, v47;
	v60 =	vpop (erf);
	(erf) = vpow2.f32 v59;
	v39 =	vand.u32 $0x7FFFFF, v53  }
0x3a6: {  	v46 =	vld [tilespmem:s10+$0xE000];
	v62 =	vpop (erf);
	v39 =	vor.u32 $0x3F800000, v39  }
0x3a7: {  	v36 =	vadd.f32 v62, v60;
	(erf) = vpow2.f32 v61;
	v63 =	vmul.f32 $5.000000000e-01, v39  }
0x3a8: {  	v45 =	vld [tilespmem:s10+$0xE800];
	v57 =	vpop (erf);
	vm2 =	vgt.f32 v39, $1.414213540e+00  }
0x3a9: {  	v36 =	vadd.f32 v57, v36;
	v57 =	vsel vm2, v63, v39  }
0x3aa: {  	v42 =	vld [tilespmem:s10+$0xF000];
	v58 =	vpop (erf);
	v39 =	vadd.f32 $1.000000000e+00, v57  }
0x3ab: {  	v59 =	vmul.f32 $1.442695020e+00, v46;
	(erf) = vpow2.f32 v35;
	v36 =	vadd.f32 v58, v36  }
0x3ac: {  	v43 =	vld [tilespmem:s10+$0xF800];
	v60 =	vpop (erf);
	(erf) = vrcp.f32 v39  }
0x3ad: {  	v61 =	vmul.f32 $1.442695020e+00, v45;
	v62 =	vpop (erf);
	v35 =	vadd.f32 v60, v36;
	(erf) = vpow2.f32 v59  }
0x3ae: {  	v44 =	vld [tilespmem:s10+$0x10000];
	v63 =	vpop (erf)  }
0x3af: {  	v58 =	vmul.f32 $1.442695020e+00, v42;
	v35 =	vadd.f32 v63, v35;
	(erf) = vpow2.f32 v61  }
0x3b0: {  	v40 =	vld [tilespmem:s10+$0x10800];
	v59 =	vpop (erf)  }
0x3b1: {  	v60 =	vmul.f32 $1.442695020e+00, v43;
	(erf) = vpow2.f32 v58;
	v35 =	vadd.f32 v59, v35  }
0x3b2: {  	v39 =	vld [tilespmem:s10+$0x11000]  }
0x3b3: {  	v61 =	vmul.f32 $1.442695020e+00, v44;
	(erf) = vpow2.f32 v60;
	v35 =	vadd.f32 v62, v35  }
0x3b4: {  	v23 =	vadd.f32 v26, v23;
	v11 =	vadd.f32 v11, v55;
	v62 =	vpop (erf)  }
0x3b5: {  	v38 =	vld [tilespmem:s10+$0x11800];
	v59 =	vmul.f32 $1.442695020e+00, v40;
	(erf) = vpow2.f32 v61;
	v35 =	vadd.f32 v62, v35;
	v58 =	vpop (erf)  }
0x3b6: {  	v22 =	vadd.f32 v22, v23;
	v10 =	vadd.f32 v10, v11;
	v60 =	vpop (erf)  }
0x3b7: {  	v36 =	vld [tilespmem:s10+$0x12000];
	v61 =	vmul.f32 $1.442695020e+00, v39;
	(erf) = vpow2.f32 v59;
	v60 =	vadd.f32 v60, v35  }
0x3b8: {  	v11 =	vadd.f32 v20, v22;
	v9 =	vadd.f32 v9, v10;
	v63 =	vpop (erf)  }
0x3b9: {  	(erf) = vpow2.f32 v61;
	v35 =	vld [tilespmem:s10+$0x12800];
	v26 =	vadd.f32 v63, v60  }
0x3ba: {  	v10 =	vadd.f32 v21, v11;
	v8 =	vadd.f32 v8, v9;
	v62 =	vpop (erf);
	v60 =	vmul.f32 $1.442695020e+00, v38  }
0x3bb: {  	v23 =	vadd.f32 v62, v26;
	v26 =	vadd.f32 $4.000000060e-01, v56  }
0x3bc: {  	v10 =	vadd.f32 v18, v10;
	v63 =	vmul.f32 $1.442695020e+00, v36;
	v22 =	vpop (erf);
	(erf) = vpow2.f32 v60  }
0x3bd: {  	v7 =	vadd.f32 v7, v8;
	v22 =	vadd.f32 v22, v23;
	v23 =	vmul.f32 v26, v52  }
0x3be: {  	v10 =	vadd.f32 v24, v10;
	v11 =	vpop (erf);
	v20 =	vmul.f32 $1.442695020e+00, v35;
	(erf) = vpow2.f32 v63  }
0x3bf: {  	v11 =	vadd.f32 v11, v22;
	v21 =	vadd.f32 $6.666666860e-01, v23  }
0x3c0: {  	v10 =	vadd.f32 v13, v10;
	(erf) = vpow2.f32 v20;
	v20 =	vshrl.u32 v28, $0x17;
	v18 =	vpop (erf)  }
0x3c1: {  	v9 =	vadd.s32 $0xFFFFFF81, v20;
	v20 =	vmul.f32 v21, v52;
	v11 =	vadd.f32 v18, v11  }
0x3c2: {  	v7 =	vadd.f32 v12, v7;
	v10 =	vadd.f32 v14, v10;
	v9 =	vcvt.s32.f32 v9;
	v18 =	vpop (erf)  }
0x3c3: {  	v8 =	vsel vm1, $0x3F800000, v0;
	v11 =	vadd.f32 v18, v11;
	v18 =	vadd.f32 $2.000000000e+00, v20  }
0x3c4: {  	v10 =	vadd.f32 v15, v10;
	v8 =	vadd.f32 v9, v8;
	v9 =	vsel vm0, $0x0, v54  }
0x3c5: {  	v24 =	vld [tilespmem:s24+$0xA080];
	v14 =	vadd.f32 $-1.000000000e+00, v57;
	v9 =	vor.u32 v9, v51;
	v13 =	vpop (erf);
	v12 =	vmul.f32 v18, v37  }
0x3c6: {  	v11 =	vadd.f32 v13, v11  }
0x3c7: {  	v15 =	vadd.f32 v19, v10;
	v14 =	vmul.f32 v58, v14;
	v8 =	vmul.f32 $6.931471820e-01, v8;
	v13 =	vpop (erf)  }
0x3c8: {  	v7 =	vmul.f32 $-5.555555690e-03, v7;
	v11 =	vadd.f32 v13, v11  }
0x3c9: {  	v15 =	vadd.f32 v16, v15;
	v16 =	vmul.f32 v14, v14;
	v8 =	vadd.f32 v12, v8;
	v12 =	vpop (erf)  }
0x3ca: {  	v23 =	vmul.f32 $1.442695020e+00, v24;
	v13 =	vmov s14;
	v9 =	vld.idx.msk [tilespmem:v9+s23+$0x0], $0xffff;
	v11 =	vadd.f32 v12, v11  }
0x3cb: {  	v7 =	vadd.f32 v7, v8;
	v8 =	vor.u32 s14, v1;
	v12 =	vshll.u32 v13, $0x2;
	v13 =	vld [tilespmem:s0+$0x13800]  }
0x3cc: {  	v8 =	vand.u32 $0x7F, v8;
	v12 =	vand.u32 $0x600, v12;
	v10 =	vand.u32 $0x7FFFFF, v11  }
0x3cd: {  	v8 =	vor.u32 v12, v8;
	v12 =	vadd.f32 v17, v15;
	v18 =	vor.u32 $0x3F800000, v10;
	v10 =	vld [tilespmem:s24+$0x9880]  }
0x3ce: {  	v22 =	vsel vm2, $0x3F800000, v0;
	v17 =	vmul.f32 $2.857142980e-01, v16;
	v15 =	vld [tilespmem:s24+$0xA880];
	v19 =	vmul.f32 $5.000000000e-01, v18  }
0x3cf: {  	v9 =	vmul.f32 $-8.944444650e-01, v9;
	vm1 =	vgt.f32 v18, $1.414213540e+00;
	v12 =	vadd.f32 v31, v12  }
0x3d0: {  	v17 =	vadd.f32 $4.000000060e-01, v17;
	vm2 =	veq.s32 v13, $0xFF;
	v21 =	vsel vm1, v19, v18  }
0x3d1: {  	v13 =	vshll.u32 v13, $0xB;
	v18 =	vld [tilespmem:s24+$0xB080];
	v12 =	vadd.f32 v32, v12;
	v19 =	vadd.f32 $1.000000000e+00, v21  }
0x3d2: {  	v17 =	vmul.f32 v17, v16;
	v13 =	vsel vm2, $0x0, v13;
	v20 =	vmul.f32 $1.442695020e+00, v10  }
0x3d3: {  	v26 =	vmul.f32 $1.442695020e+00, v15;
	v8 =	vor.u32 v13, v8;
	(erf) = vrcp.f32 v19;
	v19 =	vld [tilespmem:s24+$0xB880]  }
0x3d4: {  	v13 =	vshrl.u32 v53, $0x17;
	v12 =	vadd.f32 v30, v12;
	(erf) = vpow2.f32 v20  }
0x3d5: {  	v13 =	vadd.s32 $0xFFFFFF81, v13;
	v17 =	vadd.f32 $6.666666860e-01, v17;
	(erf) = vpow2.f32 v23  }
0x3d6: {  	v7 =	vadd.f32 v9, v7;
	v13 =	vcvt.s32.f32 v13;
	v20 =	vld [tilespmem:s24+$0xC080];
	v23 =	vmul.f32 $1.442695020e+00, v18  }
0x3d7: {  	v12 =	vadd.f32 v27, v12;
	v16 =	vmul.f32 v17, v16;
	(erf) = vpow2.f32 v26  }
0x3d8: {  	v30 =	vld [tilespmem:s24+$0xC880];
	(erf) = vpow2.f32 v23;
	v23 =	vadd.f32 v34, v33;
	v9 =	vmul.f32 $1.442695020e+00, v19  }
0x3d9: {  	v13 =	vadd.f32 v13, v22;
	v17 =	vadd.f32 v25, v12  }
0x3da: {  	v12 =	vld [tilespmem:s24+$0xD080];
	(erf) = vpow2.f32 v9;
	v9 =	vadd.f32 $2.000000000e+00, v16;
	v16 =	vadd.f32 v29, v23  }
0x3db: {  	v8 =	vld.idx.msk [tilespmem:v8+s23+$0x0], $0xffff;
	v13 =	vmul.f32 $6.931471820e-01, v13;
	v22 =	vmul.f32 $1.442695020e+00, v20  }
0x3dc: {  	v6 =	vadd.f32 v6, v17;
	v29 =	vld [tilespmem:s24+$0xD880];
	v23 =	vpop (erf);
	v9 =	vmul.f32 v9, v14;
	v14 =	vadd.f32 v50, v16  }
0x3dd: {  	v25 =	vmul.f32 $1.442695020e+00, v30;
	v17 =	vpop (erf);
	(erf) = vpow2.f32 v22  }
0x3de: {  	v6 =	vmul.f32 $-5.555555690e-03, v6;
	v16 =	vpop (erf);
	v9 =	vadd.f32 v9, v13;
	v13 =	vadd.f32 v49, v14  }
0x3df: {  	v31 =	vld [tilespmem:s24+$0xE080];
	v22 =	vmul.f32 $1.442695020e+00, v12;
	(erf) = vpow2.f32 v25;
	v16 =	vadd.f32 v16, v17  }
0x3e0: {  	v32 =	vld [tilespmem:s24+$0xE880];
	v8 =	vmul.f32 $-8.944444650e-01, v8;
	v14 =	vpop (erf);
	v6 =	vadd.f32 v6, v9;
	v9 =	vadd.f32 v48, v13  }
0x3e1: {  	v37 =	vld [tilespmem:s24+$0xF080];
	v17 =	vmul.f32 $1.442695020e+00, v29;
	(erf) = vpow2.f32 v22;
	v14 =	vadd.f32 v14, v16  }
0x3e2: {  	v13 =	vpop (erf);
	v6 =	vadd.f32 v8, v6;
	v8 =	vadd.f32 v47, v9  }
0x3e3: {  	v7 =	vsel vm0, $0x0, v7;
	(erf) = vpow2.f32 v17;
	v47 =	vld [tilespmem:s24+$0xF880];
	v13 =	vadd.f32 v13, v14  }
0x3e4: {  	v2 =	vadd.f32 v7, v2;
	v16 =	vmul.f32 $1.442695020e+00, v31;
	v9 =	vpop (erf);
	v7 =	vadd.f32 v41, v8  }
0x3e5: {  	v14 =	vmul.f32 $1.442695020e+00, v32;
	v6 =	vsel vm2, $0x0, v6;
	v9 =	vadd.f32 v9, v13  }
0x3e6: {  	(erf) = vpow2.f32 v16;
	v41 =	vld [tilespmem:s24+$0x10080];
	v13 =	vmul.f32 $1.442695020e+00, v37;
	v2 =	vadd.f32 v6, v2;
	v8 =	vpop (erf)  }
0x3e7: {  	v6 =	vor.u32 s13, v1;
	v5 =	vadd.f32 v5, v7;
	v8 =	vadd.f32 v8, v9  }
0x3e8: {  	v22 =	vld [tilespmem:s10+$0x13800];
	(erf) = vpow2.f32 v14;
	v14 =	vmul.f32 $1.442695020e+00, v47;
	v7 =	vpop (erf)  }
0x3e9: {  	v9 =	vld [tilespmem:s24+$0x10880];
	(erf) = vpow2.f32 v13;
	v5 =	vadd.f32 v46, v5;
	v8 =	vadd.f32 v7, v8  }
0x3ea: {  	v17 =	vand.u32 $0x7F, v6;
	v7 =	vld [tilespmem:s24+$0x11080];
	v6 =	vpop (erf);
	(erf) = vpow2.f32 v14;
	v14 =	vadd.f32 $-1.000000000e+00, v21  }
0x3eb: {  	v16 =	vmul.f32 $1.442695020e+00, v41;
	v21 =	vadd.f32 v45, v5;
	v6 =	vadd.f32 v6, v8  }
0x3ec: {  	v10 =	vadd.f32 v24, v10;
	v25 =	vpop (erf);
	v8 =	vld [tilespmem:s24+$0x11880]  }
0x3ed: {  	vm0 =	veq.s32 v22, $0xFF;
	(erf) = vpow2.f32 v16;
	v25 =	vadd.f32 v25, v6  }
0x3ee: {  	v22 =	vshll.u32 v22, $0xB;
	v5 =	vld [tilespmem:s24+$0x12880];
	v14 =	vmul.f32 v23, v14;
	v26 =	vmul.f32 $1.442695020e+00, v9  }
0x3ef: {  	v13 =	vmov s13;
	v16 =	vadd.f32 v42, v21;
	v21 =	vpop (erf);
	v23 =	vmul.f32 $1.442695020e+00, v7  }
0x3f0: {  	v6 =	vld [tilespmem:s24+$0x12080];
	(erf) = vpow2.f32 v26;
	v26 =	vmul.f32 v14, v14;
	v21 =	vadd.f32 v21, v25  }
0x3f1: {  	v13 =	vshll.u32 v13, $0x2;
	v16 =	vadd.f32 v43, v16;
	v27 =	vmul.f32 $1.442695020e+00, v8;
	v25 =	vpop (erf)  }
0x3f2: {  	(erf) = vpow2.f32 v23;
	v23 =	vmul.f32 $2.857142980e-01, v26;
	v21 =	vadd.f32 v25, v21  }
0x3f3: {  	v13 =	vand.u32 $0x600, v13;
	v28 =	vmul.f32 $1.442695020e+00, v5;
	v25 =	vadd.f32 v44, v16;
	v46 =	vpop (erf);
	v16 =	vld [tilespmem:s25+$0x9880]  }
0x3f4: {  	(erf) = vpow2.f32 v27;
	v27 =	vadd.f32 $4.000000060e-01, v23;
	v21 =	vadd.f32 v46, v21  }
0x3f5: {  	v13 =	vor.u32 v13, v17;
	v17 =	vsel vm0, $0x0, v22;
	v22 =	vld [tilespmem:s25+$0xA880];
	v48 =	vmul.f32 $1.442695020e+00, v6;
	v49 =	vpop (erf)  }
0x3f6: {  	v23 =	vld [tilespmem:s25+$0xA080];
	(erf) = vpow2.f32 v28;
	v27 =	vmul.f32 v27, v26;
	v21 =	vadd.f32 v49, v21  }
0x3f7: {  	v50 =	vor.u32 v17, v13;
	v25 =	vadd.f32 v40, v25;
	(erf) = vpow2.f32 v48;
	v28 =	vpop (erf)  }
0x3f8: {  	v17 =	vadd.f32 v28, v21;
	v21 =	vadd.f32 $6.666666860e-01, v27;
	v27 =	vmul.f32 $1.442695020e+00, v16  }
0x3f9: {  	v11 =	vshrl.u32 v11, $0x17;
	v10 =	vadd.f32 v15, v10;
	v13 =	vadd.f32 v39, v25;
	v25 =	vld [tilespmem:s25+$0xB080]  }
0x3fa: {  	v11 =	vadd.s32 $0xFFFFFF81, v11;
	v52 =	vmul.f32 $1.442695020e+00, v22;
	v28 =	vpop (erf)  }
0x3fb: {  	v46 =	vadd.f32 v18, v10;
	v51 =	vmul.f32 $1.442695020e+00, v23;
	v28 =	vadd.f32 v28, v17  }
0x3fc: {  	v53 =	vsel vm1, $0x3F800000, v0;
	v26 =	vmul.f32 v21, v26;
	(erf) = vpow2.f32 v27;
	v21 =	vld [tilespmem:s25+$0xB880];
	v27 =	vpop (erf)  }
0x3fd: {  	v39 =	vadd.f32 v19, v46;
	v17 =	vld [tilespmem:s25+$0xC080];
	(erf) = vpow2.f32 v51;
	v27 =	vadd.f32 v27, v28  }
0x3fe: {  	v13 =	vadd.f32 v38, v13;
	v55 =	vmul.f32 $1.442695020e+00, v25;
	v26 =	vadd.f32 $2.000000000e+00, v26;
	v54 =	vpop (erf)  }
0x3ff: {  	v28 =	vcvt.s32.f32 v11;
	(erf) = vpow2.f32 v52;
	v11 =	vld [tilespmem:s25+$0xC880];
	v56 =	vpop (erf);
	v27 =	vadd.f32 v54, v27  }
0x400: {  	v36 =	vadd.f32 v36, v13;
	v26 =	vmul.f32 v26, v14;
	(erf) = vpow2.f32 v55;
	v14 =	vpop (erf)  }
0x401: {  	v13 =	vld [tilespmem:s25+$0xD080];
	v28 =	vadd.f32 v28, v53;
	v57 =	vmul.f32 $1.442695020e+00, v21;
	v27 =	vadd.f32 v14, v27  }
0x402: {  	v39 =	vadd.f32 v20, v39;
	v59 =	vmul.f32 $1.442695020e+00, v17  }
0x403: {  	v58 =	vmul.f32 $6.931471820e-01, v28;
	v14 =	vld [tilespmem:s25+$0xD880];
	(erf) = vpow2.f32 v57;
	v28 =	vadd.f32 v56, v27  }
0x404: {  	v39 =	vadd.f32 v30, v39;
	v35 =	vadd.f32 v35, v36;
	v24 =	vmul.f32 $1.442695020e+00, v11  }
0x405: {  	v27 =	vld.idx.msk [tilespmem:v50+s23+$0x0], $0xffff;
	v60 =	vadd.f32 v26, v58;
	v26 =	vpop (erf);
	(erf) = vpow2.f32 v59;
	v62 =	vand.u32 $0x7FFFFF, v28  }
0x406: {  	v15 =	vld [tilespmem:s25+$0xE080];
	v61 =	vmul.f32 $-5.555555690e-03, v35;
	v63 =	vmul.f32 $1.442695020e+00, v13;
	v45 =	vpop (erf);
	v35 =	vor.u32 $0x3F800000, v62  }
0x407: {  	(erf) = vpow2.f32 v24;
	v26 =	vadd.f32 v45, v26;
	v48 =	vmul.f32 $5.000000000e-01, v35  }
0x408: {  	v39 =	vadd.f32 v12, v39;
	v24 =	vld [tilespmem:s25+$0xE880];
	v49 =	vmul.f32 $1.442695020e+00, v14;
	v50 =	vpop (erf);
	vm1 =	vgt.f32 v35, $1.414213540e+00  }
0x409: {  	(erf) = vpow2.f32 v63;
	v51 =	vadd.f32 v50, v26;
	v35 =	vsel vm1, v48, v35  }
0x40a: {  	s0 =	simm.s32 $0x80;
	v18 =	vld [tilespmem:s25+$0xF080];
	v39 =	vadd.f32 v29, v39;
	v52 =	vmul.f32 $-8.944444650e-01, v27;
	v27 =	vpop (erf);
	v54 =	vadd.f32 $1.000000000e+00, v35  }
0x40b: {  	s1 =	sand.u32 $0x600, s0;
	v19 =	vld [tilespmem:s25+$0xF880];
	v53 =	vmul.f32 $1.442695020e+00, v15;
	(erf) = vpow2.f32 v49;
	v36 =	vadd.f32 v27, v51  }
0x40c: {  	s6 =	sor.u32 s6, s1;
	v20 =	vld [tilespmem:s25+$0x10080];
	v39 =	vadd.f32 v31, v39;
	v55 =	vpop (erf);
	(erf) = vrcp.f32 v54  }
0x40d: {  	v29 =	vld [tilespmem:s6+$0xA880];
	v56 =	vmul.f32 $1.442695020e+00, v24;
	v34 =	vadd.f32 v55, v36;
	(erf) = vpow2.f32 v53  }
0x40e: {  	v10 =	vld [tilespmem:s25+$0x12880];
	v39 =	vadd.f32 v32, v39;
	v33 =	vadd.f32 v61, v60;
	v58 =	vpop (erf)  }
0x40f: {  	v30 =	vld [tilespmem:s25+$0x11080];
	v57 =	vmul.f32 $1.442695020e+00, v18;
	v34 =	vadd.f32 v58, v34;
	(erf) = vpow2.f32 v56  }
0x410: {  	v37 =	vadd.f32 v37, v39;
	v38 =	vadd.f32 v52, v33;
	v33 =	vld [tilespmem:s25+$0x10880];
	v60 =	vpop (erf)  }
0x411: {  	v61 =	vmul.f32 $1.442695020e+00, v19;
	v26 =	vld [tilespmem:s25+$0x12080];
	(erf) = vpow2.f32 v57;
	v34 =	vadd.f32 v60, v34  }
0x412: {  	v63 =	vmul.f32 $1.442695020e+00, v20;
	v48 =	vor.u32 v3, v4;
	v3 =	vmul.f32 $1.442695020e+00, v29;
	v27 =	vld [tilespmem:s25+$0x11880];
	v62 =	vpop (erf)  }
0x413: {  	v12 =	vld [tilespmem:s6+$0xD880];
	v59 =	vsel vm0, $0x0, v38;
	(erf) = vpow2.f32 v61;
	v34 =	vadd.f32 v62, v34  }
0x414: {  	v31 =	vld [tilespmem:s6+$0x9880];
	v36 =	vmul.f32 $1.442695020e+00, v10;
	v55 =	vmul.f32 $1.442695020e+00, v30;
	v57 =	vadd.f32 $-1.000000000e+00, v35;
	v56 =	vpop (erf)  }
0x415: {  	v53 =	vld [tilespmem:s24+$0x13880];
	v54 =	vmul.f32 $1.442695020e+00, v33;
	(erf) = vpow2.f32 v63;
	v46 =	vadd.f32 v56, v34;
	v58 =	vpop (erf)  }
0x416: {  	v38 =	vmul.f32 $1.442695020e+00, v26;
	v2 =	vadd.f32 v59, v2;
	v59 =	vpop (erf);
	v34 =	vmul.f32 v58, v57  }
0x417: {  	v32 =	vld [tilespmem:s6+$0xA080];
	v52 =	vmul.f32 $1.442695020e+00, v27;
	(erf) = vpow2.f32 v54;
	v4 =	vadd.f32 v59, v46  }
0x418: {  	v35 =	vmul.f32 $1.442695020e+00, v12;
	v61 =	vadd.f32 v47, v37;
	v60 =	vpop (erf);
	v46 =	vmul.f32 v34, v34  }
0x419: {  	v37 =	vmul.f32 $1.442695020e+00, v31;
	(erf) = vpow2.f32 v55;
	v39 =	vadd.f32 v60, v4  }
0x41a: {  	vm0 =	veq.s32 v53, $0xFF;
	v45 =	vshll.u32 v53, $0xB;
	v62 =	vpop (erf);
	v63 =	vmul.f32 $2.857142980e-01, v46  }
0x41b: {  	v50 =	vadd.f32 v41, v61;
	v49 =	vsel vm0, $0x0, v45;
	v39 =	vadd.f32 v62, v39  }
0x41c: {  	s5 =	simm.s32 $0x30;
	(erf) = vpow2.f32 v52;
	v4 =	vmul.f32 $1.442695020e+00, v32;
	v40 =	vpop (erf);
	v51 =	vadd.f32 $4.000000060e-01, v63  }
.LBB2_19:
0x41d: {  	p0 =	sne.s32 s5, $0x1F0;
	v39 =	vadd.f32 v40, v39;
	(erf) = vpow2.f32 v36;
	v36 =	vadd.f32 v9, v50;
	v9 =	vmovc v33  }
0x41e: {  	v40 =	vor.u32 v49, v48;
	v33 =	vpop (erf);
	(erf) = vpow2.f32 v38;
	v38 =	vmul.f32 v51, v46  }
0x41f: {  	v33 =	vadd.f32 v33, v39;
	v36 =	vadd.f32 v7, v36;
	v39 =	vor.u32 $0x80, v40;
	v7 =	vmovc v30  }
0x420: {  	v28 =	vshrl.u32 v28, $0x17;
	v30 =	vld [tilespmem:s6+$0xB080];
	(erf) = vpow2.f32 v37;
	v37 =	vpop (erf);
	v38 =	vadd.f32 $6.666666860e-01, v38  }
0x421: {  	v28 =	vadd.s32 $0xFFFFFF81, v28;
	v33 =	vadd.f32 v37, v33;
	v36 =	vadd.f32 v8, v36;
	v8 =	vmovc v27  }
0x422: {  	v28 =	vcvt.s32.f32 v28;
	v27 =	vld [tilespmem:s6+$0xB880];
	v37 =	vpop (erf);
	v38 =	vmul.f32 v38, v46  }
0x423: {  	v40 =	vld [tilespmem:s6+$0xC080];
	v41 =	vadd.f32 v37, v33;
	v36 =	vadd.f32 v6, v36;
	v37 =	vsel vm1, $0x3F800000, v0;
	v6 =	vmovc v26  }
0x424: {  	(erf) = vpow2.f32 v4;
	v4 =	vadd.f32 v28, v37;
	v26 =	vadd.f32 $2.000000000e+00, v38;
	v37 =	vld.idx.msk [tilespmem:v39+s23+$0x0], $0xffff  }
0x425: {  	v39 =	vld [tilespmem:s6+$0xD080];
	v42 =	vmul.f32 $1.442695020e+00, v30;
	(erf) = vpow2.f32 v3;
	v3 =	vpop (erf);
	v36 =	vadd.f32 v5, v36  }
0x426: {  	v38 =	vld [tilespmem:s6+$0xC880];
	v3 =	vadd.f32 v3, v41;
	v33 =	vpop (erf);
	v26 =	vmul.f32 v26, v34;
	v4 =	vmul.f32 $6.931471820e-01, v4  }
0x427: {  	v5 =	vmov v10;
	v34 =	vmul.f32 $1.442695020e+00, v27;
	(erf) = vpow2.f32 v42;
	v28 =	vpop (erf)  }
0x428: {  	v10 =	vmul.f32 $-5.555555690e-03, v36;
	v3 =	vadd.f32 v28, v3;
	v4 =	vadd.f32 v26, v4  }
0x429: {  	v26 =	vmul.f32 $1.442695020e+00, v40;
	v36 =	vpop (erf);
	(erf) = vpow2.f32 v34;
	v34 =	vadd.f32 v23, v16  }
0x42a: {  	v16 =	vmovc v31;
	v23 =	vmovc v32;
	v28 =	vadd.f32 v33, v3;
	v3 =	vadd.f32 v10, v4;
	v33 =	vmul.f32 $-8.944444650e-01, v37  }
0x42b: {  	v31 =	vmul.f32 $1.442695020e+00, v39;
	v10 =	vmul.f32 $1.442695020e+00, v38;
	v41 =	vadd.f32 v22, v34;
	v22 =	vmovc v29  }
0x42c: {  	v34 =	vld [tilespmem:s6+$0xE080];
	(erf) = vpow2.f32 v26;
	v26 =	vand.u32 $0x7FFFFF, v28;
	v3 =	vadd.f32 v33, v3  }
0x42d: {  	v4 =	vpop (erf);
	(erf) = vpow2.f32 v10;
	v29 =	vadd.f32 v25, v41;
	v26 =	vor.u32 $0x3F800000, v26  }
0x42e: {  	v37 =	vld [tilespmem:s6+$0xE880];
	v4 =	vadd.f32 v4, v36;
	v32 =	vpop (erf);
	v33 =	vmul.f32 $5.000000000e-01, v26;
	v3 =	vsel vm0, $0x0, v3  }
0x42f: {  	v25 =	vmovc v30;
	vm1 =	vgt.f32 v26, $1.414213540e+00;
	v10 =	vld [tilespmem:s6+$0x12880];
	(erf) = vpow2.f32 v31;
	v2 =	vadd.f32 v3, v2  }
0x430: {  	v29 =	vadd.f32 v21, v29;
	v3 =	vld [tilespmem:s6+$0xF080];
	v4 =	vadd.f32 v32, v4;
	v30 =	vpop (erf);
	v31 =	vsel vm1, v33, v26  }
0x431: {  	v41 =	vor.u32 s2, v1;
	v21 =	vmovc v27;
	v26 =	vld [tilespmem:s6+$0x12080];
	v32 =	vmul.f32 $1.442695020e+00, v34;
	v33 =	vadd.f32 $1.000000000e+00, v31  }
0x432: {  	v29 =	vadd.f32 v17, v29;
	v42 =	vld [tilespmem:s6+$0xF880];
	v4 =	vadd.f32 v30, v4;
	v30 =	vpop (erf);
	(erf) = vpow2.f32 v35  }
0x433: {  	v43 =	vmov s2;
	s2 =	smov.u32 s31;
	s31 =	smov.u32 s5;
	v17 =	vmovc v40;
	v27 =	vld [tilespmem:s6+$0x11880];
	v35 =	vmul.f32 $1.442695020e+00, v37;
	(erf) = vrcp.f32 v33  }
0x434: {  	v29 =	vadd.f32 v11, v29;
	v11 =	vmovc v38;
	v40 =	vld [tilespmem:s6+$0x10080];
	v4 =	vadd.f32 v30, v4;
	(erf) = vpow2.f32 v32  }
0x435: {  	s0 =	sadd.s32 $0x40, s0;
	v41 =	vand.u32 $0x7F, v41;
	v36 =	vmul.f32 $1.442695020e+00, v10;
	v30 =	vld [tilespmem:s6+$0x11080];
	v32 =	vmul.f32 $1.442695020e+00, v3;
	v38 =	vpop (erf)  }
0x436: {  	s1 =	sand.u32 $0x70, s5;
	s9 =	sand.u32 $0x600, s0;
	v29 =	vadd.f32 v13, v29;
	v33 =	vld [tilespmem:s6+$0x10880];
	v4 =	vadd.f32 v38, v4;
	v44 =	vpop (erf);
	(erf) = vpow2.f32 v35  }
0x437: {  	v43 =	vshll.u32 v43, $0x2;
	s1 =	sor.u32 s1, s9;
	v13 =	vmovc v39;
	v38 =	vmul.f32 $1.442695020e+00, v26;
	v35 =	vmul.f32 $1.442695020e+00, v42  }
0x438: {  	v46 =	vadd.f32 v14, v29;
	v39 =	vld [tilespmem:s1+$0xD880];
	v4 =	vadd.f32 v44, v4;
	v44 =	vpop (erf);
	(erf) = vpow2.f32 v32  }
0x439: {  	v43 =	vand.u32 $0x600, v43;
	v14 =	vmovc v12;
	v47 =	vmul.f32 $1.442695020e+00, v27;
	v45 =	vmul.f32 $1.442695020e+00, v40;
	v49 =	vld [tilespmem:s25+$0x13880];
	s25 =	smov.u32 s6;
	s6 =	smov.u32 s1  }
0x43a: {  	v12 =	vadd.f32 v15, v46;
	v15 =	vmovc v34;
	v29 =	vld [tilespmem:s6+$0xA880];
	v4 =	vadd.f32 v44, v4;
	(erf) = vpow2.f32 v35  }
0x43b: {  	v34 =	vadd.f32 $-1.000000000e+00, v31;
	v50 =	vmul.f32 $1.442695020e+00, v30;
	v44 =	vmul.f32 $1.442695020e+00, v33;
	v32 =	vpop (erf)  }
0x43c: {  	v12 =	vadd.f32 v24, v12;
	v31 =	vld [tilespmem:s6+$0x9880];
	v4 =	vadd.f32 v32, v4;
	(erf) = vpow2.f32 v45;
	v24 =	vpop (erf)  }
0x43d: {  	v48 =	vor.u32 v41, v43;
	v32 =	vld [tilespmem:s6+$0xA080];
	v35 =	vmul.f32 $1.442695020e+00, v39;
	v45 =	vpop (erf);
	v34 =	vmul.f32 v24, v34  }
0x43e: {  	v24 =	vmovc v37;
	v4 =	vadd.f32 v45, v4;
	(erf) = vpow2.f32 v44;
	v44 =	vadd.f32 v18, v12;
	v18 =	vmovc v3  }
.Ltmp8:
0x43f: {  	vm0 =	veq.s32 v49, $0xFF;
	v3 =	vmul.f32 $1.442695020e+00, v29;
	v37 =	vpop (erf);
	v46 =	vmul.f32 v34, v34;
	(pc) =	sbr.rel @p0 .LBB2_19-.Ltmp8, $4  }
0x440: {  	v12 =	vmovc v39;
	v41 =	vadd.f32 v37, v4;
	(erf) = vpow2.f32 v50;
	v43 =	vadd.f32 v19, v44;
	v19 =	vmovc v42  }
0x441: {  	v44 =	vshll.u32 v49, $0xB;
	v37 =	vmul.f32 $1.442695020e+00, v31;
	v39 =	vpop (erf);
	v42 =	vmul.f32 $2.857142980e-01, v46  }
0x442: {  	v4 =	vmul.f32 $1.442695020e+00, v32;
	v39 =	vadd.f32 v39, v41;
	v50 =	vadd.f32 v20, v43;
	v20 =	vmovc v40  }
0x443: {  	s5 =	sadd.s32 $0x10, s5;
	v49 =	vsel vm0, $0x0, v44;
	v40 =	vpop (erf);
	(erf) = vpow2.f32 v47;
	v51 =	vadd.f32 $4.000000060e-01, v42  }
0x444: {  	(erf) = vpow2.f32 v36  }
0x445: {  	v57 =	vadd.f32 v40, v39;
	(erf) = vpow2.f32 v38  }
0x446: {  	v58 =	vpop (erf)  }
0x447: {  	v36 =	vadd.f32 v58, v57  }
0x448: {  	v59 =	vpop (erf)  }
0x449: {  	v45 =	vld [tilespmem:s6+$0xB080];
	v36 =	vadd.f32 v59, v36  }
0x44a: {  	v60 =	vpop (erf)  }
0x44b: {  	v44 =	vld [tilespmem:s6+$0xB880];
	(erf) = vpow2.f32 v37;
	v36 =	vadd.f32 v60, v36  }
0x44c: {  	(erf) = vpow2.f32 v4;
	v4 =	vpop (erf)  }
0x44d: {  	v43 =	vld [tilespmem:s6+$0xC080];
	(erf) = vpow2.f32 v3;
	v3 =	vadd.f32 v4, v36;
	v4 =	vpop (erf)  }
0x44e: {  	v42 =	vld [tilespmem:s6+$0xC880];
	v61 =	vmul.f32 $1.442695020e+00, v45;
	v62 =	vpop (erf)  }
0x44f: {  	v3 =	vadd.f32 v62, v3  }
0x450: {  	v63 =	vmul.f32 $1.442695020e+00, v44;
	(erf) = vpow2.f32 v61  }
0x451: {  	v41 =	vld [tilespmem:s6+$0xD080];
	v47 =	vadd.f32 v4, v3  }
0x452: {  	v40 =	vmul.f32 $1.442695020e+00, v43;
	(erf) = vpow2.f32 v63  }
0x453: {  	v4 =	vmul.f32 $1.442695020e+00, v42;
	v52 =	vand.u32 $0x7FFFFF, v47  }
0x454: {  	(erf) = vpow2.f32 v40;
	v3 =	vpop (erf);
	v55 =	vor.u32 $0x3F800000, v52  }
0x455: {  	v40 =	vld [tilespmem:s6+$0xE080];
	(erf) = vpow2.f32 v4;
	v54 =	vpop (erf);
	v4 =	vmul.f32 $5.000000000e-01, v55  }
0x456: {  	v53 =	vmul.f32 $1.442695020e+00, v41;
	v3 =	vadd.f32 v54, v3  }
0x457: {  	v56 =	vpop (erf);
	vm2 =	vgt.f32 v55, $1.414213540e+00  }
0x458: {  	(erf) = vpow2.f32 v53;
	v3 =	vadd.f32 v56, v3;
	v52 =	vsel vm2, v4, v55  }
0x459: {  	v36 =	vld [tilespmem:s6+$0xE880];
	v57 =	vadd.f32 $1.000000000e+00, v52;
	v4 =	vpop (erf)  }
0x45a: {  	v53 =	vmul.f32 $1.442695020e+00, v40;
	(erf) = vpow2.f32 v35;
	v3 =	vadd.f32 v4, v3  }
0x45b: {  	v37 =	vld [tilespmem:s6+$0xF080];
	v4 =	vpop (erf);
	(erf) = vrcp.f32 v57  }
0x45c: {  	(erf) = vpow2.f32 v53;
	v3 =	vadd.f32 v4, v3  }
0x45d: {  	v39 =	vld [tilespmem:s6+$0xF880];
	v4 =	vpop (erf)  }
0x45e: {  	v58 =	vmul.f32 $1.442695020e+00, v36;
	v3 =	vadd.f32 v4, v3  }
0x45f: {  	v16 =	vadd.f32 v23, v16;
	v38 =	vld [tilespmem:s6+$0x10080];
	v60 =	vpop (erf)  }
0x460: {  	v59 =	vmul.f32 $1.442695020e+00, v37;
	(erf) = vpow2.f32 v58;
	v3 =	vadd.f32 v60, v3  }
0x461: {  	v22 =	vadd.f32 v22, v16;
	v4 =	vld [tilespmem:s6+$0x10880];
	v62 =	vpop (erf)  }
0x462: {  	v23 =	vld [tilespmem:s6+$0x11080];
	v61 =	vmul.f32 $1.442695020e+00, v39;
	(erf) = vpow2.f32 v59;
	v3 =	vadd.f32 v62, v3  }
0x463: {  	v9 =	vadd.f32 v9, v50;
	v16 =	vld [tilespmem:s6+$0x11880];
	v56 =	vpop (erf)  }
0x464: {  	v63 =	vmul.f32 $1.442695020e+00, v38;
	(erf) = vpow2.f32 v61;
	v58 =	vpop (erf);
	v35 =	vadd.f32 v56, v3;
	v3 =	vld [tilespmem:s6+$0x12880]  }
0x465: {  	v7 =	vadd.f32 v7, v9;
	v25 =	vadd.f32 v25, v22;
	v22 =	vpop (erf)  }
0x466: {  	(erf) = vpow2.f32 v63;
	v54 =	vmul.f32 $1.442695020e+00, v4;
	v35 =	vadd.f32 v22, v35;
	v22 =	vld [tilespmem:s6+$0x12080]  }
0x467: {  	v9 =	vmul.f32 $1.442695020e+00, v23;
	v21 =	vadd.f32 v21, v25  }
0x468: {  	v7 =	vadd.f32 v8, v7;
	v57 =	vmul.f32 v51, v46;
	(erf) = vpow2.f32 v54  }
0x469: {  	v8 =	vmul.f32 $1.442695020e+00, v16;
	v17 =	vadd.f32 v17, v21;
	v60 =	vpop (erf);
	v21 =	vmul.f32 $1.442695020e+00, v3  }
0x46a: {  	v59 =	vadd.f32 $6.666666860e-01, v57;
	(erf) = vpow2.f32 v9;
	v25 =	vadd.f32 v60, v35  }
0x46b: {  	v48 =	vor.u32 v49, v48;
	v9 =	vpop (erf);
	(erf) = vpow2.f32 v8;
	v8 =	vmul.f32 $1.442695020e+00, v22  }
0x46c: {  	v61 =	vmul.f32 v59, v46;
	v9 =	vadd.f32 v9, v25;
	(erf) = vpow2.f32 v21  }
0x46d: {  	v25 =	vshrl.u32 v28, $0x17;
	v21 =	vpop (erf);
	(erf) = vpow2.f32 v8;
	v8 =	vadd.f32 v11, v17  }
0x46e: {  	v28 =	vor.u32 $0x80, v48;
	v25 =	vadd.s32 $0xFFFFFF81, v25;
	v9 =	vadd.f32 v21, v9  }
0x46f: {  	v6 =	vadd.f32 v6, v7;
	v25 =	vcvt.s32.f32 v25;
	v11 =	vpop (erf);
	v8 =	vadd.f32 v13, v8  }
0x470: {  	v7 =	vsel vm1, $0x3F800000, v0;
	v9 =	vadd.f32 v11, v9;
	v11 =	vadd.f32 $2.000000000e+00, v61  }
0x471: {  	v5 =	vadd.f32 v5, v6;
	v7 =	vadd.f32 v25, v7;
	v13 =	vpop (erf)  }
0x472: {  	v8 =	vadd.f32 v14, v8;
	v6 =	vadd.f32 v13, v9;
	v9 =	vmul.f32 v11, v34  }
0x473: {  	v17 =	vld.idx.msk [tilespmem:v28+s23+$0x0], $0xffff;
	v7 =	vmul.f32 $6.931471820e-01, v7  }
0x474: {  	v8 =	vadd.f32 v15, v8;
	v11 =	vpop (erf)  }
0x475: {  	v7 =	vadd.f32 v9, v7;
	v6 =	vadd.f32 v11, v6  }
0x476: {  	v5 =	vmul.f32 $-5.555555690e-03, v5;
	v11 =	vadd.f32 $-1.000000000e+00, v52;
	v8 =	vadd.f32 v24, v8;
	v9 =	vpop (erf)  }
0x477: {  	v24 =	vadd.f32 v32, v31;
	v6 =	vadd.f32 v9, v6;
	v9 =	vpop (erf)  }
0x478: {  	v5 =	vadd.f32 v5, v7;
	v7 =	vmul.f32 $-8.944444650e-01, v17;
	v13 =	vpop (erf)  }
0x479: {  	v11 =	vmul.f32 v58, v11;
	v24 =	vadd.f32 v29, v24;
	v6 =	vadd.f32 v13, v6  }
0x47a: {  	v13 =	vadd.f32 v7, v5;
	v5 =	vadd.f32 v18, v8  }
0x47b: {  	s0 =	simm.s32 $0x0;
	v7 =	vor.u32 s2, v1;
	v8 =	vmul.f32 v11, v11;
	v14 =	vadd.f32 v9, v6  }
0x47c: {  	s1 =	sand.u32 $0x70, s0;
	s13 =	sand.u32 $0x600, s0;
	v7 =	vand.u32 $0x7F, v7;
	v6 =	vmov s2;
	v9 =	vld [tilespmem:s25+$0x13880];
	v5 =	vadd.f32 v19, v5  }
0x47d: {  	s24 =	sor.u32 s1, s13;
	v15 =	vmul.f32 $2.857142980e-01, v8;
	v6 =	vshll.u32 v6, $0x2;
	v17 =	vand.u32 $0x7FFFFF, v14  }
0x47e: {  	v6 =	vand.u32 $0x600, v6;
	v18 =	vadd.f32 v20, v5;
	v5 =	vld [tilespmem:s24+$0x9900];
	v17 =	vor.u32 $0x3F800000, v17  }
0x47f: {  	v19 =	vld [tilespmem:s24+$0xA100];
	v6 =	vor.u32 v7, v6;
	v7 =	vadd.f32 $4.000000060e-01, v15;
	v15 =	vmul.f32 $5.000000000e-01, v17  }
0x480: {  	v20 =	vsel vm2, $0x3F800000, v0;
	v18 =	vadd.f32 v33, v18;
	vm2 =	vgt.f32 v17, $1.414213540e+00  }
0x481: {  	v62 =	vld [tilespmem:s24+$0xA900];
	vm1 =	veq.s32 v9, $0xFF;
	v7 =	vmul.f32 v7, v8;
	v15 =	vsel vm2, v15, v17  }
0x482: {  	v9 =	vshll.u32 v9, $0xB;
	v17 =	vadd.f32 v30, v18;
	v21 =	vadd.f32 $1.000000000e+00, v15  }
0x483: {  	v18 =	vshrl.u32 v47, $0x17;
	v7 =	vadd.f32 $6.666666860e-01, v7;
	v28 =	vmul.f32 $1.442695020e+00, v5  }
0x484: {  	v25 =	vld [tilespmem:s24+$0xB100];
	v9 =	vsel vm1, $0x0, v9;
	(erf) = vrcp.f32 v21;
	v21 =	vmul.f32 $1.442695020e+00, v19  }
0x485: {  	v63 =	vld [tilespmem:s24+$0xB900];
	v7 =	vmul.f32 v7, v8;
	v8 =	vadd.f32 v45, v24;
	(erf) = vpow2.f32 v28  }
0x486: {  	v18 =	vadd.s32 $0xFFFFFF81, v18;
	v24 =	vld [tilespmem:s24+$0xC100];
	v28 =	vmul.f32 $1.442695020e+00, v62;
	(erf) = vpow2.f32 v21  }
0x487: {  	v6 =	vor.u32 v9, v6;
	v18 =	vcvt.s32.f32 v18;
	v8 =	vadd.f32 v44, v8  }
0x488: {  	v17 =	vadd.f32 v27, v17;
	v7 =	vadd.f32 $2.000000000e+00, v7;
	(erf) = vpow2.f32 v28  }
0x489: {  	v18 =	vadd.f32 v18, v20;
	v20 =	vmul.f32 $1.442695020e+00, v25;
	v8 =	vadd.f32 v43, v8  }
0x48a: {  	v30 =	vld [tilespmem:s24+$0xC900];
	v17 =	vadd.f32 v26, v17;
	v21 =	vmul.f32 $1.442695020e+00, v63;
	v7 =	vmul.f32 v7, v11  }
0x48b: {  	v31 =	vld [tilespmem:s24+$0xE100];
	(erf) = vpow2.f32 v20;
	v9 =	vmul.f32 $1.442695020e+00, v24;
	v8 =	vadd.f32 v42, v8  }
0x48c: {  	v18 =	vmul.f32 $6.931471820e-01, v18;
	v11 =	vld [tilespmem:s24+$0xD100];
	v20 =	vor.u32 $0x80, v6  }
0x48d: {  	v6 =	vadd.f32 v10, v17;
	(erf) = vpow2.f32 v21;
	v8 =	vadd.f32 v41, v8;
	v10 =	vpop (erf)  }
0x48e: {  	v29 =	vld [tilespmem:s24+$0xD900];
	v14 =	vshrl.u32 v14, $0x17;
	v17 =	vadd.f32 v7, v18;
	v7 =	vpop (erf)  }
0x48f: {  	v18 =	vmul.f32 $1.442695020e+00, v30;
	(erf) = vpow2.f32 v9;
	v8 =	vadd.f32 v12, v8;
	v9 =	vpop (erf)  }
0x490: {  	v14 =	vadd.s32 $0xFFFFFF81, v14;
	v27 =	vmul.f32 $1.442695020e+00, v31;
	v7 =	vadd.f32 v9, v7  }
0x491: {  	v26 =	vmul.f32 $1.442695020e+00, v11;
	(erf) = vpow2.f32 v18;
	v12 =	vpop (erf);
	v8 =	vadd.f32 v40, v8  }
0x492: {  	v32 =	vld [tilespmem:s24+$0xE900];
	v21 =	vmul.f32 $-5.555555690e-03, v6;
	v7 =	vadd.f32 v12, v7;
	v12 =	vadd.f32 $-1.000000000e+00, v15  }
0x493: {  	v35 =	vld [tilespmem:s24+$0xF100];
	v18 =	vmul.f32 $1.442695020e+00, v29;
	v9 =	vmov s31;
	(erf) = vpow2.f32 v26  }
0x494: {  	v6 =	vor.u32 s31, v1;
	v9 =	vshll.u32 v9, $0x2;
	v15 =	vpop (erf);
	v8 =	vadd.f32 v36, v8  }
0x495: {  	(erf) = vpow2.f32 v18;
	v9 =	vand.u32 $0x600, v9;
	v36 =	vld [tilespmem:s24+$0xF900];
	v7 =	vadd.f32 v15, v7  }
0x496: {  	v6 =	vand.u32 $0x7F, v6;
	v26 =	vld [tilespmem:s6+$0x13880];
	v10 =	vmul.f32 v10, v12;
	v8 =	vadd.f32 v37, v8;
	v12 =	vpop (erf)  }
0x497: {  	(erf) = vpow2.f32 v27;
	v15 =	vmul.f32 $1.442695020e+00, v32;
	v7 =	vadd.f32 v12, v7  }
0x498: {  	v18 =	vmul.f32 $1.442695020e+00, v35;
	v6 =	vor.u32 v6, v9;
	v37 =	vld [tilespmem:s24+$0x10100];
	v8 =	vadd.f32 v39, v8;
	v9 =	vpop (erf)  }
0x499: {  	v12 =	vmul.f32 v10, v10;
	(erf) = vpow2.f32 v15;
	v9 =	vadd.f32 v9, v7  }
0x49a: {  	v15 =	vsel vm2, $0x3F800000, v0;
	v28 =	vmul.f32 $1.442695020e+00, v36;
	v27 =	vpop (erf);
	v8 =	vadd.f32 v38, v8;
	v7 =	vld [tilespmem:s24+$0x10900]  }
0x49b: {  	vm2 =	veq.s32 v26, $0xFF;
	(erf) = vpow2.f32 v18;
	v27 =	vadd.f32 v27, v9  }
0x49c: {  	v18 =	vmul.f32 $2.857142980e-01, v12;
	v46 =	vpop (erf);
	(erf) = vpow2.f32 v28;
	v28 =	vadd.f32 v4, v8;
	v9 =	vld [tilespmem:s24+$0x11100]  }
0x49d: {  	v26 =	vshll.u32 v26, $0xB;
	v47 =	vmul.f32 $1.442695020e+00, v37;
	v27 =	vadd.f32 v46, v27  }
0x49e: {  	v14 =	vcvt.s32.f32 v14;
	v26 =	vsel vm2, $0x0, v26;
	v8 =	vld [tilespmem:s24+$0x11900];
	v48 =	vpop (erf);
	v18 =	vadd.f32 $4.000000060e-01, v18  }
0x49f: {  	v4 =	vld [tilespmem:s24+$0x12900];
	(erf) = vpow2.f32 v47;
	v49 =	vmul.f32 $1.442695020e+00, v7;
	v27 =	vadd.f32 v48, v27  }
0x4a0: {  	v26 =	vor.u32 v26, v6;
	v6 =	vld [tilespmem:s24+$0x12100];
	v23 =	vadd.f32 v23, v28;
	v18 =	vmul.f32 v18, v12;
	v28 =	vpop (erf)  }
0x4a1: {  	s14 =	simm.s32 $0x40;
	s31 =	simm.s32 $0x10;
	v50 =	vmul.f32 $1.442695020e+00, v9;
	(erf) = vpow2.f32 v49;
	v27 =	vadd.f32 v28, v27  }
0x4a2: {  	s1 =	sand.u32 $0x600, s14;
	s25 =	sand.u32 $0x70, s31;
	v14 =	vadd.f32 v14, v15;
	v26 =	vor.u32 $0x80, v26;
	v18 =	vadd.f32 $6.666666860e-01, v18;
	v28 =	vpop (erf)  }
0x4a3: {  	s2 =	sor.u32 s25, s1;
	v51 =	vmul.f32 $1.442695020e+00, v8;
	(erf) = vpow2.f32 v50;
	v27 =	vadd.f32 v28, v27  }
0x4a4: {  	v23 =	vadd.f32 v16, v23;
	v16 =	vld [tilespmem:s2+$0xA100];
	v18 =	vmul.f32 v18, v12;
	v52 =	vpop (erf);
	v28 =	vmul.f32 $1.442695020e+00, v4  }
0x4a5: {  	v53 =	vmul.f32 $1.442695020e+00, v6;
	v12 =	vld [tilespmem:s2+$0x9900];
	(erf) = vpow2.f32 v51;
	v27 =	vadd.f32 v52, v27  }
0x4a6: {  	v20 =	vld.idx.msk [tilespmem:v20+s23+$0x0], $0xffff;
	v22 =	vadd.f32 v22, v23;
	v54 =	vpop (erf);
	v18 =	vadd.f32 $2.000000000e+00, v18;
	(erf) = vpow2.f32 v28  }
0x4a7: {  	v14 =	vmul.f32 $6.931471820e-01, v14;
	v26 =	vld.idx.msk [tilespmem:v26+s23+$0x0], $0xffff;
	(erf) = vpow2.f32 v53;
	v27 =	vadd.f32 v54, v27  }
0x4a8: {  	v3 =	vadd.f32 v3, v22;
	v15 =	vpop (erf);
	v28 =	vsel vm0, $0x0, v13;
	v13 =	vld [tilespmem:s2+$0xA900];
	v10 =	vmul.f32 v18, v10  }
0x4a9: {  	v23 =	vadd.f32 v21, v17;
	v22 =	vmul.f32 $1.442695020e+00, v16;
	v15 =	vadd.f32 v15, v27  }
0x4aa: {  	v21 =	vld [tilespmem:s2+$0xB100];
	v3 =	vmul.f32 $-5.555555690e-03, v3;
	v17 =	vmul.f32 $1.442695020e+00, v12;
	v10 =	vadd.f32 v10, v14;
	v18 =	vpop (erf)  }
0x4ab: {  	v20 =	vmul.f32 $-8.944444650e-01, v20;
	v18 =	vadd.f32 v18, v15  }
0x4ac: {  	(erf) = vpow2.f32 v17;
	v17 =	vld [tilespmem:s2+$0xB900];
	v3 =	vadd.f32 v3, v10;
	v10 =	vmul.f32 $-8.944444650e-01, v26;
	v14 =	vpop (erf)  }
0x4ad: {  	v27 =	vmul.f32 $1.442695020e+00, v13;
	(erf) = vpow2.f32 v22;
	v18 =	vadd.f32 v14, v18  }
0x4ae: {  	v20 =	vadd.f32 v20, v23;
	v15 =	vld [tilespmem:s2+$0xC100];
	v22 =	vpop (erf)  }
0x4af: {  	v23 =	vmul.f32 $1.442695020e+00, v21;
	(erf) = vpow2.f32 v27;
	v14 =	vld [tilespmem:s2+$0xC900];
	v26 =	vpop (erf);
	v22 =	vadd.f32 v22, v18  }
0x4b0: {  	v20 =	vsel vm1, $0x0, v20;
	v2 =	vadd.f32 v28, v2;
	v3 =	vadd.f32 v10, v3;
	v10 =	vpop (erf)  }
0x4b1: {  	v27 =	vmul.f32 $1.442695020e+00, v17;
	(erf) = vpow2.f32 v23;
	v18 =	vld [tilespmem:s2+$0xD100];
	v10 =	vadd.f32 v10, v22  }
0x4b2: {  	v19 =	vadd.f32 v19, v5;
	v2 =	vadd.f32 v20, v2;
	v3 =	vsel vm2, $0x0, v3  }
0x4b3: {  	v20 =	vld [tilespmem:s2+$0xD900];
	(erf) = vpow2.f32 v27;
	v22 =	vmul.f32 $1.442695020e+00, v15;
	v28 =	vadd.f32 v26, v10  }
0x4b4: {  	v5 =	vadd.f32 v3, v2;
	v2 =	vmul.f32 $1.442695020e+00, v14  }
0x4b5: {  	v3 =	vpop (erf);
	v10 =	vadd.f32 v62, v19;
	(erf) = vpow2.f32 v22;
	v22 =	vand.u32 $0x7FFFFF, v28  }
0x4b6: {  	v19 =	vld [tilespmem:s2+$0xE100];
	v23 =	vmul.f32 $1.442695020e+00, v18;
	v26 =	vpop (erf);
	(erf) = vpow2.f32 v2;
	v2 =	vor.u32 $0x3F800000, v22  }
0x4b7: {  	v27 =	vadd.f32 v25, v10;
	v25 =	vld [tilespmem:s2+$0xE900];
	v3 =	vadd.f32 v26, v3;
	v26 =	vmul.f32 $5.000000000e-01, v2  }
0x4b8: {  	v33 =	vld [tilespmem:s2+$0x10900];
	v55 =	vmul.f32 $1.442695020e+00, v20;
	v56 =	vpop (erf);
	(erf) = vpow2.f32 v23;
	vm0 =	vgt.f32 v2, $1.414213540e+00  }
0x4b9: {  	v22 =	vld [tilespmem:s2+$0xF100];
	v3 =	vadd.f32 v56, v3;
	v27 =	vadd.f32 v63, v27;
	v38 =	vsel vm0, v26, v2  }
0x4ba: {  	v59 =	vor.u32 s0, v1;
	v10 =	vld [tilespmem:s2+$0x12900];
	(erf) = vpow2.f32 v55;
	v2 =	vpop (erf);
	v58 =	vadd.f32 $1.000000000e+00, v38  }
0x4bb: {  	v23 =	vld [tilespmem:s2+$0xF900];
	v57 =	vmul.f32 $1.442695020e+00, v19;
	v2 =	vadd.f32 v2, v3;
	v3 =	vadd.f32 v24, v27  }
0x4bc: {  	v62 =	vmov s0;
	v55 =	vld [tilespmem:s24+$0x13900];
	v60 =	vpop (erf);
	v61 =	vmul.f32 $1.442695020e+00, v25;
	(erf) = vrcp.f32 v58  }
0x4bd: {  	v24 =	vld [tilespmem:s2+$0x10100];
	v34 =	vadd.f32 v60, v2;
	v3 =	vadd.f32 v30, v3;
	(erf) = vpow2.f32 v57  }
0x4be: {  	v42 =	vshll.u32 v62, $0x2;
	v56 =	vmul.f32 $1.442695020e+00, v33;
	v26 =	vld [tilespmem:s2+$0x12100];
	v63 =	vmul.f32 $1.442695020e+00, v22;
	v48 =	vpop (erf)  }
0x4bf: {  	v27 =	vld [tilespmem:s2+$0x11900];
	v34 =	vadd.f32 v48, v34;
	(erf) = vpow2.f32 v61;
	v3 =	vadd.f32 v11, v3  }
0x4c0: {  	v39 =	vmul.f32 $1.442695020e+00, v10;
	v38 =	vadd.f32 $-1.000000000e+00, v38;
	v50 =	vmul.f32 $1.442695020e+00, v23;
	v49 =	vpop (erf)  }
0x4c1: {  	s5 =	simm.s32 $0x80;
	s0 =	simm.s32 $0x20;
	v30 =	vld [tilespmem:s2+$0x11100];
	(erf) = vpow2.f32 v63;
	v34 =	vadd.f32 v49, v34;
	v51 =	vadd.f32 v29, v3  }
0x4c2: {  	s26 =	sand.u32 $0x600, s5;
	s6 =	sand.u32 $0x70, s0;
	v2 =	vand.u32 $0x7F, v59;
	vm1 =	veq.s32 v55, $0xFF;
	v52 =	vpop (erf);
	v53 =	vmul.f32 $1.442695020e+00, v24  }
0x4c3: {  	s10 =	sor.u32 s6, s26;
	(erf) = vpow2.f32 v50;
	v34 =	vadd.f32 v52, v34;
	v41 =	vadd.f32 v31, v51  }
0x4c4: {  	v47 =	vshll.u32 v55, $0xB;
	v40 =	vmul.f32 $1.442695020e+00, v26;
	v11 =	vld [tilespmem:s10+$0xD900];
	v54 =	vmul.f32 $1.442695020e+00, v27;
	v58 =	vpop (erf)  }
0x4c5: {  	v29 =	vld [tilespmem:s10+$0xA900];
	(erf) = vpow2.f32 v53;
	v44 =	vadd.f32 v58, v34;
	v41 =	vadd.f32 v32, v41;
	v59 =	vpop (erf)  }
0x4c6: {  	v3 =	vand.u32 $0x600, v42;
	v57 =	vmul.f32 $1.442695020e+00, v30;
	v31 =	vld [tilespmem:s10+$0x9900];
	v60 =	vpop (erf);
	v38 =	vmul.f32 v59, v38  }
0x4c7: {  	(erf) = vpow2.f32 v56;
	v32 =	vld [tilespmem:s10+$0xA100];
	v41 =	vadd.f32 v35, v41;
	v44 =	vadd.f32 v60, v44  }
0x4c8: {  	v50 =	vor.u32 v2, v3;
	(erf) = vpow2.f32 v57;
	v61 =	vpop (erf);
	v49 =	vmul.f32 v38, v38  }
0x4c9: {  	v34 =	vmul.f32 $1.442695020e+00, v11;
	v36 =	vadd.f32 v36, v41;
	v44 =	vadd.f32 v61, v44  }
0x4ca: {  	v52 =	vsel vm1, $0x0, v47;
	v35 =	vmul.f32 $1.442695020e+00, v29;
	v62 =	vpop (erf);
	v63 =	vmul.f32 $2.857142980e-01, v49  }
0x4cb: {  	s9 =	simm.s32 $0x30;
	v42 =	vmul.f32 $1.442695020e+00, v31;
	v36 =	vadd.f32 v37, v36;
	v43 =	vadd.f32 v62, v44  }
0x4cc: {  	s13 =	simm.s32 $0x20;
	s25 =	simm.s32 $0x10;
	s14 =	smov.u32 s2;
	(erf) = vpow2.f32 v54;
	v41 =	vmul.f32 $1.442695020e+00, v32;
	v37 =	vpop (erf);
	v53 =	vadd.f32 $4.000000060e-01, v63  }
.LBB2_21:
0x4cd: {  	p0 =	sne.s32 s9, $0x1F0;
	v37 =	vadd.f32 v37, v43;
	(erf) = vpow2.f32 v39;
	v36 =	vadd.f32 v7, v36;
	v7 =	vmovc v33  }
0x4ce: {  	v43 =	vor.u32 v52, v50;
	v33 =	vpop (erf);
	(erf) = vpow2.f32 v40;
	v39 =	vmul.f32 v53, v49  }
0x4cf: {  	v33 =	vadd.f32 v33, v37;
	v36 =	vadd.f32 v9, v36;
	v37 =	vor.u32 $0x100, v43;
	v9 =	vmovc v30  }
0x4d0: {  	v28 =	vshrl.u32 v28, $0x17;
	v30 =	vld [tilespmem:s10+$0xB100];
	(erf) = vpow2.f32 v42;
	v40 =	vpop (erf);
	v39 =	vadd.f32 $6.666666860e-01, v39  }
0x4d1: {  	v28 =	vadd.s32 $0xFFFFFF81, v28;
	v33 =	vadd.f32 v40, v33;
	v36 =	vadd.f32 v8, v36;
	v8 =	vmovc v27  }
0x4d2: {  	v28 =	vcvt.s32.f32 v28;
	v27 =	vld [tilespmem:s10+$0xB900];
	v40 =	vpop (erf);
	v39 =	vmul.f32 v39, v49  }
0x4d3: {  	v42 =	vld [tilespmem:s10+$0xC100];
	v33 =	vadd.f32 v40, v33;
	v36 =	vadd.f32 v6, v36;
	v40 =	vsel vm0, $0x3F800000, v0;
	v6 =	vmovc v26  }
0x4d4: {  	(erf) = vpow2.f32 v41;
	v26 =	vadd.f32 v28, v40;
	v28 =	vadd.f32 $2.000000000e+00, v39;
	v37 =	vld.idx.msk [tilespmem:v37+s23+$0x0], $0xffff  }
0x4d5: {  	v41 =	vld [tilespmem:s10+$0xD100];
	v43 =	vmul.f32 $1.442695020e+00, v30;
	(erf) = vpow2.f32 v35;
	v35 =	vpop (erf);
	v36 =	vadd.f32 v4, v36  }
0x4d6: {  	v40 =	vld [tilespmem:s10+$0xC900];
	v33 =	vadd.f32 v35, v33;
	v35 =	vpop (erf);
	v28 =	vmul.f32 v28, v38;
	v26 =	vmul.f32 $6.931471820e-01, v26  }
0x4d7: {  	v4 =	vmov v10;
	v38 =	vmul.f32 $1.442695020e+00, v27;
	(erf) = vpow2.f32 v43;
	v39 =	vpop (erf)  }
0x4d8: {  	v10 =	vadd.f32 v39, v33;
	v26 =	vadd.f32 v28, v26;
	v33 =	vmul.f32 $-5.555555690e-03, v36  }
0x4d9: {  	v36 =	vmul.f32 $1.442695020e+00, v42;
	v39 =	vpop (erf);
	(erf) = vpow2.f32 v38;
	v38 =	vadd.f32 v16, v12  }
0x4da: {  	v37 =	vmul.f32 $-8.944444650e-01, v37;
	v12 =	vmovc v31;
	v16 =	vmovc v32;
	v28 =	vadd.f32 v35, v10;
	v10 =	vadd.f32 v33, v26  }
0x4db: {  	v32 =	vmul.f32 $1.442695020e+00, v41;
	v31 =	vmul.f32 $1.442695020e+00, v40;
	v38 =	vadd.f32 v13, v38;
	v13 =	vmovc v29  }
0x4dc: {  	v35 =	vld [tilespmem:s10+$0xE100];
	(erf) = vpow2.f32 v36;
	v29 =	vand.u32 $0x7FFFFF, v28;
	v10 =	vadd.f32 v37, v10  }
0x4dd: {  	v26 =	vpop (erf);
	(erf) = vpow2.f32 v31;
	v31 =	vadd.f32 v21, v38;
	v29 =	vor.u32 $0x3F800000, v29  }
0x4de: {  	v36 =	vld [tilespmem:s10+$0xE900];
	v26 =	vadd.f32 v26, v39;
	v33 =	vpop (erf);
	v37 =	vmul.f32 $5.000000000e-01, v29;
	v38 =	vsel vm1, $0x0, v10  }
0x4df: {  	v21 =	vmovc v30;
	vm0 =	vgt.f32 v29, $1.414213540e+00;
	v10 =	vld [tilespmem:s10+$0x12900];
	(erf) = vpow2.f32 v32;
	v5 =	vadd.f32 v38, v5  }
0x4e0: {  	v31 =	vadd.f32 v17, v31;
	v43 =	vld [tilespmem:s10+$0xF100];
	v30 =	vadd.f32 v33, v26;
	v32 =	vpop (erf);
	v37 =	vsel vm0, v37, v29  }
0x4e1: {  	v38 =	vor.u32 s25, v1;
	v17 =	vmovc v27;
	v26 =	vld [tilespmem:s10+$0x12100];
	v29 =	vmul.f32 $1.442695020e+00, v35;
	v33 =	vadd.f32 $1.000000000e+00, v37  }
0x4e2: {  	v31 =	vadd.f32 v15, v31;
	v44 =	vld [tilespmem:s10+$0xF900];
	v30 =	vadd.f32 v32, v30;
	v32 =	vpop (erf);
	(erf) = vpow2.f32 v34  }
0x4e3: {  	v45 =	vmov s25;
	s25 =	smov.u32 s13;
	s13 =	smov.u32 s9;
	v15 =	vmovc v42;
	v27 =	vld [tilespmem:s10+$0x11900];
	v34 =	vmul.f32 $1.442695020e+00, v36;
	(erf) = vrcp.f32 v33  }
0x4e4: {  	v46 =	vld [tilespmem:s10+$0x10100];
	v32 =	vadd.f32 v32, v30;
	(erf) = vpow2.f32 v29;
	v29 =	vadd.f32 v14, v31;
	v14 =	vmovc v40  }
0x4e5: {  	s5 =	sadd.s32 $0x40, s5;
	v42 =	vand.u32 $0x7F, v38;
	v39 =	vmul.f32 $1.442695020e+00, v10;
	v30 =	vld [tilespmem:s10+$0x11100];
	v31 =	vmul.f32 $1.442695020e+00, v43;
	v40 =	vpop (erf)  }
0x4e6: {  	s1 =	sand.u32 $0x70, s9;
	s26 =	sand.u32 $0x600, s5;
	v33 =	vld [tilespmem:s10+$0x10900];
	v32 =	vadd.f32 v40, v32;
	v38 =	vpop (erf);
	(erf) = vpow2.f32 v34;
	v29 =	vadd.f32 v18, v29  }
0x4e7: {  	v45 =	vshll.u32 v45, $0x2;
	s1 =	sor.u32 s1, s26;
	v40 =	vmul.f32 $1.442695020e+00, v26;
	v18 =	vmovc v41;
	v34 =	vmul.f32 $1.442695020e+00, v44  }
0x4e8: {  	v41 =	vld [tilespmem:s1+$0xD900];
	v32 =	vadd.f32 v38, v32;
	v38 =	vpop (erf);
	(erf) = vpow2.f32 v31;
	v31 =	vadd.f32 v20, v29  }
0x4e9: {  	v45 =	vand.u32 $0x600, v45;
	v48 =	vmul.f32 $1.442695020e+00, v27;
	v20 =	vmovc v11;
	v47 =	vmul.f32 $1.442695020e+00, v46;
	v51 =	vld [tilespmem:s14+$0x13900];
	s14 =	smov.u32 s10;
	s10 =	smov.u32 s1  }
0x4ea: {  	v29 =	vld [tilespmem:s10+$0xA900];
	v11 =	vadd.f32 v38, v32;
	(erf) = vpow2.f32 v34;
	v32 =	vadd.f32 v19, v31;
	v19 =	vmovc v35  }
0x4eb: {  	v37 =	vadd.f32 $-1.000000000e+00, v37;
	v52 =	vmul.f32 $1.442695020e+00, v30;
	v35 =	vmul.f32 $1.442695020e+00, v33;
	v34 =	vpop (erf)  }
0x4ec: {  	v31 =	vld [tilespmem:s10+$0x9900];
	v11 =	vadd.f32 v34, v11;
	(erf) = vpow2.f32 v47;
	v49 =	vadd.f32 v25, v32;
	v38 =	vpop (erf)  }
0x4ed: {  	v50 =	vor.u32 v42, v45;
	v32 =	vld [tilespmem:s10+$0xA100];
	v34 =	vmul.f32 $1.442695020e+00, v41;
	v47 =	vpop (erf);
	v38 =	vmul.f32 v38, v37  }
0x4ee: {  	v25 =	vmovc v36;
	v42 =	vadd.f32 v47, v11;
	(erf) = vpow2.f32 v35;
	v37 =	vadd.f32 v22, v49;
	v22 =	vmovc v43  }
.Ltmp9:
0x4ef: {  	vm1 =	veq.s32 v51, $0xFF;
	v35 =	vmul.f32 $1.442695020e+00, v29;
	v36 =	vpop (erf);
	v49 =	vmul.f32 v38, v38;
	(pc) =	sbr.rel @p0 .LBB2_21-.Ltmp9, $4  }
0x4f0: {  	v36 =	vadd.f32 v36, v42;
	(erf) = vpow2.f32 v52;
	v47 =	vadd.f32 v23, v37;
	v23 =	vmovc v44;
	v11 =	vmovc v41  }
0x4f1: {  	v45 =	vshll.u32 v51, $0xB;
	v42 =	vmul.f32 $1.442695020e+00, v31;
	v43 =	vpop (erf);
	v44 =	vmul.f32 $2.857142980e-01, v49  }
0x4f2: {  	v41 =	vmul.f32 $1.442695020e+00, v32;
	v43 =	vadd.f32 v43, v36;
	v36 =	vadd.f32 v24, v47;
	v24 =	vmovc v46  }
0x4f3: {  	s9 =	sadd.s32 $0x10, s9;
	v52 =	vsel vm1, $0x0, v45;
	v37 =	vpop (erf);
	(erf) = vpow2.f32 v48;
	v53 =	vadd.f32 $4.000000060e-01, v44  }
0x4f4: {  	(erf) = vpow2.f32 v39  }
0x4f5: {  	v37 =	vadd.f32 v37, v43;
	(erf) = vpow2.f32 v40  }
0x4f6: {  	v57 =	vpop (erf)  }
0x4f7: {  	v37 =	vadd.f32 v57, v37  }
0x4f8: {  	v48 =	vld [tilespmem:s10+$0xB100];
	v58 =	vpop (erf)  }
0x4f9: {  	v37 =	vadd.f32 v58, v37  }
0x4fa: {  	v47 =	vld [tilespmem:s10+$0xB900];
	(erf) = vpow2.f32 v42;
	v59 =	vpop (erf)  }
0x4fb: {  	(erf) = vpow2.f32 v41;
	v37 =	vadd.f32 v59, v37  }
0x4fc: {  	v46 =	vld [tilespmem:s10+$0xC100];
	v60 =	vpop (erf)  }
0x4fd: {  	v61 =	vmul.f32 $1.442695020e+00, v48;
	(erf) = vpow2.f32 v35;
	v62 =	vadd.f32 v60, v37;
	v63 =	vpop (erf)  }
0x4fe: {  	v45 =	vld [tilespmem:s10+$0xC900];
	v51 =	vpop (erf)  }
0x4ff: {  	v44 =	vld [tilespmem:s10+$0xD100];
	v54 =	vmul.f32 $1.442695020e+00, v47;
	(erf) = vpow2.f32 v61;
	v35 =	vadd.f32 v51, v62;
	_ =	sdelay $0x1  }
0x500: {  	v55 =	vmul.f32 $1.442695020e+00, v46;
	(erf) = vpow2.f32 v54;
	v51 =	vadd.f32 v63, v35;
	_ =	sdelay $0x1  }
0x501: {  	v57 =	vmul.f32 $1.442695020e+00, v45;
	(erf) = vpow2.f32 v55;
	v56 =	vpop (erf);
	v58 =	vand.u32 $0x7FFFFF, v51  }
0x502: {  	v43 =	vld [tilespmem:s10+$0xE100];
	v59 =	vmul.f32 $1.442695020e+00, v44;
	v60 =	vpop (erf);
	v39 =	vor.u32 $0x3F800000, v58  }
0x503: {  	(erf) = vpow2.f32 v57;
	v35 =	vadd.f32 v60, v56;
	v61 =	vmul.f32 $5.000000000e-01, v39  }
0x504: {  	v42 =	vld [tilespmem:s10+$0xE900];
	v62 =	vpop (erf);
	vm2 =	vgt.f32 v39, $1.414213540e+00  }
0x505: {  	(erf) = vpow2.f32 v59;
	v35 =	vadd.f32 v62, v35;
	v54 =	vsel vm2, v61, v39  }
0x506: {  	v40 =	vld [tilespmem:s10+$0xF100];
	v63 =	vpop (erf);
	v39 =	vadd.f32 $1.000000000e+00, v54  }
0x507: {  	v55 =	vmul.f32 $1.442695020e+00, v43;
	(erf) = vpow2.f32 v34;
	v35 =	vadd.f32 v63, v35  }
0x508: {  	v56 =	vpop (erf);
	(erf) = vrcp.f32 v39  }
0x509: {  	v57 =	vmul.f32 $1.442695020e+00, v42;
	v34 =	vadd.f32 v56, v35;
	(erf) = vpow2.f32 v55  }
0x50a: {  	v41 =	vld [tilespmem:s10+$0xF900];
	v58 =	vpop (erf)  }
0x50b: {  	v37 =	vld [tilespmem:s10+$0x10900];
	v59 =	vmul.f32 $1.442695020e+00, v40;
	v34 =	vadd.f32 v58, v34;
	(erf) = vpow2.f32 v57  }
0x50c: {  	v7 =	vadd.f32 v7, v36;
	v60 =	vpop (erf);
	v39 =	vld [tilespmem:s10+$0x10100]  }
0x50d: {  	v36 =	vld [tilespmem:s10+$0x11100];
	(erf) = vpow2.f32 v59;
	v34 =	vadd.f32 v60, v34  }
0x50e: {  	v7 =	vadd.f32 v9, v7;
	v62 =	vpop (erf)  }
0x50f: {  	v34 =	vadd.f32 v62, v34  }
0x510: {  	v7 =	vadd.f32 v8, v7;
	v8 =	vmul.f32 $1.442695020e+00, v37;
	v61 =	vmul.f32 $1.442695020e+00, v41;
	v9 =	vpop (erf)  }
0x511: {  	v35 =	vld [tilespmem:s10+$0x11900];
	v63 =	vmul.f32 $1.442695020e+00, v39;
	v34 =	vadd.f32 v9, v34;
	v57 =	vpop (erf)  }
0x512: {  	v12 =	vadd.f32 v16, v12;
	v16 =	vmul.f32 $1.442695020e+00, v36;
	(erf) = vpow2.f32 v61;
	v9 =	vld [tilespmem:s10+$0x12900];
	v60 =	vpop (erf)  }
0x513: {  	(erf) = vpow2.f32 v63;
	v62 =	vadd.f32 v60, v34  }
0x514: {  	v63 =	vld [tilespmem:s10+$0x12100];
	(erf) = vpow2.f32 v8;
	v8 =	vpop (erf)  }
0x515: {  	v8 =	vadd.f32 v8, v62  }
0x516: {  	v12 =	vadd.f32 v13, v12;
	(erf) = vpow2.f32 v16;
	v16 =	vpop (erf)  }
0x517: {  	v13 =	vmul.f32 $1.442695020e+00, v35;
	v8 =	vadd.f32 v16, v8;
	v16 =	vmul.f32 $1.442695020e+00, v9  }
0x518: {  	v50 =	vor.u32 v52, v50;
	v28 =	vshrl.u32 v28, $0x17;
	v53 =	vmul.f32 v53, v49  }
0x519: {  	v50 =	vor.u32 $0x100, v50;
	(erf) = vpow2.f32 v13;
	v13 =	vmul.f32 $1.442695020e+00, v63  }
0x51a: {  	v28 =	vadd.s32 $0xFFFFFF81, v28;
	v12 =	vadd.f32 v21, v12;
	v61 =	vadd.f32 $6.666666860e-01, v53  }
0x51b: {  	v21 =	vcvt.s32.f32 v28;
	v6 =	vadd.f32 v6, v7;
	(erf) = vpow2.f32 v16;
	v16 =	vpop (erf)  }
0x51c: {  	v56 =	vsel vm0, $0x3F800000, v0;
	v55 =	vmul.f32 v61, v49;
	v7 =	vadd.f32 v16, v8  }
0x51d: {  	(erf) = vpow2.f32 v13;
	v8 =	vadd.f32 v21, v56;
	v13 =	vpop (erf)  }
0x51e: {  	v7 =	vadd.f32 v13, v7;
	v13 =	vadd.f32 $2.000000000e+00, v55  }
0x51f: {  	v12 =	vadd.f32 v17, v12  }
0x520: {  	v8 =	vmul.f32 $6.931471820e-01, v8;
	v13 =	vmul.f32 v13, v38  }
0x521: {  	v4 =	vadd.f32 v4, v6;
	v6 =	vld.idx.msk [tilespmem:v50+s23+$0x0], $0xffff;
	v12 =	vadd.f32 v15, v12;
	v15 =	vpop (erf)  }
0x522: {  	v7 =	vadd.f32 v15, v7;
	v8 =	vadd.f32 v13, v8  }
0x523: {  	v12 =	vadd.f32 v14, v12;
	v14 =	vpop (erf)  }
0x524: {  	v4 =	vmul.f32 $-5.555555690e-03, v4;
	v7 =	vadd.f32 v14, v7  }
0x525: {  	v12 =	vadd.f32 v18, v12;
	v13 =	vpop (erf)  }
0x526: {  	v6 =	vmul.f32 $-8.944444650e-01, v6;
	v4 =	vadd.f32 v4, v8;
	v7 =	vadd.f32 v13, v7;
	v8 =	vpop (erf)  }
0x527: {  	v12 =	vadd.f32 v20, v12;
	v13 =	vpop (erf)  }
0x528: {  	v4 =	vadd.f32 v6, v4;
	v6 =	vadd.f32 v13, v7  }
0x529: {  	v7 =	vadd.f32 v19, v12  }
0x52a: {  	v4 =	vsel vm1, $0x0, v4;
	v12 =	vadd.f32 $-1.000000000e+00, v54;
	v13 =	vld [tilespmem:s14+$0x13900];
	v14 =	vadd.f32 v8, v6  }
0x52b: {  	v6 =	vor.u32 s25, v1;
	v8 =	vmov s25;
	v7 =	vadd.f32 v25, v7  }
0x52c: {  	v12 =	vmul.f32 v57, v12;
	v6 =	vand.u32 $0x7F, v6;
	v8 =	vshll.u32 v8, $0x2  }
0x52d: {  	v17 =	vld [tilespmem:s24+$0x9980];
	v15 =	vand.u32 $0x7FFFFF, v14;
	v7 =	vadd.f32 v22, v7;
	v8 =	vand.u32 $0x600, v8  }
0x52e: {  	v25 =	vld [tilespmem:s24+$0xA980];
	v16 =	vmul.f32 v12, v12;
	v15 =	vor.u32 $0x3F800000, v15;
	v6 =	vor.u32 v6, v8  }
0x52f: {  	v28 =	vld [tilespmem:s24+$0xA180];
	vm1 =	veq.s32 v13, $0xFF;
	v18 =	vmul.f32 $5.000000000e-01, v15;
	v7 =	vadd.f32 v23, v7  }
0x530: {  	v13 =	vshll.u32 v13, $0xB;
	vm0 =	vgt.f32 v15, $1.414213540e+00;
	v8 =	vmul.f32 $2.857142980e-01, v16  }
0x531: {  	v20 =	vld [tilespmem:s24+$0xB180];
	v13 =	vsel vm1, $0x0, v13;
	v15 =	vsel vm0, v18, v15;
	v7 =	vadd.f32 v24, v7  }
0x532: {  	v21 =	vmul.f32 $1.442695020e+00, v17;
	v6 =	vor.u32 v13, v6;
	v18 =	vadd.f32 $1.000000000e+00, v15  }
0x533: {  	v13 =	vmul.f32 $1.442695020e+00, v25;
	v8 =	vadd.f32 $4.000000060e-01, v8;
	v7 =	vadd.f32 v33, v7  }
0x534: {  	v22 =	vld [tilespmem:s24+$0xB980];
	v6 =	vor.u32 $0x100, v6;
	(erf) = vrcp.f32 v18;
	v18 =	vmul.f32 $1.442695020e+00, v28  }
0x535: {  	v8 =	vmul.f32 v8, v16;
	(erf) = vpow2.f32 v21;
	v7 =	vadd.f32 v30, v7  }
0x536: {  	v21 =	vmul.f32 $1.442695020e+00, v20;
	(erf) = vpow2.f32 v18;
	v18 =	vshrl.u32 v51, $0x17  }
0x537: {  	v23 =	vld [tilespmem:s24+$0xC180];
	v8 =	vadd.f32 $6.666666860e-01, v8;
	v18 =	vadd.s32 $0xFFFFFF81, v18;
	(erf) = vpow2.f32 v13  }
0x538: {  	v7 =	vadd.f32 v27, v7;
	v13 =	vcvt.s32.f32 v18;
	v18 =	vadd.f32 v4, v5  }
0x539: {  	v30 =	vld [tilespmem:s24+$0xC980];
	v4 =	vmul.f32 $1.442695020e+00, v22;
	v5 =	vmul.f32 v8, v16;
	v8 =	vadd.f32 v32, v31  }
0x53a: {  	v19 =	vsel vm2, $0x3F800000, v0;
	(erf) = vpow2.f32 v21;
	v7 =	vadd.f32 v26, v7  }
0x53b: {  	v6 =	vld.idx.msk [tilespmem:v6+s23+$0x0], $0xffff;
	v13 =	vadd.f32 v13, v19;
	(erf) = vpow2.f32 v4;
	v4 =	vadd.f32 $2.000000000e+00, v5  }
0x53c: {  	v16 =	vmul.f32 $1.442695020e+00, v23;
	v26 =	vld [tilespmem:s24+$0xD180];
	v5 =	vadd.f32 v29, v8  }
0x53d: {  	v7 =	vadd.f32 v10, v7;
	v4 =	vmul.f32 v4, v12;
	v12 =	vmul.f32 $6.931471820e-01, v13;
	v8 =	vpop (erf)  }
0x53e: {  	v31 =	vld [tilespmem:s24+$0xD980];
	v19 =	vmul.f32 $1.442695020e+00, v30;
	v5 =	vadd.f32 v48, v5;
	v10 =	vpop (erf)  }
0x53f: {  	v32 =	vld [tilespmem:s24+$0xE180];
	v7 =	vmul.f32 $-5.555555690e-03, v7;
	(erf) = vpow2.f32 v16;
	v4 =	vadd.f32 v4, v12;
	v13 =	vpop (erf)  }
0x540: {  	v33 =	vld [tilespmem:s24+$0xE980];
	v6 =	vmul.f32 $-8.944444650e-01, v6;
	v5 =	vadd.f32 v47, v5;
	v10 =	vadd.f32 v13, v10  }
0x541: {  	v16 =	vmul.f32 $1.442695020e+00, v26;
	(erf) = vpow2.f32 v19;
	v12 =	vpop (erf);
	v4 =	vadd.f32 v7, v4  }
0x542: {  	v38 =	vld [tilespmem:s24+$0xF180];
	v5 =	vadd.f32 v46, v5;
	v10 =	vadd.f32 v12, v10  }
0x543: {  	v13 =	vmul.f32 $1.442695020e+00, v31;
	(erf) = vpow2.f32 v16;
	v7 =	vpop (erf);
	v4 =	vadd.f32 v6, v4  }
0x544: {  	v12 =	vmul.f32 $1.442695020e+00, v32;
	v5 =	vadd.f32 v45, v5;
	v45 =	vld [tilespmem:s24+$0xF980];
	v7 =	vadd.f32 v7, v10  }
0x545: {  	(erf) = vpow2.f32 v13;
	v10 =	vmul.f32 $1.442695020e+00, v33  }
0x546: {  	v6 =	vpop (erf);
	(erf) = vpow2.f32 v12;
	v13 =	vsel vm1, $0x0, v4;
	v5 =	vadd.f32 v44, v5;
	v44 =	vld [tilespmem:s24+$0x10180]  }
0x547: {  	v4 =	vor.u32 s13, v1;
	v12 =	vmul.f32 $1.442695020e+00, v38;
	v6 =	vadd.f32 v6, v7  }
0x548: {  	v7 =	vpop (erf);
	(erf) = vpow2.f32 v10;
	v10 =	vand.u32 $0x7F, v4;
	v4 =	vadd.f32 v11, v5  }
0x549: {  	v16 =	vmul.f32 $1.442695020e+00, v45;
	v5 =	vld [tilespmem:s24+$0x10980];
	v6 =	vadd.f32 v7, v6  }
0x54a: {  	v19 =	vld [tilespmem:s10+$0x13900];
	v7 =	vmov s13;
	v11 =	vpop (erf);
	(erf) = vpow2.f32 v12;
	v4 =	vadd.f32 v43, v4  }
0x54b: {  	v12 =	vadd.f32 $-1.000000000e+00, v15;
	v21 =	vmul.f32 $1.442695020e+00, v44;
	v11 =	vadd.f32 v11, v6  }
0x54c: {  	v7 =	vshll.u32 v7, $0x2;
	v15 =	vpop (erf);
	(erf) = vpow2.f32 v16;
	v6 =	vld [tilespmem:s24+$0x11180];
	v16 =	vadd.f32 v42, v4  }
0x54d: {  	v24 =	vmul.f32 v8, v12;
	v11 =	vadd.f32 v15, v11;
	v15 =	vand.u32 $0x600, v7;
	v7 =	vld [tilespmem:s24+$0x11980]  }
0x54e: {  	v8 =	vpop (erf);
	v12 =	vmul.f32 $1.442695020e+00, v5;
	v10 =	vor.u32 v10, v15;
	v15 =	vadd.f32 v40, v16  }
0x54f: {  	vm2 =	veq.s32 v19, $0xFF;
	(erf) = vpow2.f32 v21;
	v4 =	vld [tilespmem:s24+$0x12980];
	v11 =	vadd.f32 v8, v11  }
0x550: {  	v19 =	vshll.u32 v19, $0xB;
	v21 =	vpop (erf);
	v8 =	vld [tilespmem:s24+$0x12180];
	(erf) = vpow2.f32 v12;
	v12 =	vadd.f32 v41, v15  }
0x551: {  	v19 =	vsel vm2, $0x0, v19;
	v27 =	vmul.f32 $1.442695020e+00, v6;
	v11 =	vadd.f32 v21, v11  }
0x552: {  	v16 =	vmul.f32 v24, v24;
	v40 =	vadd.f32 v13, v18;
	v21 =	vpop (erf);
	v29 =	vmul.f32 $1.442695020e+00, v7  }
0x553: {  	v10 =	vor.u32 v19, v10;
	(erf) = vpow2.f32 v27;
	v21 =	vadd.f32 v21, v11;
	v11 =	vld [tilespmem:s2+$0x9980]  }
0x554: {  	v15 =	vmul.f32 $2.857142980e-01, v16;
	v56 =	vmul.f32 $1.442695020e+00, v4;
	v27 =	vadd.f32 v39, v12;
	v12 =	vpop (erf)  }
0x555: {  	v13 =	vld [tilespmem:s2+$0xA980];
	v57 =	vmul.f32 $1.442695020e+00, v8;
	(erf) = vpow2.f32 v29;
	v21 =	vadd.f32 v12, v21  }
0x556: {  	v15 =	vadd.f32 $4.000000060e-01, v15;
	v27 =	vadd.f32 v37, v27;
	v12 =	vld [tilespmem:s2+$0xA180];
	(erf) = vpow2.f32 v56;
	v29 =	vpop (erf)  }
0x557: {  	v10 =	vor.u32 $0x100, v10;
	(erf) = vpow2.f32 v57;
	v21 =	vadd.f32 v29, v21  }
0x558: {  	v15 =	vmul.f32 v15, v16;
	v19 =	vadd.f32 v36, v27;
	v18 =	vpop (erf);
	v27 =	vmul.f32 $1.442695020e+00, v11  }
0x559: {  	v18 =	vadd.f32 v18, v21  }
0x55a: {  	v17 =	vadd.f32 v28, v17;
	v14 =	vshrl.u32 v14, $0x17;
	v15 =	vadd.f32 $6.666666860e-01, v15;
	v29 =	vpop (erf);
	v21 =	vld [tilespmem:s2+$0xB180]  }
0x55b: {  	v58 =	vmul.f32 $1.442695020e+00, v12;
	v18 =	vadd.f32 v29, v18;
	v29 =	vmul.f32 $1.442695020e+00, v13  }
0x55c: {  	v35 =	vadd.f32 v35, v19;
	v16 =	vmul.f32 v15, v16;
	v19 =	vld [tilespmem:s2+$0xB980];
	(erf) = vpow2.f32 v27;
	v27 =	vpop (erf)  }
0x55d: {  	v14 =	vadd.s32 $0xFFFFFF81, v14;
	v28 =	vld.idx.msk [tilespmem:v10+s23+$0x0], $0xffff;
	(erf) = vpow2.f32 v58;
	v18 =	vadd.f32 v27, v18  }
0x55e: {  	v59 =	vsel vm0, $0x3F800000, v0;
	v15 =	vld [tilespmem:s2+$0xC180];
	v16 =	vadd.f32 $2.000000000e+00, v16;
	v27 =	vcvt.s32.f32 v14;
	v60 =	vpop (erf)  }
0x55f: {  	(erf) = vpow2.f32 v29;
	v14 =	vld [tilespmem:s2+$0xC980];
	v61 =	vmul.f32 $1.442695020e+00, v21;
	v18 =	vadd.f32 v60, v18;
	v29 =	vpop (erf)  }
0x560: {  	v34 =	vadd.f32 v63, v35;
	v24 =	vmul.f32 v16, v24;
	v27 =	vadd.f32 v27, v59;
	v62 =	vpop (erf)  }
0x561: {  	v16 =	vld [tilespmem:s2+$0xD180];
	v63 =	vmul.f32 $1.442695020e+00, v19;
	(erf) = vpow2.f32 v61;
	v35 =	vadd.f32 v62, v18  }
0x562: {  	v53 =	vmul.f32 $-8.944444650e-01, v28;
	v41 =	vmul.f32 $6.931471820e-01, v27  }
0x563: {  	v42 =	vmul.f32 $1.442695020e+00, v15;
	v18 =	vld [tilespmem:s2+$0xD980];
	(erf) = vpow2.f32 v63;
	v27 =	vadd.f32 v29, v35  }
0x564: {  	v9 =	vadd.f32 v9, v34;
	v10 =	vmul.f32 $1.442695020e+00, v14;
	v29 =	vadd.f32 v24, v41  }
0x565: {  	v43 =	vpop (erf);
	v24 =	vadd.f32 v25, v17;
	v17 =	vld [tilespmem:s2+$0xE180];
	(erf) = vpow2.f32 v42;
	v25 =	vand.u32 $0x7FFFFF, v27  }
0x566: {  	v46 =	vmul.f32 $1.442695020e+00, v16;
	v42 =	vld [tilespmem:s24+$0x13980];
	v47 =	vpop (erf);
	(erf) = vpow2.f32 v10;
	v25 =	vor.u32 $0x3F800000, v25  }
0x567: {  	v48 =	vadd.f32 v20, v24;
	v24 =	vld [tilespmem:s2+$0xE980];
	v34 =	vadd.f32 v47, v43;
	v49 =	vmul.f32 $5.000000000e-01, v25  }
0x568: {  	v10 =	vld [tilespmem:s2+$0x12980];
	v50 =	vmul.f32 $1.442695020e+00, v18;
	v51 =	vpop (erf);
	(erf) = vpow2.f32 v46;
	vm1 =	vgt.f32 v25, $1.414213540e+00  }
0x569: {  	v20 =	vld [tilespmem:s2+$0xF180];
	v52 =	vadd.f32 v22, v48;
	v34 =	vadd.f32 v51, v34;
	v36 =	vsel vm1, v49, v25  }
0x56a: {  	v9 =	vmul.f32 $-5.555555690e-03, v9;
	v22 =	vld [tilespmem:s2+$0xF980];
	v54 =	vmul.f32 $1.442695020e+00, v17;
	v28 =	vpop (erf);
	v55 =	vadd.f32 $1.000000000e+00, v36  }
0x56b: {  	(erf) = vpow2.f32 v50;
	v25 =	vld [tilespmem:s2+$0x12180];
	v35 =	vadd.f32 v23, v52;
	v34 =	vadd.f32 v28, v34  }
0x56c: {  	v9 =	vadd.f32 v9, v29;
	v23 =	vld [tilespmem:s2+$0x10180];
	v29 =	vpop (erf);
	v56 =	vmul.f32 $1.442695020e+00, v24;
	(erf) = vrcp.f32 v55  }
0x56d: {  	v28 =	vld [tilespmem:s2+$0x11980];
	v35 =	vadd.f32 v30, v35;
	v34 =	vadd.f32 v29, v34;
	(erf) = vpow2.f32 v54  }
0x56e: {  	v2 =	vor.u32 v2, v3;
	v57 =	vmul.f32 $1.442695020e+00, v20;
	v37 =	vmul.f32 $1.442695020e+00, v10;
	v30 =	vld [tilespmem:s2+$0x10980];
	v58 =	vpop (erf)  }
0x56f: {  	s5 =	simm.s32 $0x80;
	v29 =	vld [tilespmem:s2+$0x11180];
	v35 =	vadd.f32 v26, v35;
	v34 =	vadd.f32 v58, v34;
	(erf) = vpow2.f32 v56  }
0x570: {  	s1 =	sand.u32 $0x600, s5;
	v9 =	vadd.f32 v53, v9;
	v60 =	vmul.f32 $1.442695020e+00, v22;
	v59 =	vpop (erf);
	v39 =	vmul.f32 $1.442695020e+00, v25  }
0x571: {  	s6 =	sor.u32 s6, s1;
	(erf) = vpow2.f32 v57;
	v35 =	vadd.f32 v31, v35;
	v34 =	vadd.f32 v59, v34  }
0x572: {  	vm0 =	veq.s32 v42, $0xFF;
	v26 =	vld [tilespmem:s6+$0xD980];
	v62 =	vmul.f32 $1.442695020e+00, v23;
	v61 =	vpop (erf);
	v46 =	vmul.f32 $1.442695020e+00, v28  }
0x573: {  	(erf) = vpow2.f32 v60;
	v35 =	vadd.f32 v32, v35;
	v34 =	vadd.f32 v61, v34  }
0x574: {  	v36 =	vadd.f32 $-1.000000000e+00, v36;
	v31 =	vld [tilespmem:s6+$0xA980];
	v63 =	vmul.f32 $1.442695020e+00, v30;
	v52 =	vmul.f32 $1.442695020e+00, v29;
	v53 =	vpop (erf)  }
0x575: {  	v32 =	vld [tilespmem:s6+$0x9980];
	(erf) = vpow2.f32 v62;
	v54 =	vadd.f32 v33, v35;
	v47 =	vadd.f32 v53, v34;
	v55 =	vpop (erf)  }
0x576: {  	v9 =	vsel vm2, $0x0, v9;
	(erf) = vpow2.f32 v63;
	v56 =	vpop (erf);
	v34 =	vmul.f32 v55, v36  }
0x577: {  	v33 =	vld [tilespmem:s6+$0xA180];
	v35 =	vmul.f32 $1.442695020e+00, v26;
	v58 =	vadd.f32 v38, v54;
	v57 =	vadd.f32 v56, v47  }
0x578: {  	v9 =	vadd.f32 v9, v40;
	(erf) = vpow2.f32 v52;
	v59 =	vpop (erf);
	v3 =	vmul.f32 v34, v34  }
0x579: {  	v38 =	vmul.f32 $1.442695020e+00, v31;
	v60 =	vadd.f32 v45, v58;
	v36 =	vadd.f32 v59, v57  }
0x57a: {  	v63 =	vshll.u32 v42, $0xB;
	v41 =	vmul.f32 $1.442695020e+00, v32;
	v61 =	vpop (erf);
	v62 =	vmul.f32 $2.857142980e-01, v3  }
0x57b: {  	(erf) = vpow2.f32 v46;
	v52 =	vadd.f32 v44, v60;
	v42 =	vadd.f32 v61, v36  }
0x57c: {  	s9 =	simm.s32 $0x30;
	v40 =	vmul.f32 $1.442695020e+00, v33;
	v43 =	vpop (erf);
	v36 =	vsel vm0, $0x0, v63;
	v53 =	vadd.f32 $4.000000060e-01, v62  }
.LBB2_23:
0x57d: {  	p0 =	sne.s32 s9, $0x1F0;
	v42 =	vadd.f32 v43, v42;
	(erf) = vpow2.f32 v37;
	v43 =	vadd.f32 v5, v52;
	v5 =	vmovc v30  }
0x57e: {  	v2 =	vor.u32 v36, v2;
	v30 =	vpop (erf);
	(erf) = vpow2.f32 v39;
	v39 =	vmul.f32 v53, v3  }
0x57f: {  	v2 =	vor.u32 $0x180, v2;
	v30 =	vadd.f32 v30, v42;
	v36 =	vadd.f32 v6, v43;
	v6 =	vmovc v29  }
0x580: {  	v27 =	vshrl.u32 v27, $0x17;
	v29 =	vld [tilespmem:s6+$0xB180];
	(erf) = vpow2.f32 v41;
	v37 =	vpop (erf);
	v39 =	vadd.f32 $6.666666860e-01, v39  }
0x581: {  	v27 =	vadd.s32 $0xFFFFFF81, v27;
	v30 =	vadd.f32 v37, v30;
	v36 =	vadd.f32 v7, v36;
	v7 =	vmovc v28  }
0x582: {  	v27 =	vcvt.s32.f32 v27;
	v28 =	vld [tilespmem:s6+$0xB980];
	v37 =	vpop (erf);
	v3 =	vmul.f32 v39, v3  }
0x583: {  	v41 =	vsel vm1, $0x3F800000, v0;
	v39 =	vld [tilespmem:s6+$0xC180];
	v30 =	vadd.f32 v37, v30;
	v36 =	vadd.f32 v8, v36;
	v8 =	vmovc v25  }
0x584: {  	v25 =	vadd.f32 v27, v41;
	(erf) = vpow2.f32 v40;
	v3 =	vadd.f32 $2.000000000e+00, v3;
	v2 =	vld.idx.msk [tilespmem:v2+s23+$0x0], $0xffff  }
0x585: {  	v40 =	vld [tilespmem:s6+$0xD180];
	v41 =	vmul.f32 $1.442695020e+00, v29;
	(erf) = vpow2.f32 v38;
	v37 =	vpop (erf);
	v36 =	vadd.f32 v4, v36  }
0x586: {  	v25 =	vmul.f32 $6.931471820e-01, v25;
	v38 =	vld [tilespmem:s6+$0xC980];
	v30 =	vadd.f32 v37, v30;
	v37 =	vpop (erf);
	v3 =	vmul.f32 v3, v34  }
0x587: {  	v4 =	vmov v10;
	v34 =	vmul.f32 $1.442695020e+00, v28;
	(erf) = vpow2.f32 v41;
	v27 =	vpop (erf)  }
0x588: {  	v10 =	vadd.f32 v27, v30;
	v3 =	vadd.f32 v3, v25;
	v25 =	vmul.f32 $-5.555555690e-03, v36  }
0x589: {  	v30 =	vmul.f32 $1.442695020e+00, v39;
	v36 =	vpop (erf);
	(erf) = vpow2.f32 v34;
	v34 =	vadd.f32 v12, v11  }
0x58a: {  	v2 =	vmul.f32 $-8.944444650e-01, v2;
	v11 =	vmovc v32;
	v12 =	vmovc v33;
	v27 =	vadd.f32 v37, v10;
	v37 =	vadd.f32 v25, v3  }
0x58b: {  	v25 =	vmul.f32 $1.442695020e+00, v40;
	v10 =	vmul.f32 $1.442695020e+00, v38;
	v34 =	vadd.f32 v13, v34;
	v13 =	vmovc v31  }
0x58c: {  	v33 =	vld [tilespmem:s6+$0xE180];
	(erf) = vpow2.f32 v30;
	v30 =	vand.u32 $0x7FFFFF, v27;
	v2 =	vadd.f32 v2, v37  }
0x58d: {  	v3 =	vpop (erf);
	(erf) = vpow2.f32 v10;
	v31 =	vadd.f32 v21, v34;
	v30 =	vor.u32 $0x3F800000, v30  }
0x58e: {  	v41 =	vld [tilespmem:s6+$0xE980];
	v37 =	vadd.f32 v3, v36;
	v32 =	vpop (erf);
	v34 =	vmul.f32 $5.000000000e-01, v30;
	v2 =	vsel vm0, $0x0, v2  }
0x58f: {  	v21 =	vmovc v29;
	vm1 =	vgt.f32 v30, $1.414213540e+00;
	v10 =	vld [tilespmem:s6+$0x12980];
	(erf) = vpow2.f32 v25;
	v9 =	vadd.f32 v2, v9  }
0x590: {  	v29 =	vadd.f32 v19, v31;
	v36 =	vld [tilespmem:s6+$0xF180];
	v2 =	vadd.f32 v32, v37;
	v3 =	vpop (erf);
	v32 =	vsel vm1, v34, v30  }
0x591: {  	v19 =	vmovc v28;
	v34 =	vor.u32 s31, v1;
	v25 =	vld [tilespmem:s6+$0x12180];
	v30 =	vmul.f32 $1.442695020e+00, v33;
	v31 =	vadd.f32 $1.000000000e+00, v32  }
0x592: {  	v29 =	vadd.f32 v15, v29;
	v42 =	vld [tilespmem:s6+$0xF980];
	v2 =	vadd.f32 v3, v2;
	v3 =	vpop (erf);
	(erf) = vpow2.f32 v35  }
0x593: {  	v43 =	vmov s31;
	s31 =	smov.u32 s0;
	s0 =	smov.u32 s9;
	v15 =	vmovc v39;
	v28 =	vld [tilespmem:s6+$0x11980];
	v35 =	vmul.f32 $1.442695020e+00, v41;
	(erf) = vrcp.f32 v31  }
0x594: {  	v44 =	vld [tilespmem:s6+$0x10180];
	v2 =	vadd.f32 v3, v2;
	(erf) = vpow2.f32 v30;
	v3 =	vadd.f32 v14, v29;
	v14 =	vmovc v38  }
0x595: {  	s5 =	sadd.s32 $0x40, s5;
	v45 =	vand.u32 $0x7F, v34;
	v37 =	vmul.f32 $1.442695020e+00, v10;
	v29 =	vld [tilespmem:s6+$0x11180];
	v31 =	vmul.f32 $1.442695020e+00, v36;
	v38 =	vpop (erf)  }
0x596: {  	s1 =	sand.u32 $0x70, s9;
	s10 =	sand.u32 $0x600, s5;
	v30 =	vld [tilespmem:s6+$0x10980];
	v2 =	vadd.f32 v38, v2;
	v34 =	vpop (erf);
	(erf) = vpow2.f32 v35;
	v3 =	vadd.f32 v16, v3  }
0x597: {  	s1 =	sor.u32 s1, s10;
	v39 =	vmul.f32 $1.442695020e+00, v25;
	v38 =	vshll.u32 v43, $0x2;
	v16 =	vmovc v40;
	v35 =	vmul.f32 $1.442695020e+00, v42  }
0x598: {  	v40 =	vld [tilespmem:s1+$0xD980];
	v2 =	vadd.f32 v34, v2;
	v34 =	vpop (erf);
	(erf) = vpow2.f32 v31;
	v3 =	vadd.f32 v18, v3  }
0x599: {  	v38 =	vand.u32 $0x600, v38;
	v46 =	vmul.f32 $1.442695020e+00, v28;
	v18 =	vmovc v26;
	v43 =	vmul.f32 $1.442695020e+00, v44;
	v47 =	vld [tilespmem:s2+$0x13980];
	s2 =	smov.u32 s6;
	s6 =	smov.u32 s1  }
0x59a: {  	v31 =	vld [tilespmem:s6+$0xA980];
	v50 =	vadd.f32 v34, v2;
	(erf) = vpow2.f32 v35;
	v3 =	vadd.f32 v17, v3;
	v17 =	vmovc v33  }
0x59b: {  	v48 =	vmul.f32 $1.442695020e+00, v29;
	v34 =	vadd.f32 $-1.000000000e+00, v32;
	v26 =	vmul.f32 $1.442695020e+00, v30;
	v33 =	vpop (erf)  }
0x59c: {  	v32 =	vld [tilespmem:s6+$0x9980];
	v49 =	vadd.f32 v33, v50;
	(erf) = vpow2.f32 v43;
	v3 =	vadd.f32 v24, v3;
	v2 =	vpop (erf)  }
0x59d: {  	v33 =	vld [tilespmem:s6+$0xA180];
	v35 =	vmul.f32 $1.442695020e+00, v40;
	v24 =	vpop (erf);
	v34 =	vmul.f32 v2, v34;
	v2 =	vor.u32 v45, v38  }
0x59e: {  	v43 =	vadd.f32 v24, v49;
	(erf) = vpow2.f32 v26;
	v45 =	vadd.f32 v20, v3;
	v24 =	vmovc v41;
	v20 =	vmovc v36  }
.Ltmp10:
0x59f: {  	vm0 =	veq.s32 v47, $0xFF;
	v38 =	vmul.f32 $1.442695020e+00, v31;
	v36 =	vpop (erf);
	v3 =	vmul.f32 v34, v34;
	(pc) =	sbr.rel @p0 .LBB2_23-.Ltmp10, $4  }
0x5a0: {  	v26 =	vmovc v40;
	v36 =	vadd.f32 v36, v43;
	(erf) = vpow2.f32 v48;
	v48 =	vadd.f32 v22, v45;
	v22 =	vmovc v42  }
0x5a1: {  	v47 =	vshll.u32 v47, $0xB;
	v41 =	vmul.f32 $1.442695020e+00, v32;
	v42 =	vpop (erf);
	v45 =	vmul.f32 $2.857142980e-01, v3  }
0x5a2: {  	v40 =	vmul.f32 $1.442695020e+00, v33;
	v42 =	vadd.f32 v42, v36;
	v52 =	vadd.f32 v23, v48;
	v23 =	vmovc v44  }
0x5a3: {  	s9 =	sadd.s32 $0x10, s9;
	v36 =	vsel vm0, $0x0, v47;
	v43 =	vpop (erf);
	(erf) = vpow2.f32 v46;
	v53 =	vadd.f32 $4.000000060e-01, v45  }
0x5a4: {  	(erf) = vpow2.f32 v37  }
0x5a5: {  	v51 =	vadd.f32 v43, v42;
	(erf) = vpow2.f32 v39  }
0x5a6: {  	v54 =	vpop (erf)  }
0x5a7: {  	v37 =	vadd.f32 v54, v51  }
0x5a8: {  	v51 =	vld [tilespmem:s6+$0xB180];
	v55 =	vpop (erf)  }
0x5a9: {  	v37 =	vadd.f32 v55, v37  }
0x5aa: {  	v50 =	vld [tilespmem:s6+$0xB980];
	(erf) = vpow2.f32 v41;
	v56 =	vpop (erf)  }
0x5ab: {  	(erf) = vpow2.f32 v40;
	v37 =	vadd.f32 v56, v37  }
0x5ac: {  	v49 =	vld [tilespmem:s6+$0xC180];
	v57 =	vpop (erf)  }
0x5ad: {  	v58 =	vmul.f32 $1.442695020e+00, v51;
	(erf) = vpow2.f32 v38;
	v37 =	vadd.f32 v57, v37;
	v59 =	vpop (erf)  }
0x5ae: {  	v48 =	vld [tilespmem:s6+$0xC980];
	v60 =	vpop (erf)  }
0x5af: {  	v45 =	vld [tilespmem:s6+$0xD180];
	v61 =	vmul.f32 $1.442695020e+00, v50;
	(erf) = vpow2.f32 v58;
	v37 =	vadd.f32 v60, v37;
	_ =	sdelay $0x1  }
0x5b0: {  	v62 =	vmul.f32 $1.442695020e+00, v49;
	(erf) = vpow2.f32 v61;
	v37 =	vadd.f32 v59, v37;
	_ =	sdelay $0x1  }
0x5b1: {  	v54 =	vmul.f32 $1.442695020e+00, v48;
	(erf) = vpow2.f32 v62;
	v63 =	vpop (erf);
	v55 =	vand.u32 $0x7FFFFF, v37  }
0x5b2: {  	v46 =	vld [tilespmem:s6+$0xE180];
	v56 =	vmul.f32 $1.442695020e+00, v45;
	v57 =	vpop (erf);
	v39 =	vor.u32 $0x3F800000, v55  }
0x5b3: {  	(erf) = vpow2.f32 v54;
	v38 =	vadd.f32 v57, v63;
	v58 =	vmul.f32 $5.000000000e-01, v39  }
0x5b4: {  	v47 =	vld [tilespmem:s6+$0xE980];
	v59 =	vpop (erf);
	vm2 =	vgt.f32 v39, $1.414213540e+00  }
0x5b5: {  	(erf) = vpow2.f32 v56;
	v38 =	vadd.f32 v59, v38;
	v54 =	vsel vm2, v58, v39  }
0x5b6: {  	v44 =	vld [tilespmem:s6+$0xF180];
	v60 =	vpop (erf);
	v40 =	vadd.f32 $1.000000000e+00, v54  }
0x5b7: {  	v42 =	vld [tilespmem:s6+$0xF980];
	v61 =	vmul.f32 $1.442695020e+00, v46;
	(erf) = vpow2.f32 v35;
	v38 =	vadd.f32 v60, v38  }
0x5b8: {  	v43 =	vld [tilespmem:s6+$0x10180];
	v62 =	vpop (erf);
	(erf) = vrcp.f32 v40  }
0x5b9: {  	v63 =	vmul.f32 $1.442695020e+00, v47;
	v35 =	vadd.f32 v62, v38;
	(erf) = vpow2.f32 v61  }
0x5ba: {  	v55 =	vpop (erf)  }
0x5bb: {  	v56 =	vmul.f32 $1.442695020e+00, v44;
	v35 =	vadd.f32 v55, v35;
	(erf) = vpow2.f32 v63  }
0x5bc: {  	v41 =	vld [tilespmem:s6+$0x10980];
	v58 =	vmul.f32 $1.442695020e+00, v42;
	v57 =	vpop (erf)  }
0x5bd: {  	v55 =	vmul.f32 $1.442695020e+00, v43;
	(erf) = vpow2.f32 v56;
	v35 =	vadd.f32 v57, v35  }
0x5be: {  	v40 =	vld [tilespmem:s6+$0x11180];
	v59 =	vpop (erf)  }
0x5bf: {  	v39 =	vld [tilespmem:s6+$0x11980];
	(erf) = vpow2.f32 v58;
	v38 =	vadd.f32 v59, v35  }
0x5c0: {  	v56 =	vpop (erf)  }
0x5c1: {  	v57 =	vmul.f32 $1.442695020e+00, v41;
	(erf) = vpow2.f32 v55;
	v35 =	vld [tilespmem:s6+$0x12980];
	v56 =	vadd.f32 v56, v38;
	v55 =	vpop (erf)  }
0x5c2: {  	v38 =	vld [tilespmem:s6+$0x12180];
	v58 =	vpop (erf)  }
0x5c3: {  	v59 =	vmul.f32 $1.442695020e+00, v40;
	(erf) = vpow2.f32 v57;
	v56 =	vadd.f32 v58, v56  }
0x5c4: {  	v61 =	vmul.f32 $1.442695020e+00, v39;
	v60 =	vpop (erf)  }
0x5c5: {  	(erf) = vpow2.f32 v59;
	v56 =	vadd.f32 v60, v56  }
0x5c6: {  	v62 =	vmul.f32 $1.442695020e+00, v35;
	v63 =	vpop (erf)  }
0x5c7: {  	(erf) = vpow2.f32 v61;
	v60 =	vmul.f32 $1.442695020e+00, v38;
	v56 =	vadd.f32 v63, v56  }
0x5c8: {  	(erf) = vpow2.f32 v62;
	v61 =	vpop (erf)  }
0x5c9: {  	(erf) = vpow2.f32 v60;
	v56 =	vadd.f32 v61, v56  }
0x5ca: {  	v62 =	vpop (erf)  }
0x5cb: {  	v11 =	vadd.f32 v12, v11;
	v12 =	vadd.f32 v62, v56  }
0x5cc: {  	v5 =	vadd.f32 v5, v52;
	v53 =	vmul.f32 v53, v3;
	v63 =	vpop (erf)  }
0x5cd: {  	v11 =	vadd.f32 v13, v11;
	v12 =	vadd.f32 v63, v12  }
0x5ce: {  	v5 =	vadd.f32 v6, v5;
	v13 =	vadd.f32 $6.666666860e-01, v53;
	v52 =	vpop (erf)  }
0x5cf: {  	v11 =	vadd.f32 v21, v11;
	v12 =	vadd.f32 v52, v12  }
0x5d0: {  	v5 =	vadd.f32 v7, v5;
	v57 =	vpop (erf)  }
0x5d1: {  	v3 =	vmul.f32 v13, v3;
	v56 =	vadd.f32 v19, v11;
	v58 =	vpop (erf);
	v11 =	vadd.f32 v57, v12  }
0x5d2: {  	v5 =	vadd.f32 v8, v5;
	v60 =	vpop (erf)  }
0x5d3: {  	v2 =	vor.u32 v36, v2;
	v3 =	vadd.f32 $2.000000000e+00, v3;
	v11 =	vadd.f32 v60, v11  }
0x5d4: {  	v2 =	vor.u32 $0x180, v2;
	v4 =	vadd.f32 v4, v5  }
0x5d5: {  	v3 =	vmul.f32 v3, v34;
	v6 =	vadd.f32 v15, v56;
	v11 =	vadd.f32 v58, v11  }
0x5d6: {  	v4 =	vmul.f32 $-5.555555690e-03, v4;
	v21 =	vadd.f32 $-1.000000000e+00, v54;
	v61 =	vadd.f32 v33, v32  }
0x5d7: {  	v59 =	vshrl.u32 v27, $0x17;
	v6 =	vadd.f32 v14, v6;
	v63 =	vand.u32 $0x7FFFFF, v11  }
0x5d8: {  	v27 =	vld [tilespmem:s2+$0x13980];
	v7 =	vadd.s32 $0xFFFFFF81, v59;
	v8 =	vadd.f32 v31, v61;
	v12 =	vor.u32 $0x3F800000, v63  }
0x5d9: {  	v7 =	vcvt.s32.f32 v7;
	v6 =	vadd.f32 v16, v6;
	v16 =	vmul.f32 $5.000000000e-01, v12  }
0x5da: {  	v62 =	vsel vm1, $0x3F800000, v0;
	v8 =	vadd.f32 v51, v8;
	vm3 =	vgt.f32 v12, $1.414213540e+00  }
0x5db: {  	v7 =	vadd.f32 v7, v62;
	v6 =	vadd.f32 v18, v6;
	v19 =	vsel vm3, v16, v12  }
0x5dc: {  	v36 =	vsel vm2, $0x3F800000, v0;
	v18 =	vadd.f32 v50, v8;
	v12 =	vadd.f32 $1.000000000e+00, v19  }
0x5dd: {  	vm14 =	veq.s32 v27, $0xFF;
	v32 =	vmov s31;
	v7 =	vmul.f32 $6.931471820e-01, v7  }
0x5de: {  	v17 =	vadd.f32 v17, v6;
	v6 =	vadd.f32 v49, v18;
	(erf) = vrcp.f32 v12  }
0x5df: {  	v13 =	vshll.u32 v32, $0x2;
	v31 =	vor.u32 s31, v1;
	v3 =	vadd.f32 v3, v7  }
0x5e0: {  	v13 =	vand.u32 $0x600, v13;
	v51 =	vmov s0;
	v6 =	vadd.f32 v48, v6  }
0x5e1: {  	v3 =	vadd.f32 v4, v3;
	v8 =	vshll.u32 v27, $0xB;
	v5 =	vadd.f32 v24, v17  }
0x5e2: {  	v50 =	vor.u32 s0, v1;
	v8 =	vsel vm14, $0x0, v8;
	v48 =	vld [tilespmem:s6+$0x13980];
	v6 =	vadd.f32 v45, v6  }
0x5e3: {  	v18 =	vshll.u32 v51, $0x2;
	v24 =	vmul.f32 v55, v21;
	v5 =	vadd.f32 v20, v5  }
0x5e4: {  	v18 =	vand.u32 $0x600, v18;
	v11 =	vshrl.u32 v11, $0x17;
	v6 =	vadd.f32 v26, v6  }
0x5e5: {  	v11 =	vadd.s32 $0xFFFFFF81, v11;
	v33 =	vmul.f32 v24, v24;
	v5 =	vadd.f32 v22, v5  }
0x5e6: {  	v57 =	vcvt.s32.f32 v11;
	v7 =	vadd.f32 $-1.000000000e+00, v19;
	v6 =	vadd.f32 v46, v6  }
0x5e7: {  	v34 =	vmul.f32 $2.857142980e-01, v33;
	vm15 =	veq.s32 v48, $0xFF;
	v16 =	vshll.u32 v48, $0xB;
	v45 =	vpop (erf)  }
0x5e8: {  	v5 =	vadd.f32 v23, v5;
	v6 =	vadd.f32 v47, v6;
	v7 =	vmul.f32 v45, v7  }
0x5e9: {  	v15 =	vadd.f32 $4.000000060e-01, v34;
	v46 =	vshrl.u32 v37, $0x17;
	v16 =	vsel vm15, $0x0, v16  }
0x5ea: {  	v12 =	vand.u32 $0x7F, v31;
	v6 =	vadd.f32 v44, v6;
	v49 =	vmul.f32 v7, v7  }
0x5eb: {  	v12 =	vor.u32 v12, v13;
	v5 =	vadd.f32 v30, v5;
	v15 =	vmul.f32 v15, v33  }
0x5ec: {  	v47 =	vadd.s32 $0xFFFFFF81, v46;
	v6 =	vadd.f32 v42, v6;
	v52 =	vmul.f32 $2.857142980e-01, v49  }
0x5ed: {  	v8 =	vor.u32 v8, v12;
	v5 =	vadd.f32 v29, v5;
	v15 =	vadd.f32 $6.666666860e-01, v15  }
0x5ee: {  	v12 =	vcvt.s32.f32 v47;
	v6 =	vadd.f32 v43, v6;
	v19 =	vadd.f32 $4.000000060e-01, v52  }
0x5ef: {  	v8 =	vor.u32 $0x180, v8;
	v14 =	vmul.f32 v15, v33;
	v15 =	vand.u32 $0x7F, v50  }
0x5f0: {  	v15 =	vor.u32 v15, v18;
	v6 =	vadd.f32 v41, v6;
	v54 =	vmul.f32 v19, v49  }
0x5f1: {  	v12 =	vadd.f32 v12, v36;
	v5 =	vadd.f32 v28, v5;
	v55 =	vor.u32 v16, v15  }
0x5f2: {  	v2 =	vld.idx.msk [tilespmem:v2+s23+$0x0], $0xffff;
	v13 =	vor.u32 $0x180, v55;
	v6 =	vadd.f32 v40, v6;
	v56 =	vadd.f32 $6.666666860e-01, v54  }
0x5f3: {  	v53 =	vsel vm3, $0x3F800000, v0;
	v5 =	vadd.f32 v25, v5;
	v14 =	vadd.f32 $2.000000000e+00, v14  }
0x5f4: {  	v12 =	vmul.f32 $6.931471820e-01, v12;
	v6 =	vadd.f32 v39, v6;
	v58 =	vmul.f32 v56, v49  }
0x5f5: {  	v8 =	vld.idx.msk [tilespmem:v8+s23+$0x0], $0xffff;
	v5 =	vadd.f32 v10, v5;
	v4 =	vmul.f32 v14, v24;
	v10 =	vadd.f32 v57, v53  }
0x5f6: {  	v6 =	vadd.f32 v38, v6;
	v11 =	vadd.f32 $2.000000000e+00, v58  }
0x5f7: {  	v2 =	vmul.f32 $-8.944444650e-01, v2;
	v4 =	vadd.f32 v4, v12;
	v5 =	vmul.f32 $-5.555555690e-03, v5;
	v59 =	vld.idx.msk [tilespmem:v13+s23+$0x0], $0xffff  }
0x5f8: {  	v10 =	vmul.f32 $6.931471820e-01, v10;
	v6 =	vadd.f32 v35, v6;
	v7 =	vmul.f32 v11, v7  }
0x5f9: {  	s30 =	smin.u32 s30, $0xA;
	v2 =	vadd.f32 v2, v3;
	v3 =	vadd.f32 v5, v4  }
0x5fa: {  	s1 =	sadd.s32 s30, s12;
	v60 =	vmul.f32 $-8.944444650e-01, v8;
	v6 =	vmul.f32 $-5.555555690e-03, v6;
	v61 =	vadd.f32 v7, v10  }
0x5fb: {  	s0 =	sshrl.u32 s1, $0x7;
	v2 =	vsel vm0, $0x0, v2  }
0x5fc: {  	s1 =	sshll.u32 s1, $0xB;
	s5 =	smul.u32 $0x4C0000, s0;
	v3 =	vadd.f32 v60, v3;
	v63 =	vmul.f32 $-8.944444650e-01, v59;
	v62 =	vadd.f32 v6, v61  }
0x5fd: {  	s2 =	sand.u32 $0x3F000, s1;
	v2 =	vadd.f32 v2, v9  }
0x5fe: {  	s1 =	sor.u32 s2, s5;
	v3 =	vsel vm14, $0x0, v3;
	v4 =	vadd.f32 v63, v62  }
0x5ff: {  	s1 =	sshrl.u32 s1, $0x3;
	v2 =	vadd.f32 v3, v2  }
0x600: {  	s31 =	simm.s32 $0x9800;
	s6 =	simm.s32 $0x2000;
	s5 =	sadd.s32 s1, s7;
	v3 =	vsel vm15, $0x0, v4  }
0x601: {  	[tilespmem:s31], [sflag:$0x2] =	stream.strided.gather [hbm4b:s5+s15], $0x800, s16, s15, $0x38;
	v2 =	vadd.f32 v3, v2;
	[tilespmem:$0x14080] =	vst v63  }
.LBB2_25:
0x602: {  	p0 =	sne.s32 s6, $0x24000  }
.Ltmp11:
0x603: {  	_ = 	snop;
	(pc) =	sbr.rel @p0 .LBB2_25-.Ltmp11, $4  }
0x604: {  	_ = 	snop  }
0x605: {  	s1 =	sshra.s32 s6, $0x2;
	s6 =	sadd.s32 $0x2000, s6  }
0x606: {  	s5 =	sadd.s32 $0x8000, s5;
	s1 =	sadd.s32 $0x9800, s1  }
0x607: {  	[tilespmem:s1], [sflag:$0x2] =	stream.strided.gather [hbm4b:s5+s15], $0x800, s16, s15, $0x38;
	[tilespmem:$0x14080] =	vst v63  }
0x608: {  	s29 =	sadd.s32 $0x1, s29  }
0x609: {  	p0 =	sne.s32 s29, $0x7  }
.Ltmp12:
0x60a: {  	s0 =	sshll.u32 s0, $0x12;
	(pc) =	sbr.rel @p0 .LBB2_6-.Ltmp12, $4  }
0x60b: {  	s0 =	sor.u32 s2, s0  }
0x60c: {  	s0 =	sshrl.u32 s0, $0x3  }
0x60d: {  	s0 =	sadd.s32 s0, s8  }
0x60e: {  	[tilespmem:s18], [sflag:$0x4] =	stream.strided.gather [hbm4b:s0+s15], $0x800, s16, s15, $0x38;
	[tilespmem:$0x14080] =	vst v63  }
0x60f: {  	_ =	swait.ge [sflag:s19], $0x9800  }
0x610: {  	[sflag:s19] =	ssyncset.done $0x0  }
0x611: {  	[sflag:s19] =	ssyncadd.s32 $0xFFFF6800  }
0x612: {  	_ =	swait.ge [sflag:s20], $0x800  }
0x613: {  	[sflag:s20] =	ssyncset.done $0x0  }
0x614: {  	[sflag:s20] =	ssyncadd.s32 $0xFFFFF800  }
0x615: {  	_ =	swait.ge [sflag:s21], $0x9800  }
0x616: {  	[sflag:s21] =	ssyncset.done $0x0  }
0x617: {  	[sflag:s21] =	ssyncadd.s32 $0xFFFF6800  }
0x618: {  	_ =	swait.ge [sflag:s22], $0x800  }
0x619: {  	[sflag:s22] =	ssyncset.done $0x0  }
0x61a: {  	[sflag:s22] =	ssyncadd.s32 $0xFFFFF800  }
0x61b: {  	s1 =	simm.s32 $0x14000;
	s30 =	simm.s32 $0x5;
	s0 =	rddreg [dreg:$0x8];
	[tilespmem:$0x14000] =	vst v2  }
0x61c: {  	[hbm4b:s0+s4] =	stream.linear.scatter [tilespmem:s1], [sflag:$0x5], $0x80, $0x38;
	[tilespmem:$0x14080] =	vst v63  }
0x61d: {  	_ =	swait.ge [sflag:s30], $0x80  }
0x61e: {  	s2 =	rddreg [dreg:$0xa]  }
0x61f: {  	s31 =	rddreg [dreg:$0x9];
	s2 =	sadd.s32 $0x1, s2  }
0x620: {  	p0 =	sne.s32 s2, s31  }
.Ltmp13:
0x621: {  	_ = 	snop;
	(pc) =	sbr.rel @p0 .LBB2_1-.Ltmp13, $3  }
0x622: {  	_ =	sdelay $0x1  }
0x623: {  	[sflag:s30] =	ssyncset.done $0x0  }
0x624: {  	[sflag:s30] =	ssyncadd.s32 $0xFFFFFF80  }
0x625: {  	_ =	sfence.sel $0x180000  }
0x626: {  	[bflag:$0x0] =	sbarrier.arrive $0xFFFF  }
0x627: {  	_ =	strace $0x90000047  }
0x628: {  	s0 =	stileid.u32;
	[bflag:$0x2] =	sbarrier.arrive $0xFFFF  }
0x629: {  	p0 =	sne.s32 s0, $0x0;
	s0 =	rddreg [dreg:$0x3]  }
0x62a: {  	s0 =	sadd.s32 @!p0 $0x100000, s0  }
0x62b: {  	[sflag:s0] =	ssyncadd.tile.s32 @!p0 $0x1;
	_ =	shalt  }
.Lfunc_end2:
_tile_overlayer_lowered:
.L_overlay_start_2:
0x62c: {  	(tag) =	ssettag $0x2  }
0x62d: {  	s0 =	rddreg [dreg:$0x0];
	s2 =	stileid.u32  }
0x62e: {  	s1 =	rddreg [dreg:$0x1];
	p0 =	sne.s32 s2, $0x0  }
0x62f: {  	s3 =	rddreg [dreg:$0x2];
	[bflag:$0x3] =	sbarrier.arrive $0xFFFF;
	s2 =	simm.s32 @!p0 $0x1C05  }
0x630: {  	[timem:s3], [sflag:s2] =	dma.local @!p0 [hbm:s0], s1  }
0x631: {  	s0 =	simm.s32 @!p0 $0x5  }
0x632: {  	_ =	swait.ge @!p0 [sflag:s0], s1  }
0x633: {  	s1 =	ssub.s32 @!p0 $0x0, s1;
	[sflag:s0] =	ssyncset.done @!p0 $0x0  }
0x634: {  	[sflag:s0] =	ssyncadd.s32 @!p0 s1  }
0x635: {  	[bflag:$0x3] =	sbarrier.arrive $0xFFFF  }
0x636: {  	_ =	shalt  }

</sc_bundles>
